<compile_context>
chip_gen: v7x
topology: tpu7x:2x2x1
jax: 0.10.2.dev20260603
libtpu: 0.0.44.dev20260713+nightly
codegen_flags: <defaults>
</compile_context>

<pallas_src>
import functools

import jax
import jax.numpy as jnp
from jax import lax
from jax.experimental import pallas as pl
from jax.experimental.pallas import tpu as pltpu
from jax.experimental.pallas import tpu_sc as plsc

_BUCKETS = 1000000
_DIM = 64
_MODEL_DIM = 1024
_N = 16384
_NC, _NS = 2, 16
_NW = _NC * _NS
_BPW = _N // _NW
_CH = 128

_mesh = plsc.VectorSubcoreMesh(core_axis_name="c", subcore_axis_name="s")


@functools.partial(
    pl.kernel,
    mesh=_mesh,
    compiler_params=pltpu.CompilerParams(use_tc_tiling_on_sc=False),
    out_type=jax.ShapeDtypeStruct((_N, _DIM), jnp.float32),
    scratch_types=[
        pltpu.VMEM((_BPW,), jnp.int32),
        pltpu.VMEM((_BPW,), jnp.int32),
        pltpu.VMEM((_BPW,), jnp.int32),
        pltpu.VMEM((_BPW, _DIM), jnp.float32),
        pltpu.SemaphoreType.DMA,
    ],
)
def _hash_gather(ids_hbm, prev_hbm, table_hbm, out_hbm,
                 ids_v, prev_v, idx_v, rows_v, sem):
    wid = (lax.axis_index("s") * jnp.int32(_NC)
           + lax.axis_index("c")).astype(jnp.int32)
    base = wid * jnp.int32(_BPW)
    pltpu.sync_copy(ids_hbm.at[pl.ds(base, _BPW)], ids_v)
    pltpu.sync_copy(prev_hbm.at[pl.ds(base, _BPW)], prev_v)
    for i in range(_BPW // 16):
        x = ids_v[pl.ds(i * 16, 16)]
        p = prev_v[pl.ds(i * 16, 16)]
        t = ((p >> jnp.int32(10)) * jnp.int32(48704)
             + (p & jnp.int32(1023)) * jnp.int32(92821) + x)
        idx_v[pl.ds(i * 16, 16)] = t % jnp.int32(_BUCKETS)
    copies = [
        pltpu.async_copy(
            table_hbm.at[idx_v.at[pl.ds(j * _CH, _CH)]],
            rows_v.at[pl.ds(j * _CH, _CH)],
            sem,
        )
        for j in range(_BPW // _CH)
    ]
    for c in copies:
        c.wait()
    pltpu.sync_copy(rows_v, out_hbm.at[pl.ds(base, _BPW)])


def _mm_body(x_ref, wt_ref, o_ref):
    o_ref[...] = lax.dot_general(
        x_ref[...], wt_ref[...], (((1,), (0,)), ((), ())),
        preferred_element_type=jnp.float32)


_MB = 1024

_mm = pl.pallas_call(
    _mm_body,
    grid=(_N // _MB,),
    in_specs=[
        pl.BlockSpec((_MB, _DIM), lambda i: (i, jnp.int32(0))),
        pl.BlockSpec((_DIM, _MODEL_DIM),
                     lambda i: (jnp.int32(0), jnp.int32(0))),
    ],
    out_specs=pl.BlockSpec((_MB, _MODEL_DIM), lambda i: (i, jnp.int32(0))),
    out_shape=jax.ShapeDtypeStruct((_N, _MODEL_DIM), jnp.float32),
)


def kernel(input_ids, table, w_proj):
    b, s = input_ids.shape
    ids = input_ids.astype(jnp.int32)
    prev = jnp.pad(ids[:, :-1], ((0, 0), (1, 0)))
    emb = _hash_gather(ids.reshape(-1), prev.reshape(-1),
                       table.astype(jnp.float32))
    out = _mm(emb, w_proj.astype(jnp.float32).T)
    return out.astype(w_proj.dtype).reshape(b, s, _MODEL_DIM)

# --- scband reference (transcript-rebuilt; emitter-appended) ---
"""Pipeline reference for scband-bigram-hash-66211215835398 (READ-ONLY COPY).

The authoritative reference and input builder live on the scoring server;
editing this copy changes nothing except your own understanding.
"""

import jax, jax.numpy as jnp
jax.config.update("jax_enable_x64", True)
import numpy as np

BUCKETS = 1000000
DIM = 64
MODEL_DIM = 1024
B = 4
S = 4096


def setup_inputs(seed: int = 0) -> dict:
    key = jax.random.key(seed)
    k1, k2, k3 = jax.random.split(key, 3)
    input_ids = jax.random.randint(k1, (B, S), 0, 50000, dtype=jnp.int64)
    table = jax.random.normal(k2, (BUCKETS, DIM), dtype=jnp.float32) * 0.02
    w_proj = jax.random.normal(k3, (MODEL_DIM, DIM), dtype=jnp.float32) * (1.0 / np.sqrt(DIM))
    return {"input_ids": input_ids, "table": table, "w_proj": w_proj}


def reference(input_ids, table, w_proj):
    # prev = torch.zeros_like(input_ids); prev[:, 1:] = input_ids[:, :-1]
    prev = jnp.zeros_like(input_ids)
    prev = prev.at[:, 1:].set(input_ids[:, :-1])
    # hashed = (prev * 92821 + input_ids) % buckets
    hashed = (prev * 92821 + input_ids) % BUCKETS
    # self.table(hashed): embedding gather
    emb = jnp.take(table, hashed, axis=0)
    # CastedLinear(dim, model_dim, bias=False): y = emb @ W^T, W: [model_dim, dim]
    out = emb @ w_proj.T
    return out

if __name__ == "__main__":
    import jax
    _d = setup_inputs()
    print(jax.jit(kernel)(*tuple(_d.values())))

</pallas_src>

<mosaic_0001>
#map = affine_map<(d0, d1) -> (0)>
#map1 = affine_map<(d0, d1) -> (0, 0)>
module attributes {stable_mosaic.version = 14 : i64} {
  func.func @_hash_gather(%arg0: i32, %arg1: i32, %arg2: memref<16384xi32, #tpu.memory_space<hbm>>, %arg3: memref<16384xi32, #tpu.memory_space<hbm>>, %arg4: memref<1000000x64xf32, #tpu.memory_space<hbm>>, %arg5: memref<16384x64xf32, #tpu.memory_space<hbm>>, %arg6: memref<512xi32, #tpu.memory_space<vmem>>, %arg7: memref<512xi32, #tpu.memory_space<vmem>>, %arg8: memref<512xi32, #tpu.memory_space<vmem>>, %arg9: memref<512x64xf32, #tpu.memory_space<vmem>>, %arg10: memref<!tpu.dma_semaphore, #tpu.memory_space<semaphore_mem>>) attributes {dimension_semantics = [#tpu.dimension_semantics<core_parallel>, #tpu.dimension_semantics<subcore_parallel>], iteration_bounds = array<i64: 2, 16>, scalar_prefetch = 0 : i64, scratch_operands = 5 : i64, tpu.core_type = #tpu.core_type<sc_vector_subcore>, window_params = [{transform_indices = #map}, {transform_indices = #map}, {transform_indices = #map1}, {transform_indices = #map1}]} {
    %mul3A = arith.constant 2 : i32
    %mul3A_0 = arith.muli %arg1, %mul3A : i32
    %add3A = arith.addi %mul3A_0, %arg0 : i32
    %mul3A_1 = arith.constant 512 : i32
    %mul3A_2 = arith.muli %add3A, %mul3A_1 : i32
    "tpu.region"() ({
      %run_scoped3A = tpu.sem_alloc : memref<!tpu.dma_semaphore, #tpu.memory_space<semaphore_mem>>
      %dma_start3A_1527 = tpu.memref_slice %arg2[%mul3A_2] : memref<16384xi32, #tpu.memory_space<hbm>> -> memref<512xi32, #tpu.memory_space<hbm>>
      %dma_start3A_1528 = tpu.memref_slice %arg2[%mul3A_2] : memref<16384xi32, #tpu.memory_space<hbm>> -> memref<512xi32, #tpu.memory_space<hbm>>
      tpu.enqueue_dma source(%dma_start3A_1528 : memref<512xi32, #tpu.memory_space<hbm>>) target(%arg6 : memref<512xi32, #tpu.memory_space<vmem>>) target_semaphore(%run_scoped3A : memref<!tpu.dma_semaphore, #tpu.memory_space<semaphore_mem>>)
      %dma_wait3A_1529 = tpu.memref_slice %arg2[%mul3A_2] : memref<16384xi32, #tpu.memory_space<hbm>> -> memref<512xi32, #tpu.memory_space<hbm>>
      %dma_wait3A_1530 = tpu.memref_slice %arg2[%mul3A_2] : memref<16384xi32, #tpu.memory_space<hbm>> -> memref<512xi32, #tpu.memory_space<hbm>>
      tpu.wait_dma2 semaphore(%run_scoped3A : memref<!tpu.dma_semaphore, #tpu.memory_space<semaphore_mem>>) src(%dma_wait3A_1530 : memref<512xi32, #tpu.memory_space<hbm>>) dst(%arg6 : memref<512xi32, #tpu.memory_space<vmem>>)
      tpu.yield
    }) : () -> ()
    "tpu.region"() ({
      %run_scoped3A = tpu.sem_alloc : memref<!tpu.dma_semaphore, #tpu.memory_space<semaphore_mem>>
      %dma_start3A_1527 = tpu.memref_slice %arg3[%mul3A_2] : memref<16384xi32, #tpu.memory_space<hbm>> -> memref<512xi32, #tpu.memory_space<hbm>>
      %dma_start3A_1528 = tpu.memref_slice %arg3[%mul3A_2] : memref<16384xi32, #tpu.memory_space<hbm>> -> memref<512xi32, #tpu.memory_space<hbm>>
      tpu.enqueue_dma source(%dma_start3A_1528 : memref<512xi32, #tpu.memory_space<hbm>>) target(%arg7 : memref<512xi32, #tpu.memory_space<vmem>>) target_semaphore(%run_scoped3A : memref<!tpu.dma_semaphore, #tpu.memory_space<semaphore_mem>>)
      %dma_wait3A_1529 = tpu.memref_slice %arg3[%mul3A_2] : memref<16384xi32, #tpu.memory_space<hbm>> -> memref<512xi32, #tpu.memory_space<hbm>>
      %dma_wait3A_1530 = tpu.memref_slice %arg3[%mul3A_2] : memref<16384xi32, #tpu.memory_space<hbm>> -> memref<512xi32, #tpu.memory_space<hbm>>
      tpu.wait_dma2 semaphore(%run_scoped3A : memref<!tpu.dma_semaphore, #tpu.memory_space<semaphore_mem>>) src(%dma_wait3A_1530 : memref<512xi32, #tpu.memory_space<hbm>>) dst(%arg7 : memref<512xi32, #tpu.memory_space<vmem>>)
      tpu.yield
    }) : () -> ()
    %get3A = arith.constant 0 : index
    %get3A_3 = tpu.vector_load %arg6[%get3A] {strides = array<i32>} : memref<512xi32, #tpu.memory_space<vmem>>, vector<16xi32>,
    %get3A_4 = vector.shape_cast %get3A_3 : vector<16xi32> to vector<16xi32>
    %get3A_5 = arith.constant 0 : index
    %get3A_6 = tpu.vector_load %arg7[%get3A_5] {strides = array<i32>} : memref<512xi32, #tpu.memory_space<vmem>>, vector<16xi32>,
    %get3A_7 = vector.shape_cast %get3A_6 : vector<16xi32> to vector<16xi32>
    %shift_right_arithmetic3A = arith.constant 10 : i32
    %shift_right_arithmetic3A_8 = vector.broadcast %shift_right_arithmetic3A : i32 to vector<16xi32>
    %shift_right_arithmetic3A_9 = arith.shrsi %get3A_7, %shift_right_arithmetic3A_8 : vector<16xi32>
    %mul3A_10 = arith.constant 48704 : i32
    %mul3A_11 = vector.broadcast %mul3A_10 : i32 to vector<16xi32>
    %mul3A_12 = arith.muli %shift_right_arithmetic3A_9, %mul3A_11 : vector<16xi32>
    %and3A = arith.constant 1023 : i32
    %and3A_13 = vector.broadcast %and3A : i32 to vector<16xi32>
    %and3A_14 = arith.andi %get3A_7, %and3A_13 : vector<16xi32>
    %mul3A_15 = arith.constant 92821 : i32
    %mul3A_16 = vector.broadcast %mul3A_15 : i32 to vector<16xi32>
    %mul3A_17 = arith.muli %and3A_14, %mul3A_16 : vector<16xi32>
    %add3A_18 = arith.addi %mul3A_12, %mul3A_17 : vector<16xi32>
    %add3A_19 = arith.addi %add3A_18, %get3A_4 : vector<16xi32>
    %jit3A = arith.constant 1000000 : i32
    %eq3A = arith.constant 0 : i32
    %eq3A_20 = arith.cmpi eq, %jit3A, %eq3A : i32
    %jit3A_21 = arith.constant 1 : i32
    %select_n3A = arith.select %eq3A_20, %jit3A_21, %jit3A : i32
    %rem3A = vector.broadcast %select_n3A : i32 to vector<16xi32>
    %rem3A_22 = arith.remsi %add3A_19, %rem3A : vector<16xi32>
    %ne3A = arith.constant 0 : i32
    %ne3A_23 = vector.broadcast %ne3A : i32 to vector<16xi32>
    %ne3A_24 = arith.cmpi ne, %rem3A_22, %ne3A_23 : vector<16xi32>
    %lt3A = arith.constant 0 : i32
    %lt3A_25 = vector.broadcast %lt3A : i32 to vector<16xi32>
    %lt3A_26 = arith.cmpi slt, %rem3A_22, %lt3A_25 : vector<16xi32>
    %lt3A_27 = arith.constant 0 : i32
    %lt3A_28 = arith.cmpi slt, %select_n3A, %lt3A_27 : i32
    %ne3A_29 = vector.broadcast %lt3A_28 : i1 to vector<16xi1>
    %ne3A_30 = vector.broadcast %ne3A_29 : vector<16xi1> to vector<16xi1>
    %ne3A_31 = arith.xori %lt3A_26, %ne3A_30 : vector<16xi1>
    %and3A_32 = arith.andi %ne3A_31, %ne3A_24 : vector<16xi1>
    %add3A_33 = vector.broadcast %select_n3A : i32 to vector<16xi32>
    %add3A_34 = arith.addi %rem3A_22, %add3A_33 : vector<16xi32>
    %select_n3A_35 = arith.select %and3A_32, %add3A_34, %rem3A_22 : vector<16xi1>, vector<16xi32>
    %swap3A = arith.constant 0 : index
    %swap3A_36 = tpu.vector_load %arg8[%swap3A] {strides = array<i32>} : memref<512xi32, #tpu.memory_space<vmem>>, vector<16xi32>,
    %swap3A_37 = vector.shape_cast %swap3A_36 : vector<16xi32> to vector<16xi32>
    %swap3A_38 = vector.shape_cast %select_n3A_35 : vector<16xi32> to vector<16xi32>
    tpu.vector_store %arg8[%swap3A], %swap3A_38 {strides = array<i32>} : memref<512xi32, #tpu.memory_space<vmem>>, vector<16xi32>,
    %get3A_39 = arith.constant 16 : index
    %get3A_40 = tpu.vector_load %arg6[%get3A_39] {strides = array<i32>} : memref<512xi32, #tpu.memory_space<vmem>>, vector<16xi32>,
    %get3A_41 = vector.shape_cast %get3A_40 : vector<16xi32> to vector<16xi32>
    %get3A_42 = arith.constant 16 : index
    %get3A_43 = tpu.vector_load %arg7[%get3A_42] {strides = array<i32>} : memref<512xi32, #tpu.memory_space<vmem>>, vector<16xi32>,
    %get3A_44 = vector.shape_cast %get3A_43 : vector<16xi32> to vector<16xi32>
    %shift_right_arithmetic3A_45 = arith.constant 10 : i32
    %shift_right_arithmetic3A_46 = vector.broadcast %shift_right_arithmetic3A_45 : i32 to vector<16xi32>
    %shift_right_arithmetic3A_47 = arith.shrsi %get3A_44, %shift_right_arithmetic3A_46 : vector<16xi32>
    %mul3A_48 = arith.constant 48704 : i32
    %mul3A_49 = vector.broadcast %mul3A_48 : i32 to vector<16xi32>
    %mul3A_50 = arith.muli %shift_right_arithmetic3A_47, %mul3A_49 : vector<16xi32>
    %and3A_51 = arith.constant 1023 : i32
    %and3A_52 = vector.broadcast %and3A_51 : i32 to vector<16xi32>
    %and3A_53 = arith.andi %get3A_44, %and3A_52 : vector<16xi32>
    %mul3A_54 = arith.constant 92821 : i32
    %mul3A_55 = vector.broadcast %mul3A_54 : i32 to vector<16xi32>
    %mul3A_56 = arith.muli %and3A_53, %mul3A_55 : vector<16xi32>
    %add3A_57 = arith.addi %mul3A_50, %mul3A_56 : vector<16xi32>
    %add3A_58 = arith.addi %add3A_57, %get3A_41 : vector<16xi32>
    %jit3A_59 = arith.constant 1000000 : i32
    %eq3A_60 = arith.constant 0 : i32
    %eq3A_61 = arith.cmpi eq, %jit3A_59, %eq3A_60 : i32
    %jit3A_62 = arith.constant 1 : i32
    %select_n3A_63 = arith.select %eq3A_61, %jit3A_62, %jit3A_59 : i32
    %rem3A_64 = vector.broadcast %select_n3A_63 : i32 to vector<16xi32>
    %rem3A_65 = arith.remsi %add3A_58, %rem3A_64 : vector<16xi32>
    %ne3A_66 = arith.constant 0 : i32
    %ne3A_67 = vector.broadcast %ne3A_66 : i32 to vector<16xi32>
    %ne3A_68 = arith.cmpi ne, %rem3A_65, %ne3A_67 : vector<16xi32>
    %lt3A_69 = arith.constant 0 : i32
    %lt3A_70 = vector.broadcast %lt3A_69 : i32 to vector<16xi32>
    %lt3A_71 = arith.cmpi slt, %rem3A_65, %lt3A_70 : vector<16xi32>
    %lt3A_72 = arith.constant 0 : i32
    %lt3A_73 = arith.cmpi slt, %select_n3A_63, %lt3A_72 : i32
    %ne3A_74 = vector.broadcast %lt3A_73 : i1 to vector<16xi1>
    %ne3A_75 = vector.broadcast %ne3A_74 : vector<16xi1> to vector<16xi1>
    %ne3A_76 = arith.xori %lt3A_71, %ne3A_75 : vector<16xi1>
    %and3A_77 = arith.andi %ne3A_76, %ne3A_68 : vector<16xi1>
    %add3A_78 = vector.broadcast %select_n3A_63 : i32 to vector<16xi32>
    %add3A_79 = arith.addi %rem3A_65, %add3A_78 : vector<16xi32>
    %select_n3A_80 = arith.select %and3A_77, %add3A_79, %rem3A_65 : vector<16xi1>, vector<16xi32>
    %swap3A_81 = arith.constant 16 : index
    %swap3A_82 = tpu.vector_load %arg8[%swap3A_81] {strides = array<i32>} : memref<512xi32, #tpu.memory_space<vmem>>, vector<16xi32>,
    %swap3A_83 = vector.shape_cast %swap3A_82 : vector<16xi32> to vector<16xi32>
    %swap3A_84 = vector.shape_cast %select_n3A_80 : vector<16xi32> to vector<16xi32>
    tpu.vector_store %arg8[%swap3A_81], %swap3A_84 {strides = array<i32>} : memref<512xi32, #tpu.memory_space<vmem>>, vector<16xi32>,
    %get3A_85 = arith.constant 32 : index
    %get3A_86 = tpu.vector_load %arg6[%get3A_85] {strides = array<i32>} : memref<512xi32, #tpu.memory_space<vmem>>, vector<16xi32>,
    %get3A_87 = vector.shape_cast %get3A_86 : vector<16xi32> to vector<16xi32>
    %get3A_88 = arith.constant 32 : index
    %get3A_89 = tpu.vector_load %arg7[%get3A_88] {strides = array<i32>} : memref<512xi32, #tpu.memory_space<vmem>>, vector<16xi32>,
    %get3A_90 = vector.shape_cast %get3A_89 : vector<16xi32> to vector<16xi32>
    %shift_right_arithmetic3A_91 = arith.constant 10 : i32
    %shift_right_arithmetic3A_92 = vector.broadcast %shift_right_arithmetic3A_91 : i32 to vector<16xi32>
    %shift_right_arithmetic3A_93 = arith.shrsi %get3A_90, %shift_right_arithmetic3A_92 : vector<16xi32>
    %mul3A_94 = arith.constant 48704 : i32
    %mul3A_95 = vector.broadcast %mul3A_94 : i32 to vector<16xi32>
    %mul3A_96 = arith.muli %shift_right_arithmetic3A_93, %mul3A_95 : vector<16xi32>
    %and3A_97 = arith.constant 1023 : i32
    %and3A_98 = vector.broadcast %and3A_97 : i32 to vector<16xi32>
    %and3A_99 = arith.andi %get3A_90, %and3A_98 : vector<16xi32>
    %mul3A_100 = arith.constant 92821 : i32
    %mul3A_101 = vector.broadcast %mul3A_100 : i32 to vector<16xi32>
    %mul3A_102 = arith.muli %and3A_99, %mul3A_101 : vector<16xi32>
    %add3A_103 = arith.addi %mul3A_96, %mul3A_102 : vector<16xi32>
    %add3A_104 = arith.addi %add3A_103, %get3A_87 : vector<16xi32>
    %jit3A_105 = arith.constant 1000000 : i32
    %eq3A_106 = arith.constant 0 : i32
    %eq3A_107 = arith.cmpi eq, %jit3A_105, %eq3A_106 : i32
    %jit3A_108 = arith.constant 1 : i32
    %select_n3A_109 = arith.select %eq3A_107, %jit3A_108, %jit3A_105 : i32
    %rem3A_110 = vector.broadcast %select_n3A_109 : i32 to vector<16xi32>
    %rem3A_111 = arith.remsi %add3A_104, %rem3A_110 : vector<16xi32>
    %ne3A_112 = arith.constant 0 : i32
    %ne3A_113 = vector.broadcast %ne3A_112 : i32 to vector<16xi32>
    %ne3A_114 = arith.cmpi ne, %rem3A_111, %ne3A_113 : vector<16xi32>
    %lt3A_115 = arith.constant 0 : i32
    %lt3A_116 = vector.broadcast %lt3A_115 : i32 to vector<16xi32>
    %lt3A_117 = arith.cmpi slt, %rem3A_111, %lt3A_116 : vector<16xi32>
    %lt3A_118 = arith.constant 0 : i32
    %lt3A_119 = arith.cmpi slt, %select_n3A_109, %lt3A_118 : i32
    %ne3A_120 = vector.broadcast %lt3A_119 : i1 to vector<16xi1>
    %ne3A_121 = vector.broadcast %ne3A_120 : vector<16xi1> to vector<16xi1>
    %ne3A_122 = arith.xori %lt3A_117, %ne3A_121 : vector<16xi1>
    %and3A_123 = arith.andi %ne3A_122, %ne3A_114 : vector<16xi1>
    %add3A_124 = vector.broadcast %select_n3A_109 : i32 to vector<16xi32>
    %add3A_125 = arith.addi %rem3A_111, %add3A_124 : vector<16xi32>
    %select_n3A_126 = arith.select %and3A_123, %add3A_125, %rem3A_111 : vector<16xi1>, vector<16xi32>
    %swap3A_127 = arith.constant 32 : index
    %swap3A_128 = tpu.vector_load %arg8[%swap3A_127] {strides = array<i32>} : memref<512xi32, #tpu.memory_space<vmem>>, vector<16xi32>,
    %swap3A_129 = vector.shape_cast %swap3A_128 : vector<16xi32> to vector<16xi32>
    %swap3A_130 = vector.shape_cast %select_n3A_126 : vector<16xi32> to vector<16xi32>
    tpu.vector_store %arg8[%swap3A_127], %swap3A_130 {strides = array<i32>} : memref<512xi32, #tpu.memory_space<vmem>>, vector<16xi32>,
    %get3A_131 = arith.constant 48 : index
    %get3A_132 = tpu.vector_load %arg6[%get3A_131] {strides = array<i32>} : memref<512xi32, #tpu.memory_space<vmem>>, vector<16xi32>,
    %get3A_133 = vector.shape_cast %get3A_132 : vector<16xi32> to vector<16xi32>
    %get3A_134 = arith.constant 48 : index
    %get3A_135 = tpu.vector_load %arg7[%get3A_134] {strides = array<i32>} : memref<512xi32, #tpu.memory_space<vmem>>, vector<16xi32>,
    %get3A_136 = vector.shape_cast %get3A_135 : vector<16xi32> to vector<16xi32>
    %shift_right_arithmetic3A_137 = arith.constant 10 : i32
    %shift_right_arithmetic3A_138 = vector.broadcast %shift_right_arithmetic3A_137 : i32 to vector<16xi32>
    %shift_right_arithmetic3A_139 = arith.shrsi %get3A_136, %shift_right_arithmetic3A_138 : vector<16xi32>
    %mul3A_140 = arith.constant 48704 : i32
    %mul3A_141 = vector.broadcast %mul3A_140 : i32 to vector<16xi32>
    %mul3A_142 = arith.muli %shift_right_arithmetic3A_139, %mul3A_141 : vector<16xi32>
    %and3A_143 = arith.constant 1023 : i32
    %and3A_144 = vector.broadcast %and3A_143 : i32 to vector<16xi32>
    %and3A_145 = arith.andi %get3A_136, %and3A_144 : vector<16xi32>
    %mul3A_146 = arith.constant 92821 : i32
    %mul3A_147 = vector.broadcast %mul3A_146 : i32 to vector<16xi32>
    %mul3A_148 = arith.muli %and3A_145, %mul3A_147 : vector<16xi32>
    %add3A_149 = arith.addi %mul3A_142, %mul3A_148 : vector<16xi32>
    %add3A_150 = arith.addi %add3A_149, %get3A_133 : vector<16xi32>
    %jit3A_151 = arith.constant 1000000 : i32
    %eq3A_152 = arith.constant 0 : i32
    %eq3A_153 = arith.cmpi eq, %jit3A_151, %eq3A_152 : i32
    %jit3A_154 = arith.constant 1 : i32
    %select_n3A_155 = arith.select %eq3A_153, %jit3A_154, %jit3A_151 : i32
    %rem3A_156 = vector.broadcast %select_n3A_155 : i32 to vector<16xi32>
    %rem3A_157 = arith.remsi %add3A_150, %rem3A_156 : vector<16xi32>
    %ne3A_158 = arith.constant 0 : i32
    %ne3A_159 = vector.broadcast %ne3A_158 : i32 to vector<16xi32>
    %ne3A_160 = arith.cmpi ne, %rem3A_157, %ne3A_159 : vector<16xi32>
    %lt3A_161 = arith.constant 0 : i32
    %lt3A_162 = vector.broadcast %lt3A_161 : i32 to vector<16xi32>
    %lt3A_163 = arith.cmpi slt, %rem3A_157, %lt3A_162 : vector<16xi32>
    %lt3A_164 = arith.constant 0 : i32
    %lt3A_165 = arith.cmpi slt, %select_n3A_155, %lt3A_164 : i32
    %ne3A_166 = vector.broadcast %lt3A_165 : i1 to vector<16xi1>
    %ne3A_167 = vector.broadcast %ne3A_166 : vector<16xi1> to vector<16xi1>
    %ne3A_168 = arith.xori %lt3A_163, %ne3A_167 : vector<16xi1>
    %and3A_169 = arith.andi %ne3A_168, %ne3A_160 : vector<16xi1>
    %add3A_170 = vector.broadcast %select_n3A_155 : i32 to vector<16xi32>
    %add3A_171 = arith.addi %rem3A_157, %add3A_170 : vector<16xi32>
    %select_n3A_172 = arith.select %and3A_169, %add3A_171, %rem3A_157 : vector<16xi1>, vector<16xi32>
    %swap3A_173 = arith.constant 48 : index
    %swap3A_174 = tpu.vector_load %arg8[%swap3A_173] {strides = array<i32>} : memref<512xi32, #tpu.memory_space<vmem>>, vector<16xi32>,
    %swap3A_175 = vector.shape_cast %swap3A_174 : vector<16xi32> to vector<16xi32>
    %swap3A_176 = vector.shape_cast %select_n3A_172 : vector<16xi32> to vector<16xi32>
    tpu.vector_store %arg8[%swap3A_173], %swap3A_176 {strides = array<i32>} : memref<512xi32, #tpu.memory_space<vmem>>, vector<16xi32>,
    %get3A_177 = arith.constant 64 : index
    %get3A_178 = tpu.vector_load %arg6[%get3A_177] {strides = array<i32>} : memref<512xi32, #tpu.memory_space<vmem>>, vector<16xi32>,
    %get3A_179 = vector.shape_cast %get3A_178 : vector<16xi32> to vector<16xi32>
    %get3A_180 = arith.constant 64 : index
    %get3A_181 = tpu.vector_load %arg7[%get3A_180] {strides = array<i32>} : memref<512xi32, #tpu.memory_space<vmem>>, vector<16xi32>,
    %get3A_182 = vector.shape_cast %get3A_181 : vector<16xi32> to vector<16xi32>
    %shift_right_arithmetic3A_183 = arith.constant 10 : i32
    %shift_right_arithmetic3A_184 = vector.broadcast %shift_right_arithmetic3A_183 : i32 to vector<16xi32>
    %shift_right_arithmetic3A_185 = arith.shrsi %get3A_182, %shift_right_arithmetic3A_184 : vector<16xi32>
    %mul3A_186 = arith.constant 48704 : i32
    %mul3A_187 = vector.broadcast %mul3A_186 : i32 to vector<16xi32>
    %mul3A_188 = arith.muli %shift_right_arithmetic3A_185, %mul3A_187 : vector<16xi32>
    %and3A_189 = arith.constant 1023 : i32
    %and3A_190 = vector.broadcast %and3A_189 : i32 to vector<16xi32>
    %and3A_191 = arith.andi %get3A_182, %and3A_190 : vector<16xi32>
    %mul3A_192 = arith.constant 92821 : i32
    %mul3A_193 = vector.broadcast %mul3A_192 : i32 to vector<16xi32>
    %mul3A_194 = arith.muli %and3A_191, %mul3A_193 : vector<16xi32>
    %add3A_195 = arith.addi %mul3A_188, %mul3A_194 : vector<16xi32>
    %add3A_196 = arith.addi %add3A_195, %get3A_179 : vector<16xi32>
    %jit3A_197 = arith.constant 1000000 : i32
    %eq3A_198 = arith.constant 0 : i32
    %eq3A_199 = arith.cmpi eq, %jit3A_197, %eq3A_198 : i32
    %jit3A_200 = arith.constant 1 : i32
    %select_n3A_201 = arith.select %eq3A_199, %jit3A_200, %jit3A_197 : i32
    %rem3A_202 = vector.broadcast %select_n3A_201 : i32 to vector<16xi32>
    %rem3A_203 = arith.remsi %add3A_196, %rem3A_202 : vector<16xi32>
    %ne3A_204 = arith.constant 0 : i32
    %ne3A_205 = vector.broadcast %ne3A_204 : i32 to vector<16xi32>
    %ne3A_206 = arith.cmpi ne, %rem3A_203, %ne3A_205 : vector<16xi32>
    %lt3A_207 = arith.constant 0 : i32
    %lt3A_208 = vector.broadcast %lt3A_207 : i32 to vector<16xi32>
    %lt3A_209 = arith.cmpi slt, %rem3A_203, %lt3A_208 : vector<16xi32>
    %lt3A_210 = arith.constant 0 : i32
    %lt3A_211 = arith.cmpi slt, %select_n3A_201, %lt3A_210 : i32
    %ne3A_212 = vector.broadcast %lt3A_211 : i1 to vector<16xi1>
    %ne3A_213 = vector.broadcast %ne3A_212 : vector<16xi1> to vector<16xi1>
    %ne3A_214 = arith.xori %lt3A_209, %ne3A_213 : vector<16xi1>
    %and3A_215 = arith.andi %ne3A_214, %ne3A_206 : vector<16xi1>
    %add3A_216 = vector.broadcast %select_n3A_201 : i32 to vector<16xi32>
    %add3A_217 = arith.addi %rem3A_203, %add3A_216 : vector<16xi32>
    %select_n3A_218 = arith.select %and3A_215, %add3A_217, %rem3A_203 : vector<16xi1>, vector<16xi32>
    %swap3A_219 = arith.constant 64 : index
    %swap3A_220 = tpu.vector_load %arg8[%swap3A_219] {strides = array<i32>} : memref<512xi32, #tpu.memory_space<vmem>>, vector<16xi32>,
    %swap3A_221 = vector.shape_cast %swap3A_220 : vector<16xi32> to vector<16xi32>
    %swap3A_222 = vector.shape_cast %select_n3A_218 : vector<16xi32> to vector<16xi32>
    tpu.vector_store %arg8[%swap3A_219], %swap3A_222 {strides = array<i32>} : memref<512xi32, #tpu.memory_space<vmem>>, vector<16xi32>,
    %get3A_223 = arith.constant 80 : index
    %get3A_224 = tpu.vector_load %arg6[%get3A_223] {strides = array<i32>} : memref<512xi32, #tpu.memory_space<vmem>>, vector<16xi32>,
    %get3A_225 = vector.shape_cast %get3A_224 : vector<16xi32> to vector<16xi32>
    %get3A_226 = arith.constant 80 : index
    %get3A_227 = tpu.vector_load %arg7[%get3A_226] {strides = array<i32>} : memref<512xi32, #tpu.memory_space<vmem>>, vector<16xi32>,
    %get3A_228 = vector.shape_cast %get3A_227 : vector<16xi32> to vector<16xi32>
    %shift_right_arithmetic3A_229 = arith.constant 10 : i32
    %shift_right_arithmetic3A_230 = vector.broadcast %shift_right_arithmetic3A_229 : i32 to vector<16xi32>
    %shift_right_arithmetic3A_231 = arith.shrsi %get3A_228, %shift_right_arithmetic3A_230 : vector<16xi32>
    %mul3A_232 = arith.constant 48704 : i32
    %mul3A_233 = vector.broadcast %mul3A_232 : i32 to vector<16xi32>
    %mul3A_234 = arith.muli %shift_right_arithmetic3A_231, %mul3A_233 : vector<16xi32>
    %and3A_235 = arith.constant 1023 : i32
    %and3A_236 = vector.broadcast %and3A_235 : i32 to vector<16xi32>
    %and3A_237 = arith.andi %get3A_228, %and3A_236 : vector<16xi32>
    %mul3A_238 = arith.constant 92821 : i32
    %mul3A_239 = vector.broadcast %mul3A_238 : i32 to vector<16xi32>
    %mul3A_240 = arith.muli %and3A_237, %mul3A_239 : vector<16xi32>
    %add3A_241 = arith.addi %mul3A_234, %mul3A_240 : vector<16xi32>
    %add3A_242 = arith.addi %add3A_241, %get3A_225 : vector<16xi32>
    %jit3A_243 = arith.constant 1000000 : i32
    %eq3A_244 = arith.constant 0 : i32
    %eq3A_245 = arith.cmpi eq, %jit3A_243, %eq3A_244 : i32
    %jit3A_246 = arith.constant 1 : i32
    %select_n3A_247 = arith.select %eq3A_245, %jit3A_246, %jit3A_243 : i32
    %rem3A_248 = vector.broadcast %select_n3A_247 : i32 to vector<16xi32>
    %rem3A_249 = arith.remsi %add3A_242, %rem3A_248 : vector<16xi32>
    %ne3A_250 = arith.constant 0 : i32
    %ne3A_251 = vector.broadcast %ne3A_250 : i32 to vector<16xi32>
    %ne3A_252 = arith.cmpi ne, %rem3A_249, %ne3A_251 : vector<16xi32>
    %lt3A_253 = arith.constant 0 : i32
    %lt3A_254 = vector.broadcast %lt3A_253 : i32 to vector<16xi32>
    %lt3A_255 = arith.cmpi slt, %rem3A_249, %lt3A_254 : vector<16xi32>
    %lt3A_256 = arith.constant 0 : i32
    %lt3A_257 = arith.cmpi slt, %select_n3A_247, %lt3A_256 : i32
    %ne3A_258 = vector.broadcast %lt3A_257 : i1 to vector<16xi1>
    %ne3A_259 = vector.broadcast %ne3A_258 : vector<16xi1> to vector<16xi1>
    %ne3A_260 = arith.xori %lt3A_255, %ne3A_259 : vector<16xi1>
    %and3A_261 = arith.andi %ne3A_260, %ne3A_252 : vector<16xi1>
    %add3A_262 = vector.broadcast %select_n3A_247 : i32 to vector<16xi32>
    %add3A_263 = arith.addi %rem3A_249, %add3A_262 : vector<16xi32>
    %select_n3A_264 = arith.select %and3A_261, %add3A_263, %rem3A_249 : vector<16xi1>, vector<16xi32>
    %swap3A_265 = arith.constant 80 : index
    %swap3A_266 = tpu.vector_load %arg8[%swap3A_265] {strides = array<i32>} : memref<512xi32, #tpu.memory_space<vmem>>, vector<16xi32>,
    %swap3A_267 = vector.shape_cast %swap3A_266 : vector<16xi32> to vector<16xi32>
    %swap3A_268 = vector.shape_cast %select_n3A_264 : vector<16xi32> to vector<16xi32>
    tpu.vector_store %arg8[%swap3A_265], %swap3A_268 {strides = array<i32>} : memref<512xi32, #tpu.memory_space<vmem>>, vector<16xi32>,
    %get3A_269 = arith.constant 96 : index
    %get3A_270 = tpu.vector_load %arg6[%get3A_269] {strides = array<i32>} : memref<512xi32, #tpu.memory_space<vmem>>, vector<16xi32>,
    %get3A_271 = vector.shape_cast %get3A_270 : vector<16xi32> to vector<16xi32>
    %get3A_272 = arith.constant 96 : index
    %get3A_273 = tpu.vector_load %arg7[%get3A_272] {strides = array<i32>} : memref<512xi32, #tpu.memory_space<vmem>>, vector<16xi32>,
    %get3A_274 = vector.shape_cast %get3A_273 : vector<16xi32> to vector<16xi32>
    %shift_right_arithmetic3A_275 = arith.constant 10 : i32
    %shift_right_arithmetic3A_276 = vector.broadcast %shift_right_arithmetic3A_275 : i32 to vector<16xi32>
    %shift_right_arithmetic3A_277 = arith.shrsi %get3A_274, %shift_right_arithmetic3A_276 : vector<16xi32>
    %mul3A_278 = arith.constant 48704 : i32
    %mul3A_279 = vector.broadcast %mul3A_278 : i32 to vector<16xi32>
    %mul3A_280 = arith.muli %shift_right_arithmetic3A_277, %mul3A_279 : vector<16xi32>
    %and3A_281 = arith.constant 1023 : i32
    %and3A_282 = vector.broadcast %and3A_281 : i32 to vector<16xi32>
    %and3A_283 = arith.andi %get3A_274, %and3A_282 : vector<16xi32>
    %mul3A_284 = arith.constant 92821 : i32
    %mul3A_285 = vector.broadcast %mul3A_284 : i32 to vector<16xi32>
    %mul3A_286 = arith.muli %and3A_283, %mul3A_285 : vector<16xi32>
    %add3A_287 = arith.addi %mul3A_280, %mul3A_286 : vector<16xi32>
    %add3A_288 = arith.addi %add3A_287, %get3A_271 : vector<16xi32>
    %jit3A_289 = arith.constant 1000000 : i32
    %eq3A_290 = arith.constant 0 : i32
    %eq3A_291 = arith.cmpi eq, %jit3A_289, %eq3A_290 : i32
    %jit3A_292 = arith.constant 1 : i32
    %select_n3A_293 = arith.select %eq3A_291, %jit3A_292, %jit3A_289 : i32
    %rem3A_294 = vector.broadcast %select_n3A_293 : i32 to vector<16xi32>
    %rem3A_295 = arith.remsi %add3A_288, %rem3A_294 : vector<16xi32>
    %ne3A_296 = arith.constant 0 : i32
    %ne3A_297 = vector.broadcast %ne3A_296 : i32 to vector<16xi32>
    %ne3A_298 = arith.cmpi ne, %rem3A_295, %ne3A_297 : vector<16xi32>
    %lt3A_299 = arith.constant 0 : i32
    %lt3A_300 = vector.broadcast %lt3A_299 : i32 to vector<16xi32>
    %lt3A_301 = arith.cmpi slt, %rem3A_295, %lt3A_300 : vector<16xi32>
    %lt3A_302 = arith.constant 0 : i32
    %lt3A_303 = arith.cmpi slt, %select_n3A_293, %lt3A_302 : i32
    %ne3A_304 = vector.broadcast %lt3A_303 : i1 to vector<16xi1>
    %ne3A_305 = vector.broadcast %ne3A_304 : vector<16xi1> to vector<16xi1>
    %ne3A_306 = arith.xori %lt3A_301, %ne3A_305 : vector<16xi1>
    %and3A_307 = arith.andi %ne3A_306, %ne3A_298 : vector<16xi1>
    %add3A_308 = vector.broadcast %select_n3A_293 : i32 to vector<16xi32>
    %add3A_309 = arith.addi %rem3A_295, %add3A_308 : vector<16xi32>
    %select_n3A_310 = arith.select %and3A_307, %add3A_309, %rem3A_295 : vector<16xi1>, vector<16xi32>
    %swap3A_311 = arith.constant 96 : index
    %swap3A_312 = tpu.vector_load %arg8[%swap3A_311] {strides = array<i32>} : memref<512xi32, #tpu.memory_space<vmem>>, vector<16xi32>,
    %swap3A_313 = vector.shape_cast %swap3A_312 : vector<16xi32> to vector<16xi32>
    %swap3A_314 = vector.shape_cast %select_n3A_310 : vector<16xi32> to vector<16xi32>
    tpu.vector_store %arg8[%swap3A_311], %swap3A_314 {strides = array<i32>} : memref<512xi32, #tpu.memory_space<vmem>>, vector<16xi32>,
    %get3A_315 = arith.constant 112 : index
    %get3A_316 = tpu.vector_load %arg6[%get3A_315] {strides = array<i32>} : memref<512xi32, #tpu.memory_space<vmem>>, vector<16xi32>,
    %get3A_317 = vector.shape_cast %get3A_316 : vector<16xi32> to vector<16xi32>
    %get3A_318 = arith.constant 112 : index
    %get3A_319 = tpu.vector_load %arg7[%get3A_318] {strides = array<i32>} : memref<512xi32, #tpu.memory_space<vmem>>, vector<16xi32>,
    %get3A_320 = vector.shape_cast %get3A_319 : vector<16xi32> to vector<16xi32>
    %shift_right_arithmetic3A_321 = arith.constant 10 : i32
    %shift_right_arithmetic3A_322 = vector.broadcast %shift_right_arithmetic3A_321 : i32 to vector<16xi32>
    %shift_right_arithmetic3A_323 = arith.shrsi %get3A_320, %shift_right_arithmetic3A_322 : vector<16xi32>
    %mul3A_324 = arith.constant 48704 : i32
    %mul3A_325 = vector.broadcast %mul3A_324 : i32 to vector<16xi32>
    %mul3A_326 = arith.muli %shift_right_arithmetic3A_323, %mul3A_325 : vector<16xi32>
    %and3A_327 = arith.constant 1023 : i32
    %and3A_328 = vector.broadcast %and3A_327 : i32 to vector<16xi32>
    %and3A_329 = arith.andi %get3A_320, %and3A_328 : vector<16xi32>
    %mul3A_330 = arith.constant 92821 : i32
    %mul3A_331 = vector.broadcast %mul3A_330 : i32 to vector<16xi32>
    %mul3A_332 = arith.muli %and3A_329, %mul3A_331 : vector<16xi32>
    %add3A_333 = arith.addi %mul3A_326, %mul3A_332 : vector<16xi32>
    %add3A_334 = arith.addi %add3A_333, %get3A_317 : vector<16xi32>
    %jit3A_335 = arith.constant 1000000 : i32
    %eq3A_336 = arith.constant 0 : i32
    %eq3A_337 = arith.cmpi eq, %jit3A_335, %eq3A_336 : i32
    %jit3A_338 = arith.constant 1 : i32
    %select_n3A_339 = arith.select %eq3A_337, %jit3A_338, %jit3A_335 : i32
    %rem3A_340 = vector.broadcast %select_n3A_339 : i32 to vector<16xi32>
    %rem3A_341 = arith.remsi %add3A_334, %rem3A_340 : vector<16xi32>
    %ne3A_342 = arith.constant 0 : i32
    %ne3A_343 = vector.broadcast %ne3A_342 : i32 to vector<16xi32>
    %ne3A_344 = arith.cmpi ne, %rem3A_341, %ne3A_343 : vector<16xi32>
    %lt3A_345 = arith.constant 0 : i32
    %lt3A_346 = vector.broadcast %lt3A_345 : i32 to vector<16xi32>
    %lt3A_347 = arith.cmpi slt, %rem3A_341, %lt3A_346 : vector<16xi32>
    %lt3A_348 = arith.constant 0 : i32
    %lt3A_349 = arith.cmpi slt, %select_n3A_339, %lt3A_348 : i32
    %ne3A_350 = vector.broadcast %lt3A_349 : i1 to vector<16xi1>
    %ne3A_351 = vector.broadcast %ne3A_350 : vector<16xi1> to vector<16xi1>
    %ne3A_352 = arith.xori %lt3A_347, %ne3A_351 : vector<16xi1>
    %and3A_353 = arith.andi %ne3A_352, %ne3A_344 : vector<16xi1>
    %add3A_354 = vector.broadcast %select_n3A_339 : i32 to vector<16xi32>
    %add3A_355 = arith.addi %rem3A_341, %add3A_354 : vector<16xi32>
    %select_n3A_356 = arith.select %and3A_353, %add3A_355, %rem3A_341 : vector<16xi1>, vector<16xi32>
    %swap3A_357 = arith.constant 112 : index
    %swap3A_358 = tpu.vector_load %arg8[%swap3A_357] {strides = array<i32>} : memref<512xi32, #tpu.memory_space<vmem>>, vector<16xi32>,
    %swap3A_359 = vector.shape_cast %swap3A_358 : vector<16xi32> to vector<16xi32>
    %swap3A_360 = vector.shape_cast %select_n3A_356 : vector<16xi32> to vector<16xi32>
    tpu.vector_store %arg8[%swap3A_357], %swap3A_360 {strides = array<i32>} : memref<512xi32, #tpu.memory_space<vmem>>, vector<16xi32>,
    %get3A_361 = arith.constant 128 : index
    %get3A_362 = tpu.vector_load %arg6[%get3A_361] {strides = array<i32>} : memref<512xi32, #tpu.memory_space<vmem>>, vector<16xi32>,
    %get3A_363 = vector.shape_cast %get3A_362 : vector<16xi32> to vector<16xi32>
    %get3A_364 = arith.constant 128 : index
    %get3A_365 = tpu.vector_load %arg7[%get3A_364] {strides = array<i32>} : memref<512xi32, #tpu.memory_space<vmem>>, vector<16xi32>,
    %get3A_366 = vector.shape_cast %get3A_365 : vector<16xi32> to vector<16xi32>
    %shift_right_arithmetic3A_367 = arith.constant 10 : i32
    %shift_right_arithmetic3A_368 = vector.broadcast %shift_right_arithmetic3A_367 : i32 to vector<16xi32>
    %shift_right_arithmetic3A_369 = arith.shrsi %get3A_366, %shift_right_arithmetic3A_368 : vector<16xi32>
    %mul3A_370 = arith.constant 48704 : i32
    %mul3A_371 = vector.broadcast %mul3A_370 : i32 to vector<16xi32>
    %mul3A_372 = arith.muli %shift_right_arithmetic3A_369, %mul3A_371 : vector<16xi32>
    %and3A_373 = arith.constant 1023 : i32
    %and3A_374 = vector.broadcast %and3A_373 : i32 to vector<16xi32>
    %and3A_375 = arith.andi %get3A_366, %and3A_374 : vector<16xi32>
    %mul3A_376 = arith.constant 92821 : i32
    %mul3A_377 = vector.broadcast %mul3A_376 : i32 to vector<16xi32>
    %mul3A_378 = arith.muli %and3A_375, %mul3A_377 : vector<16xi32>
    %add3A_379 = arith.addi %mul3A_372, %mul3A_378 : vector<16xi32>
    %add3A_380 = arith.addi %add3A_379, %get3A_363 : vector<16xi32>
    %jit3A_381 = arith.constant 1000000 : i32
    %eq3A_382 = arith.constant 0 : i32
    %eq3A_383 = arith.cmpi eq, %jit3A_381, %eq3A_382 : i32
    %jit3A_384 = arith.constant 1 : i32
    %select_n3A_385 = arith.select %eq3A_383, %jit3A_384, %jit3A_381 : i32
    %rem3A_386 = vector.broadcast %select_n3A_385 : i32 to vector<16xi32>
    %rem3A_387 = arith.remsi %add3A_380, %rem3A_386 : vector<16xi32>
    %ne3A_388 = arith.constant 0 : i32
    %ne3A_389 = vector.broadcast %ne3A_388 : i32 to vector<16xi32>
    %ne3A_390 = arith.cmpi ne, %rem3A_387, %ne3A_389 : vector<16xi32>
    %lt3A_391 = arith.constant 0 : i32
    %lt3A_392 = vector.broadcast %lt3A_391 : i32 to vector<16xi32>
    %lt3A_393 = arith.cmpi slt, %rem3A_387, %lt3A_392 : vector<16xi32>
    %lt3A_394 = arith.constant 0 : i32
    %lt3A_395 = arith.cmpi slt, %select_n3A_385, %lt3A_394 : i32
    %ne3A_396 = vector.broadcast %lt3A_395 : i1 to vector<16xi1>
    %ne3A_397 = vector.broadcast %ne3A_396 : vector<16xi1> to vector<16xi1>
    %ne3A_398 = arith.xori %lt3A_393, %ne3A_397 : vector<16xi1>
    %and3A_399 = arith.andi %ne3A_398, %ne3A_390 : vector<16xi1>
    %add3A_400 = vector.broadcast %select_n3A_385 : i32 to vector<16xi32>
    %add3A_401 = arith.addi %rem3A_387, %add3A_400 : vector<16xi32>
    %select_n3A_402 = arith.select %and3A_399, %add3A_401, %rem3A_387 : vector<16xi1>, vector<16xi32>
    %swap3A_403 = arith.constant 128 : index
    %swap3A_404 = tpu.vector_load %arg8[%swap3A_403] {strides = array<i32>} : memref<512xi32, #tpu.memory_space<vmem>>, vector<16xi32>,
    %swap3A_405 = vector.shape_cast %swap3A_404 : vector<16xi32> to vector<16xi32>
    %swap3A_406 = vector.shape_cast %select_n3A_402 : vector<16xi32> to vector<16xi32>
    tpu.vector_store %arg8[%swap3A_403], %swap3A_406 {strides = array<i32>} : memref<512xi32, #tpu.memory_space<vmem>>, vector<16xi32>,
    %get3A_407 = arith.constant 144 : index
    %get3A_408 = tpu.vector_load %arg6[%get3A_407] {strides = array<i32>} : memref<512xi32, #tpu.memory_space<vmem>>, vector<16xi32>,
    %get3A_409 = vector.shape_cast %get3A_408 : vector<16xi32> to vector<16xi32>
    %get3A_410 = arith.constant 144 : index
    %get3A_411 = tpu.vector_load %arg7[%get3A_410] {strides = array<i32>} : memref<512xi32, #tpu.memory_space<vmem>>, vector<16xi32>,
    %get3A_412 = vector.shape_cast %get3A_411 : vector<16xi32> to vector<16xi32>
    %shift_right_arithmetic3A_413 = arith.constant 10 : i32
    %shift_right_arithmetic3A_414 = vector.broadcast %shift_right_arithmetic3A_413 : i32 to vector<16xi32>
    %shift_right_arithmetic3A_415 = arith.shrsi %get3A_412, %shift_right_arithmetic3A_414 : vector<16xi32>
    %mul3A_416 = arith.constant 48704 : i32
    %mul3A_417 = vector.broadcast %mul3A_416 : i32 to vector<16xi32>
    %mul3A_418 = arith.muli %shift_right_arithmetic3A_415, %mul3A_417 : vector<16xi32>
    %and3A_419 = arith.constant 1023 : i32
    %and3A_420 = vector.broadcast %and3A_419 : i32 to vector<16xi32>
    %and3A_421 = arith.andi %get3A_412, %and3A_420 : vector<16xi32>
    %mul3A_422 = arith.constant 92821 : i32
    %mul3A_423 = vector.broadcast %mul3A_422 : i32 to vector<16xi32>
    %mul3A_424 = arith.muli %and3A_421, %mul3A_423 : vector<16xi32>
    %add3A_425 = arith.addi %mul3A_418, %mul3A_424 : vector<16xi32>
    %add3A_426 = arith.addi %add3A_425, %get3A_409 : vector<16xi32>
    %jit3A_427 = arith.constant 1000000 : i32
    %eq3A_428 = arith.constant 0 : i32
    %eq3A_429 = arith.cmpi eq, %jit3A_427, %eq3A_428 : i32
    %jit3A_430 = arith.constant 1 : i32
    %select_n3A_431 = arith.select %eq3A_429, %jit3A_430, %jit3A_427 : i32
    %rem3A_432 = vector.broadcast %select_n3A_431 : i32 to vector<16xi32>
    %rem3A_433 = arith.remsi %add3A_426, %rem3A_432 : vector<16xi32>
    %ne3A_434 = arith.constant 0 : i32
    %ne3A_435 = vector.broadcast %ne3A_434 : i32 to vector<16xi32>
    %ne3A_436 = arith.cmpi ne, %rem3A_433, %ne3A_435 : vector<16xi32>
    %lt3A_437 = arith.constant 0 : i32
    %lt3A_438 = vector.broadcast %lt3A_437 : i32 to vector<16xi32>
    %lt3A_439 = arith.cmpi slt, %rem3A_433, %lt3A_438 : vector<16xi32>
    %lt3A_440 = arith.constant 0 : i32
    %lt3A_441 = arith.cmpi slt, %select_n3A_431, %lt3A_440 : i32
    %ne3A_442 = vector.broadcast %lt3A_441 : i1 to vector<16xi1>
    %ne3A_443 = vector.broadcast %ne3A_442 : vector<16xi1> to vector<16xi1>
    %ne3A_444 = arith.xori %lt3A_439, %ne3A_443 : vector<16xi1>
    %and3A_445 = arith.andi %ne3A_444, %ne3A_436 : vector<16xi1>
    %add3A_446 = vector.broadcast %select_n3A_431 : i32 to vector<16xi32>
    %add3A_447 = arith.addi %rem3A_433, %add3A_446 : vector<16xi32>
    %select_n3A_448 = arith.select %and3A_445, %add3A_447, %rem3A_433 : vector<16xi1>, vector<16xi32>
    %swap3A_449 = arith.constant 144 : index
    %swap3A_450 = tpu.vector_load %arg8[%swap3A_449] {strides = array<i32>} : memref<512xi32, #tpu.memory_space<vmem>>, vector<16xi32>,
    %swap3A_451 = vector.shape_cast %swap3A_450 : vector<16xi32> to vector<16xi32>
    %swap3A_452 = vector.shape_cast %select_n3A_448 : vector<16xi32> to vector<16xi32>
    tpu.vector_store %arg8[%swap3A_449], %swap3A_452 {strides = array<i32>} : memref<512xi32, #tpu.memory_space<vmem>>, vector<16xi32>,
    %get3A_453 = arith.constant 160 : index
    %get3A_454 = tpu.vector_load %arg6[%get3A_453] {strides = array<i32>} : memref<512xi32, #tpu.memory_space<vmem>>, vector<16xi32>,
    %get3A_455 = vector.shape_cast %get3A_454 : vector<16xi32> to vector<16xi32>
    %get3A_456 = arith.constant 160 : index
    %get3A_457 = tpu.vector_load %arg7[%get3A_456] {strides = array<i32>} : memref<512xi32, #tpu.memory_space<vmem>>, vector<16xi32>,
    %get3A_458 = vector.shape_cast %get3A_457 : vector<16xi32> to vector<16xi32>
    %shift_right_arithmetic3A_459 = arith.constant 10 : i32
    %shift_right_arithmetic3A_460 = vector.broadcast %shift_right_arithmetic3A_459 : i32 to vector<16xi32>
    %shift_right_arithmetic3A_461 = arith.shrsi %get3A_458, %shift_right_arithmetic3A_460 : vector<16xi32>
    %mul3A_462 = arith.constant 48704 : i32
    %mul3A_463 = vector.broadcast %mul3A_462 : i32 to vector<16xi32>
    %mul3A_464 = arith.muli %shift_right_arithmetic3A_461, %mul3A_463 : vector<16xi32>
    %and3A_465 = arith.constant 1023 : i32
    %and3A_466 = vector.broadcast %and3A_465 : i32 to vector<16xi32>
    %and3A_467 = arith.andi %get3A_458, %and3A_466 : vector<16xi32>
    %mul3A_468 = arith.constant 92821 : i32
    %mul3A_469 = vector.broadcast %mul3A_468 : i32 to vector<16xi32>
    %mul3A_470 = arith.muli %and3A_467, %mul3A_469 : vector<16xi32>
    %add3A_471 = arith.addi %mul3A_464, %mul3A_470 : vector<16xi32>
    %add3A_472 = arith.addi %add3A_471, %get3A_455 : vector<16xi32>
    %jit3A_473 = arith.constant 1000000 : i32
    %eq3A_474 = arith.constant 0 : i32
    %eq3A_475 = arith.cmpi eq, %jit3A_473, %eq3A_474 : i32
    %jit3A_476 = arith.constant 1 : i32
    %select_n3A_477 = arith.select %eq3A_475, %jit3A_476, %jit3A_473 : i32
    %rem3A_478 = vector.broadcast %select_n3A_477 : i32 to vector<16xi32>
    %rem3A_479 = arith.remsi %add3A_472, %rem3A_478 : vector<16xi32>
    %ne3A_480 = arith.constant 0 : i32
    %ne3A_481 = vector.broadcast %ne3A_480 : i32 to vector<16xi32>
    %ne3A_482 = arith.cmpi ne, %rem3A_479, %ne3A_481 : vector<16xi32>
    %lt3A_483 = arith.constant 0 : i32
    %lt3A_484 = vector.broadcast %lt3A_483 : i32 to vector<16xi32>
    %lt3A_485 = arith.cmpi slt, %rem3A_479, %lt3A_484 : vector<16xi32>
    %lt3A_486 = arith.constant 0 : i32
    %lt3A_487 = arith.cmpi slt, %select_n3A_477, %lt3A_486 : i32
    %ne3A_488 = vector.broadcast %lt3A_487 : i1 to vector<16xi1>
    %ne3A_489 = vector.broadcast %ne3A_488 : vector<16xi1> to vector<16xi1>
    %ne3A_490 = arith.xori %lt3A_485, %ne3A_489 : vector<16xi1>
    %and3A_491 = arith.andi %ne3A_490, %ne3A_482 : vector<16xi1>
    %add3A_492 = vector.broadcast %select_n3A_477 : i32 to vector<16xi32>
    %add3A_493 = arith.addi %rem3A_479, %add3A_492 : vector<16xi32>
    %select_n3A_494 = arith.select %and3A_491, %add3A_493, %rem3A_479 : vector<16xi1>, vector<16xi32>
    %swap3A_495 = arith.constant 160 : index
    %swap3A_496 = tpu.vector_load %arg8[%swap3A_495] {strides = array<i32>} : memref<512xi32, #tpu.memory_space<vmem>>, vector<16xi32>,
    %swap3A_497 = vector.shape_cast %swap3A_496 : vector<16xi32> to vector<16xi32>
    %swap3A_498 = vector.shape_cast %select_n3A_494 : vector<16xi32> to vector<16xi32>
    tpu.vector_store %arg8[%swap3A_495], %swap3A_498 {strides = array<i32>} : memref<512xi32, #tpu.memory_space<vmem>>, vector<16xi32>,
    %get3A_499 = arith.constant 176 : index
    %get3A_500 = tpu.vector_load %arg6[%get3A_499] {strides = array<i32>} : memref<512xi32, #tpu.memory_space<vmem>>, vector<16xi32>,
    %get3A_501 = vector.shape_cast %get3A_500 : vector<16xi32> to vector<16xi32>
    %get3A_502 = arith.constant 176 : index
    %get3A_503 = tpu.vector_load %arg7[%get3A_502] {strides = array<i32>} : memref<512xi32, #tpu.memory_space<vmem>>, vector<16xi32>,
    %get3A_504 = vector.shape_cast %get3A_503 : vector<16xi32> to vector<16xi32>
    %shift_right_arithmetic3A_505 = arith.constant 10 : i32
    %shift_right_arithmetic3A_506 = vector.broadcast %shift_right_arithmetic3A_505 : i32 to vector<16xi32>
    %shift_right_arithmetic3A_507 = arith.shrsi %get3A_504, %shift_right_arithmetic3A_506 : vector<16xi32>
    %mul3A_508 = arith.constant 48704 : i32
    %mul3A_509 = vector.broadcast %mul3A_508 : i32 to vector<16xi32>
    %mul3A_510 = arith.muli %shift_right_arithmetic3A_507, %mul3A_509 : vector<16xi32>
    %and3A_511 = arith.constant 1023 : i32
    %and3A_512 = vector.broadcast %and3A_511 : i32 to vector<16xi32>
    %and3A_513 = arith.andi %get3A_504, %and3A_512 : vector<16xi32>
    %mul3A_514 = arith.constant 92821 : i32
    %mul3A_515 = vector.broadcast %mul3A_514 : i32 to vector<16xi32>
    %mul3A_516 = arith.muli %and3A_513, %mul3A_515 : vector<16xi32>
    %add3A_517 = arith.addi %mul3A_510, %mul3A_516 : vector<16xi32>
    %add3A_518 = arith.addi %add3A_517, %get3A_501 : vector<16xi32>
    %jit3A_519 = arith.constant 1000000 : i32
    %eq3A_520 = arith.constant 0 : i32
    %eq3A_521 = arith.cmpi eq, %jit3A_519, %eq3A_520 : i32
    %jit3A_522 = arith.constant 1 : i32
    %select_n3A_523 = arith.select %eq3A_521, %jit3A_522, %jit3A_519 : i32
    %rem3A_524 = vector.broadcast %select_n3A_523 : i32 to vector<16xi32>
    %rem3A_525 = arith.remsi %add3A_518, %rem3A_524 : vector<16xi32>
    %ne3A_526 = arith.constant 0 : i32
    %ne3A_527 = vector.broadcast %ne3A_526 : i32 to vector<16xi32>
    %ne3A_528 = arith.cmpi ne, %rem3A_525, %ne3A_527 : vector<16xi32>
    %lt3A_529 = arith.constant 0 : i32
    %lt3A_530 = vector.broadcast %lt3A_529 : i32 to vector<16xi32>
    %lt3A_531 = arith.cmpi slt, %rem3A_525, %lt3A_530 : vector<16xi32>
    %lt3A_532 = arith.constant 0 : i32
    %lt3A_533 = arith.cmpi slt, %select_n3A_523, %lt3A_532 : i32
    %ne3A_534 = vector.broadcast %lt3A_533 : i1 to vector<16xi1>
    %ne3A_535 = vector.broadcast %ne3A_534 : vector<16xi1> to vector<16xi1>
    %ne3A_536 = arith.xori %lt3A_531, %ne3A_535 : vector<16xi1>
    %and3A_537 = arith.andi %ne3A_536, %ne3A_528 : vector<16xi1>
    %add3A_538 = vector.broadcast %select_n3A_523 : i32 to vector<16xi32>
    %add3A_539 = arith.addi %rem3A_525, %add3A_538 : vector<16xi32>
    %select_n3A_540 = arith.select %and3A_537, %add3A_539, %rem3A_525 : vector<16xi1>, vector<16xi32>
    %swap3A_541 = arith.constant 176 : index
    %swap3A_542 = tpu.vector_load %arg8[%swap3A_541] {strides = array<i32>} : memref<512xi32, #tpu.memory_space<vmem>>, vector<16xi32>,
    %swap3A_543 = vector.shape_cast %swap3A_542 : vector<16xi32> to vector<16xi32>
    %swap3A_544 = vector.shape_cast %select_n3A_540 : vector<16xi32> to vector<16xi32>
    tpu.vector_store %arg8[%swap3A_541], %swap3A_544 {strides = array<i32>} : memref<512xi32, #tpu.memory_space<vmem>>, vector<16xi32>,
    %get3A_545 = arith.constant 192 : index
    %get3A_546 = tpu.vector_load %arg6[%get3A_545] {strides = array<i32>} : memref<512xi32, #tpu.memory_space<vmem>>, vector<16xi32>,
    %get3A_547 = vector.shape_cast %get3A_546 : vector<16xi32> to vector<16xi32>
    %get3A_548 = arith.constant 192 : index
    %get3A_549 = tpu.vector_load %arg7[%get3A_548] {strides = array<i32>} : memref<512xi32, #tpu.memory_space<vmem>>, vector<16xi32>,
    %get3A_550 = vector.shape_cast %get3A_549 : vector<16xi32> to vector<16xi32>
    %shift_right_arithmetic3A_551 = arith.constant 10 : i32
    %shift_right_arithmetic3A_552 = vector.broadcast %shift_right_arithmetic3A_551 : i32 to vector<16xi32>
    %shift_right_arithmetic3A_553 = arith.shrsi %get3A_550, %shift_right_arithmetic3A_552 : vector<16xi32>
    %mul3A_554 = arith.constant 48704 : i32
    %mul3A_555 = vector.broadcast %mul3A_554 : i32 to vector<16xi32>
    %mul3A_556 = arith.muli %shift_right_arithmetic3A_553, %mul3A_555 : vector<16xi32>
    %and3A_557 = arith.constant 1023 : i32
    %and3A_558 = vector.broadcast %and3A_557 : i32 to vector<16xi32>
    %and3A_559 = arith.andi %get3A_550, %and3A_558 : vector<16xi32>
    %mul3A_560 = arith.constant 92821 : i32
    %mul3A_561 = vector.broadcast %mul3A_560 : i32 to vector<16xi32>
    %mul3A_562 = arith.muli %and3A_559, %mul3A_561 : vector<16xi32>
    %add3A_563 = arith.addi %mul3A_556, %mul3A_562 : vector<16xi32>
    %add3A_564 = arith.addi %add3A_563, %get3A_547 : vector<16xi32>
    %jit3A_565 = arith.constant 1000000 : i32
    %eq3A_566 = arith.constant 0 : i32
    %eq3A_567 = arith.cmpi eq, %jit3A_565, %eq3A_566 : i32
    %jit3A_568 = arith.constant 1 : i32
    %select_n3A_569 = arith.select %eq3A_567, %jit3A_568, %jit3A_565 : i32
    %rem3A_570 = vector.broadcast %select_n3A_569 : i32 to vector<16xi32>
    %rem3A_571 = arith.remsi %add3A_564, %rem3A_570 : vector<16xi32>
    %ne3A_572 = arith.constant 0 : i32
    %ne3A_573 = vector.broadcast %ne3A_572 : i32 to vector<16xi32>
    %ne3A_574 = arith.cmpi ne, %rem3A_571, %ne3A_573 : vector<16xi32>
    %lt3A_575 = arith.constant 0 : i32
    %lt3A_576 = vector.broadcast %lt3A_575 : i32 to vector<16xi32>
    %lt3A_577 = arith.cmpi slt, %rem3A_571, %lt3A_576 : vector<16xi32>
    %lt3A_578 = arith.constant 0 : i32
    %lt3A_579 = arith.cmpi slt, %select_n3A_569, %lt3A_578 : i32
    %ne3A_580 = vector.broadcast %lt3A_579 : i1 to vector<16xi1>
    %ne3A_581 = vector.broadcast %ne3A_580 : vector<16xi1> to vector<16xi1>
    %ne3A_582 = arith.xori %lt3A_577, %ne3A_581 : vector<16xi1>
    %and3A_583 = arith.andi %ne3A_582, %ne3A_574 : vector<16xi1>
    %add3A_584 = vector.broadcast %select_n3A_569 : i32 to vector<16xi32>
    %add3A_585 = arith.addi %rem3A_571, %add3A_584 : vector<16xi32>
    %select_n3A_586 = arith.select %and3A_583, %add3A_585, %rem3A_571 : vector<16xi1>, vector<16xi32>
    %swap3A_587 = arith.constant 192 : index
    %swap3A_588 = tpu.vector_load %arg8[%swap3A_587] {strides = array<i32>} : memref<512xi32, #tpu.memory_space<vmem>>, vector<16xi32>,
    %swap3A_589 = vector.shape_cast %swap3A_588 : vector<16xi32> to vector<16xi32>
    %swap3A_590 = vector.shape_cast %select_n3A_586 : vector<16xi32> to vector<16xi32>
    tpu.vector_store %arg8[%swap3A_587], %swap3A_590 {strides = array<i32>} : memref<512xi32, #tpu.memory_space<vmem>>, vector<16xi32>,
    %get3A_591 = arith.constant 208 : index
    %get3A_592 = tpu.vector_load %arg6[%get3A_591] {strides = array<i32>} : memref<512xi32, #tpu.memory_space<vmem>>, vector<16xi32>,
    %get3A_593 = vector.shape_cast %get3A_592 : vector<16xi32> to vector<16xi32>
    %get3A_594 = arith.constant 208 : index
    %get3A_595 = tpu.vector_load %arg7[%get3A_594] {strides = array<i32>} : memref<512xi32, #tpu.memory_space<vmem>>, vector<16xi32>,
    %get3A_596 = vector.shape_cast %get3A_595 : vector<16xi32> to vector<16xi32>
    %shift_right_arithmetic3A_597 = arith.constant 10 : i32
    %shift_right_arithmetic3A_598 = vector.broadcast %shift_right_arithmetic3A_597 : i32 to vector<16xi32>
    %shift_right_arithmetic3A_599 = arith.shrsi %get3A_596, %shift_right_arithmetic3A_598 : vector<16xi32>
    %mul3A_600 = arith.constant 48704 : i32
    %mul3A_601 = vector.broadcast %mul3A_600 : i32 to vector<16xi32>
    %mul3A_602 = arith.muli %shift_right_arithmetic3A_599, %mul3A_601 : vector<16xi32>
    %and3A_603 = arith.constant 1023 : i32
    %and3A_604 = vector.broadcast %and3A_603 : i32 to vector<16xi32>
    %and3A_605 = arith.andi %get3A_596, %and3A_604 : vector<16xi32>
    %mul3A_606 = arith.constant 92821 : i32
    %mul3A_607 = vector.broadcast %mul3A_606 : i32 to vector<16xi32>
    %mul3A_608 = arith.muli %and3A_605, %mul3A_607 : vector<16xi32>
    %add3A_609 = arith.addi %mul3A_602, %mul3A_608 : vector<16xi32>
    %add3A_610 = arith.addi %add3A_609, %get3A_593 : vector<16xi32>
    %jit3A_611 = arith.constant 1000000 : i32
    %eq3A_612 = arith.constant 0 : i32
    %eq3A_613 = arith.cmpi eq, %jit3A_611, %eq3A_612 : i32
    %jit3A_614 = arith.constant 1 : i32
    %select_n3A_615 = arith.select %eq3A_613, %jit3A_614, %jit3A_611 : i32
    %rem3A_616 = vector.broadcast %select_n3A_615 : i32 to vector<16xi32>
    %rem3A_617 = arith.remsi %add3A_610, %rem3A_616 : vector<16xi32>
    %ne3A_618 = arith.constant 0 : i32
    %ne3A_619 = vector.broadcast %ne3A_618 : i32 to vector<16xi32>
    %ne3A_620 = arith.cmpi ne, %rem3A_617, %ne3A_619 : vector<16xi32>
    %lt3A_621 = arith.constant 0 : i32
    %lt3A_622 = vector.broadcast %lt3A_621 : i32 to vector<16xi32>
    %lt3A_623 = arith.cmpi slt, %rem3A_617, %lt3A_622 : vector<16xi32>
    %lt3A_624 = arith.constant 0 : i32
    %lt3A_625 = arith.cmpi slt, %select_n3A_615, %lt3A_624 : i32
    %ne3A_626 = vector.broadcast %lt3A_625 : i1 to vector<16xi1>
    %ne3A_627 = vector.broadcast %ne3A_626 : vector<16xi1> to vector<16xi1>
    %ne3A_628 = arith.xori %lt3A_623, %ne3A_627 : vector<16xi1>
    %and3A_629 = arith.andi %ne3A_628, %ne3A_620 : vector<16xi1>
    %add3A_630 = vector.broadcast %select_n3A_615 : i32 to vector<16xi32>
    %add3A_631 = arith.addi %rem3A_617, %add3A_630 : vector<16xi32>
    %select_n3A_632 = arith.select %and3A_629, %add3A_631, %rem3A_617 : vector<16xi1>, vector<16xi32>
    %swap3A_633 = arith.constant 208 : index
    %swap3A_634 = tpu.vector_load %arg8[%swap3A_633] {strides = array<i32>} : memref<512xi32, #tpu.memory_space<vmem>>, vector<16xi32>,
    %swap3A_635 = vector.shape_cast %swap3A_634 : vector<16xi32> to vector<16xi32>
    %swap3A_636 = vector.shape_cast %select_n3A_632 : vector<16xi32> to vector<16xi32>
    tpu.vector_store %arg8[%swap3A_633], %swap3A_636 {strides = array<i32>} : memref<512xi32, #tpu.memory_space<vmem>>, vector<16xi32>,
    %get3A_637 = arith.constant 224 : index
    %get3A_638 = tpu.vector_load %arg6[%get3A_637] {strides = array<i32>} : memref<512xi32, #tpu.memory_space<vmem>>, vector<16xi32>,
    %get3A_639 = vector.shape_cast %get3A_638 : vector<16xi32> to vector<16xi32>
    %get3A_640 = arith.constant 224 : index
    %get3A_641 = tpu.vector_load %arg7[%get3A_640] {strides = array<i32>} : memref<512xi32, #tpu.memory_space<vmem>>, vector<16xi32>,
    %get3A_642 = vector.shape_cast %get3A_641 : vector<16xi32> to vector<16xi32>
    %shift_right_arithmetic3A_643 = arith.constant 10 : i32
    %shift_right_arithmetic3A_644 = vector.broadcast %shift_right_arithmetic3A_643 : i32 to vector<16xi32>
    %shift_right_arithmetic3A_645 = arith.shrsi %get3A_642, %shift_right_arithmetic3A_644 : vector<16xi32>
    %mul3A_646 = arith.constant 48704 : i32
    %mul3A_647 = vector.broadcast %mul3A_646 : i32 to vector<16xi32>
    %mul3A_648 = arith.muli %shift_right_arithmetic3A_645, %mul3A_647 : vector<16xi32>
    %and3A_649 = arith.constant 1023 : i32
    %and3A_650 = vector.broadcast %and3A_649 : i32 to vector<16xi32>
    %and3A_651 = arith.andi %get3A_642, %and3A_650 : vector<16xi32>
    %mul3A_652 = arith.constant 92821 : i32
    %mul3A_653 = vector.broadcast %mul3A_652 : i32 to vector<16xi32>
    %mul3A_654 = arith.muli %and3A_651, %mul3A_653 : vector<16xi32>
    %add3A_655 = arith.addi %mul3A_648, %mul3A_654 : vector<16xi32>
    %add3A_656 = arith.addi %add3A_655, %get3A_639 : vector<16xi32>
    %jit3A_657 = arith.constant 1000000 : i32
    %eq3A_658 = arith.constant 0 : i32
    %eq3A_659 = arith.cmpi eq, %jit3A_657, %eq3A_658 : i32
    %jit3A_660 = arith.constant 1 : i32
    %select_n3A_661 = arith.select %eq3A_659, %jit3A_660, %jit3A_657 : i32
    %rem3A_662 = vector.broadcast %select_n3A_661 : i32 to vector<16xi32>
    %rem3A_663 = arith.remsi %add3A_656, %rem3A_662 : vector<16xi32>
    %ne3A_664 = arith.constant 0 : i32
    %ne3A_665 = vector.broadcast %ne3A_664 : i32 to vector<16xi32>
    %ne3A_666 = arith.cmpi ne, %rem3A_663, %ne3A_665 : vector<16xi32>
    %lt3A_667 = arith.constant 0 : i32
    %lt3A_668 = vector.broadcast %lt3A_667 : i32 to vector<16xi32>
    %lt3A_669 = arith.cmpi slt, %rem3A_663, %lt3A_668 : vector<16xi32>
    %lt3A_670 = arith.constant 0 : i32
    %lt3A_671 = arith.cmpi slt, %select_n3A_661, %lt3A_670 : i32
    %ne3A_672 = vector.broadcast %lt3A_671 : i1 to vector<16xi1>
    %ne3A_673 = vector.broadcast %ne3A_672 : vector<16xi1> to vector<16xi1>
    %ne3A_674 = arith.xori %lt3A_669, %ne3A_673 : vector<16xi1>
    %and3A_675 = arith.andi %ne3A_674, %ne3A_666 : vector<16xi1>
    %add3A_676 = vector.broadcast %select_n3A_661 : i32 to vector<16xi32>
    %add3A_677 = arith.addi %rem3A_663, %add3A_676 : vector<16xi32>
    %select_n3A_678 = arith.select %and3A_675, %add3A_677, %rem3A_663 : vector<16xi1>, vector<16xi32>
    %swap3A_679 = arith.constant 224 : index
    %swap3A_680 = tpu.vector_load %arg8[%swap3A_679] {strides = array<i32>} : memref<512xi32, #tpu.memory_space<vmem>>, vector<16xi32>,
    %swap3A_681 = vector.shape_cast %swap3A_680 : vector<16xi32> to vector<16xi32>
    %swap3A_682 = vector.shape_cast %select_n3A_678 : vector<16xi32> to vector<16xi32>
    tpu.vector_store %arg8[%swap3A_679], %swap3A_682 {strides = array<i32>} : memref<512xi32, #tpu.memory_space<vmem>>, vector<16xi32>,
    %get3A_683 = arith.constant 240 : index
    %get3A_684 = tpu.vector_load %arg6[%get3A_683] {strides = array<i32>} : memref<512xi32, #tpu.memory_space<vmem>>, vector<16xi32>,
    %get3A_685 = vector.shape_cast %get3A_684 : vector<16xi32> to vector<16xi32>
    %get3A_686 = arith.constant 240 : index
    %get3A_687 = tpu.vector_load %arg7[%get3A_686] {strides = array<i32>} : memref<512xi32, #tpu.memory_space<vmem>>, vector<16xi32>,
    %get3A_688 = vector.shape_cast %get3A_687 : vector<16xi32> to vector<16xi32>
    %shift_right_arithmetic3A_689 = arith.constant 10 : i32
    %shift_right_arithmetic3A_690 = vector.broadcast %shift_right_arithmetic3A_689 : i32 to vector<16xi32>
    %shift_right_arithmetic3A_691 = arith.shrsi %get3A_688, %shift_right_arithmetic3A_690 : vector<16xi32>
    %mul3A_692 = arith.constant 48704 : i32
    %mul3A_693 = vector.broadcast %mul3A_692 : i32 to vector<16xi32>
    %mul3A_694 = arith.muli %shift_right_arithmetic3A_691, %mul3A_693 : vector<16xi32>
    %and3A_695 = arith.constant 1023 : i32
    %and3A_696 = vector.broadcast %and3A_695 : i32 to vector<16xi32>
    %and3A_697 = arith.andi %get3A_688, %and3A_696 : vector<16xi32>
    %mul3A_698 = arith.constant 92821 : i32
    %mul3A_699 = vector.broadcast %mul3A_698 : i32 to vector<16xi32>
    %mul3A_700 = arith.muli %and3A_697, %mul3A_699 : vector<16xi32>
    %add3A_701 = arith.addi %mul3A_694, %mul3A_700 : vector<16xi32>
    %add3A_702 = arith.addi %add3A_701, %get3A_685 : vector<16xi32>
    %jit3A_703 = arith.constant 1000000 : i32
    %eq3A_704 = arith.constant 0 : i32
    %eq3A_705 = arith.cmpi eq, %jit3A_703, %eq3A_704 : i32
    %jit3A_706 = arith.constant 1 : i32
    %select_n3A_707 = arith.select %eq3A_705, %jit3A_706, %jit3A_703 : i32
    %rem3A_708 = vector.broadcast %select_n3A_707 : i32 to vector<16xi32>
    %rem3A_709 = arith.remsi %add3A_702, %rem3A_708 : vector<16xi32>
    %ne3A_710 = arith.constant 0 : i32
    %ne3A_711 = vector.broadcast %ne3A_710 : i32 to vector<16xi32>
    %ne3A_712 = arith.cmpi ne, %rem3A_709, %ne3A_711 : vector<16xi32>
    %lt3A_713 = arith.constant 0 : i32
    %lt3A_714 = vector.broadcast %lt3A_713 : i32 to vector<16xi32>
    %lt3A_715 = arith.cmpi slt, %rem3A_709, %lt3A_714 : vector<16xi32>
    %lt3A_716 = arith.constant 0 : i32
    %lt3A_717 = arith.cmpi slt, %select_n3A_707, %lt3A_716 : i32
    %ne3A_718 = vector.broadcast %lt3A_717 : i1 to vector<16xi1>
    %ne3A_719 = vector.broadcast %ne3A_718 : vector<16xi1> to vector<16xi1>
    %ne3A_720 = arith.xori %lt3A_715, %ne3A_719 : vector<16xi1>
    %and3A_721 = arith.andi %ne3A_720, %ne3A_712 : vector<16xi1>
    %add3A_722 = vector.broadcast %select_n3A_707 : i32 to vector<16xi32>
    %add3A_723 = arith.addi %rem3A_709, %add3A_722 : vector<16xi32>
    %select_n3A_724 = arith.select %and3A_721, %add3A_723, %rem3A_709 : vector<16xi1>, vector<16xi32>
    %swap3A_725 = arith.constant 240 : index
    %swap3A_726 = tpu.vector_load %arg8[%swap3A_725] {strides = array<i32>} : memref<512xi32, #tpu.memory_space<vmem>>, vector<16xi32>,
    %swap3A_727 = vector.shape_cast %swap3A_726 : vector<16xi32> to vector<16xi32>
    %swap3A_728 = vector.shape_cast %select_n3A_724 : vector<16xi32> to vector<16xi32>
    tpu.vector_store %arg8[%swap3A_725], %swap3A_728 {strides = array<i32>} : memref<512xi32, #tpu.memory_space<vmem>>, vector<16xi32>,
    %get3A_729 = arith.constant 256 : index
    %get3A_730 = tpu.vector_load %arg6[%get3A_729] {strides = array<i32>} : memref<512xi32, #tpu.memory_space<vmem>>, vector<16xi32>,
    %get3A_731 = vector.shape_cast %get3A_730 : vector<16xi32> to vector<16xi32>
    %get3A_732 = arith.constant 256 : index
    %get3A_733 = tpu.vector_load %arg7[%get3A_732] {strides = array<i32>} : memref<512xi32, #tpu.memory_space<vmem>>, vector<16xi32>,
    %get3A_734 = vector.shape_cast %get3A_733 : vector<16xi32> to vector<16xi32>
    %shift_right_arithmetic3A_735 = arith.constant 10 : i32
    %shift_right_arithmetic3A_736 = vector.broadcast %shift_right_arithmetic3A_735 : i32 to vector<16xi32>
    %shift_right_arithmetic3A_737 = arith.shrsi %get3A_734, %shift_right_arithmetic3A_736 : vector<16xi32>
    %mul3A_738 = arith.constant 48704 : i32
    %mul3A_739 = vector.broadcast %mul3A_738 : i32 to vector<16xi32>
    %mul3A_740 = arith.muli %shift_right_arithmetic3A_737, %mul3A_739 : vector<16xi32>
    %and3A_741 = arith.constant 1023 : i32
    %and3A_742 = vector.broadcast %and3A_741 : i32 to vector<16xi32>
    %and3A_743 = arith.andi %get3A_734, %and3A_742 : vector<16xi32>
    %mul3A_744 = arith.constant 92821 : i32
    %mul3A_745 = vector.broadcast %mul3A_744 : i32 to vector<16xi32>
    %mul3A_746 = arith.muli %and3A_743, %mul3A_745 : vector<16xi32>
    %add3A_747 = arith.addi %mul3A_740, %mul3A_746 : vector<16xi32>
    %add3A_748 = arith.addi %add3A_747, %get3A_731 : vector<16xi32>
    %jit3A_749 = arith.constant 1000000 : i32
    %eq3A_750 = arith.constant 0 : i32
    %eq3A_751 = arith.cmpi eq, %jit3A_749, %eq3A_750 : i32
    %jit3A_752 = arith.constant 1 : i32
    %select_n3A_753 = arith.select %eq3A_751, %jit3A_752, %jit3A_749 : i32
    %rem3A_754 = vector.broadcast %select_n3A_753 : i32 to vector<16xi32>
    %rem3A_755 = arith.remsi %add3A_748, %rem3A_754 : vector<16xi32>
    %ne3A_756 = arith.constant 0 : i32
    %ne3A_757 = vector.broadcast %ne3A_756 : i32 to vector<16xi32>
    %ne3A_758 = arith.cmpi ne, %rem3A_755, %ne3A_757 : vector<16xi32>
    %lt3A_759 = arith.constant 0 : i32
    %lt3A_760 = vector.broadcast %lt3A_759 : i32 to vector<16xi32>
    %lt3A_761 = arith.cmpi slt, %rem3A_755, %lt3A_760 : vector<16xi32>
    %lt3A_762 = arith.constant 0 : i32
    %lt3A_763 = arith.cmpi slt, %select_n3A_753, %lt3A_762 : i32
    %ne3A_764 = vector.broadcast %lt3A_763 : i1 to vector<16xi1>
    %ne3A_765 = vector.broadcast %ne3A_764 : vector<16xi1> to vector<16xi1>
    %ne3A_766 = arith.xori %lt3A_761, %ne3A_765 : vector<16xi1>
    %and3A_767 = arith.andi %ne3A_766, %ne3A_758 : vector<16xi1>
    %add3A_768 = vector.broadcast %select_n3A_753 : i32 to vector<16xi32>
    %add3A_769 = arith.addi %rem3A_755, %add3A_768 : vector<16xi32>
    %select_n3A_770 = arith.select %and3A_767, %add3A_769, %rem3A_755 : vector<16xi1>, vector<16xi32>
    %swap3A_771 = arith.constant 256 : index
    %swap3A_772 = tpu.vector_load %arg8[%swap3A_771] {strides = array<i32>} : memref<512xi32, #tpu.memory_space<vmem>>, vector<16xi32>,
    %swap3A_773 = vector.shape_cast %swap3A_772 : vector<16xi32> to vector<16xi32>
    %swap3A_774 = vector.shape_cast %select_n3A_770 : vector<16xi32> to vector<16xi32>
    tpu.vector_store %arg8[%swap3A_771], %swap3A_774 {strides = array<i32>} : memref<512xi32, #tpu.memory_space<vmem>>, vector<16xi32>,
    %get3A_775 = arith.constant 272 : index
    %get3A_776 = tpu.vector_load %arg6[%get3A_775] {strides = array<i32>} : memref<512xi32, #tpu.memory_space<vmem>>, vector<16xi32>,
    %get3A_777 = vector.shape_cast %get3A_776 : vector<16xi32> to vector<16xi32>
    %get3A_778 = arith.constant 272 : index
    %get3A_779 = tpu.vector_load %arg7[%get3A_778] {strides = array<i32>} : memref<512xi32, #tpu.memory_space<vmem>>, vector<16xi32>,
    %get3A_780 = vector.shape_cast %get3A_779 : vector<16xi32> to vector<16xi32>
    %shift_right_arithmetic3A_781 = arith.constant 10 : i32
    %shift_right_arithmetic3A_782 = vector.broadcast %shift_right_arithmetic3A_781 : i32 to vector<16xi32>
    %shift_right_arithmetic3A_783 = arith.shrsi %get3A_780, %shift_right_arithmetic3A_782 : vector<16xi32>
    %mul3A_784 = arith.constant 48704 : i32
    %mul3A_785 = vector.broadcast %mul3A_784 : i32 to vector<16xi32>
    %mul3A_786 = arith.muli %shift_right_arithmetic3A_783, %mul3A_785 : vector<16xi32>
    %and3A_787 = arith.constant 1023 : i32
    %and3A_788 = vector.broadcast %and3A_787 : i32 to vector<16xi32>
    %and3A_789 = arith.andi %get3A_780, %and3A_788 : vector<16xi32>
    %mul3A_790 = arith.constant 92821 : i32
    %mul3A_791 = vector.broadcast %mul3A_790 : i32 to vector<16xi32>
    %mul3A_792 = arith.muli %and3A_789, %mul3A_791 : vector<16xi32>
    %add3A_793 = arith.addi %mul3A_786, %mul3A_792 : vector<16xi32>
    %add3A_794 = arith.addi %add3A_793, %get3A_777 : vector<16xi32>
    %jit3A_795 = arith.constant 1000000 : i32
    %eq3A_796 = arith.constant 0 : i32
    %eq3A_797 = arith.cmpi eq, %jit3A_795, %eq3A_796 : i32
    %jit3A_798 = arith.constant 1 : i32
    %select_n3A_799 = arith.select %eq3A_797, %jit3A_798, %jit3A_795 : i32
    %rem3A_800 = vector.broadcast %select_n3A_799 : i32 to vector<16xi32>
    %rem3A_801 = arith.remsi %add3A_794, %rem3A_800 : vector<16xi32>
    %ne3A_802 = arith.constant 0 : i32
    %ne3A_803 = vector.broadcast %ne3A_802 : i32 to vector<16xi32>
    %ne3A_804 = arith.cmpi ne, %rem3A_801, %ne3A_803 : vector<16xi32>
    %lt3A_805 = arith.constant 0 : i32
    %lt3A_806 = vector.broadcast %lt3A_805 : i32 to vector<16xi32>
    %lt3A_807 = arith.cmpi slt, %rem3A_801, %lt3A_806 : vector<16xi32>
    %lt3A_808 = arith.constant 0 : i32
    %lt3A_809 = arith.cmpi slt, %select_n3A_799, %lt3A_808 : i32
    %ne3A_810 = vector.broadcast %lt3A_809 : i1 to vector<16xi1>
    %ne3A_811 = vector.broadcast %ne3A_810 : vector<16xi1> to vector<16xi1>
    %ne3A_812 = arith.xori %lt3A_807, %ne3A_811 : vector<16xi1>
    %and3A_813 = arith.andi %ne3A_812, %ne3A_804 : vector<16xi1>
    %add3A_814 = vector.broadcast %select_n3A_799 : i32 to vector<16xi32>
    %add3A_815 = arith.addi %rem3A_801, %add3A_814 : vector<16xi32>
    %select_n3A_816 = arith.select %and3A_813, %add3A_815, %rem3A_801 : vector<16xi1>, vector<16xi32>
    %swap3A_817 = arith.constant 272 : index
    %swap3A_818 = tpu.vector_load %arg8[%swap3A_817] {strides = array<i32>} : memref<512xi32, #tpu.memory_space<vmem>>, vector<16xi32>,
    %swap3A_819 = vector.shape_cast %swap3A_818 : vector<16xi32> to vector<16xi32>
    %swap3A_820 = vector.shape_cast %select_n3A_816 : vector<16xi32> to vector<16xi32>
    tpu.vector_store %arg8[%swap3A_817], %swap3A_820 {strides = array<i32>} : memref<512xi32, #tpu.memory_space<vmem>>, vector<16xi32>,
    %get3A_821 = arith.constant 288 : index
    %get3A_822 = tpu.vector_load %arg6[%get3A_821] {strides = array<i32>} : memref<512xi32, #tpu.memory_space<vmem>>, vector<16xi32>,
    %get3A_823 = vector.shape_cast %get3A_822 : vector<16xi32> to vector<16xi32>
    %get3A_824 = arith.constant 288 : index
    %get3A_825 = tpu.vector_load %arg7[%get3A_824] {strides = array<i32>} : memref<512xi32, #tpu.memory_space<vmem>>, vector<16xi32>,
    %get3A_826 = vector.shape_cast %get3A_825 : vector<16xi32> to vector<16xi32>
    %shift_right_arithmetic3A_827 = arith.constant 10 : i32
    %shift_right_arithmetic3A_828 = vector.broadcast %shift_right_arithmetic3A_827 : i32 to vector<16xi32>
    %shift_right_arithmetic3A_829 = arith.shrsi %get3A_826, %shift_right_arithmetic3A_828 : vector<16xi32>
    %mul3A_830 = arith.constant 48704 : i32
    %mul3A_831 = vector.broadcast %mul3A_830 : i32 to vector<16xi32>
    %mul3A_832 = arith.muli %shift_right_arithmetic3A_829, %mul3A_831 : vector<16xi32>
    %and3A_833 = arith.constant 1023 : i32
    %and3A_834 = vector.broadcast %and3A_833 : i32 to vector<16xi32>
    %and3A_835 = arith.andi %get3A_826, %and3A_834 : vector<16xi32>
    %mul3A_836 = arith.constant 92821 : i32
    %mul3A_837 = vector.broadcast %mul3A_836 : i32 to vector<16xi32>
    %mul3A_838 = arith.muli %and3A_835, %mul3A_837 : vector<16xi32>
    %add3A_839 = arith.addi %mul3A_832, %mul3A_838 : vector<16xi32>
    %add3A_840 = arith.addi %add3A_839, %get3A_823 : vector<16xi32>
    %jit3A_841 = arith.constant 1000000 : i32
    %eq3A_842 = arith.constant 0 : i32
    %eq3A_843 = arith.cmpi eq, %jit3A_841, %eq3A_842 : i32
    %jit3A_844 = arith.constant 1 : i32
    %select_n3A_845 = arith.select %eq3A_843, %jit3A_844, %jit3A_841 : i32
    %rem3A_846 = vector.broadcast %select_n3A_845 : i32 to vector<16xi32>
    %rem3A_847 = arith.remsi %add3A_840, %rem3A_846 : vector<16xi32>
    %ne3A_848 = arith.constant 0 : i32
    %ne3A_849 = vector.broadcast %ne3A_848 : i32 to vector<16xi32>
    %ne3A_850 = arith.cmpi ne, %rem3A_847, %ne3A_849 : vector<16xi32>
    %lt3A_851 = arith.constant 0 : i32
    %lt3A_852 = vector.broadcast %lt3A_851 : i32 to vector<16xi32>
    %lt3A_853 = arith.cmpi slt, %rem3A_847, %lt3A_852 : vector<16xi32>
    %lt3A_854 = arith.constant 0 : i32
    %lt3A_855 = arith.cmpi slt, %select_n3A_845, %lt3A_854 : i32
    %ne3A_856 = vector.broadcast %lt3A_855 : i1 to vector<16xi1>
    %ne3A_857 = vector.broadcast %ne3A_856 : vector<16xi1> to vector<16xi1>
    %ne3A_858 = arith.xori %lt3A_853, %ne3A_857 : vector<16xi1>
    %and3A_859 = arith.andi %ne3A_858, %ne3A_850 : vector<16xi1>
    %add3A_860 = vector.broadcast %select_n3A_845 : i32 to vector<16xi32>
    %add3A_861 = arith.addi %rem3A_847, %add3A_860 : vector<16xi32>
    %select_n3A_862 = arith.select %and3A_859, %add3A_861, %rem3A_847 : vector<16xi1>, vector<16xi32>
    %swap3A_863 = arith.constant 288 : index
    %swap3A_864 = tpu.vector_load %arg8[%swap3A_863] {strides = array<i32>} : memref<512xi32, #tpu.memory_space<vmem>>, vector<16xi32>,
    %swap3A_865 = vector.shape_cast %swap3A_864 : vector<16xi32> to vector<16xi32>
    %swap3A_866 = vector.shape_cast %select_n3A_862 : vector<16xi32> to vector<16xi32>
    tpu.vector_store %arg8[%swap3A_863], %swap3A_866 {strides = array<i32>} : memref<512xi32, #tpu.memory_space<vmem>>, vector<16xi32>,
    %get3A_867 = arith.constant 304 : index
    %get3A_868 = tpu.vector_load %arg6[%get3A_867] {strides = array<i32>} : memref<512xi32, #tpu.memory_space<vmem>>, vector<16xi32>,
    %get3A_869 = vector.shape_cast %get3A_868 : vector<16xi32> to vector<16xi32>
    %get3A_870 = arith.constant 304 : index
    %get3A_871 = tpu.vector_load %arg7[%get3A_870] {strides = array<i32>} : memref<512xi32, #tpu.memory_space<vmem>>, vector<16xi32>,
    %get3A_872 = vector.shape_cast %get3A_871 : vector<16xi32> to vector<16xi32>
    %shift_right_arithmetic3A_873 = arith.constant 10 : i32
    %shift_right_arithmetic3A_874 = vector.broadcast %shift_right_arithmetic3A_873 : i32 to vector<16xi32>
    %shift_right_arithmetic3A_875 = arith.shrsi %get3A_872, %shift_right_arithmetic3A_874 : vector<16xi32>
    %mul3A_876 = arith.constant 48704 : i32
    %mul3A_877 = vector.broadcast %mul3A_876 : i32 to vector<16xi32>
    %mul3A_878 = arith.muli %shift_right_arithmetic3A_875, %mul3A_877 : vector<16xi32>
    %and3A_879 = arith.constant 1023 : i32
    %and3A_880 = vector.broadcast %and3A_879 : i32 to vector<16xi32>
    %and3A_881 = arith.andi %get3A_872, %and3A_880 : vector<16xi32>
    %mul3A_882 = arith.constant 92821 : i32
    %mul3A_883 = vector.broadcast %mul3A_882 : i32 to vector<16xi32>
    %mul3A_884 = arith.muli %and3A_881, %mul3A_883 : vector<16xi32>
    %add3A_885 = arith.addi %mul3A_878, %mul3A_884 : vector<16xi32>
    %add3A_886 = arith.addi %add3A_885, %get3A_869 : vector<16xi32>
    %jit3A_887 = arith.constant 1000000 : i32
    %eq3A_888 = arith.constant 0 : i32
    %eq3A_889 = arith.cmpi eq, %jit3A_887, %eq3A_888 : i32
    %jit3A_890 = arith.constant 1 : i32
    %select_n3A_891 = arith.select %eq3A_889, %jit3A_890, %jit3A_887 : i32
    %rem3A_892 = vector.broadcast %select_n3A_891 : i32 to vector<16xi32>
    %rem3A_893 = arith.remsi %add3A_886, %rem3A_892 : vector<16xi32>
    %ne3A_894 = arith.constant 0 : i32
    %ne3A_895 = vector.broadcast %ne3A_894 : i32 to vector<16xi32>
    %ne3A_896 = arith.cmpi ne, %rem3A_893, %ne3A_895 : vector<16xi32>
    %lt3A_897 = arith.constant 0 : i32
    %lt3A_898 = vector.broadcast %lt3A_897 : i32 to vector<16xi32>
    %lt3A_899 = arith.cmpi slt, %rem3A_893, %lt3A_898 : vector<16xi32>
    %lt3A_900 = arith.constant 0 : i32
    %lt3A_901 = arith.cmpi slt, %select_n3A_891, %lt3A_900 : i32
    %ne3A_902 = vector.broadcast %lt3A_901 : i1 to vector<16xi1>
    %ne3A_903 = vector.broadcast %ne3A_902 : vector<16xi1> to vector<16xi1>
    %ne3A_904 = arith.xori %lt3A_899, %ne3A_903 : vector<16xi1>
    %and3A_905 = arith.andi %ne3A_904, %ne3A_896 : vector<16xi1>
    %add3A_906 = vector.broadcast %select_n3A_891 : i32 to vector<16xi32>
    %add3A_907 = arith.addi %rem3A_893, %add3A_906 : vector<16xi32>
    %select_n3A_908 = arith.select %and3A_905, %add3A_907, %rem3A_893 : vector<16xi1>, vector<16xi32>
    %swap3A_909 = arith.constant 304 : index
    %swap3A_910 = tpu.vector_load %arg8[%swap3A_909] {strides = array<i32>} : memref<512xi32, #tpu.memory_space<vmem>>, vector<16xi32>,
    %swap3A_911 = vector.shape_cast %swap3A_910 : vector<16xi32> to vector<16xi32>
    %swap3A_912 = vector.shape_cast %select_n3A_908 : vector<16xi32> to vector<16xi32>
    tpu.vector_store %arg8[%swap3A_909], %swap3A_912 {strides = array<i32>} : memref<512xi32, #tpu.memory_space<vmem>>, vector<16xi32>,
    %get3A_913 = arith.constant 320 : index
    %get3A_914 = tpu.vector_load %arg6[%get3A_913] {strides = array<i32>} : memref<512xi32, #tpu.memory_space<vmem>>, vector<16xi32>,
    %get3A_915 = vector.shape_cast %get3A_914 : vector<16xi32> to vector<16xi32>
    %get3A_916 = arith.constant 320 : index
    %get3A_917 = tpu.vector_load %arg7[%get3A_916] {strides = array<i32>} : memref<512xi32, #tpu.memory_space<vmem>>, vector<16xi32>,
    %get3A_918 = vector.shape_cast %get3A_917 : vector<16xi32> to vector<16xi32>
    %shift_right_arithmetic3A_919 = arith.constant 10 : i32
    %shift_right_arithmetic3A_920 = vector.broadcast %shift_right_arithmetic3A_919 : i32 to vector<16xi32>
    %shift_right_arithmetic3A_921 = arith.shrsi %get3A_918, %shift_right_arithmetic3A_920 : vector<16xi32>
    %mul3A_922 = arith.constant 48704 : i32
    %mul3A_923 = vector.broadcast %mul3A_922 : i32 to vector<16xi32>
    %mul3A_924 = arith.muli %shift_right_arithmetic3A_921, %mul3A_923 : vector<16xi32>
    %and3A_925 = arith.constant 1023 : i32
    %and3A_926 = vector.broadcast %and3A_925 : i32 to vector<16xi32>
    %and3A_927 = arith.andi %get3A_918, %and3A_926 : vector<16xi32>
    %mul3A_928 = arith.constant 92821 : i32
    %mul3A_929 = vector.broadcast %mul3A_928 : i32 to vector<16xi32>
    %mul3A_930 = arith.muli %and3A_927, %mul3A_929 : vector<16xi32>
    %add3A_931 = arith.addi %mul3A_924, %mul3A_930 : vector<16xi32>
    %add3A_932 = arith.addi %add3A_931, %get3A_915 : vector<16xi32>
    %jit3A_933 = arith.constant 1000000 : i32
    %eq3A_934 = arith.constant 0 : i32
    %eq3A_935 = arith.cmpi eq, %jit3A_933, %eq3A_934 : i32
    %jit3A_936 = arith.constant 1 : i32
    %select_n3A_937 = arith.select %eq3A_935, %jit3A_936, %jit3A_933 : i32
    %rem3A_938 = vector.broadcast %select_n3A_937 : i32 to vector<16xi32>
    %rem3A_939 = arith.remsi %add3A_932, %rem3A_938 : vector<16xi32>
    %ne3A_940 = arith.constant 0 : i32
    %ne3A_941 = vector.broadcast %ne3A_940 : i32 to vector<16xi32>
    %ne3A_942 = arith.cmpi ne, %rem3A_939, %ne3A_941 : vector<16xi32>
    %lt3A_943 = arith.constant 0 : i32
    %lt3A_944 = vector.broadcast %lt3A_943 : i32 to vector<16xi32>
    %lt3A_945 = arith.cmpi slt, %rem3A_939, %lt3A_944 : vector<16xi32>
    %lt3A_946 = arith.constant 0 : i32
    %lt3A_947 = arith.cmpi slt, %select_n3A_937, %lt3A_946 : i32
    %ne3A_948 = vector.broadcast %lt3A_947 : i1 to vector<16xi1>
    %ne3A_949 = vector.broadcast %ne3A_948 : vector<16xi1> to vector<16xi1>
    %ne3A_950 = arith.xori %lt3A_945, %ne3A_949 : vector<16xi1>
    %and3A_951 = arith.andi %ne3A_950, %ne3A_942 : vector<16xi1>
    %add3A_952 = vector.broadcast %select_n3A_937 : i32 to vector<16xi32>
    %add3A_953 = arith.addi %rem3A_939, %add3A_952 : vector<16xi32>
    %select_n3A_954 = arith.select %and3A_951, %add3A_953, %rem3A_939 : vector<16xi1>, vector<16xi32>
    %swap3A_955 = arith.constant 320 : index
    %swap3A_956 = tpu.vector_load %arg8[%swap3A_955] {strides = array<i32>} : memref<512xi32, #tpu.memory_space<vmem>>, vector<16xi32>,
    %swap3A_957 = vector.shape_cast %swap3A_956 : vector<16xi32> to vector<16xi32>
    %swap3A_958 = vector.shape_cast %select_n3A_954 : vector<16xi32> to vector<16xi32>
    tpu.vector_store %arg8[%swap3A_955], %swap3A_958 {strides = array<i32>} : memref<512xi32, #tpu.memory_space<vmem>>, vector<16xi32>,
    %get3A_959 = arith.constant 336 : index
    %get3A_960 = tpu.vector_load %arg6[%get3A_959] {strides = array<i32>} : memref<512xi32, #tpu.memory_space<vmem>>, vector<16xi32>,
    %get3A_961 = vector.shape_cast %get3A_960 : vector<16xi32> to vector<16xi32>
    %get3A_962 = arith.constant 336 : index
    %get3A_963 = tpu.vector_load %arg7[%get3A_962] {strides = array<i32>} : memref<512xi32, #tpu.memory_space<vmem>>, vector<16xi32>,
    %get3A_964 = vector.shape_cast %get3A_963 : vector<16xi32> to vector<16xi32>
    %shift_right_arithmetic3A_965 = arith.constant 10 : i32
    %shift_right_arithmetic3A_966 = vector.broadcast %shift_right_arithmetic3A_965 : i32 to vector<16xi32>
    %shift_right_arithmetic3A_967 = arith.shrsi %get3A_964, %shift_right_arithmetic3A_966 : vector<16xi32>
    %mul3A_968 = arith.constant 48704 : i32
    %mul3A_969 = vector.broadcast %mul3A_968 : i32 to vector<16xi32>
    %mul3A_970 = arith.muli %shift_right_arithmetic3A_967, %mul3A_969 : vector<16xi32>
    %and3A_971 = arith.constant 1023 : i32
    %and3A_972 = vector.broadcast %and3A_971 : i32 to vector<16xi32>
    %and3A_973 = arith.andi %get3A_964, %and3A_972 : vector<16xi32>
    %mul3A_974 = arith.constant 92821 : i32
    %mul3A_975 = vector.broadcast %mul3A_974 : i32 to vector<16xi32>
    %mul3A_976 = arith.muli %and3A_973, %mul3A_975 : vector<16xi32>
    %add3A_977 = arith.addi %mul3A_970, %mul3A_976 : vector<16xi32>
    %add3A_978 = arith.addi %add3A_977, %get3A_961 : vector<16xi32>
    %jit3A_979 = arith.constant 1000000 : i32
    %eq3A_980 = arith.constant 0 : i32
    %eq3A_981 = arith.cmpi eq, %jit3A_979, %eq3A_980 : i32
    %jit3A_982 = arith.constant 1 : i32
    %select_n3A_983 = arith.select %eq3A_981, %jit3A_982, %jit3A_979 : i32
    %rem3A_984 = vector.broadcast %select_n3A_983 : i32 to vector<16xi32>
    %rem3A_985 = arith.remsi %add3A_978, %rem3A_984 : vector<16xi32>
    %ne3A_986 = arith.constant 0 : i32
    %ne3A_987 = vector.broadcast %ne3A_986 : i32 to vector<16xi32>
    %ne3A_988 = arith.cmpi ne, %rem3A_985, %ne3A_987 : vector<16xi32>
    %lt3A_989 = arith.constant 0 : i32
    %lt3A_990 = vector.broadcast %lt3A_989 : i32 to vector<16xi32>
    %lt3A_991 = arith.cmpi slt, %rem3A_985, %lt3A_990 : vector<16xi32>
    %lt3A_992 = arith.constant 0 : i32
    %lt3A_993 = arith.cmpi slt, %select_n3A_983, %lt3A_992 : i32
    %ne3A_994 = vector.broadcast %lt3A_993 : i1 to vector<16xi1>
    %ne3A_995 = vector.broadcast %ne3A_994 : vector<16xi1> to vector<16xi1>
    %ne3A_996 = arith.xori %lt3A_991, %ne3A_995 : vector<16xi1>
    %and3A_997 = arith.andi %ne3A_996, %ne3A_988 : vector<16xi1>
    %add3A_998 = vector.broadcast %select_n3A_983 : i32 to vector<16xi32>
    %add3A_999 = arith.addi %rem3A_985, %add3A_998 : vector<16xi32>
    %select_n3A_1000 = arith.select %and3A_997, %add3A_999, %rem3A_985 : vector<16xi1>, vector<16xi32>
    %swap3A_1001 = arith.constant 336 : index
    %swap3A_1002 = tpu.vector_load %arg8[%swap3A_1001] {strides = array<i32>} : memref<512xi32, #tpu.memory_space<vmem>>, vector<16xi32>,
    %swap3A_1003 = vector.shape_cast %swap3A_1002 : vector<16xi32> to vector<16xi32>
    %swap3A_1004 = vector.shape_cast %select_n3A_1000 : vector<16xi32> to vector<16xi32>
    tpu.vector_store %arg8[%swap3A_1001], %swap3A_1004 {strides = array<i32>} : memref<512xi32, #tpu.memory_space<vmem>>, vector<16xi32>,
    %get3A_1005 = arith.constant 352 : index
    %get3A_1006 = tpu.vector_load %arg6[%get3A_1005] {strides = array<i32>} : memref<512xi32, #tpu.memory_space<vmem>>, vector<16xi32>,
    %get3A_1007 = vector.shape_cast %get3A_1006 : vector<16xi32> to vector<16xi32>
    %get3A_1008 = arith.constant 352 : index
    %get3A_1009 = tpu.vector_load %arg7[%get3A_1008] {strides = array<i32>} : memref<512xi32, #tpu.memory_space<vmem>>, vector<16xi32>,
    %get3A_1010 = vector.shape_cast %get3A_1009 : vector<16xi32> to vector<16xi32>
    %shift_right_arithmetic3A_1011 = arith.constant 10 : i32
    %shift_right_arithmetic3A_1012 = vector.broadcast %shift_right_arithmetic3A_1011 : i32 to vector<16xi32>
    %shift_right_arithmetic3A_1013 = arith.shrsi %get3A_1010, %shift_right_arithmetic3A_1012 : vector<16xi32>
    %mul3A_1014 = arith.constant 48704 : i32
    %mul3A_1015 = vector.broadcast %mul3A_1014 : i32 to vector<16xi32>
    %mul3A_1016 = arith.muli %shift_right_arithmetic3A_1013, %mul3A_1015 : vector<16xi32>
    %and3A_1017 = arith.constant 1023 : i32
    %and3A_1018 = vector.broadcast %and3A_1017 : i32 to vector<16xi32>
    %and3A_1019 = arith.andi %get3A_1010, %and3A_1018 : vector<16xi32>
    %mul3A_1020 = arith.constant 92821 : i32
    %mul3A_1021 = vector.broadcast %mul3A_1020 : i32 to vector<16xi32>
    %mul3A_1022 = arith.muli %and3A_1019, %mul3A_1021 : vector<16xi32>
    %add3A_1023 = arith.addi %mul3A_1016, %mul3A_1022 : vector<16xi32>
    %add3A_1024 = arith.addi %add3A_1023, %get3A_1007 : vector<16xi32>
    %jit3A_1025 = arith.constant 1000000 : i32
    %eq3A_1026 = arith.constant 0 : i32
    %eq3A_1027 = arith.cmpi eq, %jit3A_1025, %eq3A_1026 : i32
    %jit3A_1028 = arith.constant 1 : i32
    %select_n3A_1029 = arith.select %eq3A_1027, %jit3A_1028, %jit3A_1025 : i32
    %rem3A_1030 = vector.broadcast %select_n3A_1029 : i32 to vector<16xi32>
    %rem3A_1031 = arith.remsi %add3A_1024, %rem3A_1030 : vector<16xi32>
    %ne3A_1032 = arith.constant 0 : i32
    %ne3A_1033 = vector.broadcast %ne3A_1032 : i32 to vector<16xi32>
    %ne3A_1034 = arith.cmpi ne, %rem3A_1031, %ne3A_1033 : vector<16xi32>
    %lt3A_1035 = arith.constant 0 : i32
    %lt3A_1036 = vector.broadcast %lt3A_1035 : i32 to vector<16xi32>
    %lt3A_1037 = arith.cmpi slt, %rem3A_1031, %lt3A_1036 : vector<16xi32>
    %lt3A_1038 = arith.constant 0 : i32
    %lt3A_1039 = arith.cmpi slt, %select_n3A_1029, %lt3A_1038 : i32
    %ne3A_1040 = vector.broadcast %lt3A_1039 : i1 to vector<16xi1>
    %ne3A_1041 = vector.broadcast %ne3A_1040 : vector<16xi1> to vector<16xi1>
    %ne3A_1042 = arith.xori %lt3A_1037, %ne3A_1041 : vector<16xi1>
    %and3A_1043 = arith.andi %ne3A_1042, %ne3A_1034 : vector<16xi1>
    %add3A_1044 = vector.broadcast %select_n3A_1029 : i32 to vector<16xi32>
    %add3A_1045 = arith.addi %rem3A_1031, %add3A_1044 : vector<16xi32>
    %select_n3A_1046 = arith.select %and3A_1043, %add3A_1045, %rem3A_1031 : vector<16xi1>, vector<16xi32>
    %swap3A_1047 = arith.constant 352 : index
    %swap3A_1048 = tpu.vector_load %arg8[%swap3A_1047] {strides = array<i32>} : memref<512xi32, #tpu.memory_space<vmem>>, vector<16xi32>,
    %swap3A_1049 = vector.shape_cast %swap3A_1048 : vector<16xi32> to vector<16xi32>
    %swap3A_1050 = vector.shape_cast %select_n3A_1046 : vector<16xi32> to vector<16xi32>
    tpu.vector_store %arg8[%swap3A_1047], %swap3A_1050 {strides = array<i32>} : memref<512xi32, #tpu.memory_space<vmem>>, vector<16xi32>,
    %get3A_1051 = arith.constant 368 : index
    %get3A_1052 = tpu.vector_load %arg6[%get3A_1051] {strides = array<i32>} : memref<512xi32, #tpu.memory_space<vmem>>, vector<16xi32>,
    %get3A_1053 = vector.shape_cast %get3A_1052 : vector<16xi32> to vector<16xi32>
    %get3A_1054 = arith.constant 368 : index
    %get3A_1055 = tpu.vector_load %arg7[%get3A_1054] {strides = array<i32>} : memref<512xi32, #tpu.memory_space<vmem>>, vector<16xi32>,
    %get3A_1056 = vector.shape_cast %get3A_1055 : vector<16xi32> to vector<16xi32>
    %shift_right_arithmetic3A_1057 = arith.constant 10 : i32
    %shift_right_arithmetic3A_1058 = vector.broadcast %shift_right_arithmetic3A_1057 : i32 to vector<16xi32>
    %shift_right_arithmetic3A_1059 = arith.shrsi %get3A_1056, %shift_right_arithmetic3A_1058 : vector<16xi32>
    %mul3A_1060 = arith.constant 48704 : i32
    %mul3A_1061 = vector.broadcast %mul3A_1060 : i32 to vector<16xi32>
    %mul3A_1062 = arith.muli %shift_right_arithmetic3A_1059, %mul3A_1061 : vector<16xi32>
    %and3A_1063 = arith.constant 1023 : i32
    %and3A_1064 = vector.broadcast %and3A_1063 : i32 to vector<16xi32>
    %and3A_1065 = arith.andi %get3A_1056, %and3A_1064 : vector<16xi32>
    %mul3A_1066 = arith.constant 92821 : i32
    %mul3A_1067 = vector.broadcast %mul3A_1066 : i32 to vector<16xi32>
    %mul3A_1068 = arith.muli %and3A_1065, %mul3A_1067 : vector<16xi32>
    %add3A_1069 = arith.addi %mul3A_1062, %mul3A_1068 : vector<16xi32>
    %add3A_1070 = arith.addi %add3A_1069, %get3A_1053 : vector<16xi32>
    %jit3A_1071 = arith.constant 1000000 : i32
    %eq3A_1072 = arith.constant 0 : i32
    %eq3A_1073 = arith.cmpi eq, %jit3A_1071, %eq3A_1072 : i32
    %jit3A_1074 = arith.constant 1 : i32
    %select_n3A_1075 = arith.select %eq3A_1073, %jit3A_1074, %jit3A_1071 : i32
    %rem3A_1076 = vector.broadcast %select_n3A_1075 : i32 to vector<16xi32>
    %rem3A_1077 = arith.remsi %add3A_1070, %rem3A_1076 : vector<16xi32>
    %ne3A_1078 = arith.constant 0 : i32
    %ne3A_1079 = vector.broadcast %ne3A_1078 : i32 to vector<16xi32>
    %ne3A_1080 = arith.cmpi ne, %rem3A_1077, %ne3A_1079 : vector<16xi32>
    %lt3A_1081 = arith.constant 0 : i32
    %lt3A_1082 = vector.broadcast %lt3A_1081 : i32 to vector<16xi32>
    %lt3A_1083 = arith.cmpi slt, %rem3A_1077, %lt3A_1082 : vector<16xi32>
    %lt3A_1084 = arith.constant 0 : i32
    %lt3A_1085 = arith.cmpi slt, %select_n3A_1075, %lt3A_1084 : i32
    %ne3A_1086 = vector.broadcast %lt3A_1085 : i1 to vector<16xi1>
    %ne3A_1087 = vector.broadcast %ne3A_1086 : vector<16xi1> to vector<16xi1>
    %ne3A_1088 = arith.xori %lt3A_1083, %ne3A_1087 : vector<16xi1>
    %and3A_1089 = arith.andi %ne3A_1088, %ne3A_1080 : vector<16xi1>
    %add3A_1090 = vector.broadcast %select_n3A_1075 : i32 to vector<16xi32>
    %add3A_1091 = arith.addi %rem3A_1077, %add3A_1090 : vector<16xi32>
    %select_n3A_1092 = arith.select %and3A_1089, %add3A_1091, %rem3A_1077 : vector<16xi1>, vector<16xi32>
    %swap3A_1093 = arith.constant 368 : index
    %swap3A_1094 = tpu.vector_load %arg8[%swap3A_1093] {strides = array<i32>} : memref<512xi32, #tpu.memory_space<vmem>>, vector<16xi32>,
    %swap3A_1095 = vector.shape_cast %swap3A_1094 : vector<16xi32> to vector<16xi32>
    %swap3A_1096 = vector.shape_cast %select_n3A_1092 : vector<16xi32> to vector<16xi32>
    tpu.vector_store %arg8[%swap3A_1093], %swap3A_1096 {strides = array<i32>} : memref<512xi32, #tpu.memory_space<vmem>>, vector<16xi32>,
    %get3A_1097 = arith.constant 384 : index
    %get3A_1098 = tpu.vector_load %arg6[%get3A_1097] {strides = array<i32>} : memref<512xi32, #tpu.memory_space<vmem>>, vector<16xi32>,
    %get3A_1099 = vector.shape_cast %get3A_1098 : vector<16xi32> to vector<16xi32>
    %get3A_1100 = arith.constant 384 : index
    %get3A_1101 = tpu.vector_load %arg7[%get3A_1100] {strides = array<i32>} : memref<512xi32, #tpu.memory_space<vmem>>, vector<16xi32>,
    %get3A_1102 = vector.shape_cast %get3A_1101 : vector<16xi32> to vector<16xi32>
    %shift_right_arithmetic3A_1103 = arith.constant 10 : i32
    %shift_right_arithmetic3A_1104 = vector.broadcast %shift_right_arithmetic3A_1103 : i32 to vector<16xi32>
    %shift_right_arithmetic3A_1105 = arith.shrsi %get3A_1102, %shift_right_arithmetic3A_1104 : vector<16xi32>
    %mul3A_1106 = arith.constant 48704 : i32
    %mul3A_1107 = vector.broadcast %mul3A_1106 : i32 to vector<16xi32>
    %mul3A_1108 = arith.muli %shift_right_arithmetic3A_1105, %mul3A_1107 : vector<16xi32>
    %and3A_1109 = arith.constant 1023 : i32
    %and3A_1110 = vector.broadcast %and3A_1109 : i32 to vector<16xi32>
    %and3A_1111 = arith.andi %get3A_1102, %and3A_1110 : vector<16xi32>
    %mul3A_1112 = arith.constant 92821 : i32
    %mul3A_1113 = vector.broadcast %mul3A_1112 : i32 to vector<16xi32>
    %mul3A_1114 = arith.muli %and3A_1111, %mul3A_1113 : vector<16xi32>
    %add3A_1115 = arith.addi %mul3A_1108, %mul3A_1114 : vector<16xi32>
    %add3A_1116 = arith.addi %add3A_1115, %get3A_1099 : vector<16xi32>
    %jit3A_1117 = arith.constant 1000000 : i32
    %eq3A_1118 = arith.constant 0 : i32
    %eq3A_1119 = arith.cmpi eq, %jit3A_1117, %eq3A_1118 : i32
    %jit3A_1120 = arith.constant 1 : i32
    %select_n3A_1121 = arith.select %eq3A_1119, %jit3A_1120, %jit3A_1117 : i32
    %rem3A_1122 = vector.broadcast %select_n3A_1121 : i32 to vector<16xi32>
    %rem3A_1123 = arith.remsi %add3A_1116, %rem3A_1122 : vector<16xi32>
    %ne3A_1124 = arith.constant 0 : i32
    %ne3A_1125 = vector.broadcast %ne3A_1124 : i32 to vector<16xi32>
    %ne3A_1126 = arith.cmpi ne, %rem3A_1123, %ne3A_1125 : vector<16xi32>
    %lt3A_1127 = arith.constant 0 : i32
    %lt3A_1128 = vector.broadcast %lt3A_1127 : i32 to vector<16xi32>
    %lt3A_1129 = arith.cmpi slt, %rem3A_1123, %lt3A_1128 : vector<16xi32>
    %lt3A_1130 = arith.constant 0 : i32
    %lt3A_1131 = arith.cmpi slt, %select_n3A_1121, %lt3A_1130 : i32
    %ne3A_1132 = vector.broadcast %lt3A_1131 : i1 to vector<16xi1>
    %ne3A_1133 = vector.broadcast %ne3A_1132 : vector<16xi1> to vector<16xi1>
    %ne3A_1134 = arith.xori %lt3A_1129, %ne3A_1133 : vector<16xi1>
    %and3A_1135 = arith.andi %ne3A_1134, %ne3A_1126 : vector<16xi1>
    %add3A_1136 = vector.broadcast %select_n3A_1121 : i32 to vector<16xi32>
    %add3A_1137 = arith.addi %rem3A_1123, %add3A_1136 : vector<16xi32>
    %select_n3A_1138 = arith.select %and3A_1135, %add3A_1137, %rem3A_1123 : vector<16xi1>, vector<16xi32>
    %swap3A_1139 = arith.constant 384 : index
    %swap3A_1140 = tpu.vector_load %arg8[%swap3A_1139] {strides = array<i32>} : memref<512xi32, #tpu.memory_space<vmem>>, vector<16xi32>,
    %swap3A_1141 = vector.shape_cast %swap3A_1140 : vector<16xi32> to vector<16xi32>
    %swap3A_1142 = vector.shape_cast %select_n3A_1138 : vector<16xi32> to vector<16xi32>
    tpu.vector_store %arg8[%swap3A_1139], %swap3A_1142 {strides = array<i32>} : memref<512xi32, #tpu.memory_space<vmem>>, vector<16xi32>,
    %get3A_1143 = arith.constant 400 : index
    %get3A_1144 = tpu.vector_load %arg6[%get3A_1143] {strides = array<i32>} : memref<512xi32, #tpu.memory_space<vmem>>, vector<16xi32>,
    %get3A_1145 = vector.shape_cast %get3A_1144 : vector<16xi32> to vector<16xi32>
    %get3A_1146 = arith.constant 400 : index
    %get3A_1147 = tpu.vector_load %arg7[%get3A_1146] {strides = array<i32>} : memref<512xi32, #tpu.memory_space<vmem>>, vector<16xi32>,
    %get3A_1148 = vector.shape_cast %get3A_1147 : vector<16xi32> to vector<16xi32>
    %shift_right_arithmetic3A_1149 = arith.constant 10 : i32
    %shift_right_arithmetic3A_1150 = vector.broadcast %shift_right_arithmetic3A_1149 : i32 to vector<16xi32>
    %shift_right_arithmetic3A_1151 = arith.shrsi %get3A_1148, %shift_right_arithmetic3A_1150 : vector<16xi32>
    %mul3A_1152 = arith.constant 48704 : i32
    %mul3A_1153 = vector.broadcast %mul3A_1152 : i32 to vector<16xi32>
    %mul3A_1154 = arith.muli %shift_right_arithmetic3A_1151, %mul3A_1153 : vector<16xi32>
    %and3A_1155 = arith.constant 1023 : i32
    %and3A_1156 = vector.broadcast %and3A_1155 : i32 to vector<16xi32>
    %and3A_1157 = arith.andi %get3A_1148, %and3A_1156 : vector<16xi32>
    %mul3A_1158 = arith.constant 92821 : i32
    %mul3A_1159 = vector.broadcast %mul3A_1158 : i32 to vector<16xi32>
    %mul3A_1160 = arith.muli %and3A_1157, %mul3A_1159 : vector<16xi32>
    %add3A_1161 = arith.addi %mul3A_1154, %mul3A_1160 : vector<16xi32>
    %add3A_1162 = arith.addi %add3A_1161, %get3A_1145 : vector<16xi32>
    %jit3A_1163 = arith.constant 1000000 : i32
    %eq3A_1164 = arith.constant 0 : i32
    %eq3A_1165 = arith.cmpi eq, %jit3A_1163, %eq3A_1164 : i32
    %jit3A_1166 = arith.constant 1 : i32
    %select_n3A_1167 = arith.select %eq3A_1165, %jit3A_1166, %jit3A_1163 : i32
    %rem3A_1168 = vector.broadcast %select_n3A_1167 : i32 to vector<16xi32>
    %rem3A_1169 = arith.remsi %add3A_1162, %rem3A_1168 : vector<16xi32>
    %ne3A_1170 = arith.constant 0 : i32
    %ne3A_1171 = vector.broadcast %ne3A_1170 : i32 to vector<16xi32>
    %ne3A_1172 = arith.cmpi ne, %rem3A_1169, %ne3A_1171 : vector<16xi32>
    %lt3A_1173 = arith.constant 0 : i32
    %lt3A_1174 = vector.broadcast %lt3A_1173 : i32 to vector<16xi32>
    %lt3A_1175 = arith.cmpi slt, %rem3A_1169, %lt3A_1174 : vector<16xi32>
    %lt3A_1176 = arith.constant 0 : i32
    %lt3A_1177 = arith.cmpi slt, %select_n3A_1167, %lt3A_1176 : i32
    %ne3A_1178 = vector.broadcast %lt3A_1177 : i1 to vector<16xi1>
    %ne3A_1179 = vector.broadcast %ne3A_1178 : vector<16xi1> to vector<16xi1>
    %ne3A_1180 = arith.xori %lt3A_1175, %ne3A_1179 : vector<16xi1>
    %and3A_1181 = arith.andi %ne3A_1180, %ne3A_1172 : vector<16xi1>
    %add3A_1182 = vector.broadcast %select_n3A_1167 : i32 to vector<16xi32>
    %add3A_1183 = arith.addi %rem3A_1169, %add3A_1182 : vector<16xi32>
    %select_n3A_1184 = arith.select %and3A_1181, %add3A_1183, %rem3A_1169 : vector<16xi1>, vector<16xi32>
    %swap3A_1185 = arith.constant 400 : index
    %swap3A_1186 = tpu.vector_load %arg8[%swap3A_1185] {strides = array<i32>} : memref<512xi32, #tpu.memory_space<vmem>>, vector<16xi32>,
    %swap3A_1187 = vector.shape_cast %swap3A_1186 : vector<16xi32> to vector<16xi32>
    %swap3A_1188 = vector.shape_cast %select_n3A_1184 : vector<16xi32> to vector<16xi32>
    tpu.vector_store %arg8[%swap3A_1185], %swap3A_1188 {strides = array<i32>} : memref<512xi32, #tpu.memory_space<vmem>>, vector<16xi32>,
    %get3A_1189 = arith.constant 416 : index
    %get3A_1190 = tpu.vector_load %arg6[%get3A_1189] {strides = array<i32>} : memref<512xi32, #tpu.memory_space<vmem>>, vector<16xi32>,
    %get3A_1191 = vector.shape_cast %get3A_1190 : vector<16xi32> to vector<16xi32>
    %get3A_1192 = arith.constant 416 : index
    %get3A_1193 = tpu.vector_load %arg7[%get3A_1192] {strides = array<i32>} : memref<512xi32, #tpu.memory_space<vmem>>, vector<16xi32>,
    %get3A_1194 = vector.shape_cast %get3A_1193 : vector<16xi32> to vector<16xi32>
    %shift_right_arithmetic3A_1195 = arith.constant 10 : i32
    %shift_right_arithmetic3A_1196 = vector.broadcast %shift_right_arithmetic3A_1195 : i32 to vector<16xi32>
    %shift_right_arithmetic3A_1197 = arith.shrsi %get3A_1194, %shift_right_arithmetic3A_1196 : vector<16xi32>
    %mul3A_1198 = arith.constant 48704 : i32
    %mul3A_1199 = vector.broadcast %mul3A_1198 : i32 to vector<16xi32>
    %mul3A_1200 = arith.muli %shift_right_arithmetic3A_1197, %mul3A_1199 : vector<16xi32>
    %and3A_1201 = arith.constant 1023 : i32
    %and3A_1202 = vector.broadcast %and3A_1201 : i32 to vector<16xi32>
    %and3A_1203 = arith.andi %get3A_1194, %and3A_1202 : vector<16xi32>
    %mul3A_1204 = arith.constant 92821 : i32
    %mul3A_1205 = vector.broadcast %mul3A_1204 : i32 to vector<16xi32>
    %mul3A_1206 = arith.muli %and3A_1203, %mul3A_1205 : vector<16xi32>
    %add3A_1207 = arith.addi %mul3A_1200, %mul3A_1206 : vector<16xi32>
    %add3A_1208 = arith.addi %add3A_1207, %get3A_1191 : vector<16xi32>
    %jit3A_1209 = arith.constant 1000000 : i32
    %eq3A_1210 = arith.constant 0 : i32
    %eq3A_1211 = arith.cmpi eq, %jit3A_1209, %eq3A_1210 : i32
    %jit3A_1212 = arith.constant 1 : i32
    %select_n3A_1213 = arith.select %eq3A_1211, %jit3A_1212, %jit3A_1209 : i32
    %rem3A_1214 = vector.broadcast %select_n3A_1213 : i32 to vector<16xi32>
    %rem3A_1215 = arith.remsi %add3A_1208, %rem3A_1214 : vector<16xi32>
    %ne3A_1216 = arith.constant 0 : i32
    %ne3A_1217 = vector.broadcast %ne3A_1216 : i32 to vector<16xi32>
    %ne3A_1218 = arith.cmpi ne, %rem3A_1215, %ne3A_1217 : vector<16xi32>
    %lt3A_1219 = arith.constant 0 : i32
    %lt3A_1220 = vector.broadcast %lt3A_1219 : i32 to vector<16xi32>
    %lt3A_1221 = arith.cmpi slt, %rem3A_1215, %lt3A_1220 : vector<16xi32>
    %lt3A_1222 = arith.constant 0 : i32
    %lt3A_1223 = arith.cmpi slt, %select_n3A_1213, %lt3A_1222 : i32
    %ne3A_1224 = vector.broadcast %lt3A_1223 : i1 to vector<16xi1>
    %ne3A_1225 = vector.broadcast %ne3A_1224 : vector<16xi1> to vector<16xi1>
    %ne3A_1226 = arith.xori %lt3A_1221, %ne3A_1225 : vector<16xi1>
    %and3A_1227 = arith.andi %ne3A_1226, %ne3A_1218 : vector<16xi1>
    %add3A_1228 = vector.broadcast %select_n3A_1213 : i32 to vector<16xi32>
    %add3A_1229 = arith.addi %rem3A_1215, %add3A_1228 : vector<16xi32>
    %select_n3A_1230 = arith.select %and3A_1227, %add3A_1229, %rem3A_1215 : vector<16xi1>, vector<16xi32>
    %swap3A_1231 = arith.constant 416 : index
    %swap3A_1232 = tpu.vector_load %arg8[%swap3A_1231] {strides = array<i32>} : memref<512xi32, #tpu.memory_space<vmem>>, vector<16xi32>,
    %swap3A_1233 = vector.shape_cast %swap3A_1232 : vector<16xi32> to vector<16xi32>
    %swap3A_1234 = vector.shape_cast %select_n3A_1230 : vector<16xi32> to vector<16xi32>
    tpu.vector_store %arg8[%swap3A_1231], %swap3A_1234 {strides = array<i32>} : memref<512xi32, #tpu.memory_space<vmem>>, vector<16xi32>,
    %get3A_1235 = arith.constant 432 : index
    %get3A_1236 = tpu.vector_load %arg6[%get3A_1235] {strides = array<i32>} : memref<512xi32, #tpu.memory_space<vmem>>, vector<16xi32>,
    %get3A_1237 = vector.shape_cast %get3A_1236 : vector<16xi32> to vector<16xi32>
    %get3A_1238 = arith.constant 432 : index
    %get3A_1239 = tpu.vector_load %arg7[%get3A_1238] {strides = array<i32>} : memref<512xi32, #tpu.memory_space<vmem>>, vector<16xi32>,
    %get3A_1240 = vector.shape_cast %get3A_1239 : vector<16xi32> to vector<16xi32>
    %shift_right_arithmetic3A_1241 = arith.constant 10 : i32
    %shift_right_arithmetic3A_1242 = vector.broadcast %shift_right_arithmetic3A_1241 : i32 to vector<16xi32>
    %shift_right_arithmetic3A_1243 = arith.shrsi %get3A_1240, %shift_right_arithmetic3A_1242 : vector<16xi32>
    %mul3A_1244 = arith.constant 48704 : i32
    %mul3A_1245 = vector.broadcast %mul3A_1244 : i32 to vector<16xi32>
    %mul3A_1246 = arith.muli %shift_right_arithmetic3A_1243, %mul3A_1245 : vector<16xi32>
    %and3A_1247 = arith.constant 1023 : i32
    %and3A_1248 = vector.broadcast %and3A_1247 : i32 to vector<16xi32>
    %and3A_1249 = arith.andi %get3A_1240, %and3A_1248 : vector<16xi32>
    %mul3A_1250 = arith.constant 92821 : i32
    %mul3A_1251 = vector.broadcast %mul3A_1250 : i32 to vector<16xi32>
    %mul3A_1252 = arith.muli %and3A_1249, %mul3A_1251 : vector<16xi32>
    %add3A_1253 = arith.addi %mul3A_1246, %mul3A_1252 : vector<16xi32>
    %add3A_1254 = arith.addi %add3A_1253, %get3A_1237 : vector<16xi32>
    %jit3A_1255 = arith.constant 1000000 : i32
    %eq3A_1256 = arith.constant 0 : i32
    %eq3A_1257 = arith.cmpi eq, %jit3A_1255, %eq3A_1256 : i32
    %jit3A_1258 = arith.constant 1 : i32
    %select_n3A_1259 = arith.select %eq3A_1257, %jit3A_1258, %jit3A_1255 : i32
    %rem3A_1260 = vector.broadcast %select_n3A_1259 : i32 to vector<16xi32>
    %rem3A_1261 = arith.remsi %add3A_1254, %rem3A_1260 : vector<16xi32>
    %ne3A_1262 = arith.constant 0 : i32
    %ne3A_1263 = vector.broadcast %ne3A_1262 : i32 to vector<16xi32>
    %ne3A_1264 = arith.cmpi ne, %rem3A_1261, %ne3A_1263 : vector<16xi32>
    %lt3A_1265 = arith.constant 0 : i32
    %lt3A_1266 = vector.broadcast %lt3A_1265 : i32 to vector<16xi32>
    %lt3A_1267 = arith.cmpi slt, %rem3A_1261, %lt3A_1266 : vector<16xi32>
    %lt3A_1268 = arith.constant 0 : i32
    %lt3A_1269 = arith.cmpi slt, %select_n3A_1259, %lt3A_1268 : i32
    %ne3A_1270 = vector.broadcast %lt3A_1269 : i1 to vector<16xi1>
    %ne3A_1271 = vector.broadcast %ne3A_1270 : vector<16xi1> to vector<16xi1>
    %ne3A_1272 = arith.xori %lt3A_1267, %ne3A_1271 : vector<16xi1>
    %and3A_1273 = arith.andi %ne3A_1272, %ne3A_1264 : vector<16xi1>
    %add3A_1274 = vector.broadcast %select_n3A_1259 : i32 to vector<16xi32>
    %add3A_1275 = arith.addi %rem3A_1261, %add3A_1274 : vector<16xi32>
    %select_n3A_1276 = arith.select %and3A_1273, %add3A_1275, %rem3A_1261 : vector<16xi1>, vector<16xi32>
    %swap3A_1277 = arith.constant 432 : index
    %swap3A_1278 = tpu.vector_load %arg8[%swap3A_1277] {strides = array<i32>} : memref<512xi32, #tpu.memory_space<vmem>>, vector<16xi32>,
    %swap3A_1279 = vector.shape_cast %swap3A_1278 : vector<16xi32> to vector<16xi32>
    %swap3A_1280 = vector.shape_cast %select_n3A_1276 : vector<16xi32> to vector<16xi32>
    tpu.vector_store %arg8[%swap3A_1277], %swap3A_1280 {strides = array<i32>} : memref<512xi32, #tpu.memory_space<vmem>>, vector<16xi32>,
    %get3A_1281 = arith.constant 448 : index
    %get3A_1282 = tpu.vector_load %arg6[%get3A_1281] {strides = array<i32>} : memref<512xi32, #tpu.memory_space<vmem>>, vector<16xi32>,
    %get3A_1283 = vector.shape_cast %get3A_1282 : vector<16xi32> to vector<16xi32>
    %get3A_1284 = arith.constant 448 : index
    %get3A_1285 = tpu.vector_load %arg7[%get3A_1284] {strides = array<i32>} : memref<512xi32, #tpu.memory_space<vmem>>, vector<16xi32>,
    %get3A_1286 = vector.shape_cast %get3A_1285 : vector<16xi32> to vector<16xi32>
    %shift_right_arithmetic3A_1287 = arith.constant 10 : i32
    %shift_right_arithmetic3A_1288 = vector.broadcast %shift_right_arithmetic3A_1287 : i32 to vector<16xi32>
    %shift_right_arithmetic3A_1289 = arith.shrsi %get3A_1286, %shift_right_arithmetic3A_1288 : vector<16xi32>
    %mul3A_1290 = arith.constant 48704 : i32
    %mul3A_1291 = vector.broadcast %mul3A_1290 : i32 to vector<16xi32>
    %mul3A_1292 = arith.muli %shift_right_arithmetic3A_1289, %mul3A_1291 : vector<16xi32>
    %and3A_1293 = arith.constant 1023 : i32
    %and3A_1294 = vector.broadcast %and3A_1293 : i32 to vector<16xi32>
    %and3A_1295 = arith.andi %get3A_1286, %and3A_1294 : vector<16xi32>
    %mul3A_1296 = arith.constant 92821 : i32
    %mul3A_1297 = vector.broadcast %mul3A_1296 : i32 to vector<16xi32>
    %mul3A_1298 = arith.muli %and3A_1295, %mul3A_1297 : vector<16xi32>
    %add3A_1299 = arith.addi %mul3A_1292, %mul3A_1298 : vector<16xi32>
    %add3A_1300 = arith.addi %add3A_1299, %get3A_1283 : vector<16xi32>
    %jit3A_1301 = arith.constant 1000000 : i32
    %eq3A_1302 = arith.constant 0 : i32
    %eq3A_1303 = arith.cmpi eq, %jit3A_1301, %eq3A_1302 : i32
    %jit3A_1304 = arith.constant 1 : i32
    %select_n3A_1305 = arith.select %eq3A_1303, %jit3A_1304, %jit3A_1301 : i32
    %rem3A_1306 = vector.broadcast %select_n3A_1305 : i32 to vector<16xi32>
    %rem3A_1307 = arith.remsi %add3A_1300, %rem3A_1306 : vector<16xi32>
    %ne3A_1308 = arith.constant 0 : i32
    %ne3A_1309 = vector.broadcast %ne3A_1308 : i32 to vector<16xi32>
    %ne3A_1310 = arith.cmpi ne, %rem3A_1307, %ne3A_1309 : vector<16xi32>
    %lt3A_1311 = arith.constant 0 : i32
    %lt3A_1312 = vector.broadcast %lt3A_1311 : i32 to vector<16xi32>
    %lt3A_1313 = arith.cmpi slt, %rem3A_1307, %lt3A_1312 : vector<16xi32>
    %lt3A_1314 = arith.constant 0 : i32
    %lt3A_1315 = arith.cmpi slt, %select_n3A_1305, %lt3A_1314 : i32
    %ne3A_1316 = vector.broadcast %lt3A_1315 : i1 to vector<16xi1>
    %ne3A_1317 = vector.broadcast %ne3A_1316 : vector<16xi1> to vector<16xi1>
    %ne3A_1318 = arith.xori %lt3A_1313, %ne3A_1317 : vector<16xi1>
    %and3A_1319 = arith.andi %ne3A_1318, %ne3A_1310 : vector<16xi1>
    %add3A_1320 = vector.broadcast %select_n3A_1305 : i32 to vector<16xi32>
    %add3A_1321 = arith.addi %rem3A_1307, %add3A_1320 : vector<16xi32>
    %select_n3A_1322 = arith.select %and3A_1319, %add3A_1321, %rem3A_1307 : vector<16xi1>, vector<16xi32>
    %swap3A_1323 = arith.constant 448 : index
    %swap3A_1324 = tpu.vector_load %arg8[%swap3A_1323] {strides = array<i32>} : memref<512xi32, #tpu.memory_space<vmem>>, vector<16xi32>,
    %swap3A_1325 = vector.shape_cast %swap3A_1324 : vector<16xi32> to vector<16xi32>
    %swap3A_1326 = vector.shape_cast %select_n3A_1322 : vector<16xi32> to vector<16xi32>
    tpu.vector_store %arg8[%swap3A_1323], %swap3A_1326 {strides = array<i32>} : memref<512xi32, #tpu.memory_space<vmem>>, vector<16xi32>,
    %get3A_1327 = arith.constant 464 : index
    %get3A_1328 = tpu.vector_load %arg6[%get3A_1327] {strides = array<i32>} : memref<512xi32, #tpu.memory_space<vmem>>, vector<16xi32>,
    %get3A_1329 = vector.shape_cast %get3A_1328 : vector<16xi32> to vector<16xi32>
    %get3A_1330 = arith.constant 464 : index
    %get3A_1331 = tpu.vector_load %arg7[%get3A_1330] {strides = array<i32>} : memref<512xi32, #tpu.memory_space<vmem>>, vector<16xi32>,
    %get3A_1332 = vector.shape_cast %get3A_1331 : vector<16xi32> to vector<16xi32>
    %shift_right_arithmetic3A_1333 = arith.constant 10 : i32
    %shift_right_arithmetic3A_1334 = vector.broadcast %shift_right_arithmetic3A_1333 : i32 to vector<16xi32>
    %shift_right_arithmetic3A_1335 = arith.shrsi %get3A_1332, %shift_right_arithmetic3A_1334 : vector<16xi32>
    %mul3A_1336 = arith.constant 48704 : i32
    %mul3A_1337 = vector.broadcast %mul3A_1336 : i32 to vector<16xi32>
    %mul3A_1338 = arith.muli %shift_right_arithmetic3A_1335, %mul3A_1337 : vector<16xi32>
    %and3A_1339 = arith.constant 1023 : i32
    %and3A_1340 = vector.broadcast %and3A_1339 : i32 to vector<16xi32>
    %and3A_1341 = arith.andi %get3A_1332, %and3A_1340 : vector<16xi32>
    %mul3A_1342 = arith.constant 92821 : i32
    %mul3A_1343 = vector.broadcast %mul3A_1342 : i32 to vector<16xi32>
    %mul3A_1344 = arith.muli %and3A_1341, %mul3A_1343 : vector<16xi32>
    %add3A_1345 = arith.addi %mul3A_1338, %mul3A_1344 : vector<16xi32>
    %add3A_1346 = arith.addi %add3A_1345, %get3A_1329 : vector<16xi32>
    %jit3A_1347 = arith.constant 1000000 : i32
    %eq3A_1348 = arith.constant 0 : i32
    %eq3A_1349 = arith.cmpi eq, %jit3A_1347, %eq3A_1348 : i32
    %jit3A_1350 = arith.constant 1 : i32
    %select_n3A_1351 = arith.select %eq3A_1349, %jit3A_1350, %jit3A_1347 : i32
    %rem3A_1352 = vector.broadcast %select_n3A_1351 : i32 to vector<16xi32>
    %rem3A_1353 = arith.remsi %add3A_1346, %rem3A_1352 : vector<16xi32>
    %ne3A_1354 = arith.constant 0 : i32
    %ne3A_1355 = vector.broadcast %ne3A_1354 : i32 to vector<16xi32>
    %ne3A_1356 = arith.cmpi ne, %rem3A_1353, %ne3A_1355 : vector<16xi32>
    %lt3A_1357 = arith.constant 0 : i32
    %lt3A_1358 = vector.broadcast %lt3A_1357 : i32 to vector<16xi32>
    %lt3A_1359 = arith.cmpi slt, %rem3A_1353, %lt3A_1358 : vector<16xi32>
    %lt3A_1360 = arith.constant 0 : i32
    %lt3A_1361 = arith.cmpi slt, %select_n3A_1351, %lt3A_1360 : i32
    %ne3A_1362 = vector.broadcast %lt3A_1361 : i1 to vector<16xi1>
    %ne3A_1363 = vector.broadcast %ne3A_1362 : vector<16xi1> to vector<16xi1>
    %ne3A_1364 = arith.xori %lt3A_1359, %ne3A_1363 : vector<16xi1>
    %and3A_1365 = arith.andi %ne3A_1364, %ne3A_1356 : vector<16xi1>
    %add3A_1366 = vector.broadcast %select_n3A_1351 : i32 to vector<16xi32>
    %add3A_1367 = arith.addi %rem3A_1353, %add3A_1366 : vector<16xi32>
    %select_n3A_1368 = arith.select %and3A_1365, %add3A_1367, %rem3A_1353 : vector<16xi1>, vector<16xi32>
    %swap3A_1369 = arith.constant 464 : index
    %swap3A_1370 = tpu.vector_load %arg8[%swap3A_1369] {strides = array<i32>} : memref<512xi32, #tpu.memory_space<vmem>>, vector<16xi32>,
    %swap3A_1371 = vector.shape_cast %swap3A_1370 : vector<16xi32> to vector<16xi32>
    %swap3A_1372 = vector.shape_cast %select_n3A_1368 : vector<16xi32> to vector<16xi32>
    tpu.vector_store %arg8[%swap3A_1369], %swap3A_1372 {strides = array<i32>} : memref<512xi32, #tpu.memory_space<vmem>>, vector<16xi32>,
    %get3A_1373 = arith.constant 480 : index
    %get3A_1374 = tpu.vector_load %arg6[%get3A_1373] {strides = array<i32>} : memref<512xi32, #tpu.memory_space<vmem>>, vector<16xi32>,
    %get3A_1375 = vector.shape_cast %get3A_1374 : vector<16xi32> to vector<16xi32>
    %get3A_1376 = arith.constant 480 : index
    %get3A_1377 = tpu.vector_load %arg7[%get3A_1376] {strides = array<i32>} : memref<512xi32, #tpu.memory_space<vmem>>, vector<16xi32>,
    %get3A_1378 = vector.shape_cast %get3A_1377 : vector<16xi32> to vector<16xi32>
    %shift_right_arithmetic3A_1379 = arith.constant 10 : i32
    %shift_right_arithmetic3A_1380 = vector.broadcast %shift_right_arithmetic3A_1379 : i32 to vector<16xi32>
    %shift_right_arithmetic3A_1381 = arith.shrsi %get3A_1378, %shift_right_arithmetic3A_1380 : vector<16xi32>
    %mul3A_1382 = arith.constant 48704 : i32
    %mul3A_1383 = vector.broadcast %mul3A_1382 : i32 to vector<16xi32>
    %mul3A_1384 = arith.muli %shift_right_arithmetic3A_1381, %mul3A_1383 : vector<16xi32>
    %and3A_1385 = arith.constant 1023 : i32
    %and3A_1386 = vector.broadcast %and3A_1385 : i32 to vector<16xi32>
    %and3A_1387 = arith.andi %get3A_1378, %and3A_1386 : vector<16xi32>
    %mul3A_1388 = arith.constant 92821 : i32
    %mul3A_1389 = vector.broadcast %mul3A_1388 : i32 to vector<16xi32>
    %mul3A_1390 = arith.muli %and3A_1387, %mul3A_1389 : vector<16xi32>
    %add3A_1391 = arith.addi %mul3A_1384, %mul3A_1390 : vector<16xi32>
    %add3A_1392 = arith.addi %add3A_1391, %get3A_1375 : vector<16xi32>
    %jit3A_1393 = arith.constant 1000000 : i32
    %eq3A_1394 = arith.constant 0 : i32
    %eq3A_1395 = arith.cmpi eq, %jit3A_1393, %eq3A_1394 : i32
    %jit3A_1396 = arith.constant 1 : i32
    %select_n3A_1397 = arith.select %eq3A_1395, %jit3A_1396, %jit3A_1393 : i32
    %rem3A_1398 = vector.broadcast %select_n3A_1397 : i32 to vector<16xi32>
    %rem3A_1399 = arith.remsi %add3A_1392, %rem3A_1398 : vector<16xi32>
    %ne3A_1400 = arith.constant 0 : i32
    %ne3A_1401 = vector.broadcast %ne3A_1400 : i32 to vector<16xi32>
    %ne3A_1402 = arith.cmpi ne, %rem3A_1399, %ne3A_1401 : vector<16xi32>
    %lt3A_1403 = arith.constant 0 : i32
    %lt3A_1404 = vector.broadcast %lt3A_1403 : i32 to vector<16xi32>
    %lt3A_1405 = arith.cmpi slt, %rem3A_1399, %lt3A_1404 : vector<16xi32>
    %lt3A_1406 = arith.constant 0 : i32
    %lt3A_1407 = arith.cmpi slt, %select_n3A_1397, %lt3A_1406 : i32
    %ne3A_1408 = vector.broadcast %lt3A_1407 : i1 to vector<16xi1>
    %ne3A_1409 = vector.broadcast %ne3A_1408 : vector<16xi1> to vector<16xi1>
    %ne3A_1410 = arith.xori %lt3A_1405, %ne3A_1409 : vector<16xi1>
    %and3A_1411 = arith.andi %ne3A_1410, %ne3A_1402 : vector<16xi1>
    %add3A_1412 = vector.broadcast %select_n3A_1397 : i32 to vector<16xi32>
    %add3A_1413 = arith.addi %rem3A_1399, %add3A_1412 : vector<16xi32>
    %select_n3A_1414 = arith.select %and3A_1411, %add3A_1413, %rem3A_1399 : vector<16xi1>, vector<16xi32>
    %swap3A_1415 = arith.constant 480 : index
    %swap3A_1416 = tpu.vector_load %arg8[%swap3A_1415] {strides = array<i32>} : memref<512xi32, #tpu.memory_space<vmem>>, vector<16xi32>,
    %swap3A_1417 = vector.shape_cast %swap3A_1416 : vector<16xi32> to vector<16xi32>
    %swap3A_1418 = vector.shape_cast %select_n3A_1414 : vector<16xi32> to vector<16xi32>
    tpu.vector_store %arg8[%swap3A_1415], %swap3A_1418 {strides = array<i32>} : memref<512xi32, #tpu.memory_space<vmem>>, vector<16xi32>,
    %get3A_1419 = arith.constant 496 : index
    %get3A_1420 = tpu.vector_load %arg6[%get3A_1419] {strides = array<i32>} : memref<512xi32, #tpu.memory_space<vmem>>, vector<16xi32>,
    %get3A_1421 = vector.shape_cast %get3A_1420 : vector<16xi32> to vector<16xi32>
    %get3A_1422 = arith.constant 496 : index
    %get3A_1423 = tpu.vector_load %arg7[%get3A_1422] {strides = array<i32>} : memref<512xi32, #tpu.memory_space<vmem>>, vector<16xi32>,
    %get3A_1424 = vector.shape_cast %get3A_1423 : vector<16xi32> to vector<16xi32>
    %shift_right_arithmetic3A_1425 = arith.constant 10 : i32
    %shift_right_arithmetic3A_1426 = vector.broadcast %shift_right_arithmetic3A_1425 : i32 to vector<16xi32>
    %shift_right_arithmetic3A_1427 = arith.shrsi %get3A_1424, %shift_right_arithmetic3A_1426 : vector<16xi32>
    %mul3A_1428 = arith.constant 48704 : i32
    %mul3A_1429 = vector.broadcast %mul3A_1428 : i32 to vector<16xi32>
    %mul3A_1430 = arith.muli %shift_right_arithmetic3A_1427, %mul3A_1429 : vector<16xi32>
    %and3A_1431 = arith.constant 1023 : i32
    %and3A_1432 = vector.broadcast %and3A_1431 : i32 to vector<16xi32>
    %and3A_1433 = arith.andi %get3A_1424, %and3A_1432 : vector<16xi32>
    %mul3A_1434 = arith.constant 92821 : i32
    %mul3A_1435 = vector.broadcast %mul3A_1434 : i32 to vector<16xi32>
    %mul3A_1436 = arith.muli %and3A_1433, %mul3A_1435 : vector<16xi32>
    %add3A_1437 = arith.addi %mul3A_1430, %mul3A_1436 : vector<16xi32>
    %add3A_1438 = arith.addi %add3A_1437, %get3A_1421 : vector<16xi32>
    %jit3A_1439 = arith.constant 1000000 : i32
    %eq3A_1440 = arith.constant 0 : i32
    %eq3A_1441 = arith.cmpi eq, %jit3A_1439, %eq3A_1440 : i32
    %jit3A_1442 = arith.constant 1 : i32
    %select_n3A_1443 = arith.select %eq3A_1441, %jit3A_1442, %jit3A_1439 : i32
    %rem3A_1444 = vector.broadcast %select_n3A_1443 : i32 to vector<16xi32>
    %rem3A_1445 = arith.remsi %add3A_1438, %rem3A_1444 : vector<16xi32>
    %ne3A_1446 = arith.constant 0 : i32
    %ne3A_1447 = vector.broadcast %ne3A_1446 : i32 to vector<16xi32>
    %ne3A_1448 = arith.cmpi ne, %rem3A_1445, %ne3A_1447 : vector<16xi32>
    %lt3A_1449 = arith.constant 0 : i32
    %lt3A_1450 = vector.broadcast %lt3A_1449 : i32 to vector<16xi32>
    %lt3A_1451 = arith.cmpi slt, %rem3A_1445, %lt3A_1450 : vector<16xi32>
    %lt3A_1452 = arith.constant 0 : i32
    %lt3A_1453 = arith.cmpi slt, %select_n3A_1443, %lt3A_1452 : i32
    %ne3A_1454 = vector.broadcast %lt3A_1453 : i1 to vector<16xi1>
    %ne3A_1455 = vector.broadcast %ne3A_1454 : vector<16xi1> to vector<16xi1>
    %ne3A_1456 = arith.xori %lt3A_1451, %ne3A_1455 : vector<16xi1>
    %and3A_1457 = arith.andi %ne3A_1456, %ne3A_1448 : vector<16xi1>
    %add3A_1458 = vector.broadcast %select_n3A_1443 : i32 to vector<16xi32>
    %add3A_1459 = arith.addi %rem3A_1445, %add3A_1458 : vector<16xi32>
    %select_n3A_1460 = arith.select %and3A_1457, %add3A_1459, %rem3A_1445 : vector<16xi1>, vector<16xi32>
    %swap3A_1461 = arith.constant 496 : index
    %swap3A_1462 = tpu.vector_load %arg8[%swap3A_1461] {strides = array<i32>} : memref<512xi32, #tpu.memory_space<vmem>>, vector<16xi32>,
    %swap3A_1463 = vector.shape_cast %swap3A_1462 : vector<16xi32> to vector<16xi32>
    %swap3A_1464 = vector.shape_cast %select_n3A_1460 : vector<16xi32> to vector<16xi32>
    tpu.vector_store %arg8[%swap3A_1461], %swap3A_1464 {strides = array<i32>} : memref<512xi32, #tpu.memory_space<vmem>>, vector<16xi32>,
    %dma_start3A = arith.constant 0 : i32
    %dma_start3A_1465 = arith.constant 0 : i32
    %dma_start3A_1466 = tpu.memref_slice %arg9[%dma_start3A, %dma_start3A_1465] : memref<512x64xf32, #tpu.memory_space<vmem>> -> memref<128x64xf32, #tpu.memory_space<vmem>>
    %dma_start3A_1467 = arith.constant 0 : i32
    %dma_start3A_1468 = tpu.memref_slice %arg8[%dma_start3A_1467] : memref<512xi32, #tpu.memory_space<vmem>> -> memref<128xi32, #tpu.memory_space<vmem>>
    %dma_start3A_1469 = arith.constant 0 : i32
    %dma_start3A_1470 = arith.constant 0 : i32
    %dma_start3A_1471 = tpu.memref_slice %arg4[%dma_start3A_1469, %dma_start3A_1470] : memref<1000000x64xf32, #tpu.memory_space<hbm>> -> memref<1000000x64xf32, #tpu.memory_space<hbm>>
    tpu.enqueue_indirect_dma source(%dma_start3A_1471 : memref<1000000x64xf32, #tpu.memory_space<hbm>>) target(%dma_start3A_1466 : memref<128x64xf32, #tpu.memory_space<vmem>>) offsets(%dma_start3A_1468 : memref<128xi32, #tpu.memory_space<vmem>>) semaphore(%arg10 : memref<!tpu.dma_semaphore, #tpu.memory_space<semaphore_mem>>)
    %dma_start3A_1472 = arith.constant 128 : i32
    %dma_start3A_1473 = arith.constant 0 : i32
    %dma_start3A_1474 = tpu.memref_slice %arg9[%dma_start3A_1472, %dma_start3A_1473] : memref<512x64xf32, #tpu.memory_space<vmem>> -> memref<128x64xf32, #tpu.memory_space<vmem>>
    %dma_start3A_1475 = arith.constant 128 : i32
    %dma_start3A_1476 = tpu.memref_slice %arg8[%dma_start3A_1475] : memref<512xi32, #tpu.memory_space<vmem>> -> memref<128xi32, #tpu.memory_space<vmem>>
    %dma_start3A_1477 = arith.constant 0 : i32
    %dma_start3A_1478 = arith.constant 0 : i32
    %dma_start3A_1479 = tpu.memref_slice %arg4[%dma_start3A_1477, %dma_start3A_1478] : memref<1000000x64xf32, #tpu.memory_space<hbm>> -> memref<1000000x64xf32, #tpu.memory_space<hbm>>
    tpu.enqueue_indirect_dma source(%dma_start3A_1479 : memref<1000000x64xf32, #tpu.memory_space<hbm>>) target(%dma_start3A_1474 : memref<128x64xf32, #tpu.memory_space<vmem>>) offsets(%dma_start3A_1476 : memref<128xi32, #tpu.memory_space<vmem>>) semaphore(%arg10 : memref<!tpu.dma_semaphore, #tpu.memory_space<semaphore_mem>>)
    %dma_start3A_1480 = arith.constant 256 : i32
    %dma_start3A_1481 = arith.constant 0 : i32
    %dma_start3A_1482 = tpu.memref_slice %arg9[%dma_start3A_1480, %dma_start3A_1481] : memref<512x64xf32, #tpu.memory_space<vmem>> -> memref<128x64xf32, #tpu.memory_space<vmem>>
    %dma_start3A_1483 = arith.constant 256 : i32
    %dma_start3A_1484 = tpu.memref_slice %arg8[%dma_start3A_1483] : memref<512xi32, #tpu.memory_space<vmem>> -> memref<128xi32, #tpu.memory_space<vmem>>
    %dma_start3A_1485 = arith.constant 0 : i32
    %dma_start3A_1486 = arith.constant 0 : i32
    %dma_start3A_1487 = tpu.memref_slice %arg4[%dma_start3A_1485, %dma_start3A_1486] : memref<1000000x64xf32, #tpu.memory_space<hbm>> -> memref<1000000x64xf32, #tpu.memory_space<hbm>>
    tpu.enqueue_indirect_dma source(%dma_start3A_1487 : memref<1000000x64xf32, #tpu.memory_space<hbm>>) target(%dma_start3A_1482 : memref<128x64xf32, #tpu.memory_space<vmem>>) offsets(%dma_start3A_1484 : memref<128xi32, #tpu.memory_space<vmem>>) semaphore(%arg10 : memref<!tpu.dma_semaphore, #tpu.memory_space<semaphore_mem>>)
    %dma_start3A_1488 = arith.constant 384 : i32
    %dma_start3A_1489 = arith.constant 0 : i32
    %dma_start3A_1490 = tpu.memref_slice %arg9[%dma_start3A_1488, %dma_start3A_1489] : memref<512x64xf32, #tpu.memory_space<vmem>> -> memref<128x64xf32, #tpu.memory_space<vmem>>
    %dma_start3A_1491 = arith.constant 384 : i32
    %dma_start3A_1492 = tpu.memref_slice %arg8[%dma_start3A_1491] : memref<512xi32, #tpu.memory_space<vmem>> -> memref<128xi32, #tpu.memory_space<vmem>>
    %dma_start3A_1493 = arith.constant 0 : i32
    %dma_start3A_1494 = arith.constant 0 : i32
    %dma_start3A_1495 = tpu.memref_slice %arg4[%dma_start3A_1493, %dma_start3A_1494] : memref<1000000x64xf32, #tpu.memory_space<hbm>> -> memref<1000000x64xf32, #tpu.memory_space<hbm>>
    tpu.enqueue_indirect_dma source(%dma_start3A_1495 : memref<1000000x64xf32, #tpu.memory_space<hbm>>) target(%dma_start3A_1490 : memref<128x64xf32, #tpu.memory_space<vmem>>) offsets(%dma_start3A_1492 : memref<128xi32, #tpu.memory_space<vmem>>) semaphore(%arg10 : memref<!tpu.dma_semaphore, #tpu.memory_space<semaphore_mem>>)
    %dma_wait3A = arith.constant 0 : i32
    %dma_wait3A_1496 = arith.constant 0 : i32
    %dma_wait3A_1497 = tpu.memref_slice %arg9[%dma_wait3A, %dma_wait3A_1496] : memref<512x64xf32, #tpu.memory_space<vmem>> -> memref<128x64xf32, #tpu.memory_space<vmem>>
    %dma_wait3A_1498 = arith.constant 0 : i32
    %dma_wait3A_1499 = tpu.memref_slice %arg8[%dma_wait3A_1498] : memref<512xi32, #tpu.memory_space<vmem>> -> memref<128xi32, #tpu.memory_space<vmem>>
    %dma_wait3A_1500 = arith.constant 0 : i32
    %dma_wait3A_1501 = arith.constant 0 : i32
    %dma_wait3A_1502 = tpu.memref_slice %arg4[%dma_wait3A_1500, %dma_wait3A_1501] : memref<1000000x64xf32, #tpu.memory_space<hbm>> -> memref<1000000x64xf32, #tpu.memory_space<hbm>>
    tpu.wait_indirect_dma semaphore(%arg10 : memref<!tpu.dma_semaphore, #tpu.memory_space<semaphore_mem>>) src(%dma_wait3A_1502 : memref<1000000x64xf32, #tpu.memory_space<hbm>>) dst(%dma_wait3A_1497 : memref<128x64xf32, #tpu.memory_space<vmem>>)
    %dma_wait3A_1503 = arith.constant 128 : i32
    %dma_wait3A_1504 = arith.constant 0 : i32
    %dma_wait3A_1505 = tpu.memref_slice %arg9[%dma_wait3A_1503, %dma_wait3A_1504] : memref<512x64xf32, #tpu.memory_space<vmem>> -> memref<128x64xf32, #tpu.memory_space<vmem>>
    %dma_wait3A_1506 = arith.constant 128 : i32
    %dma_wait3A_1507 = tpu.memref_slice %arg8[%dma_wait3A_1506] : memref<512xi32, #tpu.memory_space<vmem>> -> memref<128xi32, #tpu.memory_space<vmem>>
    %dma_wait3A_1508 = arith.constant 0 : i32
    %dma_wait3A_1509 = arith.constant 0 : i32
    %dma_wait3A_1510 = tpu.memref_slice %arg4[%dma_wait3A_1508, %dma_wait3A_1509] : memref<1000000x64xf32, #tpu.memory_space<hbm>> -> memref<1000000x64xf32, #tpu.memory_space<hbm>>
    tpu.wait_indirect_dma semaphore(%arg10 : memref<!tpu.dma_semaphore, #tpu.memory_space<semaphore_mem>>) src(%dma_wait3A_1510 : memref<1000000x64xf32, #tpu.memory_space<hbm>>) dst(%dma_wait3A_1505 : memref<128x64xf32, #tpu.memory_space<vmem>>)
    %dma_wait3A_1511 = arith.constant 256 : i32
    %dma_wait3A_1512 = arith.constant 0 : i32
    %dma_wait3A_1513 = tpu.memref_slice %arg9[%dma_wait3A_1511, %dma_wait3A_1512] : memref<512x64xf32, #tpu.memory_space<vmem>> -> memref<128x64xf32, #tpu.memory_space<vmem>>
    %dma_wait3A_1514 = arith.constant 256 : i32
    %dma_wait3A_1515 = tpu.memref_slice %arg8[%dma_wait3A_1514] : memref<512xi32, #tpu.memory_space<vmem>> -> memref<128xi32, #tpu.memory_space<vmem>>
    %dma_wait3A_1516 = arith.constant 0 : i32
    %dma_wait3A_1517 = arith.constant 0 : i32
    %dma_wait3A_1518 = tpu.memref_slice %arg4[%dma_wait3A_1516, %dma_wait3A_1517] : memref<1000000x64xf32, #tpu.memory_space<hbm>> -> memref<1000000x64xf32, #tpu.memory_space<hbm>>
    tpu.wait_indirect_dma semaphore(%arg10 : memref<!tpu.dma_semaphore, #tpu.memory_space<semaphore_mem>>) src(%dma_wait3A_1518 : memref<1000000x64xf32, #tpu.memory_space<hbm>>) dst(%dma_wait3A_1513 : memref<128x64xf32, #tpu.memory_space<vmem>>)
    %dma_wait3A_1519 = arith.constant 384 : i32
    %dma_wait3A_1520 = arith.constant 0 : i32
    %dma_wait3A_1521 = tpu.memref_slice %arg9[%dma_wait3A_1519, %dma_wait3A_1520] : memref<512x64xf32, #tpu.memory_space<vmem>> -> memref<128x64xf32, #tpu.memory_space<vmem>>
    %dma_wait3A_1522 = arith.constant 384 : i32
    %dma_wait3A_1523 = tpu.memref_slice %arg8[%dma_wait3A_1522] : memref<512xi32, #tpu.memory_space<vmem>> -> memref<128xi32, #tpu.memory_space<vmem>>
    %dma_wait3A_1524 = arith.constant 0 : i32
    %dma_wait3A_1525 = arith.constant 0 : i32
    %dma_wait3A_1526 = tpu.memref_slice %arg4[%dma_wait3A_1524, %dma_wait3A_1525] : memref<1000000x64xf32, #tpu.memory_space<hbm>> -> memref<1000000x64xf32, #tpu.memory_space<hbm>>
    tpu.wait_indirect_dma semaphore(%arg10 : memref<!tpu.dma_semaphore, #tpu.memory_space<semaphore_mem>>) src(%dma_wait3A_1526 : memref<1000000x64xf32, #tpu.memory_space<hbm>>) dst(%dma_wait3A_1521 : memref<128x64xf32, #tpu.memory_space<vmem>>)
    "tpu.region"() ({
      %run_scoped3A = tpu.sem_alloc : memref<!tpu.dma_semaphore, #tpu.memory_space<semaphore_mem>>
      %dma_start3A_1527 = arith.constant 0 : i32
      %dma_start3A_1528 = tpu.memref_slice %arg5[%mul3A_2, %dma_start3A_1527] : memref<16384x64xf32, #tpu.memory_space<hbm>> -> memref<512x64xf32, #tpu.memory_space<hbm>>
      %dma_start3A_1529 = arith.constant 0 : i32
      %dma_start3A_1530 = tpu.memref_slice %arg5[%mul3A_2, %dma_start3A_1529] : memref<16384x64xf32, #tpu.memory_space<hbm>> -> memref<512x64xf32, #tpu.memory_space<hbm>>
      tpu.enqueue_dma source(%arg9 : memref<512x64xf32, #tpu.memory_space<vmem>>) target(%dma_start3A_1530 : memref<512x64xf32, #tpu.memory_space<hbm>>) target_semaphore(%run_scoped3A : memref<!tpu.dma_semaphore, #tpu.memory_space<semaphore_mem>>)
      %dma_wait3A_1531 = arith.constant 0 : i32
      %dma_wait3A_1532 = tpu.memref_slice %arg5[%mul3A_2, %dma_wait3A_1531] : memref<16384x64xf32, #tpu.memory_space<hbm>> -> memref<512x64xf32, #tpu.memory_space<hbm>>
      %dma_wait3A_1533 = arith.constant 0 : i32
      %dma_wait3A_1534 = tpu.memref_slice %arg5[%mul3A_2, %dma_wait3A_1533] : memref<16384x64xf32, #tpu.memory_space<hbm>> -> memref<512x64xf32, #tpu.memory_space<hbm>>
      tpu.wait_dma2 semaphore(%run_scoped3A : memref<!tpu.dma_semaphore, #tpu.memory_space<semaphore_mem>>) src(%arg9 : memref<512x64xf32, #tpu.memory_space<vmem>>) dst(%dma_wait3A_1534 : memref<512x64xf32, #tpu.memory_space<hbm>>)
      tpu.yield
    }) : () -> ()
    return
  }
}

module attributes {stable_mosaic.version = 14 : i64} {
  func.func @_mm_body(%arg0: i32, %arg1: memref<1024x64xf32, #tpu.memory_space<vmem>>, %arg2: memref<64x1024xf32, #tpu.memory_space<vmem>>, %arg3: memref<1024x1024xf32, #tpu.memory_space<vmem>>) attributes {dimension_semantics = [#tpu.dimension_semantics<arbitrary>], iteration_bounds = array<i64: 16>, scalar_prefetch = 0 : i64, scratch_operands = 0 : i64, tpu.core_type = #tpu.core_type<tc>, window_params = [{transform_indices = @transform_0, window_bounds = array<i64: 1024, 64>}, {pipeline_mode = #tpu.pipeline_mode<synchronous>, transform_indices = @transform_1, window_bounds = array<i64: 64, 1024>}, {transform_indices = @transform_2, window_bounds = array<i64: 1024, 1024>}]} {
    %get3A = arith.constant 0 : index
    %get3A_0 = arith.constant 0 : index
    %get3A_1 = vector.load %arg1[%get3A, %get3A_0] : memref<1024x64xf32, #tpu.memory_space<vmem>>, vector<1024x64xf32>
    %get3A_2 = arith.constant 0 : index
    %get3A_3 = arith.constant 0 : index
    %get3A_4 = vector.load %arg2[%get3A_2, %get3A_3] : memref<64x1024xf32, #tpu.memory_space<vmem>>, vector<64x1024xf32>
    %dot_general3A = arith.constant dense<0.000000e+00> : vector<1024x1024xf32>
    %dot_general3A_5 = tpu.matmul %get3A_1, %get3A_4, %dot_general3A {dimension_numbers = #tpu.dot_dimension_numbers<[1], [0], [0], [1], [0, 0, 1, 1], [], []>, transpose_lhs_hint = false} : vector<1024x64xf32>, vector<64x1024xf32>, vector<1024x1024xf32> -> vector<1024x1024xf32>
    %swap3A = arith.constant 0 : index
    %swap3A_6 = arith.constant 0 : index
    %swap3A_7 = vector.load %arg3[%swap3A, %swap3A_6] : memref<1024x1024xf32, #tpu.memory_space<vmem>>, vector<1024x1024xf32>
    tpu.vector_store %arg3[%swap3A, %swap3A_6], %dot_general3A_5 {strides = array<i32>} : memref<1024x1024xf32, #tpu.memory_space<vmem>>, vector<1024x1024xf32>,
    return
  }
  func.func @transform_0(%arg0: i32) -> (i32, i32) {
    %c0_i32 = arith.constant 0 : i32
    %c0_i32_0 = arith.constant 0 : i32
    return %arg0, %c0_i32 : i32, i32
  }
  func.func @transform_1(%arg0: i32) -> (i32, i32) {
    %c0_i32 = arith.constant 0 : i32
    %c0_i32_0 = arith.constant 0 : i32
    %c0_i32_1 = arith.constant 0 : i32
    return %c0_i32, %c0_i32_0 : i32, i32
  }
  func.func @transform_2(%arg0: i32) -> (i32, i32) {
    %c0_i32 = arith.constant 0 : i32
    %c0_i32_0 = arith.constant 0 : i32
    return %arg0, %c0_i32 : i32, i32
  }
}

</mosaic_0001>

<sc_bundles>
// kernel: kernel.4.cloned.1.call-start
scs
__scs_entry_jumppad:
0x0: {  	(pc) =	sbr.rel $0x88, $3  }
0x1: {  	(tag) =	ssettag $0x0;
	lr =	simm.s32 $0x1  }
0x2: {  	[smem:$0x3F9E] =	sst lr;
	_ =	strace $0xD0000000  }
0x3: {  	_ = 	snop  }
0x4: {  	_ = 	snop  }
0x5: {  	_ = 	snop  }
0x6: {  	_ = 	snop  }
0x7: {  	_ = 	snop  }
__scs_overlays_trampoline_lowered:
0x8: {  	[smem:$0x3FAD] =	sst s0  }
0x9: {  	[smem:$0x3FAE] =	sst s1  }
0xa: {  	[smem:$0x3FAF] =	sst s2  }
0xb: {  	[smem:$0x3FB0] =	sst s3  }
0xc: {  	[smem:$0x3FB1] =	sst s4  }
0xd: {  	[smem:$0x3FB2] =	sst s5  }
0xe: {  	[smem:$0x3FB3] =	sst s6  }
0xf: {  	[smem:$0x3FB4] =	sst s7  }
0x10: {  	[smem:$0x3FB5] =	sst s8  }
0x11: {  	[smem:$0x3FB6] =	sst s9;
	s0 =	simm.s32 @!p0 $0x0  }
0x12: {  	s1 =	sld [smem:$0x3F9C];
	s0 =	simm.s32 @p0 $0x1  }
0x13: {  	[smem:$0x3FB7] =	sst s0;
	s0 =	simm.s32 @!p1 $0x0  }
0x14: {  	s2 =	sld [smem:$0x3F9B];
	s0 =	simm.s32 @p1 $0x1  }
0x15: {  	[smem:$0x3FB8] =	sst s0;
	s0 =	simm.s32 @!p2 $0x0  }
0x16: {  	s3 =	sld [smem:$0x3FDB];
	s0 =	simm.s32 @p2 $0x1  }
0x17: {  	s4 =	simm.s32 $0x1BF5;
	[smem:$0x3FBA] =	sst s0  }
0x18: {  	s0 =	sld [smem:$0x3F9D];
	_ =	swait.ge [sflag:s4], $0x0  }
0x19: {  	s7 =	sld [smem:$0x3F9E]  }
0x1a: {  	s8 =	sadd.s32 $0xFFFFE003, lr  }
0x1b: {  	s9 =	sadd.s32 $0xFFFFFEF7, lr;
	s5 =	simm.s32 $0xFFFFFFFF;
	p2 =	slt.u32 s8, $0xFFFFF086  }
0x1c: {  	p1 =	slt.u32 s9, $0xF7A;
	s5 =	simm.s32 @!p2 $0x0  }
0x1d: {  	s5 =	simm.s32 @p1 $0x1;
	p0 =	seq.s32 s7, s2  }
0x1e: {  	s7 =	smul.u32 @!p0 $0xF7A, s2;
	p2 =	seq.s32 @!p0 s5, $0x0  }
0x1f: {  	s9 =	smul.u32 $0xF7A, s1;
	s8 =	simm.s32 @!p0 $0x1BF5;
	p2 =	por !p2, p0  }
0x20: {  	[sflag:s8] =	ssyncset.s32 @!p0 $0xFFFFF086;
	s6 =	sadd.s32 @!p0 s3, s7;
	s7 =	simm.s32 @!p0 $0x108  }
0x21: {  	s3 =	sadd.s32 s3, s9;
	s6 =	sadd.s32 @!p0 $0x88, s6;
	s7 =	simm.s32 @p2 $0x1082  }
0x22: {  	[simem:s7], [sflag:s8] =	dma.local @!p0 [hbm:s6], $0xF7A  }
0x23: {  	s9 =	sor.u32 $0xD0000000, s2;
	s6 =	simm.s32 $0x108;
	_ =	swait.ge @!p0 [sflag:s8], $0x0  }
0x24: {  	s3 =	sadd.s32 $0x88, s3;
	s6 =	simm.s32 @!p1 $0x1082;
	[sflag:s4] =	ssyncset.s32 $0xFFFFF086  }
0x25: {  	[simem:s6], [sflag:s4] =	dma.local [hbm:s3], $0xF7A  }
0x26: {  	[smem:$0x3F9E] =	sst s1;
	(tag) =	ssettag s2;
	_ =	strace s9  }
0x27: {  	s1 =	sld [smem:$0x3FAE]  }
0x28: {  	s2 =	sld [smem:$0x3FAF]  }
0x29: {  	s4 =	sld [smem:$0x3FB1]  }
0x2a: {  	p0 =	seq.s32 s5, $0x0;
	s5 =	sld [smem:$0x3FB2]  }
0x2b: {  	s6 =	sld [smem:$0x3FB3]  }
0x2c: {  	s7 =	sld [smem:$0x3FB4]  }
0x2d: {  	s3 =	simm.s32 $0x108;
	s8 =	sld [smem:$0x3FB5]  }
0x2e: {  	s3 =	simm.s32 @!p0 $0x1082;
	s9 =	sld [smem:$0x3FB6]  }
0x2f: {  	lr =	sadd.s32 s0, s3;
	s0 =	sld [smem:$0x3FAD]  }
0x30: {  	s3 =	sld [smem:$0x3FB0]  }
0x31: {  	[smem:$0x3FB9] =	sst s10  }
0x32: {  	s10 =	sld [smem:$0x3FB7];
	_ =	sdelay $0x3  }
0x33: {  	p0 =	seq.s32 s10, $0x1;
	s10 =	sld [smem:$0x3FB9];
	_ =	sdelay $0x3  }
0x34: {  	[smem:$0x3FB9] =	sst s10  }
0x35: {  	s10 =	sld [smem:$0x3FB8];
	_ =	sdelay $0x3  }
0x36: {  	p1 =	seq.s32 s10, $0x1;
	s10 =	sld [smem:$0x3FB9];
	_ =	sdelay $0x3  }
0x37: {  	[smem:$0x3FB9] =	sst s10  }
0x38: {  	s10 =	sld [smem:$0x3FBA]  }
0x39: {  	_ = 	snop;
	(pc) =	sbr.ind lr, $3  }
0x3a: {  	_ = 	snop  }
0x3b: {  	_ = 	snop  }
0x3c: {  	p2 =	seq.s32 s10, $0x1;
	s10 =	sld [smem:$0x3FB9]  }
0x3d: {  	_ =	shalt  }
0x3e: {  	_ =	shalt  }
0x3f: {  	_ =	shalt  }
0x40: {  	_ =	shalt  }
0x41: {  	_ =	shalt  }
0x42: {  	_ =	shalt  }
0x43: {  	_ =	shalt  }
0x44: {  	_ =	shalt  }
0x45: {  	_ =	shalt  }
0x46: {  	_ =	shalt  }
0x47: {  	_ =	shalt  }
0x48: {  	_ =	shalt  }
0x49: {  	_ =	shalt  }
0x4a: {  	_ =	shalt  }
0x4b: {  	_ =	shalt  }
0x4c: {  	_ =	shalt  }
0x4d: {  	_ =	shalt  }
0x4e: {  	_ =	shalt  }
0x4f: {  	_ =	shalt  }
0x50: {  	_ =	shalt  }
0x51: {  	_ =	shalt  }
0x52: {  	_ =	shalt  }
0x53: {  	_ =	shalt  }
0x54: {  	_ =	shalt  }
0x55: {  	_ =	shalt  }
0x56: {  	_ =	shalt  }
0x57: {  	_ =	shalt  }
0x58: {  	_ =	shalt  }
0x59: {  	_ =	shalt  }
0x5a: {  	_ =	shalt  }
0x5b: {  	_ =	shalt  }
0x5c: {  	_ =	shalt  }
0x5d: {  	_ =	shalt  }
0x5e: {  	_ =	shalt  }
0x5f: {  	_ =	shalt  }
0x60: {  	_ =	shalt  }
0x61: {  	_ =	shalt  }
0x62: {  	_ =	shalt  }
0x63: {  	_ =	shalt  }
0x64: {  	_ =	shalt  }
0x65: {  	_ =	shalt  }
0x66: {  	_ =	shalt  }
0x67: {  	_ =	shalt  }
0x68: {  	_ =	shalt  }
0x69: {  	_ =	shalt  }
0x6a: {  	_ =	shalt  }
0x6b: {  	_ =	shalt  }
0x6c: {  	_ =	shalt  }
0x6d: {  	_ =	shalt  }
0x6e: {  	_ =	shalt  }
0x6f: {  	_ =	shalt  }
0x70: {  	_ =	shalt  }
0x71: {  	_ =	shalt  }
0x72: {  	_ =	shalt  }
0x73: {  	_ =	shalt  }
0x74: {  	_ =	shalt  }
0x75: {  	_ =	shalt  }
0x76: {  	_ =	shalt  }
0x77: {  	_ =	shalt  }
0x78: {  	_ =	shalt  }
0x79: {  	_ =	shalt  }
0x7a: {  	_ =	shalt  }
0x7b: {  	_ =	shalt  }
0x7c: {  	_ =	shalt  }
0x7d: {  	_ =	shalt  }
0x7e: {  	_ =	shalt  }
0x7f: {  	_ =	shalt  }
0x80: {  	_ =	shalt  }
0x81: {  	_ =	shalt  }
0x82: {  	_ =	shalt  }
0x83: {  	_ =	shalt  }
0x84: {  	_ =	shalt  }
0x85: {  	_ =	shalt  }
0x86: {  	_ =	shalt  }
0x87: {  	_ =	shalt  }
.Lfunc_end0:
.L_simem_size_0:
called_computation_lowered:
.L_overlay_start_0:
0x88: {  	s2 =	sld [smem:$0x3FD9]  }
0x89: {  	s3 =	sld [smem:$0x3FFE];
	_ =	sdelay $0x1  }
0x8a: {  	s1 =	srdreg.scid  }
0x8b: {  	s0 =	sand.u32 $0x1, s1  }
0x8c: {  	s17 =	sshll.u32 s0, $0xA;
	s2 =	sadd.s32 s3, s2  }
0x8d: {  	s2 =	sadd.s32 s2, s17  }
0x8e: {  	[smem:$0x3FC5] =	sst s2  }
0x8f: {  	_ = 	snop  }
0x90: {  	s2 =	sld [smem:$0x3FD0];
	(tm) =	ssettm $0x1  }
0x91: {  	s18 =	sld [smem:$0x3FFB];
	_ =	sdelay $0x3  }
0x92: {  	_ =	strace s18  }
0x93: {  	s3 =	sld [smem:$0x3FFC];
	_ =	sdelay $0x3  }
0x94: {  	_ =	strace s3  }
0x95: {  	s3 =	sld [smem:$0x3FFD];
	_ =	sdelay $0x3  }
0x96: {  	_ =	strace s3  }
0x97: {  	_ =	strace $0x8FFFFFFF  }
0x98: {  	s19 =	sld [smem:$0x3FDB];
	_ =	sdelay $0x1  }
0x99: {  	s4 =	simm.s32 $_scs_section_size  }
0x9a: {  	s5 =	simm.s32 $_size__tile_overlayer_lowered;
	s6 =	simm.s32 $_tile_overlayer_lowered  }
0x9b: {  	s22 =	simm.s32 $0x1BFF;
	s21 =	sshll.u32 s6, $0x1;
	s3 =	sadd.s32 s4, s19  }
0x9c: {  	s7 =	simm.s32 $0x0;
	s20 =	sshll.u32 s5, $0x1;
	s5 =	sadd.s32 s21, s3  }
0x9d: {  	[timem:s7], [sflag:s22] =	dma.local [hbm:s5], s20  }
0x9e: {  	_ =	swait.ge [sflag:s22], s20  }
0x9f: {  	s4 =	ssub.s32 $0x0, s20;
	[sflag:s22] =	ssyncset.done $0x0  }
0xa0: {  	[sflag:s22] =	ssyncadd.s32 s4;
	_ =	sdelay $0x1  }
0xa1: {  	s23 =	simm.s32 $0x1B8B  }
0xa2: {  	_ =	swait.ge [sflag:s23], $0x1  }
0xa3: {  	[sflag:s23] =	ssyncset.done $0x0  }
0xa4: {  	s25 =	simm.s32 $0x1B8E;
	s24 =	sld [smem:$0x3FFE];
	[sflag:s23] =	ssyncadd.s32 $0xFFFFFFFF  }
0xa5: {  	s26 =	simm.s32 $execute0_lowered;
	[smem:$0x3FD2] =	sst s25  }
0xa6: {  	s5 =	sshll.u32 s26, $0x1;
	_ =	strace $0x80000046;
	[dreg:$0x1] =	wrdreg $0xFFFFFFFF  }
0xa7: {  	s28 =	simm.s32 $_size_execute0_lowered;
	s3 =	sadd.s32 s3, s5;
	[dreg:$0x0] =	wrdreg $0x0  }
0xa8: {  	s5 =	sshll.u32 s28, $0x1;
	[dreg:$0x2] =	wrdreg s3  }
0xa9: {  	[dreg:$0x3] =	wrdreg s5  }
0xaa: {  	[dreg:$0x4] =	wrdreg $0xC0  }
0xab: {  	_ =	task [dreg:s7], $0x5FFFF  }
0xac: {  	[dreg:$0x1] =	wrdreg $0xFFFFFFFF  }
0xad: {  	[dreg:$0x0] =	wrdreg $0x60  }
0xae: {  	[dreg:$0x2] =	wrdreg s24  }
0xaf: {  	[dreg:$0x3] =	wrdreg s2  }
0xb0: {  	[dreg:$0x4] =	wrdreg $0x9  }
0xb1: {  	_ =	task.clear_ibuf [dreg:s7], $0x5FFFF;
	_ =	strace $0x90000046  }
0xb2: {  	s29 =	simm.s32 $0x9;
	_ =	strace $0x80000048  }
0xb3: {  	_ =	swait.ge [sflag:s29], $0x1  }
0xb4: {  	[sflag:s29] =	ssyncadd.s32 $0xFFFFFFFF  }
0xb5: {  	_ =	strace $0x90000048  }
0xb6: {  	_ =	sfence  }
0xb7: {  	s30 =	sld [smem:$0x0];
	_ =	sdelay $0x2  }
0xb8: {  	s31 =	sshll.u32 s1, $0xD;
	s1 =	sshrl.u32 s1, $0x2  }
0xb9: {  	s3 =	sand.u32 $0x4000, s31;
	s1 =	sadd.s32 s1, s30  }
0xba: {  	s0 =	sor.u32 s3, s0;
	s1 =	sshll.u32 s1, $0x11  }
0xbb: {  	s0 =	sor.u32 s1, s0  }
0xbc: {  	s0 =	sadd.s32 $0x8F2B, s0  }
0xbd: {  	[sflag:s0] =	ssyncadd.remote.s32 $0x1  }
0xbe: {  	_ =	sfence.sel $0xFFFF  }
0xbf: {  	[dreg:$0x0] =	wrdreg $0xFFFFFFFF;
	(pc) =	sbr.abs _section_cstart, $3  }
0xc0: {  	[dreg:$0x1] =	wrdreg $0xFFFFFFFF  }
0xc1: {  	_ =	task.clear_ibuf [dreg:s7], $0x2FFFF;
	_ =	strace $0x9FFFFFFF  }
0xc2: {  	(tm) =	ssettm $0x7FFFFFFF  }
0xc3: {  	_ =	shalt  }
tec
execute0_lowered:
.L_overlay_start_1:
0x0: {  	(tag) =	ssettag $0x1  }
0x1: {  	s1 =	rddreg [dreg:$0x0]  }
0x2: {  	s0 =	srdreg.scid;
	s4 =	rddreg [dreg:$0x1];
	s5 =	simm.s32 $0x0  }
0x3: {  	s2 =	stileid.u32;
	s22 =	simm.s32 $0x200;
	[smem:$0x7FF] =	sst s5  }
0x4: {  	s23 =	simm.s32 $0x400;
	_ =	strace $0x80000047;
	[dreg:$0x6] =	wrdreg s22  }
0x5: {  	s24 =	simm.s32 $0x480;
	s26 =	simm.s32 $0x2600;
	[dreg:$0x7] =	wrdreg s23  }
0x6: {  	s28 =	simm.s32 $0x500;
	s29 =	simm.s32 $0x4600;
	[dreg:$0x8] =	wrdreg s24  }
0x7: {  	s30 =	simm.s32 $0x580;
	s0 =	sand.u32 $0x1, s0;
	[dreg:$0x9] =	wrdreg s26  }
0x8: {  	s2 =	sshll.u32 s2, $0xA;
	s3 =	sshll.u32 s0, $0x9;
	[dreg:$0xa] =	wrdreg s28  }
0x9: {  	s31 =	simm.s32 $0x6600;
	[dreg:$0xb] =	wrdreg s29;
	s2 =	sor.u32 s3, s2  }
0xa: {  	[dreg:$0xc] =	wrdreg s30;
	s3 =	sshrl.u32 s2, $0x3;
	s2 =	sshll.u32 s2, $0x3  }
0xb: {  	s0 =	ssub.s32 $0x2, s0;
	[dreg:$0xd] =	wrdreg s31;
	s2 =	sadd.s32 s4, s2  }
0xc: {  	v0 =	vimm.s32 $0xECA86420;
	s3 =	sadd.s32 s3, s1;
	s1 =	sadd.s32 $0xF43A00, s1;
	[dreg:$0x5] =	wrdreg s2  }
0xd: {  	vm0 =	vcmask $0xB08;
	v0 =	vunpack.c.l.s4.s8 v0;
	s25 =	sshrl.u32 s0, $0x1;
	s21 =	sadd.s32 $0xE00, s3;
	[dreg:$0xe] =	wrdreg s1  }
0xe: {  	vm1 =	vcmask $0x1310;
	vm2 =	vcmask $0x1B18;
	v1 =	vlaneseq.u32;
	s0 =	ssub.s32 s0, s25;
	s3 =	sadd.s32 $0x600, s3;
	[dreg:$0x3] =	wrdreg s21  }
0xf: {  	vm8 =	vmmov $0xff;
	v1 =	vmul.u32 $0x2, v1;
	v55 =	vunpack.c.0.s8.s32 v0;
	s2 =	smax.u32 s0, $0x1;
	[dreg:$0x4] =	wrdreg s3  }
.LBB2_1:
0x10: {  	[dreg:$0xf] =	wrdreg s2  }
0x11: {  	s0 =	rddreg [dreg:$0x3];
	s3 =	simm.s32 $0x0;
	s21 =	simm.s32 $0x2  }
0x12: {  	[tilespmem:s3], [sflag:$0x2] =	stream.linear.gather [hbm4b:s0+s3], $0x200, $0x38;
	[tilespmem:$0x8600] =	vst v63  }
0x13: {  	_ =	swait.ge [sflag:s21], $0x200  }
0x14: {  	s22 =	rddreg [dreg:$0x4];
	[sflag:s21] =	ssyncset.done $0x0  }
0x15: {  	s1 =	rddreg [dreg:$0x6];
	[sflag:s21] =	ssyncadd.s32 $0xFFFFFE00  }
0x16: {  	[tilespmem:s1], [sflag:$0x2] =	stream.linear.gather [hbm4b:s22+s3], $0x200, $0x38;
	[tilespmem:$0x8600] =	vst v63  }
0x17: {  	_ =	swait.ge [sflag:s21], $0x200  }
0x18: {  	[sflag:s21] =	ssyncset.done $0x0  }
0x19: {  	[sflag:s21] =	ssyncadd.s32 $0xFFFFFE00  }
0x1a: {  	v2 =	vld [tilespmem:$0x200];
	_ =	sdelay $0x2  }
0x1b: {  	v3 =	vld [tilespmem:$0x0];
	_ =	sdelay $0x1  }
0x1c: {  	v4 =	vand.u32 $0x3FF, v2  }
0x1d: {  	v2 =	vshra.s32 v2, $0xA;
	v4 =	vmul.u32 $0x16A95, v4  }
0x1e: {  	v2 =	vmul.u32 $0xBE40, v2  }
0x1f: {  	v3 =	vadd.s32 v3, v4  }
0x20: {  	v2 =	vadd.s32 v2, v3  }
0x21: {  	(v2sf) =	vpush v2, $0xD;
	_ =	sdelay $0x1  }
0x22: {  	(v2sf) =	vpush v2, $0xC;
	_ =	sdelay $0x1  }
0x23: {  	(v2sf) =	vpush v2, $0xE;
	_ =	sdelay $0x1  }
0x24: {  	(v2sf) =	vpush v2, $0xF;
	_ =	sdelay $0x1  }
0x25: {  	(v2sf) =	vpush v2, $0x9  }
0x26: {  	(v2sf) =	vpush v2, $0x8  }
0x27: {  	(v2sf) =	vpush v2, $0xA;
	_ =	sdelay $0x1  }
0x28: {  	(v2sf) =	vpush v2, $0xB;
	_ =	sdelay $0x2  }
0x29: {  	s23 =	spop (v2sf);
	(v2sf) =	vpush v2, $0x0  }
0x2a: {  	s15 =	smulhi.u32 $0x431BDE83, s23;
	s0 =	sshra.s32 s23, $0x1F  }
0x2b: {  	s24 =	spop (v2sf);
	(v2sf) =	vpush v2, $0x1;
	s20 =	smul.u32 $0x431BDE83, s0  }
0x2c: {  	s18 =	smulhi.u32 $0x431BDE83, s24;
	s0 =	sshra.s32 s24, $0x1F  }
0x2d: {  	s25 =	spop (v2sf);
	(v2sf) =	vpush v2, $0x2;
	s19 =	smul.u32 $0x431BDE83, s0  }
0x2e: {  	v3 =	vld [tilespmem:$0x210];
	s21 =	smulhi.u32 $0x431BDE83, s25;
	s0 =	sshra.s32 s25, $0x1F;
	(v2sf) =	vpush v2, $0x3  }
0x2f: {  	s26 =	spop (v2sf);
	s16 =	smul.u32 $0x431BDE83, s0;
	(v2sf) =	vpush v2, $0x4  }
0x30: {  	s22 =	smulhi.u32 $0x431BDE83, s26;
	s0 =	sshra.s32 s26, $0x1F  }
0x31: {  	v48 =	vld [tilespmem:$0x10];
	s28 =	spop (v2sf);
	s17 =	smul.u32 $0x431BDE83, s0;
	(v2sf) =	vpush v2, $0x5  }
0x32: {  	s23 =	smulhi.u32 $0x431BDE83, s28;
	s0 =	sshra.s32 s28, $0x1F;
	s29 =	spop (v2sf)  }
0x33: {  	v5 =	vand.u32 $0x3FF, v3;
	s4 =	smul.u32 $0x431BDE83, s0;
	s30 =	spop (v2sf);
	(v2sf) =	vpush v2, $0x6  }
0x34: {  	v3 =	vshra.s32 v3, $0xA;
	v5 =	vmul.u32 $0x16A95, v5;
	s24 =	smulhi.u32 $0x431BDE83, s29;
	s0 =	sshra.s32 s29, $0x1F  }
0x35: {  	v3 =	vmul.u32 $0xBE40, v3;
	s10 =	smul.u32 $0x431BDE83, s0;
	s31 =	spop (v2sf);
	(v2sf) =	vpush v2, $0x7  }
0x36: {  	v4 =	vadd.s32 v48, v5;
	s25 =	smulhi.u32 $0x431BDE83, s30;
	s0 =	sshra.s32 s30, $0x1F  }
0x37: {  	v3 =	vadd.s32 v3, v4;
	s28 =	smul.u32 $0x431BDE83, s0  }
0x38: {  	s26 =	smulhi.u32 $0x431BDE83, s31;
	s0 =	sshra.s32 s31, $0x1F;
	s1 =	spop (v2sf);
	(v2sf) =	vpush v3, $0xD  }
0x39: {  	s29 =	smul.u32 $0x431BDE83, s0  }
0x3a: {  	s30 =	smulhi.u32 $0x431BDE83, s1;
	s2 =	spop (v2sf);
	(v2sf) =	vpush v3, $0xC  }
0x3b: {  	s0 =	sshra.s32 s1, $0x1F;
	s31 =	smulhi.u32 $0x431BDE83, s2;
	s1 =	sshra.s32 s2, $0x1F  }
0x3c: {  	s3 =	spop (v2sf);
	(v2sf) =	vpush v3, $0xE;
	s12 =	smul.u32 $0x431BDE83, s1  }
0x3d: {  	s5 =	smulhi.u32 $0x431BDE83, s3;
	s6 =	spop (v2sf)  }
0x3e: {  	(v2sf) =	vpush v3, $0xF;
	s7 =	smulhi.u32 $0x431BDE83, s6;
	s2 =	sshra.s32 s6, $0x1F;
	s8 =	spop (v2sf)  }
0x3f: {  	[smem:$0x4A8] =	sst s5;
	s14 =	smul.u32 $0x431BDE83, s2  }
0x40: {  	s11 =	smulhi.u32 $0x431BDE83, s8;
	s2 =	sshra.s32 s8, $0x1F;
	s13 =	spop (v2sf)  }
0x41: {  	s1 =	sshra.s32 s3, $0x1F;
	(v2sf) =	vpush v3, $0x9;
	[smem:$0x4A9] =	sst s7;
	s6 =	smul.u32 $0x431BDE83, s2  }
0x42: {  	s3 =	smulhi.u32 $0x431BDE83, s13;
	s2 =	sshra.s32 s13, $0x1F;
	s5 =	spop (v2sf)  }
0x43: {  	(v2sf) =	vpush v3, $0x8;
	[smem:$0x4AA] =	sst s11;
	s7 =	smul.u32 $0x431BDE83, s2  }
0x44: {  	s8 =	smulhi.u32 $0x431BDE83, s5;
	s2 =	sshra.s32 s5, $0x1F;
	s11 =	spop (v2sf)  }
0x45: {  	[smem:$0x4AB] =	sst s3;
	s13 =	smul.u32 $0x431BDE83, s2  }
0x46: {  	(v2sf) =	vpush v3, $0xA;
	s3 =	smulhi.u32 $0x431BDE83, s11;
	s2 =	sshra.s32 s11, $0x1F;
	[smem:$0x4AC] =	sst s8  }
0x47: {  	s11 =	smul.u32 $0x431BDE83, s2;
	s5 =	spop (v2sf)  }
0x48: {  	(v2sf) =	vpush v3, $0xB;
	[smem:$0x4AD] =	sst s3;
	s8 =	smulhi.u32 $0x431BDE83, s5;
	s2 =	sshra.s32 s5, $0x1F  }
0x49: {  	s5 =	spop (v2sf);
	s3 =	smul.u32 $0x431BDE83, s2  }
0x4a: {  	[smem:$0x4AE] =	sst s8;
	s8 =	smulhi.u32 $0x431BDE83, s5  }
0x4b: {  	(v2sf) =	vpush v3, $0x0;
	s2 =	sshra.s32 s5, $0x1F;
	s5 =	spop (v2sf);
	[smem:$0x4AF] =	sst s3  }
0x4c: {  	s3 =	smul.u32 $0x431BDE83, s2;
	[smem:$0x4B0] =	sst s8  }
0x4d: {  	(v2sf) =	vpush v3, $0x1;
	s2 =	sshra.s32 s5, $0x1F;
	s8 =	smulhi.u32 $0x431BDE83, s5;
	s5 =	spop (v2sf)  }
0x4e: {  	[smem:$0x4B1] =	sst s3;
	s3 =	smul.u32 $0x431BDE83, s2  }
0x4f: {  	[smem:$0x4B2] =	sst s8;
	s8 =	smulhi.u32 $0x431BDE83, s5  }
0x50: {  	(v2sf) =	vpush v3, $0x2;
	s2 =	sshra.s32 s5, $0x1F;
	s5 =	spop (v2sf);
	[smem:$0x4B3] =	sst s3  }
0x51: {  	s3 =	smul.u32 $0x431BDE83, s2;
	[smem:$0x4B4] =	sst s8  }
0x52: {  	s2 =	sshra.s32 s5, $0x1F;
	s8 =	smulhi.u32 $0x431BDE83, s5;
	s5 =	spop (v2sf)  }
0x53: {  	[smem:$0x4B5] =	sst s3;
	s3 =	smul.u32 $0x431BDE83, s2  }
0x54: {  	(v2sf) =	vpush v3, $0x3;
	[smem:$0x4B6] =	sst s8;
	s8 =	smulhi.u32 $0x431BDE83, s5  }
0x55: {  	s2 =	sshra.s32 s5, $0x1F;
	s5 =	spop (v2sf);
	[smem:$0x4B7] =	sst s3  }
0x56: {  	s3 =	smul.u32 $0x431BDE83, s2;
	[smem:$0x4B8] =	sst s8  }
0x57: {  	s2 =	sshra.s32 s5, $0x1F;
	s8 =	smulhi.u32 $0x431BDE83, s5;
	s5 =	spop (v2sf)  }
0x58: {  	(v2sf) =	vpush v3, $0x4;
	[smem:$0x4B9] =	sst s3;
	s3 =	smul.u32 $0x431BDE83, s2  }
0x59: {  	[smem:$0x4BA] =	sst s8;
	s8 =	smulhi.u32 $0x431BDE83, s5  }
0x5a: {  	s2 =	sshra.s32 s5, $0x1F;
	s5 =	spop (v2sf);
	[smem:$0x4BB] =	sst s3  }
0x5b: {  	s3 =	smul.u32 $0x431BDE83, s2;
	[smem:$0x4BC] =	sst s8  }
0x5c: {  	(v2sf) =	vpush v3, $0x5;
	s2 =	sshra.s32 s5, $0x1F;
	s8 =	smulhi.u32 $0x431BDE83, s5;
	s5 =	spop (v2sf)  }
0x5d: {  	[smem:$0x4BD] =	sst s3;
	s3 =	smul.u32 $0x431BDE83, s2  }
0x5e: {  	[smem:$0x4BE] =	sst s8;
	s8 =	smulhi.u32 $0x431BDE83, s5  }
0x5f: {  	v49 =	vld [tilespmem:$0x220];
	s15 =	sadd.s32 s20, s15;
	[smem:$0x4BF] =	sst s3;
	s3 =	spop (v2sf)  }
0x60: {  	[smem:$0x4D5] =	sst s15;
	(v2sf) =	vpush v3, $0x6;
	s2 =	sshra.s32 s5, $0x1F;
	s5 =	smulhi.u32 $0x431BDE83, s3  }
0x61: {  	[smem:$0x4C0] =	sst s8  }
0x62: {  	v50 =	vld [tilespmem:$0x20];
	s8 =	smul.u32 $0x431BDE83, s2;
	s2 =	sshra.s32 s3, $0x1F;
	[smem:$0x4C1] =	sst s5  }
0x63: {  	s4 =	sadd.s32 s4, s23;
	s5 =	smul.u32 $0x431BDE83, s2;
	s2 =	spop (v2sf)  }
0x64: {  	v6 =	vand.u32 $0x3FF, v49;
	[smem:$0x4D9] =	sst s4;
	s24 =	sadd.s32 s10, s24;
	s3 =	smulhi.u32 $0x431BDE83, s2  }
0x65: {  	v6 =	vmul.u32 $0x16A95, v6;
	v4 =	vshra.s32 v49, $0xA;
	[smem:$0x4DA] =	sst s24  }
0x66: {  	v4 =	vmul.u32 $0xBE40, v4;
	s9 =	smul.u32 $0x431BDE83, s1;
	s2 =	sshra.s32 s2, $0x1F;
	[smem:$0x4C2] =	sst s3  }
0x67: {  	v5 =	vadd.s32 v50, v6;
	(v2sf) =	vpush v3, $0x7;
	s3 =	smul.u32 $0x431BDE83, s2;
	s2 =	spop (v2sf)  }
0x68: {  	v4 =	vadd.s32 v4, v5;
	s15 =	sadd.s32 s28, s25;
	s1 =	smulhi.u32 $0x431BDE83, s2;
	s2 =	sshra.s32 s2, $0x1F  }
0x69: {  	[smem:$0x4DB] =	sst s15;
	(v2sf) =	vpush v4, $0xD;
	s2 =	smul.u32 $0x431BDE83, s2  }
0x6a: {  	s25 =	sld [smem:$0x4A9]  }
0x6b: {  	[smem:$0x4C4] =	sst s2;
	s2 =	spop (v2sf)  }
0x6c: {  	[smem:$0x4C3] =	sst s1;
	s1 =	smulhi.u32 $0x431BDE83, s2  }
0x6d: {  	s28 =	sld [smem:$0x4AA];
	(v2sf) =	vpush v4, $0xC  }
0x6e: {  	s2 =	sshra.s32 s2, $0x1F;
	[smem:$0x4C5] =	sst s1  }
0x6f: {  	(v2sf) =	vpush v4, $0xE;
	s1 =	smul.u32 $0x431BDE83, s2;
	s2 =	spop (v2sf)  }
0x70: {  	s4 =	sld [smem:$0x4AC];
	s20 =	smulhi.u32 $0x431BDE83, s2  }
0x71: {  	s15 =	sld [smem:$0x4B2];
	s2 =	sshra.s32 s2, $0x1F  }
0x72: {  	(v2sf) =	vpush v4, $0xF;
	s2 =	smul.u32 $0x431BDE83, s2;
	[smem:$0x4C6] =	sst s20;
	s20 =	sadd.s32 s19, s18  }
0x73: {  	[smem:$0x4D6] =	sst s20  }
0x74: {  	s19 =	sadd.s32 s16, s21;
	[smem:$0x4C7] =	sst s2  }
0x75: {  	s0 =	smul.u32 $0x431BDE83, s0;
	s21 =	sadd.s32 s17, s22;
	[smem:$0x4D7] =	sst s19  }
0x76: {  	(v2sf) =	vpush v4, $0x9;
	s18 =	spop (v2sf);
	s17 =	sadd.s32 s29, s26;
	[smem:$0x4D8] =	sst s21  }
0x77: {  	s20 =	smulhi.u32 $0x431BDE83, s18;
	s2 =	sshra.s32 s18, $0x1F;
	[smem:$0x4DC] =	sst s17  }
0x78: {  	s22 =	spop (v2sf);
	s19 =	sadd.s32 s0, s30;
	s30 =	sld [smem:$0x4AB]  }
0x79: {  	s17 =	sld [smem:$0x4B4];
	s2 =	smul.u32 $0x431BDE83, s2  }
0x7a: {  	s23 =	smulhi.u32 $0x431BDE83, s22;
	[smem:$0x4C8] =	sst s20  }
0x7b: {  	[smem:$0x4C9] =	sst s2  }
0x7c: {  	s10 =	spop (v2sf);
	[smem:$0x4CA] =	sst s23  }
0x7d: {  	s16 =	smulhi.u32 $0x431BDE83, s10;
	s23 =	sld [smem:$0x4A8]  }
0x7e: {  	s18 =	spop (v2sf);
	s30 =	sadd.s32 s7, s30;
	s7 =	sld [smem:$0x4AD]  }
0x7f: {  	s20 =	smulhi.u32 $0x431BDE83, s18;
	s21 =	sshra.s32 s18, $0x1F;
	s18 =	sld [smem:$0x4B5]  }
0x80: {  	(v2sf) =	vpush v4, $0x8;
	[smem:$0x4CC] =	sst s16  }
0x81: {  	s2 =	sshra.s32 s22, $0x1F;
	s22 =	spop (v2sf);
	s16 =	sld [smem:$0x4B3]  }
0x82: {  	s2 =	smul.u32 $0x431BDE83, s2;
	[smem:$0x4CE] =	sst s20  }
0x83: {  	s0 =	smul.u32 $0x431BDE83, s21;
	s20 =	sadd.s32 s12, s31;
	s12 =	sld [smem:$0x4B0]  }
0x84: {  	s24 =	smulhi.u32 $0x431BDE83, s22;
	[smem:$0x4CB] =	sst s2  }
0x85: {  	s26 =	spop (v2sf);
	[smem:$0x4CF] =	sst s0  }
0x86: {  	(v2sf) =	vpush v4, $0xA;
	s29 =	smulhi.u32 $0x431BDE83, s26;
	[smem:$0x4D0] =	sst s24  }
0x87: {  	s2 =	sshra.s32 s10, $0x1F;
	s10 =	sld [smem:$0x4AE]  }
0x88: {  	s0 =	sshra.s32 s22, $0x1F;
	[smem:$0x4D2] =	sst s29  }
0x89: {  	s2 =	smul.u32 $0x431BDE83, s2;
	s29 =	sadd.s32 s11, s7;
	s11 =	sld [smem:$0x4AF]  }
0x8a: {  	(v2sf) =	vpush v4, $0xB;
	s0 =	smul.u32 $0x431BDE83, s0;
	s7 =	sld [smem:$0x4B9]  }
0x8b: {  	[smem:$0x4CD] =	sst s2  }
0x8c: {  	(v2sf) =	vpush v4, $0x0;
	[smem:$0x4D1] =	sst s0  }
0x8d: {  	s2 =	sadd.s32 s13, s4;
	s13 =	sld [smem:$0x4B1]  }
0x8e: {  	(v2sf) =	vpush v4, $0x1;
	s4 =	sld [smem:$0x4B7]  }
0x8f: {  	s28 =	sadd.s32 s6, s28;
	s31 =	spop (v2sf);
	[smem:$0x4DD] =	sst s2  }
0x90: {  	s6 =	smulhi.u32 $0x431BDE83, s31;
	s2 =	sadd.s32 s11, s10;
	s10 =	sld [smem:$0x4BA]  }
0x91: {  	s11 =	sld [smem:$0x4BB]  }
0x92: {  	s0 =	sshra.s32 s26, $0x1F;
	[smem:$0x4D4] =	sst s6  }
0x93: {  	s0 =	smul.u32 $0x431BDE83, s0;
	[smem:$0x4DE] =	sst s2  }
0x94: {  	s25 =	sadd.s32 s14, s25;
	s6 =	sld [smem:$0x4B8]  }
0x95: {  	s23 =	sadd.s32 s9, s23;
	s9 =	spop (v2sf);
	[smem:$0x4D3] =	sst s0  }
0x96: {  	s0 =	sshra.s32 s31, $0x1F;
	s24 =	smulhi.u32 $0x431BDE83, s9;
	s2 =	sadd.s32 s13, s12  }
0x97: {  	(v2sf) =	vpush v4, $0x2;
	s12 =	sld [smem:$0x4BC];
	s26 =	smul.u32 $0x431BDE83, s0;
	s0 =	sshra.s32 s9, $0x1F  }
0x98: {  	[smem:$0x4DF] =	sst s2;
	s2 =	sadd.s32 s16, s15;
	s22 =	smul.u32 $0x431BDE83, s0  }
0x99: {  	s14 =	spop (v2sf);
	[smem:$0x4E0] =	sst s2;
	s2 =	sadd.s32 s18, s17  }
0x9a: {  	s21 =	smulhi.u32 $0x431BDE83, s14;
	[smem:$0x4E1] =	sst s2  }
0x9b: {  	(v2sf) =	vpush v4, $0x3;
	s31 =	spop (v2sf);
	s2 =	sld [smem:$0x4B6]  }
0x9c: {  	s0 =	sshra.s32 s14, $0x1F;
	s14 =	sld [smem:$0x4BD];
	s13 =	sshra.s32 s31, $0x1F  }
0x9d: {  	(v2sf) =	vpush v4, $0x4;
	s9 =	spop (v2sf);
	s15 =	smul.u32 $0x431BDE83, s13  }
0x9e: {  	s16 =	smulhi.u32 $0x431BDE83, s9;
	s13 =	sshra.s32 s9, $0x1F;
	s9 =	sld [smem:$0x4C1]  }
0x9f: {  	s18 =	smul.u32 $0x431BDE83, s0;
	s0 =	sadd.s32 s4, s2;
	s4 =	sld [smem:$0x4BE]  }
0xa0: {  	(v2sf) =	vpush v4, $0x5;
	[smem:$0x4E2] =	sst s0  }
0xa1: {  	s0 =	sadd.s32 s7, s6;
	s6 =	sld [smem:$0x4BF]  }
0xa2: {  	s7 =	sld [smem:$0x4C0]  }
0xa3: {  	[smem:$0x4E3] =	sst s0  }
0xa4: {  	s0 =	sadd.s32 s11, s10;
	s10 =	sld [smem:$0x4C2]  }
0xa5: {  	s17 =	smulhi.u32 $0x431BDE83, s31;
	[smem:$0x4E5] =	sst s0;
	s0 =	sadd.s32 s14, s12  }
0xa6: {  	s31 =	spop (v2sf);
	[smem:$0x4E8] =	sst s0  }
0xa7: {  	s14 =	smulhi.u32 $0x431BDE83, s31;
	s2 =	sadd.s32 s6, s4;
	s4 =	sld [smem:$0x4C4]  }
0xa8: {  	s0 =	sshra.s32 s31, $0x1F;
	[smem:$0x4E4] =	sst s2;
	s2 =	sadd.s32 s8, s7  }
0xa9: {  	(v2sf) =	vpush v4, $0x6;
	s11 =	smul.u32 $0x431BDE83, s0;
	[smem:$0x4E7] =	sst s2  }
0xaa: {  	s8 =	spop (v2sf);
	s2 =	sadd.s32 s5, s9;
	s5 =	sld [smem:$0x4C5]  }
0xab: {  	s12 =	smulhi.u32 $0x431BDE83, s8;
	s0 =	sshra.s32 s8, $0x1F;
	s8 =	sld [smem:$0x4C6]  }
0xac: {  	s31 =	spop (v2sf);
	[smem:$0x4E9] =	sst s2  }
0xad: {  	s2 =	sadd.s32 s3, s10;
	s9 =	smul.u32 $0x431BDE83, s0;
	s3 =	sld [smem:$0x4C3]  }
0xae: {  	s10 =	smulhi.u32 $0x431BDE83, s31;
	s0 =	sshra.s32 s31, $0x1F;
	s31 =	sld [smem:$0x4C7]  }
0xaf: {  	v51 =	vld [tilespmem:$0x230];
	s6 =	spop (v2sf);
	[smem:$0x4EA] =	sst s2;
	s1 =	sadd.s32 s1, s5  }
0xb0: {  	s7 =	smul.u32 $0x431BDE83, s0;
	[smem:$0x4EC] =	sst s1  }
0xb1: {  	s0 =	sshra.s32 s6, $0x1F;
	s2 =	sadd.s32 s4, s3;
	s3 =	sld [smem:$0x4C9]  }
0xb2: {  	v52 =	vld [tilespmem:$0x30];
	s1 =	sadd.s32 s31, s8;
	s8 =	smulhi.u32 $0x431BDE83, s6;
	s6 =	sld [smem:$0x4CA]  }
0xb3: {  	[smem:$0x4EB] =	sst s2  }
0xb4: {  	v7 =	vand.u32 $0x3FF, v51;
	s2 =	sld [smem:$0x4C8]  }
0xb5: {  	v7 =	vmul.u32 $0x16A95, v7;
	v5 =	vshra.s32 v51, $0xA;
	(v2sf) =	vpush v4, $0x7;
	s31 =	sld [smem:$0x4CB]  }
0xb6: {  	v5 =	vmul.u32 $0xBE40, v5;
	[smem:$0x4ED] =	sst s1  }
0xb7: {  	v6 =	vadd.s32 v52, v7;
	s1 =	sadd.s32 s3, s2;
	s2 =	sld [smem:$0x4CC]  }
0xb8: {  	v5 =	vadd.s32 v5, v6;
	s4 =	spop (v2sf);
	s3 =	sld [smem:$0x4CD]  }
0xb9: {  	(v2sf) =	vpush v5, $0xD;
	s5 =	smul.u32 $0x431BDE83, s0;
	s0 =	sshra.s32 s4, $0x1F;
	[smem:$0x4E6] =	sst s1  }
0xba: {  	s1 =	sadd.s32 s31, s6;
	s6 =	smulhi.u32 $0x431BDE83, s4;
	s4 =	sld [smem:$0x4CE]  }
0xbb: {  	(v2sf) =	vpush v5, $0xC;
	s31 =	sld [smem:$0x4CF]  }
0xbc: {  	[smem:$0x4EE] =	sst s1  }
0xbd: {  	(v2sf) =	vpush v5, $0xE;
	s1 =	sadd.s32 s3, s2;
	s2 =	sld [smem:$0x4D0]  }
0xbe: {  	[smem:$0x4EF] =	sst s1  }
0xbf: {  	s22 =	sadd.s32 s22, s24;
	(v2sf) =	vpush v5, $0xF;
	s1 =	sadd.s32 s31, s4;
	s31 =	sld [smem:$0x4D1]  }
0xc0: {  	[smem:$0x4F4] =	sst s22  }
0xc1: {  	(v2sf) =	vpush v5, $0x9;
	[smem:$0x4F0] =	sst s1  }
0xc2: {  	s13 =	smul.u32 $0x431BDE83, s13;
	s1 =	sadd.s32 s31, s2;
	s31 =	sld [smem:$0x4D3]  }
0xc3: {  	s15 =	sadd.s32 s15, s17;
	(v2sf) =	vpush v5, $0x8;
	s3 =	smul.u32 $0x431BDE83, s0;
	[smem:$0x4F1] =	sst s1  }
0xc4: {  	s13 =	sadd.s32 s13, s16;
	s0 =	spop (v2sf);
	s1 =	sld [smem:$0x4D2]  }
0xc5: {  	s11 =	sadd.s32 s11, s14;
	s4 =	smulhi.u32 $0x431BDE83, s0;
	s0 =	sshra.s32 s0, $0x1F  }
0xc6: {  	s9 =	sadd.s32 s9, s12;
	s12 =	sadd.s32 s7, s10;
	s2 =	smul.u32 $0x431BDE83, s0  }
0xc7: {  	s3 =	sadd.s32 s3, s6;
	s1 =	sadd.s32 s31, s1;
	s31 =	sld [smem:$0x4D4]  }
0xc8: {  	[smem:$0x4F6] =	sst s3;
	s0 =	spop (v2sf);
	s2 =	sadd.s32 s2, s4  }
0xc9: {  	[smem:$0x4F2] =	sst s1;
	s1 =	smulhi.u32 $0x431BDE83, s0;
	s0 =	sshra.s32 s0, $0x1F  }
0xca: {  	s0 =	smul.u32 $0x431BDE83, s0;
	s26 =	sadd.s32 s26, s31;
	s31 =	spop (v2sf)  }
0xcb: {  	[smem:$0x4F3] =	sst s26;
	s22 =	smulhi.u32 $0x431BDE83, s31;
	s31 =	sshra.s32 s31, $0x1F  }
0xcc: {  	s26 =	sadd.s32 s18, s21;
	s18 =	smul.u32 $0x431BDE83, s31;
	s31 =	spop (v2sf)  }
0xcd: {  	[smem:$0x4F5] =	sst s2;
	s17 =	smulhi.u32 $0x431BDE83, s31;
	s21 =	sshra.s32 s31, $0x1F  }
0xce: {  	s0 =	sadd.s32 s0, s1;
	s24 =	spop (v2sf);
	s16 =	smul.u32 $0x431BDE83, s21  }
0xcf: {  	[smem:$0x4F7] =	sst s0;
	s14 =	smulhi.u32 $0x431BDE83, s24;
	s21 =	sshra.s32 s24, $0x1F  }
0xd0: {  	s10 =	sadd.s32 s5, s8;
	s31 =	spop (v2sf);
	s21 =	smul.u32 $0x431BDE83, s21  }
0xd1: {  	s6 =	sadd.s32 s18, s22;
	s18 =	sld [smem:$0x4D6];
	s7 =	smulhi.u32 $0x431BDE83, s31  }
0xd2: {  	s24 =	sshra.s32 s31, $0x1F;
	s31 =	spop (v2sf);
	[smem:$0x4F8] =	sst s6  }
0xd3: {  	s5 =	smul.u32 $0x431BDE83, s24;
	s8 =	sadd.s32 s16, s17;
	s17 =	sld [smem:$0x4D5]  }
0xd4: {  	s22 =	sshra.s32 s29, $0x1F;
	s24 =	smulhi.u32 $0x431BDE83, s31;
	[smem:$0x4F9] =	sst s8  }
0xd5: {  	s31 =	sshra.s32 s31, $0x1F;
	s14 =	sadd.s32 s21, s14;
	s21 =	sld [smem:$0x4D7]  }
0xd6: {  	vm3 =	vcmask $0x300;
	v53 =	vmov s22;
	s4 =	smul.u32 $0x431BDE83, s31;
	s31 =	sshra.s32 s19, $0x12;
	[smem:$0x4FA] =	sst s14  }
0xd7: {  	s16 =	sadd.s32 s5, s7;
	v6 =	vsel vm3, s31, v53;
	s31 =	sld [smem:$0x4DB]  }
0xd8: {  	s22 =	sshrl.u32 s20, $0x1F;
	[smem:$0x4FB] =	sst s16  }
0xd9: {  	s5 =	sshra.s32 s18, $0x12;
	s0 =	sadd.s32 s4, s24;
	s24 =	sld [smem:$0x4D8]  }
0xda: {  	s14 =	sshrl.u32 s19, $0x1F;
	s4 =	sshrl.u32 s18, $0x1F;
	s18 =	sld [smem:$0x4D9]  }
0xdb: {  	s3 =	sshrl.u32 s17, $0x1F;
	v8 =	vmov s14;
	[smem:$0x4FC] =	sst s0;
	s0 =	sshra.s32 s17, $0x12  }
0xdc: {  	s6 =	sshrl.u32 s21, $0x1F;
	s1 =	sshra.s32 s21, $0x12;
	s17 =	sshra.s32 s19, $0x1F;
	v8 =	vnsel vm3, $0x0, v8  }
0xdd: {  	vm10 =	vcmask $0x704;
	s19 =	sld [smem:$0x4DA];
	s21 =	sshra.s32 s20, $0x12;
	v8 =	vsel vm0, s22, v8;
	s22 =	sshrl.u32 s25, $0x1F  }
0xde: {  	vm12 =	vcmask $0xF0C;
	vm11 =	vcmask $0x1714;
	v6 =	vsel vm10, s17, v6;
	s17 =	sld [smem:$0x4EC];
	s7 =	sshrl.u32 s24, $0x1F;
	s2 =	sshra.s32 s24, $0x12  }
0xdf: {  	vm13 =	vcmask $0x2320;
	vm4 =	vcmask $0x2B28;
	v54 =	vmov s4;
	s16 =	sshrl.u32 s18, $0x1F;
	s4 =	sshra.s32 s18, $0x12;
	s24 =	sshra.s32 s20, $0x1F  }
0xe0: {  	vm14 =	vcmask $0x1F1C;
	v7 =	vsel vm0, s3, v54;
	v6 =	vsel vm0, s21, v6;
	s20 =	sshra.s32 s23, $0x12;
	s21 =	sshra.s32 s23, $0x1F;
	s8 =	sshrl.u32 s19, $0x1F  }
0xe1: {  	vm7 =	vcmask $0x3330;
	vm5 =	vcmask $0x3B38;
	v7 =	vsel vm1, s6, v7;
	s3 =	sshra.s32 s19, $0x12;
	s19 =	sshrl.u32 s23, $0x1F;
	s23 =	sld [smem:$0x4DC]  }
0xe2: {  	vm15 =	vcmask $0x2724;
	s6 =	sshrl.u32 s31, $0x1F;
	v9 =	vsel vm12, s24, v6;
	v56 =	vsel vm2, s7, v7;
	s7 =	sshra.s32 s31, $0x12;
	s24 =	sshrl.u32 s28, $0x1F  }
0xe3: {  	vm6 =	vcmask $0x2F2C;
	s31 =	sshra.s32 s25, $0x12;
	v57 =	vsel vm1, s19, v8;
	v58 =	vsel vm1, s20, v9;
	s19 =	sshra.s32 s25, $0x1F;
	s20 =	sshrl.u32 s30, $0x1F  }
0xe4: {  	v62 =	vmov s5;
	v59 =	vmov s8;
	v8 =	vsel vm11, s21, v58;
	s8 =	sshrl.u32 s23, $0x1F;
	s14 =	sshra.s32 s23, $0x12;
	s23 =	sld [smem:$0x4DD]  }
0xe5: {  	s25 =	sshra.s32 s30, $0x12;
	v11 =	vmov s3;
	v7 =	vsel vm2, s22, v57;
	s21 =	sshra.s32 s28, $0x12;
	s22 =	sshra.s32 s28, $0x1F;
	v8 =	vsel vm2, s31, v8  }
0xe6: {  	v9 =	vsel vm0, s16, v59;
	s28 =	sshra.s32 s30, $0x1F;
	v11 =	vsel vm0, s4, v11;
	s31 =	sshra.s32 s29, $0x12;
	v10 =	vsel vm14, s19, v8;
	s19 =	sld [smem:$0x4DE]  }
0xe7: {  	v7 =	vsel vm13, s24, v7;
	v9 =	vsel vm1, s6, v9;
	v61 =	vsel vm13, s21, v10;
	s21 =	sshrl.u32 s29, $0x1F;
	s29 =	sld [smem:$0x4E4];
	s24 =	sshrl.u32 s23, $0x1F  }
0xe8: {  	v7 =	vsel vm4, s20, v7;
	v60 =	vsel vm2, s8, v9;
	v9 =	vsel vm15, s22, v61;
	s22 =	sshra.s32 s23, $0x12;
	s30 =	sshra.s32 s23, $0x1F;
	s23 =	sld [smem:$0x4DF]  }
0xe9: {  	v23 =	vsel vm1, s7, v11;
	v7 =	vsel vm7, s24, v7;
	v9 =	vsel vm4, s25, v9;
	s25 =	sld [smem:$0x4E0]  }
0xea: {  	s18 =	sshra.s32 s11, $0x12;
	v25 =	vsel vm2, s14, v23;
	s14 =	sshra.s32 s10, $0x12;
	v7 =	vsel vm5, s21, v7;
	v12 =	vsel vm6, s28, v9;
	s21 =	sld [smem:$0x4E1]  }
0xeb: {  	vm9 =	vcmask $0x3734;
	v10 =	vsel vm0, s0, v62;
	s20 =	sshrl.u32 s19, $0x1F;
	s0 =	sshra.s32 s19, $0x12;
	v24 =	vsel vm7, s22, v12;
	s22 =	sld [smem:$0x4E2]  }
0xec: {  	v10 =	vsel vm1, s1, v10;
	s24 =	sshrl.u32 s23, $0x1F;
	s1 =	sshra.s32 s23, $0x12;
	s23 =	sld [smem:$0x4E3];
	v26 =	vsel vm9, s30, v24  }
0xed: {  	v63 =	vsel vm2, s2, v10;
	s28 =	sshrl.u32 s25, $0x1F;
	s30 =	sshrl.u32 s29, $0x1F;
	v10 =	vsel vm5, s31, v26;
	s31 =	sld [smem:$0x4E5]  }
0xee: {  	s5 =	sshrl.u32 s21, $0x1F;
	s2 =	sshra.s32 s21, $0x12;
	s21 =	sld [smem:$0x4E6]  }
0xef: {  	s3 =	sshra.s32 s25, $0x12;
	v13 =	vmov s30;
	s30 =	sld [smem:$0x4E8];
	s19 =	sshrl.u32 s22, $0x1F  }
0xf0: {  	v27 =	vmov s24;
	s4 =	sshra.s32 s22, $0x12;
	s22 =	sld [smem:$0x4E7];
	s16 =	sshrl.u32 s31, $0x1F  }
0xf1: {  	v11 =	vsel vm0, s20, v27;
	s20 =	sshra.s32 s21, $0x1F;
	s7 =	sshra.s32 s31, $0x12;
	s31 =	sld [smem:$0x4E9]  }
0xf2: {  	v30 =	vmov s1;
	s24 =	sshrl.u32 s23, $0x1F;
	s6 =	sshra.s32 s23, $0x12;
	v11 =	vsel vm1, s28, v11;
	s28 =	sshra.s32 s29, $0x12;
	v14 =	vmov s20  }
0xf3: {  	v13 =	vnsel vm3, $0x0, v13;
	s29 =	sshra.s32 s29, $0x1F;
	s23 =	sshrl.u32 s17, $0x1F;
	v15 =	vmov s24;
	s25 =	sshrl.u32 s22, $0x1F;
	v14 =	vsel vm3, s28, v14  }
0xf4: {  	v15 =	vsel vm0, s19, v15;
	s19 =	sld [smem:$0x4EB];
	v13 =	vsel vm0, s25, v13;
	s25 =	sshra.s32 s22, $0x12;
	s20 =	sshrl.u32 s31, $0x1F;
	v14 =	vsel vm10, s29, v14  }
0xf5: {  	v11 =	vsel vm2, s5, v11;
	s8 =	sshrl.u32 s30, $0x1F;
	s28 =	sshra.s32 s22, $0x1F;
	v13 =	vsel vm1, s20, v13;
	s20 =	sld [smem:$0x4EA];
	v14 =	vsel vm0, s25, v14  }
0xf6: {  	v17 =	vmov s6;
	s5 =	sshra.s32 s30, $0x12;
	v15 =	vsel vm1, s16, v15;
	s16 =	sshra.s32 s17, $0x12;
	s30 =	sshra.s32 s31, $0x12;
	v16 =	vsel vm12, s28, v14  }
0xf7: {  	v32 =	vsel vm0, s4, v17;
	s29 =	sshrl.u32 s19, $0x1F;
	s31 =	sshra.s32 s31, $0x1F;
	s28 =	sld [smem:$0x4ED];
	v29 =	vsel vm1, s30, v16;
	v16 =	vsel vm0, s0, v30  }
0xf8: {  	v28 =	vsel vm2, s8, v15;
	s30 =	sshra.s32 s19, $0x12;
	s24 =	sshrl.u32 s20, $0x1F;
	s25 =	sshra.s32 s20, $0x1F;
	v15 =	vsel vm11, s31, v29;
	v16 =	vsel vm1, s3, v16  }
0xf9: {  	s31 =	sshra.s32 s19, $0x1F;
	v13 =	vsel vm2, s24, v13;
	s24 =	sshra.s32 s20, $0x12;
	v31 =	vsel vm2, s2, v16;
	v16 =	vsel vm1, s7, v32;
	s7 =	sld [smem:$0x4F2]  }
0xfa: {  	s19 =	sshra.s32 s17, $0x1F;
	s17 =	sshra.s32 s28, $0x12;
	v13 =	vsel vm13, s29, v13;
	v15 =	vsel vm2, s24, v15;
	s24 =	sld [smem:$0x4EE]  }
0xfb: {  	(v2sf) =	vpush v5, $0xA;
	s20 =	sshra.s32 s28, $0x1F;
	s29 =	sshrl.u32 s28, $0x1F;
	v13 =	vsel vm4, s23, v13;
	v15 =	vsel vm14, s25, v15;
	s25 =	sld [smem:$0x4EF]  }
0xfc: {  	(v2sf) =	vpush v5, $0xB;
	s2 =	sshra.s32 s26, $0x12;
	s23 =	sshrl.u32 s21, $0x1F;
	v13 =	vsel vm7, s29, v13;
	s29 =	sld [smem:$0x4F0]  }
0xfd: {  	(v2sf) =	vpush v5, $0x0;
	s21 =	sshra.s32 s21, $0x12;
	v18 =	vsel vm13, s30, v15;
	s30 =	sld [smem:$0x4F1];
	s0 =	sshra.s32 s7, $0x12  }
0xfe: {  	(v2sf) =	vpush v5, $0x1;
	s22 =	sshrl.u32 s24, $0x1F;
	s1 =	sshra.s32 s24, $0x12;
	v33 =	vsel vm15, s31, v18;
	s24 =	sld [smem:$0x4F3]  }
0xff: {  	(v2sf) =	vpush v5, $0x2;
	s28 =	sshrl.u32 s25, $0x1F;
	s8 =	sshra.s32 s25, $0x12;
	v17 =	vsel vm4, s16, v33;
	s16 =	sshrl.u32 s7, $0x1F  }
0x100: {  	(v2sf) =	vpush v5, $0x3;
	v13 =	vsel vm5, s23, v13;
	s23 =	sshrl.u32 s29, $0x1F;
	s6 =	sshra.s32 s29, $0x12;
	s31 =	sshrl.u32 s30, $0x1F  }
0x101: {  	(v2sf) =	vpush v5, $0x4;
	s3 =	sshra.s32 s30, $0x12;
	v34 =	vmov s28;
	s28 =	sld [smem:$0x4F4];
	s29 =	sshrl.u32 s15, $0x1F  }
0x102: {  	(v2sf) =	vpush v5, $0x5;
	v17 =	vsel vm6, s19, v17;
	s19 =	sshra.s32 s15, $0x12;
	s15 =	sshra.s32 s15, $0x1F;
	s30 =	sshrl.u32 s13, $0x1F  }
0x103: {  	(v2sf) =	vpush v5, $0x6;
	v6 =	vcombine.low v60, v56;
	s25 =	sshrl.u32 s24, $0x1F;
	s7 =	sshra.s32 s24, $0x12;
	v17 =	vsel vm7, s17, v17;
	s17 =	sshrl.u32 s26, $0x1F  }
0x104: {  	vm3 =	vmmov vm5;
	v18 =	vsel vm0, s22, v34;
	s22 =	sshra.s32 s13, $0x1F;
	v20 =	vmov s29;
	s26 =	sshrl.u32 s12, $0x1F;
	s29 =	sld [smem:$0x4F5]  }
0x105: {  	v16 =	vsel vm2, s5, v16;
	s24 =	sld [smem:$0x4F6];
	v18 =	vsel vm1, s23, v18;
	v19 =	vmov s25;
	s23 =	sshra.s32 s11, $0x1F;
	s25 =	sshra.s32 s9, $0x1F  }
0x106: {  	vm5 =	vmmov vm6;
	vm6 =	vcmask $0x300;
	v17 =	vsel vm9, s20, v17;
	s20 =	sshra.s32 s12, $0x12;
	s5 =	sshrl.u32 s28, $0x1F;
	s4 =	sshra.s32 s28, $0x12  }
0x107: {  	v20 =	vnsel vm6, $0x0, v20;
	v17 =	vsel vm3, s21, v17;
	v18 =	vsel vm2, s31, v18;
	s21 =	sshra.s32 s13, $0x12;
	s31 =	sshrl.u32 s11, $0x1F;
	s28 =	sshrl.u32 s9, $0x1F  }
0x108: {  	(v2sf) =	vpush v5, $0x7;
	v19 =	vsel vm0, s16, v19;
	s16 =	sshra.s32 s9, $0x12;
	v20 =	vsel vm0, s30, v20;
	s13 =	sshra.s32 s12, $0x1F;
	s11 =	sshra.s32 s10, $0x1F  }
0x109: {  	v6 =	vperm.xlane v6, v55;
	v9 =	vcombine.low v25, v63;
	s30 =	sshra.s32 s29, $0x1F;
	v20 =	vsel vm1, s31, v20;
	s31 =	sshrl.u32 s10, $0x1F;
	s12 =	sshra.s32 s24, $0x12  }
0x10a: {  	v7 =	vperm.xlane v7, v1;
	s10 =	sshra.s32 s24, $0x1F;
	s9 =	sshra.s32 s29, $0x12;
	v21 =	vmov s30;
	v20 =	vsel vm2, s28, v20;
	s28 =	sshrl.u32 s24, $0x1F  }
0x10b: {  	v22 =	vmov s8;
	s24 =	sld [smem:$0x4F7];
	v21 =	vsel vm6, s19, v21;
	v20 =	vsel vm13, s26, v20;
	s19 =	sshrl.u32 s29, $0x1F;
	s29 =	spop (v2sf)  }
0x10c: {  	v22 =	vsel vm0, s1, v22;
	s26 =	sld [smem:$0x4F9];
	v21 =	vsel vm10, s15, v21;
	v20 =	vsel vm4, s31, v20;
	s1 =	smulhi.u32 $0x431BDE83, s29;
	s30 =	sshra.s32 s29, $0x1F  }
0x10d: {  	v9 =	vperm.xlane v9, v55;
	s31 =	spop (v2sf);
	v21 =	vsel vm0, s21, v21;
	v20 =	vsel vm7, s28, v20;
	s29 =	smul.u32 $0x431BDE83, s30  }
0x10e: {  	v10 =	vperm.xlane v10, v1;
	s28 =	sld [smem:$0x4F8];
	s30 =	smulhi.u32 $0x431BDE83, s31;
	v21 =	vsel vm12, s22, v21;
	v20 =	vsel vm3, s19, v20;
	s19 =	sshra.s32 s31, $0x1F  }
0x10f: {  	v6 =	vsel vm8, v7, v6;
	v23 =	vmov s7;
	s15 =	sshrl.u32 s24, $0x1F;
	v21 =	vsel vm1, s18, v21;
	s31 =	smul.u32 $0x431BDE83, s19;
	s19 =	spop (v2sf)  }
0x110: {  	v9 =	vsel vm8, v10, v9;
	v35 =	vsel vm0, s0, v23;
	s21 =	sld [smem:$0x4FA];
	s0 =	sadd.s32 s29, s1;
	v21 =	vsel vm11, s23, v21;
	s29 =	sshra.s32 s19, $0x1F  }
0x111: {  	v6 =	vadd.s32 v6, v9;
	v21 =	vsel vm2, s16, v21;
	s16 =	smulhi.u32 $0x431BDE83, s19;
	s1 =	sadd.s32 s31, s30;
	s30 =	spop (v2sf)  }
0x112: {  	v19 =	vsel vm1, s5, v19;
	v37 =	vsel vm1, s4, v35;
	s8 =	sshrl.u32 s26, $0x1F;
	s18 =	smul.u32 $0x431BDE83, s29;
	v36 =	vsel vm14, s25, v21;
	s31 =	spop (v2sf)  }
0x113: {  	v19 =	vsel vm2, s17, v19;
	v7 =	vsel vm2, s2, v37;
	s22 =	sld [smem:$0x4FB];
	s17 =	sshrl.u32 s28, $0x1F;
	v12 =	vsel vm13, s20, v36;
	s2 =	smulhi.u32 $0x431BDE83, s31  }
0x114: {  	v6 =	vmul.u32 $0xF4240, v6;
	s19 =	sshra.s32 s30, $0x1F;
	s25 =	spop (v2sf);
	v38 =	vsel vm15, s13, v12;
	s13 =	smulhi.u32 $0x431BDE83, s30  }
0x115: {  	v39 =	vcombine.low v28, v11;
	s5 =	sshrl.u32 s21, $0x1F;
	s30 =	sshra.s32 s25, $0x1F;
	v8 =	vsel vm4, s14, v38;
	s14 =	smul.u32 $0x431BDE83, s19  }
0x116: {  	v6 =	vsub.s32 v2, v6;
	v41 =	vcombine.low v16, v31;
	v42 =	vmov s17;
	s29 =	sshra.s32 s31, $0x1F;
	s20 =	spop (v2sf);
	s31 =	smul.u32 $0x431BDE83, s30  }
0x117: {  	v22 =	vsel vm1, s6, v22;
	s23 =	sld [smem:$0x4FC];
	s6 =	sshrl.u32 s0, $0x1F;
	v11 =	vsel vm0, s15, v42;
	s15 =	smulhi.u32 $0x431BDE83, s20;
	v8 =	vsel vm5, s11, v8  }
0x118: {  	v2 =	vperm.xlane v41, v55;
	v45 =	vperm.xlane v17, v1;
	s11 =	smul.u32 $0x431BDE83, s29;
	v8 =	vsel vm7, s12, v8;
	s12 =	sadd.s32 s18, s16;
	s16 =	spop (v2sf)  }
0x119: {  	v22 =	vsel vm2, s3, v22;
	s3 =	sshrl.u32 s22, $0x1F;
	v8 =	vsel vm9, s10, v8;
	s10 =	smulhi.u32 $0x431BDE83, s25;
	s18 =	spop (v2sf)  }
0x11a: {  	v47 =	vsel vm8, v45, v2;
	s4 =	sshrl.u32 s1, $0x1F;
	v2 =	vsel vm1, s8, v11;
	s8 =	smulhi.u32 $0x431BDE83, s16;
	s25 =	spop (v2sf)  }
0x11b: {  	s7 =	sshrl.u32 s23, $0x1F;
	s29 =	smulhi.u32 $0x431BDE83, s25;
	s17 =	sshra.s32 s25, $0x1F  }
0x11c: {  	s13 =	sadd.s32 s14, s13;
	s11 =	sadd.s32 s11, s2;
	s30 =	smul.u32 $0x431BDE83, s17  }
0x11d: {  	v8 =	vsel vm3, s9, v8;
	s9 =	sshrl.u32 s12, $0x1F;
	s10 =	sadd.s32 s31, s10;
	s31 =	sshra.s32 s20, $0x1F  }
0x11e: {  	vm10 =	vmmov vm11;
	vm11 =	vmmov vm3;
	s20 =	sshra.s32 s16, $0x1F;
	s17 =	smul.u32 $0x431BDE83, s31;
	s2 =	sadd.s32 s30, s29  }
0x11f: {  	v2 =	vsel vm2, s5, v2;
	v51 =	vmov s7;
	s19 =	sshrl.u32 s13, $0x1F;
	v49 =	vmov s9;
	s9 =	smul.u32 $0x431BDE83, s20;
	s25 =	sshra.s32 s2, $0x1F  }
0x120: {  	v16 =	vsel vm0, s3, v51;
	v11 =	vnsel vm6, $0x0, v49;
	s31 =	smulhi.u32 $0x431BDE83, s18;
	s18 =	sshra.s32 s18, $0x1F;
	s30 =	sshra.s32 s12, $0x12;
	v50 =	vmov s25  }
0x121: {  	v52 =	vld [tilespmem:$0x240];
	s14 =	sshrl.u32 s11, $0x1F;
	vm3 =	vcmask $0x704;
	v11 =	vsel vm0, s19, v11;
	s16 =	smul.u32 $0x431BDE83, s18;
	s12 =	sshra.s32 s12, $0x1F;
	v15 =	vsel vm6, s30, v50  }
0x122: {  	v16 =	vsel vm1, s6, v16;
	s29 =	sshrl.u32 s10, $0x1F;
	v11 =	vsel vm1, s14, v11;
	s3 =	sadd.s32 s17, s15;
	s17 =	sshra.s32 s13, $0x12;
	v15 =	vsel vm3, s12, v15  }
0x123: {  	s20 =	sshra.s32 s13, $0x1F;
	s19 =	sadd.s32 s9, s8;
	v11 =	vsel vm2, s29, v11;
	s18 =	sshrl.u32 s3, $0x1F;
	vm3 =	vcmask $0xF0C;
	v15 =	vsel vm0, s17, v15  }
0x124: {  	v53 =	vld [tilespmem:$0x40];
	v16 =	vsel vm2, s4, v16;
	s29 =	sadd.s32 s16, s31;
	v11 =	vsel vm13, s18, v11;
	s25 =	sshrl.u32 s19, $0x1F;
	s30 =	sshra.s32 s11, $0x12;
	v15 =	vsel vm3, s20, v15  }
0x125: {  	v16 =	vcombine.low v16, v2;
	s8 =	sshra.s32 s11, $0x1F;
	s31 =	sshrl.u32 s29, $0x1F;
	v2 =	vsel vm4, s25, v11;
	v54 =	vsel vm1, s30, v15  }
0x126: {  	v57 =	vand.u32 $0x3FF, v52;
	s9 =	sshra.s32 s10, $0x12;
	v56 =	vsel vm7, s31, v2;
	v2 =	vsel vm10, s8, v54  }
0x127: {  	v17 =	vshra.s32 v52, $0xA;
	v11 =	vmul.u32 $0x16A95, v57;
	s12 =	sshra.s32 s10, $0x1F;
	v2 =	vsel vm2, s9, v2  }
0x128: {  	v40 =	vperm.xlane v39, v55;
	v17 =	vmul.u32 $0xBE40, v17;
	s14 =	sshra.s32 s3, $0x12;
	v2 =	vsel vm14, s12, v2  }
0x129: {  	v43 =	vperm.xlane v13, v1;
	s3 =	sshra.s32 s3, $0x1F;
	v11 =	vadd.s32 v53, v11;
	v2 =	vsel vm13, s14, v2  }
0x12a: {  	v44 =	vcombine.low v19, v18;
	v60 =	vsel vm15, s3, v2;
	v2 =	vadd.s32 v17, v11  }
0x12b: {  	v9 =	vsel vm8, v43, v40;
	v7 =	vcombine.low v7, v22;
	(v2sf) =	vpush v2, $0xD  }
0x12c: {  	v46 =	vadd.s32 $0xF4240, v6;
	v9 =	vadd.s32 v9, v47;
	v10 =	vperm.xlane v44, v55  }
0x12d: {  	v7 =	vperm.xlane v7, v55;
	v48 =	vperm.xlane v20, v1;
	(v2sf) =	vpush v2, $0xC  }
0x12e: {  	v9 =	vmul.u32 $0xF4240, v9;
	vm12 =	vmmov vm9;
	v8 =	vperm.xlane v8, v1;
	s11 =	sshra.s32 s28, $0x12  }
0x12f: {  	v10 =	vsel vm8, v48, v10;
	s13 =	sshra.s32 s24, $0x12;
	v58 =	vmov s11;
	(v2sf) =	vpush v2, $0xE  }
0x130: {  	v16 =	vperm.xlane v16, v55;
	v7 =	vsel vm8, v8, v7;
	s15 =	sshra.s32 s23, $0x12;
	s18 =	sshra.s32 s26, $0x12;
	v19 =	vsel vm0, s13, v58  }
0x131: {  	s16 =	sshra.s32 s22, $0x12;
	v59 =	vmov s15;
	s17 =	sshra.s32 s19, $0x12;
	v63 =	vsel vm1, s18, v19;
	s20 =	sshra.s32 s21, $0x12;
	(v2sf) =	vpush v2, $0xF  }
0x132: {  	s0 =	sshra.s32 s0, $0x12;
	v61 =	vsel vm0, s16, v59;
	s19 =	sshra.s32 s19, $0x1F;
	v18 =	vsel vm2, s20, v63;
	v62 =	vsel vm4, s17, v60  }
0x133: {  	s23 =	sshrl.u32 s2, $0x1F;
	s22 =	sshra.s32 s29, $0x12;
	s21 =	sshra.s32 s1, $0x12;
	v11 =	vsel vm1, s0, v61;
	v17 =	vsel vm5, s19, v62;
	(v2sf) =	vpush v2, $0x9  }
0x134: {  	s24 =	sshra.s32 s29, $0x1F;
	v15 =	vsel vm11, s23, v56;
	v11 =	vsel vm2, s21, v11;
	v17 =	vsel vm7, s22, v17  }
0x135: {  	s25 =	sshra.s32 s2, $0x12;
	v11 =	vcombine.low v11, v18;
	v17 =	vsel vm12, s24, v17;
	(v2sf) =	vpush v2, $0x8  }
0x136: {  	v7 =	vadd.s32 v10, v7;
	v15 =	vperm.xlane v15, v1;
	v17 =	vsel vm11, s25, v17  }
0x137: {  	v11 =	vperm.xlane v11, v55;
	v17 =	vperm.xlane v17, v1;
	(v2sf) =	vpush v2, $0xA  }
0x138: {  	v3 =	vsub.s32 v3, v9;
	vm9 =	vlt.s32 v6, $0x0;
	v7 =	vmul.u32 $0xF4240, v7  }
0x139: {  	v18 =	vsel vm8, v15, v16;
	v19 =	vsel vm8, v17, v11;
	(v2sf) =	vpush v2, $0xB  }
0x13a: {  	v9 =	vadd.s32 $0xF4240, v3;
	v6 =	vsel vm9, v46, v6;
	v8 =	vadd.s32 v18, v19;
	s26 =	spop (v2sf)  }
0x13b: {  	v4 =	vsub.s32 v4, v7;
	(v2sf) =	vpush v2, $0x0;
	v8 =	vmul.u32 $0xF4240, v8;
	s28 =	smulhi.u32 $0x431BDE83, s26;
	s0 =	sshra.s32 s26, $0x1F  }
0x13c: {  	vm9 =	vlt.s32 v4, $0x0;
	v20 =	vadd.s32 $0xF4240, v4;
	vm10 =	vlt.s32 v3, $0x0;
	s29 =	spop (v2sf);
	s14 =	smul.u32 $0x431BDE83, s0  }
0x13d: {  	v3 =	vsel vm10, v9, v3;
	v5 =	vsub.s32 v5, v8;
	(v2sf) =	vpush v2, $0x1;
	s13 =	smulhi.u32 $0x431BDE83, s29;
	s0 =	sshra.s32 s29, $0x1F  }
0x13e: {  	[tilespmem:$0x410] =	vst v3;
	v3 =	vsel vm9, v20, v4;
	vm9 =	vlt.s32 v5, $0x0;
	v21 =	vadd.s32 $0xF4240, v5;
	s30 =	spop (v2sf);
	s16 =	smul.u32 $0x431BDE83, s0  }
0x13f: {  	[tilespmem:$0x420] =	vst v3;
	v3 =	vsel vm9, v21, v5;
	(v2sf) =	vpush v2, $0x2;
	s15 =	smulhi.u32 $0x431BDE83, s30;
	s0 =	sshra.s32 s30, $0x1F  }
0x140: {  	[tilespmem:$0x430] =	vst v3;
	v3 =	vld [tilespmem:$0x250];
	s31 =	spop (v2sf);
	s18 =	smul.u32 $0x431BDE83, s0  }
0x141: {  	(v2sf) =	vpush v2, $0x3;
	s17 =	smulhi.u32 $0x431BDE83, s31;
	s0 =	sshra.s32 s31, $0x1F  }
0x142: {  	s1 =	spop (v2sf);
	s20 =	smul.u32 $0x431BDE83, s0  }
0x143: {  	v22 =	vld [tilespmem:$0x50];
	(v2sf) =	vpush v2, $0x4;
	s19 =	smulhi.u32 $0x431BDE83, s1;
	s0 =	sshra.s32 s1, $0x1F  }
0x144: {  	s2 =	spop (v2sf);
	s22 =	smul.u32 $0x431BDE83, s0  }
0x145: {  	(v2sf) =	vpush v2, $0x5;
	v23 =	vand.u32 $0x3FF, v3;
	s21 =	smulhi.u32 $0x431BDE83, s2;
	s0 =	sshra.s32 s2, $0x1F  }
0x146: {  	v3 =	vshra.s32 v3, $0xA;
	v5 =	vmul.u32 $0x16A95, v23;
	s3 =	spop (v2sf);
	s23 =	smul.u32 $0x431BDE83, s0  }
0x147: {  	(v2sf) =	vpush v2, $0x6;
	v3 =	vmul.u32 $0xBE40, v3;
	s24 =	smulhi.u32 $0x431BDE83, s3;
	s0 =	sshra.s32 s3, $0x1F  }
0x148: {  	s4 =	spop (v2sf);
	v4 =	vadd.s32 v22, v5;
	s26 =	smul.u32 $0x431BDE83, s0  }
0x149: {  	[smem:$0x4FD] =	sst s28;
	(v2sf) =	vpush v2, $0x7;
	s25 =	smulhi.u32 $0x431BDE83, s4;
	s0 =	sshra.s32 s4, $0x1F;
	v3 =	vadd.s32 v3, v4  }
0x14a: {  	s5 =	spop (v2sf);
	s28 =	smul.u32 $0x431BDE83, s0;
	(v2sf) =	vpush v3, $0xD  }
0x14b: {  	s29 =	smulhi.u32 $0x431BDE83, s5;
	s0 =	sshra.s32 s5, $0x1F  }
0x14c: {  	s2 =	smul.u32 $0x431BDE83, s0;
	s6 =	spop (v2sf)  }
0x14d: {  	(v2sf) =	vpush v3, $0xC;
	s30 =	smulhi.u32 $0x431BDE83, s6;
	s0 =	sshra.s32 s6, $0x1F  }
0x14e: {  	s7 =	spop (v2sf);
	s3 =	smul.u32 $0x431BDE83, s0  }
0x14f: {  	s31 =	smulhi.u32 $0x431BDE83, s7;
	s0 =	sshra.s32 s7, $0x1F  }
0x150: {  	(v2sf) =	vpush v3, $0xE;
	s8 =	spop (v2sf);
	s1 =	smul.u32 $0x431BDE83, s0  }
0x151: {  	s9 =	smulhi.u32 $0x431BDE83, s8;
	s0 =	sshra.s32 s8, $0x1F  }
0x152: {  	s10 =	spop (v2sf);
	s6 =	smul.u32 $0x431BDE83, s0  }
0x153: {  	(v2sf) =	vpush v3, $0xF;
	s11 =	smulhi.u32 $0x431BDE83, s10;
	s0 =	sshra.s32 s10, $0x1F  }
0x154: {  	s12 =	spop (v2sf);
	s7 =	smul.u32 $0x431BDE83, s0  }
0x155: {  	[smem:$0x4FE] =	sst s9;
	s5 =	smulhi.u32 $0x431BDE83, s12;
	s0 =	sshra.s32 s12, $0x1F  }
0x156: {  	(v2sf) =	vpush v3, $0x9;
	s8 =	spop (v2sf);
	s4 =	smul.u32 $0x431BDE83, s0  }
0x157: {  	[smem:$0x4FF] =	sst s11;
	s9 =	smulhi.u32 $0x431BDE83, s8;
	s0 =	sshra.s32 s8, $0x1F  }
0x158: {  	s10 =	spop (v2sf);
	s8 =	smul.u32 $0x431BDE83, s0  }
0x159: {  	(v2sf) =	vpush v3, $0x8;
	s11 =	smulhi.u32 $0x431BDE83, s10;
	s0 =	sshra.s32 s10, $0x1F;
	s12 =	spop (v2sf)  }
0x15a: {  	[smem:$0x500] =	sst s5;
	s5 =	smul.u32 $0x431BDE83, s0;
	s0 =	sshra.s32 s12, $0x1F  }
0x15b: {  	(v2sf) =	vpush v3, $0xA;
	[smem:$0x502] =	sst s11;
	s0 =	smul.u32 $0x431BDE83, s0  }
0x15c: {  	s10 =	smulhi.u32 $0x431BDE83, s12;
	s11 =	spop (v2sf)  }
0x15d: {  	(v2sf) =	vpush v3, $0xB;
	[smem:$0x504] =	sst s0;
	s0 =	sshra.s32 s11, $0x1F  }
0x15e: {  	[smem:$0x503] =	sst s10;
	s0 =	smul.u32 $0x431BDE83, s0  }
0x15f: {  	(v2sf) =	vpush v3, $0x0;
	s12 =	smulhi.u32 $0x431BDE83, s11;
	s10 =	spop (v2sf)  }
0x160: {  	s11 =	smulhi.u32 $0x431BDE83, s10;
	[smem:$0x506] =	sst s0;
	s0 =	sshra.s32 s10, $0x1F  }
0x161: {  	s0 =	smul.u32 $0x431BDE83, s0  }
0x162: {  	(v2sf) =	vpush v3, $0x1;
	[smem:$0x505] =	sst s12;
	s12 =	spop (v2sf)  }
0x163: {  	[smem:$0x508] =	sst s0;
	s0 =	sshra.s32 s12, $0x1F  }
0x164: {  	[smem:$0x507] =	sst s11;
	s0 =	smul.u32 $0x431BDE83, s0  }
0x165: {  	s10 =	smulhi.u32 $0x431BDE83, s12;
	s11 =	spop (v2sf)  }
0x166: {  	(v2sf) =	vpush v3, $0x2;
	s12 =	smulhi.u32 $0x431BDE83, s11;
	[smem:$0x50A] =	sst s0;
	s0 =	sshra.s32 s11, $0x1F  }
0x167: {  	[smem:$0x509] =	sst s10;
	s0 =	smul.u32 $0x431BDE83, s0  }
0x168: {  	(v2sf) =	vpush v3, $0x3;
	s10 =	spop (v2sf);
	[smem:$0x50B] =	sst s12  }
0x169: {  	s11 =	smulhi.u32 $0x431BDE83, s10;
	[smem:$0x50C] =	sst s0;
	s0 =	sshra.s32 s10, $0x1F  }
0x16a: {  	(v2sf) =	vpush v3, $0x4;
	s12 =	spop (v2sf);
	s0 =	smul.u32 $0x431BDE83, s0  }
0x16b: {  	[smem:$0x50D] =	sst s11;
	s10 =	smulhi.u32 $0x431BDE83, s12  }
0x16c: {  	s11 =	spop (v2sf);
	[smem:$0x50E] =	sst s0;
	s0 =	sshra.s32 s12, $0x1F  }
0x16d: {  	[smem:$0x50F] =	sst s10;
	s0 =	smul.u32 $0x431BDE83, s0  }
0x16e: {  	(v2sf) =	vpush v3, $0x5;
	s10 =	spop (v2sf);
	s12 =	smulhi.u32 $0x431BDE83, s11  }
0x16f: {  	[smem:$0x510] =	sst s0;
	s0 =	sshra.s32 s11, $0x1F;
	s11 =	smulhi.u32 $0x431BDE83, s10  }
0x170: {  	v24 =	vld [tilespmem:$0x260];
	[smem:$0x511] =	sst s12;
	s0 =	smul.u32 $0x431BDE83, s0  }
0x171: {  	s12 =	spop (v2sf);
	[smem:$0x513] =	sst s11  }
0x172: {  	(v2sf) =	vpush v3, $0x6;
	s11 =	smulhi.u32 $0x431BDE83, s12;
	[smem:$0x512] =	sst s0;
	s0 =	sshra.s32 s10, $0x1F  }
0x173: {  	v25 =	vld [tilespmem:$0x60];
	s10 =	smul.u32 $0x431BDE83, s0;
	s0 =	sshra.s32 s12, $0x1F  }
0x174: {  	[smem:$0x501] =	sst s9;
	s0 =	smul.u32 $0x431BDE83, s0  }
0x175: {  	v26 =	vand.u32 $0x3FF, v24;
	[tilespmem:$0x400] =	vst v6;
	[smem:$0x514] =	sst s11;
	s12 =	spop (v2sf)  }
0x176: {  	v6 =	vmul.u32 $0x16A95, v26;
	v4 =	vshra.s32 v24, $0xA;
	(v2sf) =	vpush v3, $0x7;
	s11 =	smulhi.u32 $0x431BDE83, s12;
	[smem:$0x515] =	sst s0;
	s0 =	sshra.s32 s12, $0x1F  }
0x177: {  	v4 =	vmul.u32 $0xBE40, v4;
	s9 =	smul.u32 $0x431BDE83, s0;
	s0 =	spop (v2sf)  }
0x178: {  	v5 =	vadd.s32 v25, v6;
	s12 =	smulhi.u32 $0x431BDE83, s0  }
0x179: {  	v4 =	vadd.s32 v4, v5;
	[smem:$0x516] =	sst s11;
	s11 =	spop (v2sf)  }
0x17a: {  	(v2sf) =	vpush v4, $0xD;
	[smem:$0x517] =	sst s12;
	s12 =	smulhi.u32 $0x431BDE83, s11;
	s11 =	sshra.s32 s11, $0x1F  }
0x17b: {  	s11 =	smul.u32 $0x431BDE83, s11;
	_ =	sdelay $0x1  }
0x17c: {  	[smem:$0x519] =	sst s11;
	s11 =	spop (v2sf)  }
0x17d: {  	(v2sf) =	vpush v4, $0xC;
	[smem:$0x518] =	sst s12;
	s12 =	smulhi.u32 $0x431BDE83, s11;
	s11 =	sshra.s32 s11, $0x1F  }
0x17e: {  	s11 =	smul.u32 $0x431BDE83, s11;
	_ =	sdelay $0x1  }
0x17f: {  	[smem:$0x51B] =	sst s11;
	s11 =	spop (v2sf)  }
0x180: {  	(v2sf) =	vpush v4, $0xE;
	[smem:$0x51A] =	sst s12;
	s12 =	smulhi.u32 $0x431BDE83, s11;
	s11 =	sshra.s32 s11, $0x1F  }
0x181: {  	s11 =	smul.u32 $0x431BDE83, s11;
	_ =	sdelay $0x1  }
0x182: {  	[smem:$0x51D] =	sst s11;
	s11 =	spop (v2sf)  }
0x183: {  	(v2sf) =	vpush v4, $0xF;
	[smem:$0x51C] =	sst s12;
	s12 =	smulhi.u32 $0x431BDE83, s11;
	s11 =	sshra.s32 s11, $0x1F  }
0x184: {  	s11 =	smul.u32 $0x431BDE83, s11;
	_ =	sdelay $0x1  }
0x185: {  	[smem:$0x51F] =	sst s11;
	s11 =	spop (v2sf)  }
0x186: {  	[smem:$0x51E] =	sst s12;
	s12 =	smulhi.u32 $0x431BDE83, s11;
	s11 =	sshra.s32 s11, $0x1F  }
0x187: {  	(v2sf) =	vpush v4, $0x9;
	s11 =	smul.u32 $0x431BDE83, s11;
	_ =	sdelay $0x1  }
0x188: {  	[smem:$0x521] =	sst s11;
	s11 =	spop (v2sf)  }
0x189: {  	[smem:$0x520] =	sst s12;
	s12 =	smulhi.u32 $0x431BDE83, s11;
	s11 =	sshra.s32 s11, $0x1F  }
0x18a: {  	(v2sf) =	vpush v4, $0x8;
	s11 =	smul.u32 $0x431BDE83, s11;
	_ =	sdelay $0x1  }
0x18b: {  	[smem:$0x523] =	sst s11;
	s11 =	spop (v2sf)  }
0x18c: {  	[smem:$0x522] =	sst s12;
	s12 =	smulhi.u32 $0x431BDE83, s11;
	s11 =	sshra.s32 s11, $0x1F  }
0x18d: {  	(v2sf) =	vpush v4, $0xA;
	s11 =	smul.u32 $0x431BDE83, s11;
	_ =	sdelay $0x1  }
0x18e: {  	(v2sf) =	vpush v4, $0xB;
	[smem:$0x525] =	sst s11;
	s11 =	spop (v2sf)  }
0x18f: {  	(v2sf) =	vpush v4, $0x0;
	[smem:$0x524] =	sst s12;
	s12 =	smulhi.u32 $0x431BDE83, s11  }
0x190: {  	(v2sf) =	vpush v4, $0x1;
	s11 =	sshra.s32 s11, $0x1F  }
0x191: {  	(v2sf) =	vpush v4, $0x2;
	s11 =	smul.u32 $0x431BDE83, s11;
	[smem:$0x526] =	sst s12  }
0x192: {  	(v2sf) =	vpush v4, $0x3  }
0x193: {  	[smem:$0x527] =	sst s11;
	s11 =	spop (v2sf)  }
0x194: {  	s12 =	smulhi.u32 $0x431BDE83, s11;
	s11 =	sshra.s32 s11, $0x1F  }
0x195: {  	s11 =	smul.u32 $0x431BDE83, s11;
	_ =	sdelay $0x1  }
0x196: {  	[smem:$0x529] =	sst s11;
	s11 =	spop (v2sf)  }
0x197: {  	[smem:$0x528] =	sst s12;
	s12 =	smulhi.u32 $0x431BDE83, s11;
	s11 =	sshra.s32 s11, $0x1F  }
0x198: {  	s11 =	smul.u32 $0x431BDE83, s11;
	_ =	sdelay $0x1  }
0x199: {  	[smem:$0x52B] =	sst s11;
	s11 =	spop (v2sf)  }
0x19a: {  	[smem:$0x52A] =	sst s12;
	s12 =	smulhi.u32 $0x431BDE83, s11;
	s11 =	sshra.s32 s11, $0x1F  }
0x19b: {  	s11 =	smul.u32 $0x431BDE83, s11;
	_ =	sdelay $0x1  }
0x19c: {  	[smem:$0x52D] =	sst s11;
	s11 =	spop (v2sf)  }
0x19d: {  	[smem:$0x52C] =	sst s12;
	s12 =	smulhi.u32 $0x431BDE83, s11;
	s11 =	sshra.s32 s11, $0x1F  }
0x19e: {  	s11 =	smul.u32 $0x431BDE83, s11;
	_ =	sdelay $0x1  }
0x19f: {  	[smem:$0x52F] =	sst s11;
	s11 =	spop (v2sf)  }
0x1a0: {  	(v2sf) =	vpush v4, $0x4;
	[smem:$0x52E] =	sst s12;
	s12 =	smulhi.u32 $0x431BDE83, s11;
	s11 =	sshra.s32 s11, $0x1F  }
0x1a1: {  	s11 =	smul.u32 $0x431BDE83, s11;
	_ =	sdelay $0x1  }
0x1a2: {  	[smem:$0x531] =	sst s11;
	s11 =	spop (v2sf)  }
0x1a3: {  	(v2sf) =	vpush v4, $0x5;
	[smem:$0x530] =	sst s12;
	s12 =	smulhi.u32 $0x431BDE83, s11;
	s11 =	sshra.s32 s11, $0x1F  }
0x1a4: {  	s11 =	smul.u32 $0x431BDE83, s11  }
0x1a5: {  	v27 =	vld [tilespmem:$0x270]  }
0x1a6: {  	[smem:$0x533] =	sst s11;
	s11 =	spop (v2sf)  }
0x1a7: {  	(v2sf) =	vpush v4, $0x6;
	[smem:$0x532] =	sst s12;
	s12 =	smulhi.u32 $0x431BDE83, s11;
	s11 =	sshra.s32 s11, $0x1F  }
0x1a8: {  	v28 =	vld [tilespmem:$0x70];
	s11 =	smul.u32 $0x431BDE83, s11;
	_ =	sdelay $0x1  }
0x1a9: {  	v29 =	vand.u32 $0x3FF, v27;
	[smem:$0x535] =	sst s11;
	s11 =	spop (v2sf)  }
0x1aa: {  	v5 =	vshra.s32 v27, $0xA;
	v7 =	vmul.u32 $0x16A95, v29;
	(v2sf) =	vpush v4, $0x7;
	[smem:$0x534] =	sst s12;
	s12 =	smulhi.u32 $0x431BDE83, s11;
	s11 =	sshra.s32 s11, $0x1F  }
0x1ab: {  	v5 =	vmul.u32 $0xBE40, v5;
	s11 =	smul.u32 $0x431BDE83, s11  }
0x1ac: {  	v6 =	vadd.s32 v28, v7  }
0x1ad: {  	v5 =	vadd.s32 v5, v6;
	[smem:$0x537] =	sst s11;
	s11 =	spop (v2sf)  }
0x1ae: {  	(v2sf) =	vpush v5, $0xD;
	[smem:$0x536] =	sst s12;
	s12 =	smulhi.u32 $0x431BDE83, s11;
	s11 =	sshra.s32 s11, $0x1F  }
0x1af: {  	s11 =	smul.u32 $0x431BDE83, s11;
	_ =	sdelay $0x1  }
0x1b0: {  	[smem:$0x539] =	sst s11;
	s11 =	spop (v2sf)  }
0x1b1: {  	(v2sf) =	vpush v5, $0xC;
	[smem:$0x538] =	sst s12;
	s12 =	smulhi.u32 $0x431BDE83, s11;
	s11 =	sshra.s32 s11, $0x1F  }
0x1b2: {  	s11 =	smul.u32 $0x431BDE83, s11;
	_ =	sdelay $0x1  }
0x1b3: {  	[smem:$0x53B] =	sst s11;
	s11 =	spop (v2sf)  }
0x1b4: {  	(v2sf) =	vpush v5, $0xE;
	[smem:$0x53A] =	sst s12;
	s12 =	smulhi.u32 $0x431BDE83, s11;
	s11 =	sshra.s32 s11, $0x1F  }
0x1b5: {  	s11 =	smul.u32 $0x431BDE83, s11;
	_ =	sdelay $0x1  }
0x1b6: {  	[smem:$0x53D] =	sst s11;
	s11 =	spop (v2sf)  }
0x1b7: {  	(v2sf) =	vpush v5, $0xF;
	[smem:$0x53C] =	sst s12;
	s12 =	smulhi.u32 $0x431BDE83, s11;
	s11 =	sshra.s32 s11, $0x1F  }
0x1b8: {  	s11 =	smul.u32 $0x431BDE83, s11;
	_ =	sdelay $0x1  }
0x1b9: {  	[smem:$0x53F] =	sst s11;
	s11 =	spop (v2sf)  }
0x1ba: {  	(v2sf) =	vpush v5, $0x9;
	[smem:$0x53E] =	sst s12;
	s12 =	smulhi.u32 $0x431BDE83, s11;
	s11 =	sshra.s32 s11, $0x1F  }
0x1bb: {  	s11 =	smul.u32 $0x431BDE83, s11;
	_ =	sdelay $0x1  }
0x1bc: {  	[smem:$0x541] =	sst s11;
	s11 =	spop (v2sf)  }
0x1bd: {  	(v2sf) =	vpush v5, $0x8;
	[smem:$0x540] =	sst s12;
	s12 =	smulhi.u32 $0x431BDE83, s11;
	s11 =	sshra.s32 s11, $0x1F  }
0x1be: {  	s11 =	smul.u32 $0x431BDE83, s11;
	_ =	sdelay $0x1  }
0x1bf: {  	[smem:$0x543] =	sst s11;
	s11 =	spop (v2sf)  }
0x1c0: {  	(v2sf) =	vpush v5, $0xA;
	[smem:$0x542] =	sst s12;
	s12 =	smulhi.u32 $0x431BDE83, s11;
	s11 =	sshra.s32 s11, $0x1F  }
0x1c1: {  	s11 =	smul.u32 $0x431BDE83, s11;
	_ =	sdelay $0x1  }
0x1c2: {  	[smem:$0x545] =	sst s11;
	s11 =	spop (v2sf)  }
0x1c3: {  	(v2sf) =	vpush v5, $0xB;
	[smem:$0x544] =	sst s12;
	s12 =	smulhi.u32 $0x431BDE83, s11;
	s11 =	sshra.s32 s11, $0x1F  }
0x1c4: {  	s11 =	smul.u32 $0x431BDE83, s11;
	_ =	sdelay $0x1  }
0x1c5: {  	[smem:$0x547] =	sst s11;
	s11 =	spop (v2sf)  }
0x1c6: {  	(v2sf) =	vpush v5, $0x0;
	[smem:$0x546] =	sst s12;
	s12 =	smulhi.u32 $0x431BDE83, s11;
	s11 =	sshra.s32 s11, $0x1F  }
0x1c7: {  	s11 =	smul.u32 $0x431BDE83, s11;
	_ =	sdelay $0x1  }
0x1c8: {  	[smem:$0x549] =	sst s11;
	s11 =	spop (v2sf)  }
0x1c9: {  	(v2sf) =	vpush v5, $0x1;
	[smem:$0x548] =	sst s12;
	s12 =	smulhi.u32 $0x431BDE83, s11;
	s11 =	sshra.s32 s11, $0x1F  }
0x1ca: {  	s11 =	smul.u32 $0x431BDE83, s11;
	_ =	sdelay $0x1  }
0x1cb: {  	[smem:$0x54B] =	sst s11;
	s11 =	spop (v2sf)  }
0x1cc: {  	(v2sf) =	vpush v5, $0x2;
	[smem:$0x54A] =	sst s12;
	s12 =	smulhi.u32 $0x431BDE83, s11;
	s11 =	sshra.s32 s11, $0x1F  }
0x1cd: {  	s11 =	smul.u32 $0x431BDE83, s11;
	_ =	sdelay $0x1  }
0x1ce: {  	[smem:$0x54D] =	sst s11;
	s11 =	spop (v2sf)  }
0x1cf: {  	(v2sf) =	vpush v5, $0x3;
	[smem:$0x54C] =	sst s12;
	s12 =	smulhi.u32 $0x431BDE83, s11;
	s11 =	sshra.s32 s11, $0x1F  }
0x1d0: {  	s11 =	smul.u32 $0x431BDE83, s11;
	_ =	sdelay $0x1  }
0x1d1: {  	[smem:$0x54F] =	sst s11;
	s11 =	spop (v2sf)  }
0x1d2: {  	(v2sf) =	vpush v5, $0x4;
	[smem:$0x54E] =	sst s12;
	s12 =	smulhi.u32 $0x431BDE83, s11;
	s11 =	sshra.s32 s11, $0x1F  }
0x1d3: {  	s11 =	smul.u32 $0x431BDE83, s11;
	_ =	sdelay $0x1  }
0x1d4: {  	[smem:$0x551] =	sst s11;
	s11 =	spop (v2sf)  }
0x1d5: {  	(v2sf) =	vpush v5, $0x5;
	[smem:$0x550] =	sst s12;
	s12 =	smulhi.u32 $0x431BDE83, s11;
	s11 =	sshra.s32 s11, $0x1F  }
0x1d6: {  	s11 =	smul.u32 $0x431BDE83, s11  }
0x1d7: {  	v30 =	vld [tilespmem:$0x280]  }
0x1d8: {  	[smem:$0x553] =	sst s11;
	s11 =	spop (v2sf)  }
0x1d9: {  	(v2sf) =	vpush v5, $0x6;
	[smem:$0x552] =	sst s12;
	s12 =	smulhi.u32 $0x431BDE83, s11;
	s11 =	sshra.s32 s11, $0x1F  }
0x1da: {  	v31 =	vld [tilespmem:$0x80];
	s11 =	smul.u32 $0x431BDE83, s11;
	_ =	sdelay $0x1  }
0x1db: {  	v32 =	vand.u32 $0x3FF, v30;
	[smem:$0x555] =	sst s11;
	s11 =	spop (v2sf)  }
0x1dc: {  	v8 =	vmul.u32 $0x16A95, v32;
	v6 =	vshra.s32 v30, $0xA;
	(v2sf) =	vpush v5, $0x7;
	[smem:$0x554] =	sst s12;
	s12 =	smulhi.u32 $0x431BDE83, s11;
	s11 =	sshra.s32 s11, $0x1F  }
0x1dd: {  	v6 =	vmul.u32 $0xBE40, v6;
	s11 =	smul.u32 $0x431BDE83, s11  }
0x1de: {  	v7 =	vadd.s32 v31, v8  }
0x1df: {  	v7 =	vadd.s32 v6, v7;
	[smem:$0x557] =	sst s11;
	s11 =	spop (v2sf)  }
0x1e0: {  	(v2sf) =	vpush v7, $0xD;
	[smem:$0x556] =	sst s12;
	s12 =	smulhi.u32 $0x431BDE83, s11;
	s11 =	sshra.s32 s11, $0x1F  }
0x1e1: {  	s11 =	smul.u32 $0x431BDE83, s11;
	_ =	sdelay $0x1  }
0x1e2: {  	[smem:$0x559] =	sst s11;
	s11 =	spop (v2sf)  }
0x1e3: {  	(v2sf) =	vpush v7, $0xC;
	[smem:$0x558] =	sst s12;
	s12 =	smulhi.u32 $0x431BDE83, s11;
	s11 =	sshra.s32 s11, $0x1F  }
0x1e4: {  	s11 =	smul.u32 $0x431BDE83, s11;
	_ =	sdelay $0x1  }
0x1e5: {  	[smem:$0x55B] =	sst s11;
	s11 =	spop (v2sf)  }
0x1e6: {  	(v2sf) =	vpush v7, $0xE;
	[smem:$0x55A] =	sst s12;
	s12 =	smulhi.u32 $0x431BDE83, s11;
	s11 =	sshra.s32 s11, $0x1F  }
0x1e7: {  	s11 =	smul.u32 $0x431BDE83, s11;
	_ =	sdelay $0x1  }
0x1e8: {  	[smem:$0x55D] =	sst s11;
	s11 =	spop (v2sf)  }
0x1e9: {  	(v2sf) =	vpush v7, $0xF;
	[smem:$0x55C] =	sst s12;
	s12 =	smulhi.u32 $0x431BDE83, s11;
	s11 =	sshra.s32 s11, $0x1F  }
0x1ea: {  	s11 =	smul.u32 $0x431BDE83, s11;
	_ =	sdelay $0x1  }
0x1eb: {  	[smem:$0x55F] =	sst s11;
	s11 =	spop (v2sf)  }
0x1ec: {  	(v2sf) =	vpush v7, $0x9;
	[smem:$0x55E] =	sst s12;
	s12 =	smulhi.u32 $0x431BDE83, s11;
	s11 =	sshra.s32 s11, $0x1F  }
0x1ed: {  	s11 =	smul.u32 $0x431BDE83, s11;
	_ =	sdelay $0x1  }
0x1ee: {  	[smem:$0x561] =	sst s11;
	s11 =	spop (v2sf)  }
0x1ef: {  	(v2sf) =	vpush v7, $0x8;
	[smem:$0x560] =	sst s12;
	s12 =	smulhi.u32 $0x431BDE83, s11;
	s11 =	sshra.s32 s11, $0x1F  }
0x1f0: {  	s11 =	smul.u32 $0x431BDE83, s11;
	_ =	sdelay $0x1  }
0x1f1: {  	[smem:$0x563] =	sst s11;
	s11 =	spop (v2sf)  }
0x1f2: {  	(v2sf) =	vpush v7, $0xA;
	[smem:$0x562] =	sst s12;
	s12 =	smulhi.u32 $0x431BDE83, s11;
	s11 =	sshra.s32 s11, $0x1F  }
0x1f3: {  	s11 =	smul.u32 $0x431BDE83, s11;
	_ =	sdelay $0x1  }
0x1f4: {  	[smem:$0x565] =	sst s11;
	s11 =	spop (v2sf)  }
0x1f5: {  	(v2sf) =	vpush v7, $0xB;
	[smem:$0x564] =	sst s12;
	s12 =	smulhi.u32 $0x431BDE83, s11;
	s11 =	sshra.s32 s11, $0x1F  }
0x1f6: {  	s11 =	smul.u32 $0x431BDE83, s11;
	_ =	sdelay $0x1  }
0x1f7: {  	[smem:$0x567] =	sst s11;
	s11 =	spop (v2sf)  }
0x1f8: {  	(v2sf) =	vpush v7, $0x0;
	[smem:$0x566] =	sst s12;
	s12 =	smulhi.u32 $0x431BDE83, s11;
	s11 =	sshra.s32 s11, $0x1F  }
0x1f9: {  	s11 =	smul.u32 $0x431BDE83, s11;
	_ =	sdelay $0x1  }
0x1fa: {  	[smem:$0x569] =	sst s11;
	s11 =	spop (v2sf)  }
0x1fb: {  	(v2sf) =	vpush v7, $0x1;
	[smem:$0x568] =	sst s12;
	s12 =	smulhi.u32 $0x431BDE83, s11;
	s11 =	sshra.s32 s11, $0x1F  }
0x1fc: {  	s11 =	smul.u32 $0x431BDE83, s11;
	_ =	sdelay $0x1  }
0x1fd: {  	[smem:$0x56B] =	sst s11;
	s11 =	spop (v2sf)  }
0x1fe: {  	(v2sf) =	vpush v7, $0x2;
	[smem:$0x56A] =	sst s12;
	s12 =	smulhi.u32 $0x431BDE83, s11;
	s11 =	sshra.s32 s11, $0x1F  }
0x1ff: {  	s11 =	smul.u32 $0x431BDE83, s11;
	_ =	sdelay $0x1  }
0x200: {  	[smem:$0x56D] =	sst s11;
	s11 =	spop (v2sf)  }
0x201: {  	(v2sf) =	vpush v7, $0x3;
	[smem:$0x56C] =	sst s12;
	s12 =	smulhi.u32 $0x431BDE83, s11;
	s11 =	sshra.s32 s11, $0x1F  }
0x202: {  	s11 =	smul.u32 $0x431BDE83, s11;
	_ =	sdelay $0x1  }
0x203: {  	[smem:$0x56F] =	sst s11;
	s11 =	spop (v2sf)  }
0x204: {  	(v2sf) =	vpush v7, $0x4;
	[smem:$0x56E] =	sst s12;
	s12 =	smulhi.u32 $0x431BDE83, s11;
	s11 =	sshra.s32 s11, $0x1F  }
0x205: {  	s11 =	smul.u32 $0x431BDE83, s11;
	_ =	sdelay $0x1  }
0x206: {  	[smem:$0x571] =	sst s11;
	s11 =	spop (v2sf)  }
0x207: {  	(v2sf) =	vpush v7, $0x5;
	[smem:$0x570] =	sst s12;
	s12 =	smulhi.u32 $0x431BDE83, s11;
	s11 =	sshra.s32 s11, $0x1F  }
0x208: {  	s11 =	smul.u32 $0x431BDE83, s11  }
0x209: {  	v33 =	vld [tilespmem:$0x290]  }
0x20a: {  	[smem:$0x573] =	sst s11;
	s11 =	spop (v2sf)  }
0x20b: {  	(v2sf) =	vpush v7, $0x6;
	[smem:$0x572] =	sst s12;
	s12 =	smulhi.u32 $0x431BDE83, s11;
	s11 =	sshra.s32 s11, $0x1F  }
0x20c: {  	v34 =	vld [tilespmem:$0x90];
	s11 =	smul.u32 $0x431BDE83, s11;
	_ =	sdelay $0x1  }
0x20d: {  	v35 =	vand.u32 $0x3FF, v33;
	[smem:$0x575] =	sst s11;
	s11 =	spop (v2sf)  }
0x20e: {  	v9 =	vmul.u32 $0x16A95, v35;
	v6 =	vshra.s32 v33, $0xA;
	(v2sf) =	vpush v7, $0x7;
	[smem:$0x574] =	sst s12;
	s12 =	smulhi.u32 $0x431BDE83, s11;
	s11 =	sshra.s32 s11, $0x1F  }
0x20f: {  	v6 =	vmul.u32 $0xBE40, v6;
	s11 =	smul.u32 $0x431BDE83, s11  }
0x210: {  	v8 =	vadd.s32 v34, v9  }
0x211: {  	v6 =	vadd.s32 v6, v8;
	[smem:$0x577] =	sst s11;
	s11 =	spop (v2sf)  }
0x212: {  	(v2sf) =	vpush v6, $0xD;
	[smem:$0x576] =	sst s12;
	s12 =	smulhi.u32 $0x431BDE83, s11;
	s11 =	sshra.s32 s11, $0x1F  }
0x213: {  	s11 =	smul.u32 $0x431BDE83, s11;
	_ =	sdelay $0x1  }
0x214: {  	[smem:$0x579] =	sst s11;
	s11 =	spop (v2sf)  }
0x215: {  	(v2sf) =	vpush v6, $0xC;
	[smem:$0x578] =	sst s12;
	s12 =	smulhi.u32 $0x431BDE83, s11;
	s11 =	sshra.s32 s11, $0x1F  }
0x216: {  	s11 =	smul.u32 $0x431BDE83, s11;
	_ =	sdelay $0x1  }
0x217: {  	[smem:$0x57B] =	sst s11;
	s11 =	spop (v2sf)  }
0x218: {  	(v2sf) =	vpush v6, $0xE;
	[smem:$0x57A] =	sst s12;
	s12 =	smulhi.u32 $0x431BDE83, s11;
	s11 =	sshra.s32 s11, $0x1F  }
0x219: {  	s11 =	smul.u32 $0x431BDE83, s11;
	_ =	sdelay $0x1  }
0x21a: {  	[smem:$0x57D] =	sst s11;
	s11 =	spop (v2sf)  }
0x21b: {  	(v2sf) =	vpush v6, $0xF;
	[smem:$0x57C] =	sst s12;
	s12 =	smulhi.u32 $0x431BDE83, s11;
	s11 =	sshra.s32 s11, $0x1F  }
0x21c: {  	s11 =	smul.u32 $0x431BDE83, s11;
	_ =	sdelay $0x1  }
0x21d: {  	[smem:$0x57F] =	sst s11;
	s11 =	spop (v2sf)  }
0x21e: {  	(v2sf) =	vpush v6, $0x9;
	[smem:$0x57E] =	sst s12;
	s12 =	smulhi.u32 $0x431BDE83, s11;
	s11 =	sshra.s32 s11, $0x1F  }
0x21f: {  	s11 =	smul.u32 $0x431BDE83, s11;
	_ =	sdelay $0x1  }
0x220: {  	[smem:$0x581] =	sst s11;
	s11 =	spop (v2sf)  }
0x221: {  	(v2sf) =	vpush v6, $0x8;
	[smem:$0x580] =	sst s12;
	s12 =	smulhi.u32 $0x431BDE83, s11;
	s11 =	sshra.s32 s11, $0x1F  }
0x222: {  	s11 =	smul.u32 $0x431BDE83, s11;
	_ =	sdelay $0x1  }
0x223: {  	[smem:$0x583] =	sst s11;
	s11 =	spop (v2sf)  }
0x224: {  	(v2sf) =	vpush v6, $0xA;
	[smem:$0x582] =	sst s12;
	s12 =	smulhi.u32 $0x431BDE83, s11;
	s11 =	sshra.s32 s11, $0x1F  }
0x225: {  	s13 =	sadd.s32 s16, s13;
	s11 =	smul.u32 $0x431BDE83, s11  }
0x226: {  	[smem:$0x5E4] =	sst s13  }
0x227: {  	s15 =	sadd.s32 s18, s15;
	[smem:$0x585] =	sst s11;
	s11 =	spop (v2sf)  }
0x228: {  	(v2sf) =	vpush v6, $0xB;
	[smem:$0x584] =	sst s12;
	s12 =	smulhi.u32 $0x431BDE83, s11;
	s11 =	sshra.s32 s11, $0x1F  }
0x229: {  	s17 =	sadd.s32 s20, s17;
	[smem:$0x5E6] =	sst s15;
	s11 =	smul.u32 $0x431BDE83, s11  }
0x22a: {  	[smem:$0x5E7] =	sst s17  }
0x22b: {  	s20 =	sadd.s32 s22, s19;
	[smem:$0x587] =	sst s11;
	s11 =	spop (v2sf)  }
0x22c: {  	[smem:$0x586] =	sst s12;
	s12 =	smulhi.u32 $0x431BDE83, s11;
	s11 =	sshra.s32 s11, $0x1F  }
0x22d: {  	s22 =	sadd.s32 s23, s21;
	[smem:$0x5EB] =	sst s20;
	s11 =	smul.u32 $0x431BDE83, s11  }
0x22e: {  	[smem:$0x5E9] =	sst s22;
	(v2sf) =	vpush v6, $0x0  }
0x22f: {  	s24 =	sadd.s32 s26, s24;
	[smem:$0x589] =	sst s11;
	s11 =	spop (v2sf)  }
0x230: {  	(v2sf) =	vpush v6, $0x1;
	[smem:$0x588] =	sst s12;
	s12 =	smulhi.u32 $0x431BDE83, s11;
	s11 =	sshra.s32 s11, $0x1F  }
0x231: {  	s26 =	sadd.s32 s28, s25;
	[smem:$0x5ED] =	sst s24;
	s11 =	smul.u32 $0x431BDE83, s11  }
0x232: {  	[smem:$0x5EF] =	sst s26;
	(v2sf) =	vpush v6, $0x2  }
0x233: {  	s2 =	sadd.s32 s2, s29;
	[smem:$0x58B] =	sst s11;
	s11 =	spop (v2sf)  }
0x234: {  	(v2sf) =	vpush v6, $0x3;
	[smem:$0x58A] =	sst s12;
	s12 =	smulhi.u32 $0x431BDE83, s11;
	s11 =	sshra.s32 s11, $0x1F  }
0x235: {  	s3 =	sadd.s32 s3, s30;
	[smem:$0x5E2] =	sst s2;
	s11 =	smul.u32 $0x431BDE83, s11  }
0x236: {  	[smem:$0x5E5] =	sst s3;
	(v2sf) =	vpush v6, $0x4  }
0x237: {  	(v2sf) =	vpush v6, $0x5;
	[smem:$0x58D] =	sst s11;
	s11 =	spop (v2sf)  }
0x238: {  	s1 =	sadd.s32 s1, s31;
	[smem:$0x58C] =	sst s12;
	s12 =	smulhi.u32 $0x431BDE83, s11  }
0x239: {  	[smem:$0x5E8] =	sst s1  }
0x23a: {  	(v2sf) =	vpush v6, $0x6;
	s11 =	sshra.s32 s11, $0x1F;
	[smem:$0x58E] =	sst s12  }
0x23b: {  	s11 =	smul.u32 $0x431BDE83, s11;
	s12 =	sld [smem:$0x4FD]  }
0x23c: {  	s25 =	sld [smem:$0x4FF]  }
0x23d: {  	[smem:$0x58F] =	sst s11;
	s11 =	spop (v2sf)  }
0x23e: {  	s12 =	sadd.s32 s14, s12;
	s14 =	smulhi.u32 $0x431BDE83, s11;
	s11 =	sshra.s32 s11, $0x1F  }
0x23f: {  	v36 =	vld [tilespmem:$0x2A0];
	(v2sf) =	vpush v6, $0x7;
	s16 =	smul.u32 $0x431BDE83, s11;
	s11 =	spop (v2sf)  }
0x240: {  	s26 =	sld [smem:$0x500];
	s13 =	smulhi.u32 $0x431BDE83, s11;
	s11 =	sshra.s32 s11, $0x1F  }
0x241: {  	s18 =	spop (v2sf);
	s17 =	smul.u32 $0x431BDE83, s11  }
0x242: {  	v37 =	vld [tilespmem:$0xA0];
	s30 =	sld [smem:$0x502];
	s15 =	smulhi.u32 $0x431BDE83, s18;
	s11 =	sshra.s32 s18, $0x1F  }
0x243: {  	s23 =	spop (v2sf);
	s19 =	smul.u32 $0x431BDE83, s11  }
0x244: {  	v38 =	vand.u32 $0x3FF, v36;
	[smem:$0x5E3] =	sst s12;
	s18 =	smulhi.u32 $0x431BDE83, s23  }
0x245: {  	v10 =	vmul.u32 $0x16A95, v38;
	v8 =	vshra.s32 v36, $0xA;
	s11 =	sshra.s32 s23, $0x1F;
	s28 =	spop (v2sf);
	s23 =	sld [smem:$0x4FE]  }
0x246: {  	v8 =	vmul.u32 $0xBE40, v8;
	s20 =	smul.u32 $0x431BDE83, s11;
	s29 =	sshra.s32 s28, $0x1F;
	s3 =	spop (v2sf)  }
0x247: {  	v9 =	vadd.s32 v37, v10;
	s21 =	smul.u32 $0x431BDE83, s29;
	s29 =	sld [smem:$0x501]  }
0x248: {  	v8 =	vadd.s32 v8, v9;
	s11 =	smulhi.u32 $0x431BDE83, s3;
	s22 =	sshra.s32 s3, $0x1F;
	s3 =	sld [smem:$0x503]  }
0x249: {  	(v2sf) =	vpush v8, $0xD;
	s24 =	spop (v2sf);
	s2 =	sadd.s32 s6, s23;
	s23 =	sld [smem:$0x505]  }
0x24a: {  	s6 =	smulhi.u32 $0x431BDE83, s24;
	s1 =	sshra.s32 s24, $0x1F;
	s24 =	sld [smem:$0x506]  }
0x24b: {  	[smem:$0x5EA] =	sst s2;
	s2 =	sadd.s32 s7, s25  }
0x24c: {  	(v2sf) =	vpush v8, $0xC;
	s12 =	smulhi.u32 $0x431BDE83, s28;
	[smem:$0x5EC] =	sst s2  }
0x24d: {  	s7 =	smul.u32 $0x431BDE83, s1;
	s2 =	sadd.s32 s4, s26;
	s26 =	sld [smem:$0x507]  }
0x24e: {  	(v2sf) =	vpush v8, $0xE;
	s28 =	spop (v2sf);
	[smem:$0x5EE] =	sst s2  }
0x24f: {  	s4 =	smulhi.u32 $0x431BDE83, s28;
	s1 =	sshra.s32 s28, $0x1F;
	s28 =	sld [smem:$0x508]  }
0x250: {  	s2 =	sadd.s32 s8, s29;
	s29 =	sld [smem:$0x509]  }
0x251: {  	(v2sf) =	vpush v8, $0xF;
	[smem:$0x5F0] =	sst s2  }
0x252: {  	s2 =	sadd.s32 s5, s30;
	s5 =	sld [smem:$0x504]  }
0x253: {  	s30 =	sld [smem:$0x50A]  }
0x254: {  	[smem:$0x5E1] =	sst s2  }
0x255: {  	s2 =	sadd.s32 s5, s3;
	s3 =	sld [smem:$0x50F]  }
0x256: {  	[smem:$0x5F1] =	sst s2;
	s2 =	sadd.s32 s24, s23  }
0x257: {  	(v2sf) =	vpush v8, $0x9;
	s8 =	smul.u32 $0x431BDE83, s1;
	[smem:$0x5F3] =	sst s2  }
0x258: {  	s31 =	spop (v2sf);
	s2 =	sadd.s32 s28, s26;
	s26 =	sld [smem:$0x50B]  }
0x259: {  	s5 =	smulhi.u32 $0x431BDE83, s31;
	s1 =	sshra.s32 s31, $0x1F;
	s28 =	sld [smem:$0x50C]  }
0x25a: {  	s24 =	smul.u32 $0x431BDE83, s1;
	[smem:$0x5F5] =	sst s2  }
0x25b: {  	s25 =	spop (v2sf);
	s2 =	sadd.s32 s30, s29;
	s29 =	sld [smem:$0x50D]  }
0x25c: {  	s23 =	smulhi.u32 $0x431BDE83, s25;
	s30 =	sld [smem:$0x50E]  }
0x25d: {  	s1 =	sshra.s32 s25, $0x1F;
	s31 =	spop (v2sf);
	[smem:$0x5F7] =	sst s2  }
0x25e: {  	s25 =	smul.u32 $0x431BDE83, s1;
	s2 =	sadd.s32 s28, s26;
	s28 =	sld [smem:$0x510]  }
0x25f: {  	s1 =	sshra.s32 s31, $0x1F;
	s26 =	smulhi.u32 $0x431BDE83, s31;
	[smem:$0x5FB] =	sst s2  }
0x260: {  	s31 =	spop (v2sf);
	s2 =	sadd.s32 s30, s29;
	s30 =	sld [smem:$0x511]  }
0x261: {  	(v2sf) =	vpush v8, $0x8;
	s29 =	smul.u32 $0x431BDE83, s1;
	s1 =	sshra.s32 s31, $0x1F;
	[smem:$0x5F9] =	sst s2  }
0x262: {  	s2 =	sadd.s32 s28, s3;
	s28 =	smulhi.u32 $0x431BDE83, s31;
	s31 =	sld [smem:$0x512]  }
0x263: {  	_ = 	snop  }
0x264: {  	[smem:$0x5FD] =	sst s2  }
0x265: {  	s2 =	sadd.s32 s31, s30;
	s31 =	sld [smem:$0x513]  }
0x266: {  	(v2sf) =	vpush v8, $0xA;
	s3 =	spop (v2sf)  }
0x267: {  	s30 =	smul.u32 $0x431BDE83, s1;
	s1 =	sshra.s32 s3, $0x1F;
	[smem:$0x5FF] =	sst s2  }
0x268: {  	s2 =	sadd.s32 s10, s31;
	s10 =	smulhi.u32 $0x431BDE83, s3;
	s3 =	sld [smem:$0x514]  }
0x269: {  	s31 =	sld [smem:$0x515];
	_ =	sdelay $0x1  }
0x26a: {  	[smem:$0x5F4] =	sst s2  }
0x26b: {  	s2 =	sadd.s32 s31, s3;
	s31 =	sld [smem:$0x516]  }
0x26c: {  	s0 =	sshra.s32 s0, $0x1F  }
0x26d: {  	s0 =	smul.u32 $0x431BDE83, s0;
	[smem:$0x5F6] =	sst s2  }
0x26e: {  	s3 =	smul.u32 $0x431BDE83, s1;
	s2 =	sadd.s32 s9, s31;
	s31 =	sld [smem:$0x517]  }
0x26f: {  	s1 =	spop (v2sf);
	[smem:$0x5F8] =	sst s2  }
0x270: {  	s9 =	smulhi.u32 $0x431BDE83, s1;
	s1 =	sshra.s32 s1, $0x1F;
	s2 =	sld [smem:$0x519]  }
0x271: {  	(v2sf) =	vpush v8, $0xB;
	s0 =	sadd.s32 s0, s31;
	s31 =	smul.u32 $0x431BDE83, s1;
	s1 =	sld [smem:$0x518]  }
0x272: {  	_ =	sdelay $0x1  }
0x273: {  	[smem:$0x5FA] =	sst s0;
	s0 =	spop (v2sf);
	s1 =	sadd.s32 s2, s1  }
0x274: {  	s2 =	smulhi.u32 $0x431BDE83, s0;
	[smem:$0x5FC] =	sst s1  }
0x275: {  	s1 =	sld [smem:$0x51A]  }
0x276: {  	[smem:$0x590] =	sst s2  }
0x277: {  	s2 =	sld [smem:$0x51B];
	_ =	sdelay $0x2  }
0x278: {  	s1 =	sadd.s32 s2, s1;
	s2 =	sld [smem:$0x51D]  }
0x279: {  	[smem:$0x5FE] =	sst s1  }
0x27a: {  	(v2sf) =	vpush v8, $0x0;
	s0 =	sshra.s32 s0, $0x1F;
	s1 =	sld [smem:$0x51C]  }
0x27b: {  	s0 =	smul.u32 $0x431BDE83, s0;
	_ =	sdelay $0x1  }
0x27c: {  	[smem:$0x591] =	sst s0;
	s0 =	spop (v2sf);
	s1 =	sadd.s32 s2, s1  }
0x27d: {  	s2 =	smulhi.u32 $0x431BDE83, s0;
	[smem:$0x600] =	sst s1  }
0x27e: {  	s1 =	sld [smem:$0x51E]  }
0x27f: {  	[smem:$0x592] =	sst s2  }
0x280: {  	s2 =	sld [smem:$0x51F];
	_ =	sdelay $0x2  }
0x281: {  	s1 =	sadd.s32 s2, s1;
	s2 =	sld [smem:$0x521]  }
0x282: {  	[smem:$0x5F2] =	sst s1  }
0x283: {  	(v2sf) =	vpush v8, $0x1;
	s0 =	sshra.s32 s0, $0x1F;
	s1 =	sld [smem:$0x520]  }
0x284: {  	s0 =	smul.u32 $0x431BDE83, s0;
	_ =	sdelay $0x1  }
0x285: {  	[smem:$0x593] =	sst s0;
	s0 =	spop (v2sf);
	s1 =	sadd.s32 s2, s1  }
0x286: {  	s2 =	smulhi.u32 $0x431BDE83, s0;
	[smem:$0x604] =	sst s1  }
0x287: {  	s1 =	sld [smem:$0x522]  }
0x288: {  	[smem:$0x594] =	sst s2  }
0x289: {  	s2 =	sld [smem:$0x523];
	_ =	sdelay $0x2  }
0x28a: {  	s1 =	sadd.s32 s2, s1;
	s2 =	sld [smem:$0x525]  }
0x28b: {  	[smem:$0x602] =	sst s1  }
0x28c: {  	(v2sf) =	vpush v8, $0x2;
	s0 =	sshra.s32 s0, $0x1F;
	s1 =	sld [smem:$0x524]  }
0x28d: {  	s0 =	smul.u32 $0x431BDE83, s0;
	_ =	sdelay $0x1  }
0x28e: {  	[smem:$0x595] =	sst s0;
	s0 =	spop (v2sf);
	s1 =	sadd.s32 s2, s1  }
0x28f: {  	s2 =	smulhi.u32 $0x431BDE83, s0;
	[smem:$0x605] =	sst s1  }
0x290: {  	s1 =	sld [smem:$0x526]  }
0x291: {  	[smem:$0x596] =	sst s2  }
0x292: {  	s2 =	sld [smem:$0x527];
	_ =	sdelay $0x2  }
0x293: {  	s1 =	sadd.s32 s2, s1;
	s2 =	sld [smem:$0x529]  }
0x294: {  	[smem:$0x607] =	sst s1  }
0x295: {  	(v2sf) =	vpush v8, $0x3;
	s0 =	sshra.s32 s0, $0x1F;
	s1 =	sld [smem:$0x528]  }
0x296: {  	s0 =	smul.u32 $0x431BDE83, s0;
	_ =	sdelay $0x1  }
0x297: {  	[smem:$0x597] =	sst s0;
	s0 =	spop (v2sf);
	s1 =	sadd.s32 s2, s1  }
0x298: {  	s2 =	smulhi.u32 $0x431BDE83, s0;
	[smem:$0x60A] =	sst s1  }
0x299: {  	s1 =	sld [smem:$0x52A]  }
0x29a: {  	[smem:$0x598] =	sst s2  }
0x29b: {  	s2 =	sld [smem:$0x52B];
	_ =	sdelay $0x2  }
0x29c: {  	s1 =	sadd.s32 s2, s1;
	s2 =	sld [smem:$0x52D]  }
0x29d: {  	[smem:$0x608] =	sst s1  }
0x29e: {  	(v2sf) =	vpush v8, $0x4;
	s0 =	sshra.s32 s0, $0x1F;
	s1 =	sld [smem:$0x52C]  }
0x29f: {  	s0 =	smul.u32 $0x431BDE83, s0;
	_ =	sdelay $0x1  }
0x2a0: {  	[smem:$0x599] =	sst s0;
	s0 =	spop (v2sf);
	s1 =	sadd.s32 s2, s1  }
0x2a1: {  	s2 =	smulhi.u32 $0x431BDE83, s0;
	[smem:$0x60C] =	sst s1  }
0x2a2: {  	s1 =	sld [smem:$0x52E]  }
0x2a3: {  	[smem:$0x59A] =	sst s2  }
0x2a4: {  	s2 =	sld [smem:$0x52F];
	_ =	sdelay $0x2  }
0x2a5: {  	s1 =	sadd.s32 s2, s1;
	s2 =	sld [smem:$0x531]  }
0x2a6: {  	[smem:$0x60E] =	sst s1  }
0x2a7: {  	(v2sf) =	vpush v8, $0x5;
	s0 =	sshra.s32 s0, $0x1F;
	s1 =	sld [smem:$0x530]  }
0x2a8: {  	s0 =	smul.u32 $0x431BDE83, s0;
	_ =	sdelay $0x1  }
0x2a9: {  	[smem:$0x59B] =	sst s0;
	s0 =	spop (v2sf);
	s1 =	sadd.s32 s2, s1  }
0x2aa: {  	s2 =	smulhi.u32 $0x431BDE83, s0;
	[smem:$0x603] =	sst s1  }
0x2ab: {  	s1 =	sld [smem:$0x532]  }
0x2ac: {  	[smem:$0x59C] =	sst s2  }
0x2ad: {  	s2 =	sld [smem:$0x533];
	_ =	sdelay $0x2  }
0x2ae: {  	s1 =	sadd.s32 s2, s1;
	s2 =	sld [smem:$0x535]  }
0x2af: {  	[smem:$0x606] =	sst s1  }
0x2b0: {  	(v2sf) =	vpush v8, $0x6;
	s0 =	sshra.s32 s0, $0x1F;
	s1 =	sld [smem:$0x534]  }
0x2b1: {  	s0 =	smul.u32 $0x431BDE83, s0;
	_ =	sdelay $0x1  }
0x2b2: {  	[smem:$0x59D] =	sst s0;
	s0 =	spop (v2sf);
	s1 =	sadd.s32 s2, s1  }
0x2b3: {  	s2 =	smulhi.u32 $0x431BDE83, s0;
	[smem:$0x609] =	sst s1  }
0x2b4: {  	s1 =	sld [smem:$0x536]  }
0x2b5: {  	[smem:$0x59E] =	sst s2  }
0x2b6: {  	s2 =	sld [smem:$0x537];
	_ =	sdelay $0x2  }
0x2b7: {  	s1 =	sadd.s32 s2, s1;
	s2 =	sld [smem:$0x539]  }
0x2b8: {  	[smem:$0x60B] =	sst s1  }
0x2b9: {  	(v2sf) =	vpush v8, $0x7;
	s0 =	sshra.s32 s0, $0x1F;
	s1 =	sld [smem:$0x538]  }
0x2ba: {  	s0 =	smul.u32 $0x431BDE83, s0  }
0x2bb: {  	v39 =	vld [tilespmem:$0x2B0]  }
0x2bc: {  	[smem:$0x59F] =	sst s0;
	s0 =	spop (v2sf);
	s1 =	sadd.s32 s2, s1  }
0x2bd: {  	s2 =	smulhi.u32 $0x431BDE83, s0;
	[smem:$0x60D] =	sst s1  }
0x2be: {  	v40 =	vld [tilespmem:$0xB0];
	s1 =	sld [smem:$0x53A]  }
0x2bf: {  	[smem:$0x5A0] =	sst s2  }
0x2c0: {  	v41 =	vand.u32 $0x3FF, v39;
	s2 =	sld [smem:$0x53B]  }
0x2c1: {  	v11 =	vmul.u32 $0x16A95, v41;
	v9 =	vshra.s32 v39, $0xA  }
0x2c2: {  	v9 =	vmul.u32 $0xBE40, v9  }
0x2c3: {  	v10 =	vadd.s32 v40, v11;
	s1 =	sadd.s32 s2, s1;
	s2 =	sld [smem:$0x53D]  }
0x2c4: {  	v10 =	vadd.s32 v9, v10;
	[smem:$0x60F] =	sst s1  }
0x2c5: {  	(v2sf) =	vpush v10, $0xD;
	s0 =	sshra.s32 s0, $0x1F;
	s1 =	sld [smem:$0x53C]  }
0x2c6: {  	s0 =	smul.u32 $0x431BDE83, s0;
	_ =	sdelay $0x1  }
0x2c7: {  	[smem:$0x5A1] =	sst s0;
	s0 =	spop (v2sf);
	s1 =	sadd.s32 s2, s1  }
0x2c8: {  	s2 =	smulhi.u32 $0x431BDE83, s0;
	[smem:$0x610] =	sst s1  }
0x2c9: {  	s1 =	sld [smem:$0x53E]  }
0x2ca: {  	[smem:$0x5A2] =	sst s2  }
0x2cb: {  	s2 =	sld [smem:$0x53F];
	_ =	sdelay $0x2  }
0x2cc: {  	s1 =	sadd.s32 s2, s1;
	s2 =	sld [smem:$0x541]  }
0x2cd: {  	[smem:$0x601] =	sst s1  }
0x2ce: {  	(v2sf) =	vpush v10, $0xC;
	s0 =	sshra.s32 s0, $0x1F;
	s1 =	sld [smem:$0x540]  }
0x2cf: {  	s0 =	smul.u32 $0x431BDE83, s0;
	_ =	sdelay $0x1  }
0x2d0: {  	[smem:$0x5A3] =	sst s0;
	s0 =	spop (v2sf);
	s1 =	sadd.s32 s2, s1  }
0x2d1: {  	s2 =	smulhi.u32 $0x431BDE83, s0;
	[smem:$0x614] =	sst s1  }
0x2d2: {  	s1 =	sld [smem:$0x542]  }
0x2d3: {  	[smem:$0x5A4] =	sst s2  }
0x2d4: {  	s2 =	sld [smem:$0x543];
	_ =	sdelay $0x2  }
0x2d5: {  	s1 =	sadd.s32 s2, s1;
	s2 =	sld [smem:$0x545]  }
0x2d6: {  	[smem:$0x613] =	sst s1  }
0x2d7: {  	(v2sf) =	vpush v10, $0xE;
	s0 =	sshra.s32 s0, $0x1F;
	s1 =	sld [smem:$0x544]  }
0x2d8: {  	s0 =	smul.u32 $0x431BDE83, s0;
	_ =	sdelay $0x1  }
0x2d9: {  	[smem:$0x5A5] =	sst s0;
	s0 =	spop (v2sf);
	s1 =	sadd.s32 s2, s1  }
0x2da: {  	s2 =	smulhi.u32 $0x431BDE83, s0;
	[smem:$0x616] =	sst s1  }
0x2db: {  	s1 =	sld [smem:$0x546]  }
0x2dc: {  	[smem:$0x5A6] =	sst s2  }
0x2dd: {  	s2 =	sld [smem:$0x547];
	_ =	sdelay $0x2  }
0x2de: {  	s1 =	sadd.s32 s2, s1;
	s2 =	sld [smem:$0x549]  }
0x2df: {  	[smem:$0x617] =	sst s1  }
0x2e0: {  	(v2sf) =	vpush v10, $0xF;
	s0 =	sshra.s32 s0, $0x1F;
	s1 =	sld [smem:$0x548]  }
0x2e1: {  	s0 =	smul.u32 $0x431BDE83, s0;
	_ =	sdelay $0x1  }
0x2e2: {  	[smem:$0x5A7] =	sst s0;
	s0 =	spop (v2sf);
	s1 =	sadd.s32 s2, s1  }
0x2e3: {  	s2 =	smulhi.u32 $0x431BDE83, s0;
	[smem:$0x61A] =	sst s1  }
0x2e4: {  	s1 =	sld [smem:$0x54A]  }
0x2e5: {  	[smem:$0x5A8] =	sst s2  }
0x2e6: {  	s2 =	sld [smem:$0x54B];
	_ =	sdelay $0x2  }
0x2e7: {  	s1 =	sadd.s32 s2, s1;
	s2 =	sld [smem:$0x54D]  }
0x2e8: {  	[smem:$0x619] =	sst s1  }
0x2e9: {  	(v2sf) =	vpush v10, $0x9;
	s0 =	sshra.s32 s0, $0x1F;
	s1 =	sld [smem:$0x54C]  }
0x2ea: {  	s0 =	smul.u32 $0x431BDE83, s0;
	_ =	sdelay $0x1  }
0x2eb: {  	[smem:$0x5A9] =	sst s0;
	s0 =	spop (v2sf);
	s1 =	sadd.s32 s2, s1  }
0x2ec: {  	s2 =	smulhi.u32 $0x431BDE83, s0;
	[smem:$0x61C] =	sst s1  }
0x2ed: {  	s1 =	sld [smem:$0x54E]  }
0x2ee: {  	[smem:$0x5AA] =	sst s2  }
0x2ef: {  	s2 =	sld [smem:$0x54F];
	_ =	sdelay $0x2  }
0x2f0: {  	s1 =	sadd.s32 s2, s1;
	s2 =	sld [smem:$0x551]  }
0x2f1: {  	[smem:$0x61E] =	sst s1  }
0x2f2: {  	(v2sf) =	vpush v10, $0x8;
	s0 =	sshra.s32 s0, $0x1F;
	s1 =	sld [smem:$0x550]  }
0x2f3: {  	s0 =	smul.u32 $0x431BDE83, s0;
	_ =	sdelay $0x1  }
0x2f4: {  	[smem:$0x5AB] =	sst s0;
	s0 =	spop (v2sf);
	s1 =	sadd.s32 s2, s1  }
0x2f5: {  	s2 =	smulhi.u32 $0x431BDE83, s0;
	[smem:$0x612] =	sst s1  }
0x2f6: {  	s1 =	sld [smem:$0x552]  }
0x2f7: {  	[smem:$0x5AC] =	sst s2  }
0x2f8: {  	s2 =	sld [smem:$0x553];
	_ =	sdelay $0x2  }
0x2f9: {  	s1 =	sadd.s32 s2, s1;
	s2 =	sld [smem:$0x555]  }
0x2fa: {  	[smem:$0x615] =	sst s1  }
0x2fb: {  	(v2sf) =	vpush v10, $0xA;
	s0 =	sshra.s32 s0, $0x1F;
	s1 =	sld [smem:$0x554]  }
0x2fc: {  	s0 =	smul.u32 $0x431BDE83, s0;
	_ =	sdelay $0x1  }
0x2fd: {  	[smem:$0x5AD] =	sst s0;
	s0 =	spop (v2sf);
	s1 =	sadd.s32 s2, s1  }
0x2fe: {  	s2 =	smulhi.u32 $0x431BDE83, s0;
	[smem:$0x618] =	sst s1  }
0x2ff: {  	s1 =	sld [smem:$0x556]  }
0x300: {  	[smem:$0x5AE] =	sst s2  }
0x301: {  	s2 =	sld [smem:$0x557];
	_ =	sdelay $0x2  }
0x302: {  	s1 =	sadd.s32 s2, s1;
	s2 =	sld [smem:$0x559]  }
0x303: {  	[smem:$0x61B] =	sst s1  }
0x304: {  	(v2sf) =	vpush v10, $0xB;
	s0 =	sshra.s32 s0, $0x1F;
	s1 =	sld [smem:$0x558]  }
0x305: {  	s0 =	smul.u32 $0x431BDE83, s0;
	_ =	sdelay $0x1  }
0x306: {  	[smem:$0x5AF] =	sst s0;
	s0 =	spop (v2sf);
	s1 =	sadd.s32 s2, s1  }
0x307: {  	s2 =	smulhi.u32 $0x431BDE83, s0;
	[smem:$0x61D] =	sst s1  }
0x308: {  	s1 =	sld [smem:$0x55A]  }
0x309: {  	[smem:$0x5B0] =	sst s2  }
0x30a: {  	s2 =	sld [smem:$0x55B];
	_ =	sdelay $0x2  }
0x30b: {  	s1 =	sadd.s32 s2, s1;
	s2 =	sld [smem:$0x55D]  }
0x30c: {  	[smem:$0x61F] =	sst s1  }
0x30d: {  	(v2sf) =	vpush v10, $0x0;
	s0 =	sshra.s32 s0, $0x1F;
	s1 =	sld [smem:$0x55C]  }
0x30e: {  	s0 =	smul.u32 $0x431BDE83, s0;
	_ =	sdelay $0x1  }
0x30f: {  	[smem:$0x5B1] =	sst s0;
	s0 =	spop (v2sf);
	s1 =	sadd.s32 s2, s1  }
0x310: {  	s2 =	smulhi.u32 $0x431BDE83, s0;
	[smem:$0x620] =	sst s1  }
0x311: {  	s1 =	sld [smem:$0x55E]  }
0x312: {  	[smem:$0x5B2] =	sst s2  }
0x313: {  	s2 =	sld [smem:$0x55F];
	_ =	sdelay $0x2  }
0x314: {  	s1 =	sadd.s32 s2, s1;
	s2 =	sld [smem:$0x561]  }
0x315: {  	(v2sf) =	vpush v10, $0x1;
	[smem:$0x611] =	sst s1  }
0x316: {  	s0 =	sshra.s32 s0, $0x1F;
	s1 =	sld [smem:$0x560]  }
0x317: {  	s0 =	smul.u32 $0x431BDE83, s0;
	_ =	sdelay $0x1  }
0x318: {  	[smem:$0x5B3] =	sst s0;
	s0 =	spop (v2sf);
	s1 =	sadd.s32 s2, s1  }
0x319: {  	s2 =	smulhi.u32 $0x431BDE83, s0;
	[smem:$0x623] =	sst s1  }
0x31a: {  	s1 =	sld [smem:$0x562]  }
0x31b: {  	[smem:$0x5B4] =	sst s2  }
0x31c: {  	v42 =	vld [tilespmem:$0x2C0];
	s2 =	sld [smem:$0x563];
	_ =	sdelay $0x2  }
0x31d: {  	v43 =	vld [tilespmem:$0xC0];
	s1 =	sadd.s32 s2, s1;
	s2 =	sld [smem:$0x565]  }
0x31e: {  	(v2sf) =	vpush v10, $0x2;
	s0 =	sshra.s32 s0, $0x1F;
	[smem:$0x624] =	sst s1  }
0x31f: {  	v44 =	vand.u32 $0x3FF, v42;
	(v2sf) =	vpush v10, $0x3;
	s0 =	smul.u32 $0x431BDE83, s0;
	s1 =	sld [smem:$0x564]  }
0x320: {  	v12 =	vmul.u32 $0x16A95, v44;
	v9 =	vshra.s32 v42, $0xA;
	(v2sf) =	vpush v10, $0x4  }
0x321: {  	v9 =	vmul.u32 $0xBE40, v9;
	(v2sf) =	vpush v10, $0x5;
	[smem:$0x5B5] =	sst s0;
	s0 =	spop (v2sf)  }
0x322: {  	v11 =	vadd.s32 v43, v12;
	(v2sf) =	vpush v10, $0x6;
	s1 =	sadd.s32 s2, s1;
	s2 =	smulhi.u32 $0x431BDE83, s0  }
0x323: {  	v9 =	vadd.s32 v9, v11;
	(v2sf) =	vpush v10, $0x7;
	[smem:$0x626] =	sst s1  }
0x324: {  	(v2sf) =	vpush v9, $0xD;
	[smem:$0x5B6] =	sst s2  }
0x325: {  	(v2sf) =	vpush v9, $0xC  }
0x326: {  	s1 =	sld [smem:$0x566]  }
0x327: {  	s2 =	sld [smem:$0x567];
	_ =	sdelay $0x2  }
0x328: {  	s1 =	sadd.s32 s2, s1;
	s2 =	sld [smem:$0x569]  }
0x329: {  	[smem:$0x627] =	sst s1  }
0x32a: {  	s0 =	sshra.s32 s0, $0x1F;
	s1 =	sld [smem:$0x568]  }
0x32b: {  	s0 =	smul.u32 $0x431BDE83, s0;
	_ =	sdelay $0x1  }
0x32c: {  	[smem:$0x5B7] =	sst s0;
	s0 =	spop (v2sf);
	s1 =	sadd.s32 s2, s1  }
0x32d: {  	s2 =	smulhi.u32 $0x431BDE83, s0;
	[smem:$0x62B] =	sst s1  }
0x32e: {  	s1 =	sld [smem:$0x56A]  }
0x32f: {  	[smem:$0x5B8] =	sst s2  }
0x330: {  	s2 =	sld [smem:$0x56B];
	_ =	sdelay $0x2  }
0x331: {  	s1 =	sadd.s32 s2, s1;
	s2 =	sld [smem:$0x56D]  }
0x332: {  	[smem:$0x629] =	sst s1  }
0x333: {  	s0 =	sshra.s32 s0, $0x1F;
	s1 =	sld [smem:$0x56C]  }
0x334: {  	s0 =	smul.u32 $0x431BDE83, s0;
	_ =	sdelay $0x1  }
0x335: {  	[smem:$0x5B9] =	sst s0;
	s0 =	spop (v2sf);
	s1 =	sadd.s32 s2, s1  }
0x336: {  	s2 =	smulhi.u32 $0x431BDE83, s0;
	[smem:$0x62D] =	sst s1  }
0x337: {  	s1 =	sld [smem:$0x56E]  }
0x338: {  	[smem:$0x5BA] =	sst s2  }
0x339: {  	s2 =	sld [smem:$0x56F];
	_ =	sdelay $0x2  }
0x33a: {  	s1 =	sadd.s32 s2, s1;
	s2 =	sld [smem:$0x571]  }
0x33b: {  	[smem:$0x62F] =	sst s1  }
0x33c: {  	s0 =	sshra.s32 s0, $0x1F;
	s1 =	sld [smem:$0x570]  }
0x33d: {  	s0 =	smul.u32 $0x431BDE83, s0;
	_ =	sdelay $0x1  }
0x33e: {  	[smem:$0x5BB] =	sst s0;
	s0 =	spop (v2sf);
	s1 =	sadd.s32 s2, s1  }
0x33f: {  	s2 =	smulhi.u32 $0x431BDE83, s0;
	[smem:$0x622] =	sst s1  }
0x340: {  	s1 =	sld [smem:$0x572]  }
0x341: {  	[smem:$0x5BC] =	sst s2  }
0x342: {  	s2 =	sld [smem:$0x573];
	_ =	sdelay $0x2  }
0x343: {  	s1 =	sadd.s32 s2, s1;
	s2 =	sld [smem:$0x575]  }
0x344: {  	[smem:$0x625] =	sst s1  }
0x345: {  	s0 =	sshra.s32 s0, $0x1F;
	s1 =	sld [smem:$0x574]  }
0x346: {  	s0 =	smul.u32 $0x431BDE83, s0;
	_ =	sdelay $0x1  }
0x347: {  	[smem:$0x5BD] =	sst s0;
	s0 =	spop (v2sf);
	s1 =	sadd.s32 s2, s1  }
0x348: {  	s2 =	smulhi.u32 $0x431BDE83, s0;
	[smem:$0x628] =	sst s1  }
0x349: {  	s1 =	sld [smem:$0x576]  }
0x34a: {  	[smem:$0x5BE] =	sst s2  }
0x34b: {  	s2 =	sld [smem:$0x577];
	_ =	sdelay $0x2  }
0x34c: {  	s1 =	sadd.s32 s2, s1;
	s2 =	sld [smem:$0x579]  }
0x34d: {  	[smem:$0x62A] =	sst s1  }
0x34e: {  	s0 =	sshra.s32 s0, $0x1F;
	s1 =	sld [smem:$0x578]  }
0x34f: {  	s0 =	smul.u32 $0x431BDE83, s0;
	_ =	sdelay $0x1  }
0x350: {  	[smem:$0x5BF] =	sst s0;
	s0 =	spop (v2sf);
	s1 =	sadd.s32 s2, s1  }
0x351: {  	s2 =	smulhi.u32 $0x431BDE83, s0;
	[smem:$0x62C] =	sst s1  }
0x352: {  	s1 =	sld [smem:$0x57A]  }
0x353: {  	[smem:$0x5C0] =	sst s2  }
0x354: {  	s2 =	sld [smem:$0x57B];
	_ =	sdelay $0x2  }
0x355: {  	s1 =	sadd.s32 s2, s1;
	s2 =	sld [smem:$0x57D]  }
0x356: {  	[smem:$0x62E] =	sst s1  }
0x357: {  	s0 =	sshra.s32 s0, $0x1F;
	s1 =	sld [smem:$0x57C]  }
0x358: {  	s0 =	smul.u32 $0x431BDE83, s0;
	_ =	sdelay $0x1  }
0x359: {  	[smem:$0x5C1] =	sst s0;
	s0 =	spop (v2sf);
	s1 =	sadd.s32 s2, s1  }
0x35a: {  	s2 =	smulhi.u32 $0x431BDE83, s0;
	[smem:$0x630] =	sst s1  }
0x35b: {  	s1 =	sld [smem:$0x57E]  }
0x35c: {  	[smem:$0x5C2] =	sst s2  }
0x35d: {  	s2 =	sld [smem:$0x57F];
	_ =	sdelay $0x2  }
0x35e: {  	s1 =	sadd.s32 s2, s1;
	s2 =	sld [smem:$0x581]  }
0x35f: {  	[smem:$0x621] =	sst s1  }
0x360: {  	s0 =	sshra.s32 s0, $0x1F;
	s1 =	sld [smem:$0x580]  }
0x361: {  	s16 =	sadd.s32 s16, s14;
	s0 =	smul.u32 $0x431BDE83, s0  }
0x362: {  	[smem:$0x634] =	sst s16  }
0x363: {  	[smem:$0x5C3] =	sst s0;
	s0 =	spop (v2sf);
	s1 =	sadd.s32 s2, s1  }
0x364: {  	s2 =	smulhi.u32 $0x431BDE83, s0;
	[smem:$0x631] =	sst s1  }
0x365: {  	s1 =	sld [smem:$0x582]  }
0x366: {  	[smem:$0x5C4] =	sst s2  }
0x367: {  	s13 =	sadd.s32 s17, s13;
	s2 =	sld [smem:$0x583]  }
0x368: {  	s18 =	sadd.s32 s20, s18;
	[smem:$0x636] =	sst s13  }
0x369: {  	[smem:$0x63A] =	sst s18  }
0x36a: {  	s1 =	sadd.s32 s2, s1;
	s2 =	sld [smem:$0x585]  }
0x36b: {  	s22 =	smul.u32 $0x431BDE83, s22;
	[smem:$0x633] =	sst s1  }
0x36c: {  	s20 =	sadd.s32 s21, s12;
	(v2sf) =	vpush v9, $0xE;
	s0 =	sshra.s32 s0, $0x1F;
	s1 =	sld [smem:$0x584]  }
0x36d: {  	s22 =	sadd.s32 s22, s11;
	[smem:$0x63C] =	sst s20;
	s0 =	smul.u32 $0x431BDE83, s0  }
0x36e: {  	[smem:$0x63E] =	sst s22  }
0x36f: {  	[smem:$0x5C5] =	sst s0;
	s0 =	spop (v2sf);
	s1 =	sadd.s32 s2, s1  }
0x370: {  	s2 =	smulhi.u32 $0x431BDE83, s0;
	[smem:$0x635] =	sst s1  }
0x371: {  	s1 =	sld [smem:$0x586]  }
0x372: {  	[smem:$0x5C6] =	sst s2  }
0x373: {  	s12 =	sadd.s32 s7, s6;
	s2 =	sld [smem:$0x587]  }
0x374: {  	s16 =	sadd.s32 s19, s15;
	[smem:$0x640] =	sst s12  }
0x375: {  	[smem:$0x638] =	sst s16  }
0x376: {  	s1 =	sadd.s32 s2, s1;
	s2 =	sld [smem:$0x589]  }
0x377: {  	[smem:$0x637] =	sst s1  }
0x378: {  	s20 =	sadd.s32 s30, s28;
	(v2sf) =	vpush v9, $0xF;
	s0 =	sshra.s32 s0, $0x1F;
	s1 =	sld [smem:$0x588]  }
0x379: {  	s22 =	sadd.s32 s3, s10;
	[smem:$0x647] =	sst s20;
	s0 =	smul.u32 $0x431BDE83, s0  }
0x37a: {  	[smem:$0x64A] =	sst s22  }
0x37b: {  	[smem:$0x5C7] =	sst s0;
	s0 =	spop (v2sf);
	s1 =	sadd.s32 s2, s1  }
0x37c: {  	s2 =	smulhi.u32 $0x431BDE83, s0;
	[smem:$0x63B] =	sst s1  }
0x37d: {  	s1 =	sld [smem:$0x58A]  }
0x37e: {  	(v2sf) =	vpush v9, $0x9;
	[smem:$0x5C8] =	sst s2  }
0x37f: {  	(v2sf) =	vpush v9, $0x8;
	s2 =	sld [smem:$0x58B]  }
0x380: {  	s30 =	sld [smem:$0x593]  }
0x381: {  	s12 =	sld [smem:$0x596]  }
0x382: {  	s1 =	sadd.s32 s2, s1;
	s2 =	sld [smem:$0x58D]  }
0x383: {  	[smem:$0x639] =	sst s1  }
0x384: {  	s0 =	sshra.s32 s0, $0x1F;
	s1 =	sld [smem:$0x58C]  }
0x385: {  	s20 =	sld [smem:$0x59B];
	s0 =	smul.u32 $0x431BDE83, s0  }
0x386: {  	s22 =	sld [smem:$0x59C];
	(v2sf) =	vpush v9, $0xA  }
0x387: {  	[smem:$0x5C9] =	sst s0;
	s0 =	spop (v2sf);
	s1 =	sadd.s32 s2, s1  }
0x388: {  	s2 =	smulhi.u32 $0x431BDE83, s0;
	[smem:$0x63D] =	sst s1  }
0x389: {  	s1 =	sld [smem:$0x58E]  }
0x38a: {  	s0 =	sshra.s32 s0, $0x1F;
	[smem:$0x5CA] =	sst s2  }
0x38b: {  	s16 =	sadd.s32 s24, s5;
	s0 =	smul.u32 $0x431BDE83, s0;
	s2 =	sld [smem:$0x58F]  }
0x38c: {  	[smem:$0x644] =	sst s16  }
0x38d: {  	[smem:$0x5CB] =	sst s0;
	s0 =	spop (v2sf)  }
0x38e: {  	(v2sf) =	vpush v9, $0xB;
	s14 =	spop (v2sf);
	s1 =	sadd.s32 s2, s1;
	s2 =	smulhi.u32 $0x431BDE83, s0  }
0x38f: {  	s16 =	sld [smem:$0x598];
	s0 =	sshra.s32 s0, $0x1F;
	s17 =	smulhi.u32 $0x431BDE83, s14  }
0x390: {  	[smem:$0x63F] =	sst s1;
	s13 =	smul.u32 $0x431BDE83, s0  }
0x391: {  	(v2sf) =	vpush v9, $0x0;
	s0 =	sshra.s32 s14, $0x1F;
	s14 =	sadd.s32 s8, s4;
	s8 =	sld [smem:$0x594]  }
0x392: {  	(v2sf) =	vpush v9, $0x1;
	[smem:$0x5CC] =	sst s2  }
0x393: {  	[smem:$0x5CD] =	sst s17  }
0x394: {  	(v2sf) =	vpush v9, $0x2;
	[smem:$0x632] =	sst s14  }
0x395: {  	s19 =	spop (v2sf);
	s17 =	sadd.s32 s25, s23;
	s25 =	sld [smem:$0x590]  }
0x396: {  	(v2sf) =	vpush v9, $0x3;
	s21 =	smulhi.u32 $0x431BDE83, s19;
	s23 =	sadd.s32 s31, s9;
	s9 =	sld [smem:$0x595]  }
0x397: {  	s14 =	sld [smem:$0x597]  }
0x398: {  	[smem:$0x5CF] =	sst s21  }
0x399: {  	[smem:$0x642] =	sst s17  }
0x39a: {  	[smem:$0x648] =	sst s23  }
0x39b: {  	s0 =	smul.u32 $0x431BDE83, s0;
	s17 =	sld [smem:$0x599]  }
0x39c: {  	s23 =	sld [smem:$0x59D]  }
0x39d: {  	s2 =	spop (v2sf);
	[smem:$0x5CE] =	sst s0  }
0x39e: {  	s0 =	sshra.s32 s19, $0x1F;
	s19 =	sadd.s32 s29, s26;
	s26 =	sld [smem:$0x591]  }
0x39f: {  	s6 =	smulhi.u32 $0x431BDE83, s2;
	s29 =	sld [smem:$0x592]  }
0x3a0: {  	s15 =	spop (v2sf);
	[smem:$0x645] =	sst s19  }
0x3a1: {  	s18 =	spop (v2sf);
	s19 =	sld [smem:$0x59A]  }
0x3a2: {  	s11 =	smul.u32 $0x431BDE83, s0;
	s0 =	sshra.s32 s2, $0x1F;
	s2 =	sld [smem:$0x5A2]  }
0x3a3: {  	s21 =	spop (v2sf);
	s1 =	sadd.s32 s26, s25;
	s25 =	sld [smem:$0x59E]  }
0x3a4: {  	s4 =	smul.u32 $0x431BDE83, s0;
	s26 =	sld [smem:$0x59F]  }
0x3a5: {  	s0 =	sshra.s32 s15, $0x1F;
	s24 =	spop (v2sf);
	[smem:$0x64C] =	sst s1  }
0x3a6: {  	s0 =	smul.u32 $0x431BDE83, s0;
	s1 =	sadd.s32 s30, s29;
	s29 =	sld [smem:$0x5A0]  }
0x3a7: {  	s28 =	smulhi.u32 $0x431BDE83, s24;
	s30 =	sld [smem:$0x5A1]  }
0x3a8: {  	(v2sf) =	vpush v9, $0x4;
	[smem:$0x5D0] =	sst s0  }
0x3a9: {  	[smem:$0x5D3] =	sst s28  }
0x3aa: {  	[smem:$0x64E] =	sst s1  }
0x3ab: {  	s1 =	sadd.s32 s9, s8;
	s8 =	sld [smem:$0x5A3]  }
0x3ac: {  	v45 =	vld [tilespmem:$0x2D0];
	[smem:$0x643] =	sst s1  }
0x3ad: {  	(v2sf) =	vpush v9, $0x5;
	s0 =	sshra.s32 s18, $0x1F;
	s1 =	sadd.s32 s14, s12;
	s12 =	sld [smem:$0x5A5]  }
0x3ae: {  	s0 =	smul.u32 $0x431BDE83, s0;
	[smem:$0x646] =	sst s1  }
0x3af: {  	v46 =	vld [tilespmem:$0xD0];
	s1 =	sadd.s32 s17, s16;
	s16 =	sld [smem:$0x5A7]  }
0x3b0: {  	(v2sf) =	vpush v9, $0x6;
	[smem:$0x5D1] =	sst s0  }
0x3b1: {  	v47 =	vand.u32 $0x3FF, v45;
	[smem:$0x649] =	sst s1  }
0x3b2: {  	v11 =	vshra.s32 v45, $0xA;
	v13 =	vmul.u32 $0x16A95, v47;
	s1 =	sadd.s32 s20, s19;
	s19 =	sld [smem:$0x5A9]  }
0x3b3: {  	v11 =	vmul.u32 $0xBE40, v11;
	[smem:$0x64B] =	sst s1  }
0x3b4: {  	v12 =	vadd.s32 v46, v13;
	(v2sf) =	vpush v9, $0x7;
	s0 =	sshra.s32 s21, $0x1F;
	s1 =	sadd.s32 s23, s22;
	s22 =	sld [smem:$0x5AB]  }
0x3b5: {  	v11 =	vadd.s32 v11, v12;
	s0 =	smul.u32 $0x431BDE83, s0;
	[smem:$0x64D] =	sst s1  }
0x3b6: {  	(v2sf) =	vpush v11, $0xD;
	s1 =	sadd.s32 s26, s25;
	s25 =	sld [smem:$0x5AD]  }
0x3b7: {  	s31 =	spop (v2sf);
	[smem:$0x5D2] =	sst s0  }
0x3b8: {  	s10 =	smulhi.u32 $0x431BDE83, s31;
	[smem:$0x64F] =	sst s1  }
0x3b9: {  	s1 =	sadd.s32 s30, s29;
	s30 =	sld [smem:$0x5AF]  }
0x3ba: {  	s5 =	smulhi.u32 $0x431BDE83, s15;
	(v2sf) =	vpush v11, $0xC;
	[smem:$0x5D5] =	sst s10  }
0x3bb: {  	s7 =	smulhi.u32 $0x431BDE83, s18;
	[smem:$0x650] =	sst s1  }
0x3bc: {  	(v2sf) =	vpush v11, $0xE;
	s15 =	spop (v2sf);
	s10 =	sld [smem:$0x5A4]  }
0x3bd: {  	s18 =	smulhi.u32 $0x431BDE83, s15;
	s1 =	sadd.s32 s8, s2;
	s2 =	sld [smem:$0x5B0]  }
0x3be: {  	s3 =	smulhi.u32 $0x431BDE83, s21;
	s8 =	sld [smem:$0x5B1]  }
0x3bf: {  	s0 =	sshra.s32 s24, $0x1F;
	s21 =	spop (v2sf);
	[smem:$0x5D7] =	sst s18  }
0x3c0: {  	s0 =	smul.u32 $0x431BDE83, s0;
	[smem:$0x641] =	sst s1  }
0x3c1: {  	s24 =	smulhi.u32 $0x431BDE83, s21;
	s18 =	sld [smem:$0x5A8]  }
0x3c2: {  	[smem:$0x5D4] =	sst s0  }
0x3c3: {  	s28 =	spop (v2sf);
	[smem:$0x5D9] =	sst s24  }
0x3c4: {  	s0 =	sshra.s32 s31, $0x1F;
	s31 =	smulhi.u32 $0x431BDE83, s28;
	s24 =	sld [smem:$0x5AC]  }
0x3c5: {  	s9 =	spop (v2sf);
	s1 =	sadd.s32 s12, s10;
	s10 =	sld [smem:$0x5B3]  }
0x3c6: {  	s0 =	smul.u32 $0x431BDE83, s0;
	[smem:$0x5DB] =	sst s31  }
0x3c7: {  	s14 =	smulhi.u32 $0x431BDE83, s9;
	[smem:$0x653] =	sst s1  }
0x3c8: {  	[smem:$0x5D6] =	sst s0  }
0x3c9: {  	s17 =	spop (v2sf);
	[smem:$0x5DD] =	sst s14  }
0x3ca: {  	s20 =	smulhi.u32 $0x431BDE83, s17;
	s0 =	sshra.s32 s15, $0x1F;
	s15 =	sld [smem:$0x5A6]  }
0x3cb: {  	s23 =	spop (v2sf);
	s14 =	sld [smem:$0x5B4]  }
0x3cc: {  	s26 =	smulhi.u32 $0x431BDE83, s23;
	[smem:$0x5DE] =	sst s20  }
0x3cd: {  	s0 =	smul.u32 $0x431BDE83, s0;
	s20 =	sld [smem:$0x5B9]  }
0x3ce: {  	[smem:$0x5E0] =	sst s26  }
0x3cf: {  	[smem:$0x5D8] =	sst s0  }
0x3d0: {  	s0 =	sshra.s32 s21, $0x1F;
	s21 =	sld [smem:$0x5AA]  }
0x3d1: {  	s1 =	sadd.s32 s16, s15;
	s15 =	sld [smem:$0x5B5]  }
0x3d2: {  	s16 =	sld [smem:$0x5B6]  }
0x3d3: {  	[smem:$0x654] =	sst s1  }
0x3d4: {  	s0 =	smul.u32 $0x431BDE83, s0;
	s1 =	sadd.s32 s19, s18;
	s19 =	sld [smem:$0x5B8]  }
0x3d5: {  	(v2sf) =	vpush v11, $0xF;
	[smem:$0x656] =	sst s1  }
0x3d6: {  	(v2sf) =	vpush v11, $0x9;
	[smem:$0x5DA] =	sst s0  }
0x3d7: {  	s0 =	sshra.s32 s28, $0x1F;
	s28 =	sld [smem:$0x5AE]  }
0x3d8: {  	(v2sf) =	vpush v11, $0x8;
	s1 =	sadd.s32 s22, s21;
	s21 =	sld [smem:$0x5BA]  }
0x3d9: {  	s0 =	smul.u32 $0x431BDE83, s0;
	[smem:$0x658] =	sst s1;
	s1 =	sadd.s32 s25, s24  }
0x3da: {  	[smem:$0x65C] =	sst s1  }
0x3db: {  	[smem:$0x5DC] =	sst s0  }
0x3dc: {  	s0 =	sshra.s32 s9, $0x1F;
	s9 =	sld [smem:$0x5B2]  }
0x3dd: {  	s1 =	sadd.s32 s30, s28;
	s30 =	sld [smem:$0x5BB]  }
0x3de: {  	[smem:$0x65A] =	sst s1  }
0x3df: {  	(v2sf) =	vpush v11, $0xA;
	s29 =	smul.u32 $0x431BDE83, s0;
	s0 =	sshra.s32 s17, $0x1F;
	s17 =	sld [smem:$0x5B7]  }
0x3e0: {  	s1 =	sadd.s32 s8, s2;
	s8 =	sld [smem:$0x5BC]  }
0x3e1: {  	(v2sf) =	vpush v11, $0xB;
	s2 =	sld [smem:$0x5C4]  }
0x3e2: {  	[smem:$0x65E] =	sst s1  }
0x3e3: {  	s0 =	smul.u32 $0x431BDE83, s0;
	s1 =	sadd.s32 s10, s9;
	s9 =	sld [smem:$0x5BD]  }
0x3e4: {  	s31 =	spop (v2sf);
	s10 =	sld [smem:$0x5BE]  }
0x3e5: {  	(v2sf) =	vpush v11, $0x0;
	s12 =	spop (v2sf);
	[smem:$0x5DF] =	sst s0  }
0x3e6: {  	s25 =	smulhi.u32 $0x431BDE83, s12;
	[smem:$0x660] =	sst s1  }
0x3e7: {  	s18 =	spop (v2sf);
	s1 =	sadd.s32 s15, s14;
	s15 =	sld [smem:$0x5C0]  }
0x3e8: {  	s28 =	smulhi.u32 $0x431BDE83, s31;
	[smem:$0x652] =	sst s1  }
0x3e9: {  	s0 =	sshra.s32 s23, $0x1F;
	s1 =	sadd.s32 s17, s16;
	s16 =	sld [smem:$0x5C1]  }
0x3ea: {  	s26 =	smul.u32 $0x431BDE83, s0;
	s0 =	sshra.s32 s31, $0x1F;
	s17 =	sld [smem:$0x5C2]  }
0x3eb: {  	s24 =	smul.u32 $0x431BDE83, s0;
	[smem:$0x655] =	sst s1  }
0x3ec: {  	s0 =	sshra.s32 s12, $0x1F;
	s1 =	sadd.s32 s20, s19;
	s12 =	sld [smem:$0x5BF]  }
0x3ed: {  	s23 =	smulhi.u32 $0x431BDE83, s18;
	[smem:$0x657] =	sst s1  }
0x3ee: {  	s31 =	spop (v2sf);
	s1 =	sadd.s32 s30, s21;
	s30 =	sld [smem:$0x5C3]  }
0x3ef: {  	(v2sf) =	vpush v11, $0x1;
	s20 =	smulhi.u32 $0x431BDE83, s31;
	[smem:$0x659] =	sst s1  }
0x3f0: {  	s14 =	spop (v2sf);
	s1 =	sadd.s32 s9, s8;
	s8 =	sld [smem:$0x5C5]  }
0x3f1: {  	s22 =	smul.u32 $0x431BDE83, s0;
	s0 =	sshra.s32 s18, $0x1F;
	s9 =	sld [smem:$0x5C6]  }
0x3f2: {  	(v2sf) =	vpush v11, $0x2;
	s21 =	smul.u32 $0x431BDE83, s0;
	[smem:$0x65B] =	sst s1  }
0x3f3: {  	s0 =	sshra.s32 s31, $0x1F;
	s1 =	sadd.s32 s12, s10;
	s10 =	sld [smem:$0x5C7]  }
0x3f4: {  	s31 =	spop (v2sf);
	[smem:$0x65D] =	sst s1;
	s1 =	sadd.s32 s16, s15  }
0x3f5: {  	s18 =	smul.u32 $0x431BDE83, s0;
	s0 =	sshra.s32 s14, $0x1F;
	[smem:$0x65F] =	sst s1  }
0x3f6: {  	s16 =	smulhi.u32 $0x431BDE83, s31;
	s1 =	sadd.s32 s30, s17;
	s30 =	sld [smem:$0x5C8]  }
0x3f7: {  	s17 =	smul.u32 $0x431BDE83, s0;
	s0 =	sshra.s32 s31, $0x1F;
	s31 =	sld [smem:$0x5C9]  }
0x3f8: {  	(v2sf) =	vpush v11, $0x3;
	[smem:$0x651] =	sst s1  }
0x3f9: {  	s1 =	sadd.s32 s8, s2;
	s2 =	sld [smem:$0x5CA]  }
0x3fa: {  	(v2sf) =	vpush v11, $0x4;
	s8 =	sld [smem:$0x5CB]  }
0x3fb: {  	[smem:$0x661] =	sst s1  }
0x3fc: {  	s1 =	sadd.s32 s10, s9;
	s10 =	sld [smem:$0x5CC]  }
0x3fd: {  	s19 =	smulhi.u32 $0x431BDE83, s14;
	[smem:$0x662] =	sst s1  }
0x3fe: {  	s12 =	spop (v2sf);
	s1 =	sadd.s32 s31, s30;
	s30 =	sld [smem:$0x5CD]  }
0x3ff: {  	(v2sf) =	vpush v11, $0x5;
	s15 =	smulhi.u32 $0x431BDE83, s12;
	s31 =	sld [smem:$0x5CE]  }
0x400: {  	s14 =	smul.u32 $0x431BDE83, s0;
	s0 =	sshra.s32 s12, $0x1F;
	[smem:$0x665] =	sst s1  }
0x401: {  	s9 =	spop (v2sf);
	s1 =	sadd.s32 s8, s2;
	s2 =	sld [smem:$0x5D0]  }
0x402: {  	(v2sf) =	vpush v11, $0x6;
	s12 =	smul.u32 $0x431BDE83, s0;
	s0 =	sshra.s32 s9, $0x1F;
	[smem:$0x666] =	sst s1  }
0x403: {  	s1 =	sadd.s32 s13, s10;
	s13 =	smulhi.u32 $0x431BDE83, s9;
	s9 =	sld [smem:$0x5CF]  }
0x404: {  	[smem:$0x66A] =	sst s1  }
0x405: {  	s1 =	sadd.s32 s31, s30;
	s30 =	sadd.s32 s4, s6;
	s4 =	sld [smem:$0x5D1]  }
0x406: {  	[smem:$0x668] =	sst s1  }
0x407: {  	s8 =	spop (v2sf);
	[smem:$0x66E] =	sst s30  }
0x408: {  	s10 =	smul.u32 $0x431BDE83, s0;
	s30 =	sld [smem:$0x5D3];
	s1 =	sadd.s32 s11, s9  }
0x409: {  	s31 =	spop (v2sf);
	[smem:$0x66C] =	sst s1;
	s1 =	sadd.s32 s2, s5  }
0x40a: {  	s0 =	sshra.s32 s8, $0x1F;
	s11 =	smulhi.u32 $0x431BDE83, s8;
	[smem:$0x664] =	sst s1  }
0x40b: {  	v48 =	vld [tilespmem:$0x2E0];
	s8 =	smul.u32 $0x431BDE83, s0;
	s1 =	sadd.s32 s4, s7;
	s7 =	sld [smem:$0x5D2]  }
0x40c: {  	s9 =	smulhi.u32 $0x431BDE83, s31;
	s0 =	sshra.s32 s31, $0x1F;
	s31 =	sld [smem:$0x5D4]  }
0x40d: {  	s6 =	smul.u32 $0x431BDE83, s0;
	s2 =	sld [smem:$0x5D7]  }
0x40e: {  	v49 =	vld [tilespmem:$0xE0];
	s5 =	spop (v2sf);
	[smem:$0x667] =	sst s1;
	s1 =	sadd.s32 s7, s3  }
0x40f: {  	s0 =	sshra.s32 s5, $0x1F;
	s7 =	smulhi.u32 $0x431BDE83, s5;
	[smem:$0x669] =	sst s1  }
0x410: {  	v50 =	vand.u32 $0x3FF, v48;
	s5 =	smul.u32 $0x431BDE83, s0;
	s1 =	sadd.s32 s31, s30;
	s30 =	sld [smem:$0x5D5]  }
0x411: {  	v14 =	vmul.u32 $0x16A95, v50;
	v12 =	vshra.s32 v48, $0xA;
	s3 =	spop (v2sf);
	s31 =	sld [smem:$0x5D6]  }
0x412: {  	v12 =	vmul.u32 $0xBE40, v12;
	(v2sf) =	vpush v11, $0x7;
	s4 =	smulhi.u32 $0x431BDE83, s3;
	s0 =	sshra.s32 s3, $0x1F;
	s3 =	sld [smem:$0x5D8]  }
0x413: {  	v13 =	vadd.s32 v49, v14;
	[smem:$0x66B] =	sst s1  }
0x414: {  	v12 =	vadd.s32 v12, v13;
	s1 =	sadd.s32 s31, s30;
	s30 =	sld [smem:$0x5D9]  }
0x415: {  	(v2sf) =	vpush v12, $0xD;
	s31 =	sld [smem:$0x5DA]  }
0x416: {  	[smem:$0x66D] =	sst s1;
	s1 =	sadd.s32 s3, s2  }
0x417: {  	[smem:$0x66F] =	sst s1  }
0x418: {  	(v2sf) =	vpush v12, $0xC;
	s1 =	sadd.s32 s31, s30;
	s30 =	sld [smem:$0x5DC]  }
0x419: {  	[smem:$0x670] =	sst s1  }
0x41a: {  	(v2sf) =	vpush v12, $0xE;
	s1 =	sld [smem:$0x5DB];
	_ =	sdelay $0x1  }
0x41b: {  	(v2sf) =	vpush v12, $0xF  }
0x41c: {  	s24 =	sadd.s32 s24, s28;
	s1 =	sadd.s32 s30, s1;
	s30 =	sld [smem:$0x5DD]  }
0x41d: {  	[smem:$0x674] =	sst s24;
	s22 =	sadd.s32 s22, s25;
	(v2sf) =	vpush v12, $0x9  }
0x41e: {  	[smem:$0x676] =	sst s22  }
0x41f: {  	(v2sf) =	vpush v12, $0x8;
	s3 =	smul.u32 $0x431BDE83, s0;
	s31 =	sadd.s32 s29, s30;
	s29 =	sld [smem:$0x5DE]  }
0x420: {  	s21 =	sadd.s32 s21, s23;
	s0 =	spop (v2sf);
	s30 =	sld [smem:$0x5DF]  }
0x421: {  	[smem:$0x675] =	sst s21;
	(v2sf) =	vpush v12, $0xA;
	s2 =	smulhi.u32 $0x431BDE83, s0;
	s0 =	sshra.s32 s0, $0x1F  }
0x422: {  	s18 =	sadd.s32 s18, s20;
	[smem:$0x663] =	sst s1;
	s1 =	smul.u32 $0x431BDE83, s0  }
0x423: {  	(v2sf) =	vpush v12, $0xB;
	s0 =	spop (v2sf);
	s29 =	sadd.s32 s30, s29;
	s30 =	sld [smem:$0x5E0]  }
0x424: {  	[smem:$0x671] =	sst s31;
	s31 =	smulhi.u32 $0x431BDE83, s0;
	s0 =	sshra.s32 s0, $0x1F  }
0x425: {  	[smem:$0x678] =	sst s18;
	(v2sf) =	vpush v12, $0x0;
	s0 =	smul.u32 $0x431BDE83, s0  }
0x426: {  	[smem:$0x672] =	sst s29;
	s29 =	spop (v2sf);
	(v2sf) =	vpush v12, $0x1;
	s26 =	sadd.s32 s26, s30  }
0x427: {  	[smem:$0x673] =	sst s26;
	s26 =	smulhi.u32 $0x431BDE83, s29;
	s29 =	sshra.s32 s29, $0x1F  }
0x428: {  	s17 =	sadd.s32 s17, s19;
	s24 =	smul.u32 $0x431BDE83, s29;
	s29 =	spop (v2sf);
	(v2sf) =	vpush v12, $0x2  }
0x429: {  	[smem:$0x679] =	sst s17;
	s22 =	smulhi.u32 $0x431BDE83, s29;
	s30 =	sshra.s32 s29, $0x1F  }
0x42a: {  	s14 =	sadd.s32 s14, s16;
	s28 =	spop (v2sf);
	(v2sf) =	vpush v12, $0x3;
	s21 =	smul.u32 $0x431BDE83, s30  }
0x42b: {  	[smem:$0x677] =	sst s14;
	s18 =	smulhi.u32 $0x431BDE83, s28;
	s29 =	sshra.s32 s28, $0x1F  }
0x42c: {  	s10 =	sadd.s32 s10, s13;
	s30 =	spop (v2sf);
	s17 =	smul.u32 $0x431BDE83, s29  }
0x42d: {  	[smem:$0x67A] =	sst s10;
	s14 =	smulhi.u32 $0x431BDE83, s30;
	s20 =	sshra.s32 s30, $0x1F  }
0x42e: {  	s19 =	sadd.s32 s12, s15;
	s23 =	spop (v2sf);
	s12 =	smul.u32 $0x431BDE83, s20  }
0x42f: {  	s15 =	sadd.s32 s8, s11;
	s10 =	smulhi.u32 $0x431BDE83, s23;
	s25 =	sshra.s32 s23, $0x1F  }
0x430: {  	s13 =	sadd.s32 s6, s9;
	s28 =	spop (v2sf);
	s8 =	smul.u32 $0x431BDE83, s25  }
0x431: {  	s5 =	sadd.s32 s5, s7;
	s6 =	smulhi.u32 $0x431BDE83, s28;
	s29 =	sshra.s32 s28, $0x1F  }
0x432: {  	s3 =	sadd.s32 s3, s4;
	s20 =	spop (v2sf);
	s30 =	smul.u32 $0x431BDE83, s29  }
0x433: {  	[dreg:$0x1b] =	wrdreg s3;
	s3 =	smulhi.u32 $0x431BDE83, s20;
	s23 =	sshra.s32 s20, $0x1F  }
0x434: {  	s16 =	sadd.s32 s1, s2;
	s4 =	spop (v2sf);
	s25 =	smul.u32 $0x431BDE83, s23  }
0x435: {  	s7 =	smulhi.u32 $0x431BDE83, s4;
	s2 =	sshra.s32 s4, $0x1F;
	s9 =	spop (v2sf)  }
0x436: {  	s23 =	sadd.s32 s24, s26;
	s11 =	smulhi.u32 $0x431BDE83, s9;
	s4 =	sshra.s32 s9, $0x1F  }
0x437: {  	s26 =	sadd.s32 s17, s18;
	s4 =	smul.u32 $0x431BDE83, s4;
	s17 =	spop (v2sf)  }
0x438: {  	[dreg:$0x1d] =	wrdreg s5;
	s20 =	smulhi.u32 $0x431BDE83, s17;
	s9 =	sshra.s32 s17, $0x1F  }
0x439: {  	s24 =	sadd.s32 s21, s22;
	s28 =	spop (v2sf);
	s22 =	smul.u32 $0x431BDE83, s9  }
0x43a: {  	s0 =	sadd.s32 s0, s31;
	s17 =	sadd.s32 s30, s6;
	s29 =	smulhi.u32 $0x431BDE83, s28  }
0x43b: {  	s30 =	sshra.s32 s28, $0x1F;
	s20 =	sadd.s32 s22, s20;
	s22 =	sld [smem:$0x5E1]  }
0x43c: {  	s21 =	sadd.s32 s25, s3;
	s6 =	sld [smem:$0x5E2];
	s3 =	smul.u32 $0x431BDE83, s30  }
0x43d: {  	[dreg:$0x17] =	wrdreg s0;
	s25 =	sadd.s32 s4, s11  }
0x43e: {  	s0 =	sadd.s32 s3, s29;
	s29 =	sld [smem:$0x5E5];
	s4 =	sshra.s32 s22, $0x1F  }
0x43f: {  	vm3 =	vcmask $0x300;
	s31 =	sadd.s32 s8, s10;
	s2 =	smul.u32 $0x431BDE83, s2;
	s8 =	sshra.s32 s6, $0x12;
	v51 =	vmov s4  }
0x440: {  	vm12 =	vcmask $0x704;
	s18 =	sadd.s32 s12, s14;
	s12 =	sld [smem:$0x5E4];
	s9 =	sshra.s32 s6, $0x1F;
	v13 =	vsel vm3, s8, v51  }
0x441: {  	s10 =	sld [smem:$0x5E3];
	s28 =	sadd.s32 s2, s7;
	s30 =	sshra.s32 s29, $0x12;
	v13 =	vsel vm12, s9, v13  }
0x442: {  	vm13 =	vcmask $0xF0C;
	s7 =	sshrl.u32 s6, $0x1F;
	s6 =	sld [smem:$0x5E6];
	s5 =	sshra.s32 s29, $0x1F;
	v13 =	vsel vm0, s30, v13  }
0x443: {  	s14 =	sshrl.u32 s12, $0x1F;
	v13 =	vsel vm13, s5, v13;
	s5 =	sld [smem:$0x5E7]  }
0x444: {  	v52 =	vmov s14;
	s11 =	sshrl.u32 s10, $0x1F;
	s9 =	sld [smem:$0x5E8]  }
0x445: {  	s1 =	sshra.s32 s12, $0x12;
	v14 =	vsel vm0, s11, v52;
	v53 =	vmov s7;
	[dreg:$0x11] =	wrdreg s0;
	s7 =	sshrl.u32 s6, $0x1F  }
0x446: {  	s3 =	sshrl.u32 s29, $0x1F;
	v14 =	vsel vm1, s7, v14;
	s29 =	sld [smem:$0x5EA];
	s8 =	sshrl.u32 s5, $0x1F  }
0x447: {  	s0 =	sshra.s32 s10, $0x12;
	v15 =	vnsel vm3, $0x0, v53;
	s11 =	sshra.s32 s9, $0x12;
	v0 =	vsel vm2, s8, v14;
	s8 =	sld [smem:$0x5E9]  }
0x448: {  	vm14 =	vcmask $0x1714;
	s7 =	sld [smem:$0x5EB];
	v15 =	vsel vm0, s3, v15;
	s10 =	sshrl.u32 s9, $0x1F;
	s12 =	sshra.s32 s9, $0x1F;
	v13 =	vsel vm1, s11, v13  }
0x449: {  	s9 =	sld [smem:$0x5EF];
	v54 =	vsel vm1, s10, v15;
	s10 =	sshra.s32 s29, $0x12;
	v13 =	vsel vm14, s12, v13  }
0x44a: {  	v13 =	vsel vm2, s10, v13;
	s10 =	sld [smem:$0x5ED];
	s14 =	sshrl.u32 s8, $0x1F  }
0x44b: {  	s2 =	sshra.s32 s6, $0x12;
	s6 =	sshrl.u32 s22, $0x1F;
	v56 =	vmov s14;
	s14 =	sld [smem:$0x5EC]  }
0x44c: {  	vm6 =	vmmov vm7;
	vm7 =	vmmov vm11;
	vm9 =	vcmask $0x1F1C;
	s3 =	sshrl.u32 s7, $0x1F;
	s11 =	sshra.s32 s29, $0x1F;
	s12 =	sld [smem:$0x5EE]  }
0x44d: {  	vm11 =	vcmask $0x2320;
	s30 =	sshrl.u32 s29, $0x1F;
	v13 =	vsel vm9, s11, v13;
	s11 =	sld [smem:$0x5F0];
	s29 =	sshrl.u32 s10, $0x1F;
	v15 =	vsel vm0, s3, v56  }
0x44e: {  	v57 =	vmov s1;
	s1 =	sshra.s32 s5, $0x12;
	v14 =	vsel vm2, s30, v54;
	s3 =	sshrl.u32 s9, $0x1F;
	v15 =	vsel vm1, s29, v15;
	s4 =	sshrl.u32 s14, $0x1F  }
0x44f: {  	s30 =	sshrl.u32 s12, $0x1F;
	s29 =	sshra.s32 s14, $0x12;
	v18 =	vsel vm2, s3, v15;
	s3 =	sshra.s32 s7, $0x12;
	v14 =	vsel vm11, s4, v14  }
0x450: {  	s7 =	sshra.s32 s11, $0x12;
	s4 =	sshrl.u32 s11, $0x1F;
	v13 =	vsel vm11, s29, v13;
	v14 =	vsel vm4, s30, v14;
	s30 =	sshra.s32 s14, $0x1F  }
0x451: {  	vm10 =	vcmask $0x2F2C;
	s29 =	sshra.s32 s8, $0x12;
	v14 =	vsel vm6, s4, v14;
	v13 =	vsel vm15, s30, v13;
	s30 =	sshra.s32 s10, $0x12;
	s10 =	sld [smem:$0x5F1]  }
0x452: {  	vm5 =	vmmov vm4;
	s14 =	sshra.s32 s12, $0x12;
	v19 =	vsel vm7, s6, v14;
	v14 =	vsel vm0, s0, v57;
	s6 =	sshra.s32 s12, $0x1F;
	s12 =	sld [smem:$0x5F3]  }
0x453: {  	v58 =	vmov s29;
	v13 =	vsel vm5, s14, v13;
	v14 =	vsel vm1, s2, v14;
	s2 =	sshra.s32 s9, $0x12;
	s9 =	sshra.s32 s22, $0x12;
	s22 =	sld [smem:$0x5F2]  }
0x454: {  	(v2sf) =	vpush v12, $0x4;
	s8 =	sshra.s32 s11, $0x1F;
	s29 =	sld [smem:$0x5F4];
	v59 =	vsel vm0, s3, v58;
	v13 =	vsel vm10, s6, v13;
	s3 =	sshrl.u32 s10, $0x1F  }
0x455: {  	vm4 =	vmmov vm11;
	vm11 =	vcmask $0x3734;
	v13 =	vsel vm6, s7, v13;
	s0 =	sshra.s32 s10, $0x12;
	s10 =	sld [smem:$0x5F5];
	s14 =	sshrl.u32 s12, $0x1F  }
0x456: {  	v42 =	vsel vm2, s1, v14;
	v14 =	vsel vm1, s30, v59;
	v13 =	vsel vm11, s8, v13;
	s1 =	sshra.s32 s12, $0x12;
	s12 =	sld [smem:$0x5F6];
	s11 =	sshra.s32 s22, $0x1F  }
0x457: {  	s6 =	sld [smem:$0x5F7];
	s30 =	sshra.s32 s29, $0x12;
	v43 =	vsel vm2, s2, v14;
	s8 =	sshrl.u32 s29, $0x1F;
	v45 =	vsel vm7, s9, v13;
	v60 =	vmov s11  }
0x458: {  	s7 =	sld [smem:$0x5F9];
	s9 =	sshra.s32 s29, $0x1F;
	v62 =	vmov s14;
	v63 =	vmov s8;
	v61 =	vsel vm3, s30, v60  }
0x459: {  	s11 =	sshrl.u32 s10, $0x1F;
	v14 =	vsel vm0, s3, v62;
	v15 =	vnsel vm3, $0x0, v63;
	s29 =	sshrl.u32 s12, $0x1F;
	v13 =	vsel vm12, s9, v61;
	s9 =	sld [smem:$0x5F8]  }
0x45a: {  	s8 =	sshrl.u32 s6, $0x1F;
	s14 =	sshra.s32 s12, $0x12;
	v14 =	vsel vm1, s11, v14;
	v15 =	vsel vm0, s29, v15;
	s29 =	sld [smem:$0x5FA]  }
0x45b: {  	s30 =	sshra.s32 s12, $0x1F;
	v44 =	vsel vm2, s8, v14;
	s8 =	sld [smem:$0x5FB];
	v13 =	vsel vm0, s14, v13;
	s14 =	sshrl.u32 s7, $0x1F  }
0x45c: {  	s4 =	sshra.s32 s10, $0x12;
	v13 =	vsel vm13, s30, v13;
	v21 =	vmov s14;
	s14 =	sld [smem:$0x5FC];
	s11 =	sshra.s32 s9, $0x12  }
0x45d: {  	s10 =	sshrl.u32 s9, $0x1F;
	s12 =	sshra.s32 s9, $0x1F;
	s9 =	sld [smem:$0x5FD];
	v13 =	vsel vm1, s11, v13  }
0x45e: {  	s2 =	sshra.s32 s6, $0x12;
	v20 =	vsel vm1, s10, v15;
	s10 =	sshra.s32 s29, $0x12;
	v13 =	vsel vm14, s12, v13;
	s12 =	sld [smem:$0x5FE]  }
0x45f: {  	s30 =	sshrl.u32 s29, $0x1F;
	s11 =	sshra.s32 s29, $0x1F;
	v13 =	vsel vm2, s10, v13;
	s10 =	sld [smem:$0x5FF]  }
0x460: {  	s5 =	sshrl.u32 s8, $0x1F;
	s3 =	sshra.s32 s8, $0x12;
	v13 =	vsel vm9, s11, v13;
	s11 =	sld [smem:$0x600]  }
0x461: {  	s8 =	sshra.s32 s7, $0x12;
	v15 =	vsel vm0, s5, v21;
	s5 =	sld [smem:$0x604];
	v14 =	vsel vm2, s30, v20;
	s6 =	sshrl.u32 s14, $0x1F  }
0x462: {  	v14 =	vsel vm4, s6, v14;
	s29 =	sshrl.u32 s9, $0x1F;
	s30 =	sshrl.u32 s12, $0x1F;
	s7 =	sshra.s32 s12, $0x12  }
0x463: {  	v23 =	vmov s8;
	v15 =	vsel vm1, s29, v15;
	v14 =	vsel vm5, s30, v14;
	s6 =	sshrl.u32 s10, $0x1F;
	s30 =	sshra.s32 s14, $0x12;
	s29 =	sshrl.u32 s11, $0x1F  }
0x464: {  	s8 =	sshra.s32 s10, $0x12;
	v47 =	vsel vm2, s6, v15;
	v15 =	vsel vm0, s3, v23;
	v14 =	vsel vm6, s29, v14;
	s29 =	sshra.s32 s14, $0x1F;
	s14 =	sshra.s32 s9, $0x12  }
0x465: {  	v13 =	vsel vm4, s30, v13;
	s30 =	sshrl.u32 s22, $0x1F;
	s10 =	sshra.s32 s11, $0x12;
	v24 =	vsel vm1, s14, v15;
	s14 =	sld [smem:$0x601]  }
0x466: {  	v22 =	vmov s1;
	s9 =	sshra.s32 s12, $0x1F;
	s12 =	sshra.s32 s11, $0x1F;
	s11 =	sld [smem:$0x603];
	v13 =	vsel vm15, s29, v13  }
0x467: {  	v46 =	vsel vm7, s30, v14;
	v14 =	vsel vm0, s0, v22;
	s29 =	sshra.s32 s22, $0x12;
	s0 =	sld [smem:$0x607];
	v13 =	vsel vm5, s7, v13  }
0x468: {  	s30 =	spop (v2sf);
	v13 =	vsel vm10, s9, v13;
	s9 =	sld [smem:$0x602];
	s7 =	sshra.s32 s14, $0x1F  }
0x469: {  	v14 =	vsel vm1, s4, v14;
	s4 =	sshra.s32 s30, $0x1F;
	s22 =	sshrl.u32 s11, $0x1F;
	v25 =	vmov s7;
	s7 =	sld [smem:$0x606]  }
0x46a: {  	v27 =	vsel vm2, s8, v24;
	s8 =	smul.u32 $0x431BDE83, s4;
	s4 =	sld [smem:$0x605];
	v13 =	vsel vm6, s10, v13;
	v28 =	vmov s22  }
0x46b: {  	s6 =	smulhi.u32 $0x431BDE83, s30;
	v14 =	vsel vm2, s2, v14;
	v13 =	vsel vm11, s12, v13;
	s12 =	sshra.s32 s11, $0x12;
	v15 =	vnsel vm3, $0x0, v28;
	s10 =	sshrl.u32 s9, $0x1F  }
0x46c: {  	s30 =	sshrl.u32 s5, $0x1F;
	[tilespmem:$0x1FE60] =	vst v14;
	v13 =	vsel vm7, s29, v13;
	v14 =	vsel vm3, s12, v25;
	s29 =	sshra.s32 s11, $0x1F;
	v26 =	vmov s10;
	s10 =	sshrl.u32 s7, $0x1F  }
0x46d: {  	[tilespmem:$0x1FE70] =	vst v13;
	v14 =	vsel vm12, s29, v14;
	s29 =	sadd.s32 s8, s6;
	s6 =	sshrl.u32 s4, $0x1F;
	v13 =	vsel vm0, s30, v26;
	v29 =	vsel vm0, s10, v15;
	s10 =	sld [smem:$0x608]  }
0x46e: {  	v13 =	vsel vm1, s6, v13;
	s6 =	sld [smem:$0x60A]  }
0x46f: {  	s30 =	sld [smem:$0x609]  }
0x470: {  	s12 =	sshrl.u32 s0, $0x1F;
	s8 =	sshra.s32 s7, $0x12;
	s22 =	sshrl.u32 s10, $0x1F  }
0x471: {  	s11 =	sshra.s32 s7, $0x1F;
	v14 =	vsel vm0, s8, v14;
	v13 =	vsel vm2, s12, v13;
	s12 =	sshrl.u32 s6, $0x1F;
	v30 =	vmov s22;
	s22 =	sld [smem:$0x60B]  }
0x472: {  	v14 =	vsel vm13, s11, v14;
	s8 =	sshra.s32 s30, $0x12;
	v15 =	vsel vm0, s12, v30;
	s12 =	sld [smem:$0x60D]  }
0x473: {  	s7 =	sshrl.u32 s30, $0x1F;
	s11 =	sshra.s32 s30, $0x1F;
	v14 =	vsel vm1, s8, v14;
	s8 =	sld [smem:$0x60C]  }
0x474: {  	[tilespmem:$0x1FE80] =	vst v13;
	v13 =	vsel vm1, s7, v29;
	s7 =	sld [smem:$0x60E];
	v14 =	vsel vm14, s11, v14;
	s30 =	sshrl.u32 s22, $0x1F;
	s11 =	sshra.s32 s22, $0x12  }
0x475: {  	v13 =	vsel vm2, s30, v13;
	s3 =	sshrl.u32 s12, $0x1F;
	v14 =	vsel vm2, s11, v14;
	s11 =	sld [smem:$0x60F]  }
0x476: {  	v13 =	vsel vm4, s3, v13;
	s3 =	sshra.s32 s9, $0x12;
	s9 =	sld [smem:$0x610]  }
0x477: {  	s2 =	sshrl.u32 s8, $0x1F  }
0x478: {  	v15 =	vsel vm1, s2, v15;
	s1 =	sshra.s32 s22, $0x1F;
	s22 =	sshrl.u32 s7, $0x1F;
	s30 =	sshrl.u32 s11, $0x1F  }
0x479: {  	v15 =	vsel vm2, s22, v15;
	v14 =	vsel vm9, s1, v14;
	v13 =	vsel vm5, s30, v13;
	s22 =	sshrl.u32 s9, $0x1F;
	s30 =	sshra.s32 s12, $0x12  }
0x47a: {  	s2 =	sshra.s32 s5, $0x12;
	v13 =	vsel vm6, s22, v13;
	v14 =	vsel vm4, s30, v14;
	s22 =	sshra.s32 s12, $0x1F  }
0x47b: {  	s5 =	smov.u32 s14;
	v31 =	vmov s3;
	s30 =	sshrl.u32 s14, $0x1F;
	s14 =	sshra.s32 s11, $0x12;
	v14 =	vsel vm15, s22, v14  }
0x47c: {  	s4 =	sshra.s32 s4, $0x12;
	v32 =	vsel vm0, s2, v31;
	v13 =	vsel vm7, s30, v13;
	s22 =	sshra.s32 s0, $0x12;
	s0 =	sshra.s32 s11, $0x1F;
	v14 =	vsel vm5, s14, v14  }
0x47d: {  	[tilespmem:$0x1FEA0] =	vst v13;
	v13 =	vsel vm1, s4, v32;
	s4 =	sshra.s32 s9, $0x12;
	s14 =	sld [smem:$0x611];
	v14 =	vsel vm10, s0, v14  }
0x47e: {  	s12 =	sshra.s32 s10, $0x12;
	s10 =	sld [smem:$0x612];
	s9 =	sshra.s32 s9, $0x1F;
	v14 =	vsel vm6, s4, v14  }
0x47f: {  	s3 =	sshra.s32 s8, $0x12;
	v33 =	vmov s12;
	s30 =	sshra.s32 s6, $0x12;
	v40 =	vsel vm11, s9, v14;
	s9 =	sld [smem:$0x613]  }
0x480: {  	s12 =	sshra.s32 s5, $0x12;
	s5 =	sld [smem:$0x614];
	v34 =	vsel vm0, s30, v33;
	s6 =	sshra.s32 s14, $0x1F  }
0x481: {  	s8 =	sshra.s32 s7, $0x12;
	s7 =	sld [smem:$0x615];
	v28 =	vsel vm2, s22, v13;
	v13 =	vsel vm1, s3, v34;
	s11 =	sshra.s32 s10, $0x12;
	v35 =	vmov s6  }
0x482: {  	s30 =	sshra.s32 s10, $0x1F;
	v38 =	vsel vm2, s8, v13;
	v41 =	vsel vm3, s11, v35;
	s22 =	sshrl.u32 s9, $0x1F  }
0x483: {  	s4 =	sshrl.u32 s10, $0x1F;
	v13 =	vsel vm7, s12, v40;
	s6 =	sshrl.u32 s5, $0x1F;
	v14 =	vsel vm12, s30, v41;
	s30 =	sld [smem:$0x618];
	v48 =	vmov s22  }
0x484: {  	s8 =	sshra.s32 s7, $0x12;
	s10 =	sshrl.u32 s7, $0x1F;
	v49 =	vmov s4;
	[tilespmem:$0x1FEB0] =	vst v13;
	v13 =	vsel vm0, s6, v48;
	s6 =	sld [smem:$0x616]  }
0x485: {  	[tilespmem:$0x1FE90] =	vst v15;
	s2 =	sshra.s32 s5, $0x12;
	v15 =	vnsel vm3, $0x0, v49;
	s5 =	sld [smem:$0x617];
	s11 =	sshra.s32 s7, $0x1F  }
0x486: {  	v50 =	vsel vm0, s10, v15;
	s10 =	sld [smem:$0x619];
	v14 =	vsel vm0, s8, v14;
	s7 =	sshra.s32 s30, $0x12;
	s8 =	sshrl.u32 s30, $0x1F  }
0x487: {  	v14 =	vsel vm13, s11, v14;
	s11 =	sshra.s32 s30, $0x1F;
	s30 =	sld [smem:$0x61B];
	s12 =	sshrl.u32 s6, $0x1F  }
0x488: {  	s22 =	sshrl.u32 s5, $0x1F;
	v13 =	vsel vm1, s12, v13  }
0x489: {  	s0 =	sld [smem:$0x61A];
	v14 =	vsel vm1, s7, v14;
	v13 =	vsel vm2, s22, v13  }
0x48a: {  	s7 =	sld [smem:$0x61C];
	v14 =	vsel vm14, s11, v14;
	s12 =	sshrl.u32 s10, $0x1F;
	[tilespmem:$0x1FEC0] =	vst v13;
	v13 =	vsel vm1, s8, v50;
	s8 =	sshra.s32 s30, $0x12  }
0x48b: {  	s11 =	sshra.s32 s30, $0x1F;
	v51 =	vmov s12;
	s12 =	sld [smem:$0x61D];
	v14 =	vsel vm2, s8, v14  }
0x48c: {  	s3 =	sshra.s32 s9, $0x12;
	v14 =	vsel vm9, s11, v14;
	s11 =	sld [smem:$0x61F]  }
0x48d: {  	s9 =	sld [smem:$0x620];
	s4 =	sshrl.u32 s30, $0x1F;
	s22 =	sshrl.u32 s0, $0x1F  }
0x48e: {  	v15 =	vsel vm0, s22, v51;
	s22 =	sshrl.u32 s7, $0x1F;
	v13 =	vsel vm2, s4, v13;
	s30 =	sshrl.u32 s12, $0x1F  }
0x48f: {  	v15 =	vsel vm1, s22, v15;
	v13 =	vsel vm4, s30, v13;
	s30 =	sshra.s32 s12, $0x12;
	s22 =	sshrl.u32 s11, $0x1F  }
0x490: {  	v14 =	vsel vm4, s30, v14;
	s30 =	sshrl.u32 s9, $0x1F;
	v13 =	vsel vm5, s22, v13;
	s22 =	sshra.s32 s12, $0x1F  }
0x491: {  	v52 =	vmov s3;
	v13 =	vsel vm6, s30, v13;
	v14 =	vsel vm15, s22, v14;
	s22 =	sshrl.u32 s14, $0x1F  }
0x492: {  	v53 =	vsel vm0, s2, v52;
	s10 =	sshra.s32 s10, $0x12;
	s8 =	sld [smem:$0x61E];
	s12 =	sshra.s32 s6, $0x12;
	v13 =	vsel vm7, s22, v13  }
0x493: {  	v54 =	vmov s10;
	[tilespmem:$0x1FED0] =	vst v13;
	v13 =	vsel vm1, s12, v53;
	s12 =	sshra.s32 s0, $0x12  }
0x494: {  	v56 =	vsel vm0, s12, v54;
	s12 =	sld [smem:$0x621]  }
0x495: {  	s4 =	sshrl.u32 s8, $0x1F  }
0x496: {  	s30 =	sshra.s32 s11, $0x12;
	s22 =	sshra.s32 s7, $0x12;
	s7 =	sld [smem:$0x622]  }
0x497: {  	s6 =	sshra.s32 s5, $0x12;
	s11 =	sshra.s32 s11, $0x1F;
	v14 =	vsel vm5, s30, v14;
	s5 =	sshra.s32 s12, $0x1F  }
0x498: {  	v29 =	vsel vm2, s4, v15;
	s4 =	sshra.s32 s9, $0x1F;
	s30 =	sshra.s32 s9, $0x12;
	v14 =	vsel vm10, s11, v14;
	v57 =	vmov s5;
	s5 =	sld [smem:$0x625]  }
0x499: {  	s0 =	sshra.s32 s8, $0x12;
	s11 =	sld [smem:$0x623];
	v30 =	vsel vm2, s6, v13;
	v14 =	vsel vm6, s30, v14;
	s9 =	sshra.s32 s7, $0x12  }
0x49a: {  	s6 =	sshra.s32 s14, $0x12;
	v13 =	vsel vm1, s22, v56;
	v14 =	vsel vm11, s4, v14;
	s10 =	sshra.s32 s7, $0x1F;
	s22 =	sld [smem:$0x624];
	v59 =	vsel vm3, s9, v57  }
0x49b: {  	v41 =	vsel vm2, s0, v13;
	v58 =	vsel vm7, s6, v14;
	v13 =	vsel vm12, s10, v59;
	s6 =	sshra.s32 s5, $0x12  }
0x49c: {  	s8 =	sshrl.u32 s7, $0x1F;
	v13 =	vsel vm0, s6, v13;
	s6 =	sld [smem:$0x626]  }
0x49d: {  	s14 =	sshrl.u32 s11, $0x1F;
	s0 =	sld [smem:$0x627];
	s30 =	sshrl.u32 s22, $0x1F  }
0x49e: {  	v61 =	vmov s8;
	s1 =	sshra.s32 s11, $0x12;
	s11 =	sld [smem:$0x628];
	v60 =	vmov s30;
	s8 =	sshra.s32 s5, $0x1F  }
0x49f: {  	v14 =	vsel vm0, s14, v60;
	v13 =	vsel vm13, s8, v13;
	s8 =	sld [smem:$0x629];
	s9 =	sshrl.u32 s6, $0x1F  }
0x4a0: {  	s3 =	sshra.s32 s22, $0x12;
	v14 =	vsel vm1, s9, v14;
	s9 =	sld [smem:$0x62A]  }
0x4a1: {  	v15 =	vnsel vm3, $0x0, v61;
	s22 =	sshra.s32 s11, $0x12;
	s10 =	sshrl.u32 s0, $0x1F;
	s7 =	sshrl.u32 s5, $0x1F  }
0x4a2: {  	s14 =	sshrl.u32 s11, $0x1F;
	v15 =	vsel vm0, s7, v15;
	v13 =	vsel vm1, s22, v13;
	s22 =	sld [smem:$0x62C];
	s7 =	sshrl.u32 s8, $0x1F  }
0x4a3: {  	v62 =	vsel vm1, s14, v15;
	v14 =	vsel vm2, s10, v14;
	v63 =	vmov s7;
	s7 =	sld [smem:$0x62B];
	s10 =	sshrl.u32 s9, $0x1F  }
0x4a4: {  	s30 =	sshra.s32 s11, $0x1F;
	[tilespmem:$0x1FEF0] =	vst v14;
	v14 =	vsel vm2, s10, v62;
	s10 =	sld [smem:$0x62D]  }
0x4a5: {  	v13 =	vsel vm14, s30, v13;
	s14 =	sshrl.u32 s22, $0x1F;
	s30 =	sshra.s32 s9, $0x12  }
0x4a6: {  	s9 =	sshra.s32 s9, $0x1F;
	s11 =	sshrl.u32 s7, $0x1F;
	v13 =	vsel vm2, s30, v13;
	v14 =	vsel vm4, s14, v14;
	s14 =	sld [smem:$0x62E]  }
0x4a7: {  	v15 =	vsel vm0, s11, v63;
	v13 =	vsel vm9, s9, v13;
	s9 =	sld [smem:$0x62F];
	s11 =	sshrl.u32 s10, $0x1F  }
0x4a8: {  	v17 =	vmov s3;
	s3 =	sshra.s32 s0, $0x12;
	v15 =	vsel vm1, s11, v15;
	s11 =	sld [smem:$0x630]  }
0x4a9: {  	s2 =	sshra.s32 s6, $0x12;
	s6 =	sshrl.u32 s12, $0x1F;
	s30 =	sshrl.u32 s14, $0x1F  }
0x4aa: {  	s4 =	sshrl.u32 s9, $0x1F;
	s0 =	sshra.s32 s14, $0x1F;
	v14 =	vsel vm5, s30, v14;
	s30 =	sshra.s32 s22, $0x12  }
0x4ab: {  	v13 =	vsel vm4, s30, v13;
	s30 =	sshra.s32 s22, $0x1F;
	s22 =	sshra.s32 s8, $0x12;
	s5 =	sshrl.u32 s11, $0x1F  }
0x4ac: {  	v33 =	vsel vm2, s4, v15;
	s4 =	sshra.s32 s7, $0x12;
	s7 =	sshra.s32 s14, $0x12;
	v20 =	vmov s22;
	s22 =	sld [smem:$0x632];
	v14 =	vsel vm6, s5, v14  }
0x4ad: {  	v13 =	vsel vm15, s30, v13;
	s30 =	sshra.s32 s10, $0x12;
	s8 =	sshra.s32 s11, $0x1F;
	s10 =	sld [smem:$0x631];
	v39 =	vsel vm7, s6, v14;
	v14 =	vsel vm0, s1, v17  }
0x4ae: {  	v13 =	vsel vm5, s7, v13;
	v21 =	vsel vm0, s4, v20;
	v14 =	vsel vm1, s2, v14;
	s2 =	sshra.s32 s9, $0x12;
	s9 =	sshra.s32 s12, $0x12;
	s12 =	sld [smem:$0x633]  }
0x4af: {  	s7 =	sshra.s32 s11, $0x12;
	v13 =	vsel vm10, s0, v13;
	s11 =	sshra.s32 s22, $0x1F;
	v31 =	vsel vm2, s3, v14;
	v14 =	vsel vm1, s30, v21;
	s30 =	sld [smem:$0x634]  }
0x4b0: {  	v13 =	vsel vm6, s7, v13;
	v22 =	vmov s11;
	s11 =	sld [smem:$0x635]  }
0x4b1: {  	s4 =	sshrl.u32 s10, $0x1F;
	v13 =	vsel vm11, s8, v13;
	v49 =	vsel vm2, s2, v14;
	s14 =	sshrl.u32 s12, $0x1F;
	s2 =	sshra.s32 s12, $0x12  }
0x4b2: {  	v32 =	vsel vm7, s9, v13;
	s8 =	sshra.s32 s30, $0x12;
	s9 =	sshrl.u32 s30, $0x1F;
	v24 =	vmov s14;
	s14 =	sld [smem:$0x636]  }
0x4b3: {  	s12 =	sshrl.u32 s11, $0x1F;
	s5 =	sshra.s32 s11, $0x12;
	s11 =	sld [smem:$0x638]  }
0x4b4: {  	s1 =	sshra.s32 s10, $0x12;
	s10 =	sshra.s32 s30, $0x1F;
	v23 =	vsel vm3, s8, v22;
	v25 =	vmov s9;
	s9 =	sld [smem:$0x637]  }
0x4b5: {  	(v2sf) =	vpush v12, $0x5;
	s0 =	sld [smem:$0x639];
	v13 =	vsel vm12, s10, v23;
	s30 =	sshra.s32 s14, $0x12  }
0x4b6: {  	s7 =	sshrl.u32 s14, $0x1F;
	s8 =	sshra.s32 s14, $0x1F;
	s14 =	sshra.s32 s11, $0x12;
	v13 =	vsel vm0, s30, v13  }
0x4b7: {  	v14 =	vsel vm0, s4, v24;
	s10 =	sshrl.u32 s9, $0x1F;
	s3 =	sshra.s32 s9, $0x12;
	s9 =	sld [smem:$0x63A];
	v13 =	vsel vm13, s8, v13  }
0x4b8: {  	v15 =	vnsel vm3, $0x0, v25;
	v14 =	vsel vm1, s12, v14;
	v13 =	vsel vm1, s14, v13;
	s14 =	sld [smem:$0x63C]  }
0x4b9: {  	s12 =	sshrl.u32 s11, $0x1F;
	v15 =	vsel vm0, s7, v15;
	s30 =	sshra.s32 s11, $0x1F;
	v14 =	vsel vm2, s10, v14;
	s8 =	sshrl.u32 s0, $0x1F  }
0x4ba: {  	v26 =	vsel vm1, s12, v15;
	v34 =	vmov s8;
	s8 =	sld [smem:$0x63B];
	s10 =	sshrl.u32 s9, $0x1F;
	v13 =	vsel vm14, s30, v13;
	s30 =	sshra.s32 s9, $0x12  }
0x4bb: {  	[tilespmem:$0x1FF00] =	vst v14;
	v14 =	vsel vm2, s10, v26;
	s10 =	sshra.s32 s9, $0x1F;
	s9 =	sld [smem:$0x63D];
	s12 =	sshrl.u32 s14, $0x1F  }
0x4bc: {  	v13 =	vsel vm2, s30, v13;
	v14 =	vsel vm4, s12, v14;
	s12 =	sld [smem:$0x63E]  }
0x4bd: {  	s11 =	sshrl.u32 s8, $0x1F;
	v13 =	vsel vm9, s10, v13;
	s10 =	sld [smem:$0x63F]  }
0x4be: {  	s4 =	sshra.s32 s8, $0x12;
	v15 =	vsel vm0, s11, v34;
	s11 =	sshrl.u32 s9, $0x1F  }
0x4bf: {  	s8 =	sshra.s32 s0, $0x12;
	v15 =	vsel vm1, s11, v15;
	s11 =	sld [smem:$0x640];
	s30 =	sshrl.u32 s12, $0x1F  }
0x4c0: {  	v36 =	vmov s8;
	s6 =	sshrl.u32 s10, $0x1F;
	s8 =	sshra.s32 s10, $0x12;
	v14 =	vsel vm5, s30, v14;
	s30 =	sshra.s32 s14, $0x12  }
0x4c1: {  	v37 =	vsel vm2, s6, v15;
	s0 =	sshra.s32 s12, $0x12;
	s6 =	sld [smem:$0x644];
	s14 =	sshra.s32 s14, $0x1F;
	v13 =	vsel vm4, s30, v13  }
0x4c2: {  	v15 =	vsel vm0, s4, v36;
	s7 =	sshrl.u32 s11, $0x1F;
	s30 =	sshrl.u32 s22, $0x1F;
	v13 =	vsel vm15, s14, v13;
	s14 =	sshra.s32 s9, $0x12  }
0x4c3: {  	v35 =	vmov s2;
	s10 =	sshra.s32 s11, $0x12;
	v14 =	vsel vm6, s7, v14;
	s9 =	sshra.s32 s12, $0x1F;
	v48 =	vsel vm1, s14, v15;
	s14 =	sld [smem:$0x641]  }
0x4c4: {  	s12 =	sshra.s32 s11, $0x1F;
	s11 =	sld [smem:$0x643];
	v40 =	vsel vm7, s30, v14;
	v14 =	vsel vm0, s1, v35;
	v13 =	vsel vm5, s0, v13;
	s0 =	spop (v2sf)  }
0x4c5: {  	s30 =	sshra.s32 s22, $0x12;
	v14 =	vsel vm1, s5, v14;
	v13 =	vsel vm10, s9, v13;
	s5 =	sshra.s32 s0, $0x1F;
	s9 =	sld [smem:$0x642]  }
0x4c6: {  	v48 =	vsel vm2, s8, v48;
	v13 =	vsel vm6, s10, v13;
	s8 =	smul.u32 $0x431BDE83, s5;
	s5 =	sld [smem:$0x646];
	s7 =	sshra.s32 s14, $0x1F  }
0x4c7: {  	s1 =	sld [smem:$0x645];
	v34 =	vsel vm2, s3, v14;
	s3 =	smulhi.u32 $0x431BDE83, s0;
	v13 =	vsel vm11, s12, v13;
	s12 =	sshra.s32 s11, $0x12;
	v50 =	vmov s7  }
0x4c8: {  	s22 =	sshrl.u32 s11, $0x1F;
	s10 =	sshrl.u32 s9, $0x1F;
	v35 =	vsel vm7, s30, v13;
	s30 =	sshra.s32 s11, $0x1F;
	v14 =	vsel vm3, s12, v50  }
0x4c9: {  	s0 =	sshrl.u32 s6, $0x1F;
	v52 =	vmov s22;
	s22 =	sld [smem:$0x649];
	v51 =	vmov s10;
	s7 =	sshra.s32 s5, $0x12;
	v14 =	vsel vm12, s30, v14  }
0x4ca: {  	s10 =	sshra.s32 s5, $0x1F;
	v13 =	vsel vm0, s0, v51;
	s0 =	sld [smem:$0x647];
	v14 =	vsel vm0, s7, v14  }
0x4cb: {  	v14 =	vsel vm13, s10, v14;
	s10 =	sld [smem:$0x648]  }
0x4cc: {  	s30 =	sadd.s32 s8, s3;
	s8 =	sshrl.u32 s5, $0x1F;
	s5 =	sld [smem:$0x64A]  }
0x4cd: {  	s4 =	sshrl.u32 s1, $0x1F;
	v15 =	vnsel vm3, $0x0, v52  }
0x4ce: {  	v13 =	vsel vm1, s4, v13;
	v53 =	vsel vm0, s8, v15;
	s7 =	sshrl.u32 s22, $0x1F;
	s11 =	sshrl.u32 s0, $0x1F;
	s12 =	sshrl.u32 s10, $0x1F  }
0x4cf: {  	v36 =	vsel vm2, s11, v13;
	v13 =	vsel vm1, s7, v53;
	s7 =	sld [smem:$0x64B];
	v54 =	vmov s12;
	s12 =	sshrl.u32 s5, $0x1F  }
0x4d0: {  	v15 =	vsel vm0, s12, v54;
	s12 =	sld [smem:$0x64D]  }
0x4d1: {  	s8 =	sshra.s32 s22, $0x12  }
0x4d2: {  	v14 =	vsel vm1, s8, v14;
	s11 =	sshra.s32 s22, $0x1F;
	s22 =	sshrl.u32 s7, $0x1F  }
0x4d3: {  	s8 =	sld [smem:$0x64C];
	v14 =	vsel vm14, s11, v14;
	v13 =	vsel vm2, s22, v13;
	s11 =	sshrl.u32 s12, $0x1F  }
0x4d4: {  	s22 =	sshra.s32 s7, $0x12;
	v13 =	vsel vm4, s11, v13;
	s11 =	sld [smem:$0x64F]  }
0x4d5: {  	s2 =	sshra.s32 s7, $0x1F;
	s7 =	sld [smem:$0x64E];
	v14 =	vsel vm2, s22, v14  }
0x4d6: {  	v14 =	vsel vm9, s2, v14;
	s2 =	sshra.s32 s9, $0x12;
	s9 =	sld [smem:$0x650]  }
0x4d7: {  	s4 =	sshrl.u32 s8, $0x1F;
	s22 =	sshrl.u32 s11, $0x1F  }
0x4d8: {  	v15 =	vsel vm1, s4, v15;
	s4 =	sshrl.u32 s7, $0x1F;
	v13 =	vsel vm5, s22, v13;
	s22 =	sshra.s32 s12, $0x12  }
0x4d9: {  	s3 =	sshra.s32 s6, $0x12;
	v56 =	vmov s2;
	v51 =	vsel vm2, s4, v15;
	s4 =	sshrl.u32 s9, $0x1F;
	v14 =	vsel vm4, s22, v14;
	s22 =	sshra.s32 s12, $0x1F  }
0x4da: {  	s6 =	sshrl.u32 s14, $0x1F;
	v57 =	vsel vm0, s3, v56;
	v13 =	vsel vm6, s4, v13;
	s12 =	sshra.s32 s1, $0x12;
	s1 =	sshra.s32 s11, $0x12;
	v14 =	vsel vm15, s22, v14  }
0x4db: {  	v50 =	vsel vm7, s6, v13;
	v13 =	vsel vm1, s12, v57;
	s12 =	sshra.s32 s11, $0x1F;
	v14 =	vsel vm5, s1, v14  }
0x4dc: {  	v14 =	vsel vm10, s12, v14;
	s12 =	sld [smem:$0x651]  }
0x4dd: {  	s22 =	sshra.s32 s10, $0x12;
	s10 =	sshra.s32 s5, $0x12;
	s5 =	sld [smem:$0x652]  }
0x4de: {  	[tilespmem:$0x1FEE0] =	vst v58;
	s3 =	sshra.s32 s7, $0x12;
	s6 =	sshra.s32 s0, $0x12;
	v58 =	vmov s22  }
0x4df: {  	s22 =	sshra.s32 s8, $0x12;
	v59 =	vsel vm0, s10, v58;
	s10 =	sld [smem:$0x653];
	s1 =	sshra.s32 s12, $0x1F  }
0x4e0: {  	s7 =	sshra.s32 s14, $0x12;
	v52 =	vsel vm2, s6, v13;
	v13 =	vsel vm1, s22, v59;
	s6 =	sshra.s32 s5, $0x12;
	s22 =	sld [smem:$0x655];
	v60 =	vmov s1  }
0x4e1: {  	s4 =	sshra.s32 s9, $0x1F;
	s0 =	sshra.s32 s9, $0x12;
	v62 =	vsel vm3, s6, v60;
	s6 =	sld [smem:$0x654]  }
0x4e2: {  	v14 =	vsel vm6, s0, v14;
	s8 =	sshrl.u32 s5, $0x1F;
	s9 =	sshra.s32 s5, $0x1F;
	s11 =	sshrl.u32 s10, $0x1F  }
0x4e3: {  	v56 =	vsel vm2, s3, v13;
	v61 =	vsel vm11, s4, v14;
	s3 =	sshra.s32 s10, $0x12;
	s5 =	sshra.s32 s22, $0x12;
	s1 =	sld [smem:$0x656];
	v14 =	vsel vm12, s9, v62  }
0x4e4: {  	v63 =	vmov s8;
	s10 =	sld [smem:$0x657];
	s8 =	sshra.s32 s22, $0x1F;
	v14 =	vsel vm0, s5, v14;
	s14 =	sshrl.u32 s6, $0x1F  }
0x4e5: {  	v14 =	vsel vm13, s8, v14;
	s8 =	sld [smem:$0x659];
	v20 =	vmov s14  }
0x4e6: {  	s0 =	sld [smem:$0x658];
	v53 =	vsel vm7, s7, v61;
	v13 =	vnsel vm3, $0x0, v63;
	s7 =	sshrl.u32 s22, $0x1F;
	s9 =	sshrl.u32 s1, $0x1F;
	v15 =	vsel vm0, s11, v20  }
0x4e7: {  	v13 =	vsel vm0, s7, v13;
	s11 =	sshrl.u32 s10, $0x1F;
	v15 =	vsel vm1, s9, v15;
	s9 =	sld [smem:$0x65B]  }
0x4e8: {  	s22 =	sshra.s32 s10, $0x1F;
	s14 =	sshra.s32 s10, $0x12;
	v13 =	vsel vm1, s11, v13;
	s10 =	sshrl.u32 s8, $0x1F  }
0x4e9: {  	s7 =	sshrl.u32 s0, $0x1F;
	v13 =	vsel vm2, s10, v13;
	s10 =	sld [smem:$0x65A]  }
0x4ea: {  	v14 =	vsel vm1, s14, v14;
	v57 =	vsel vm2, s7, v15;
	s7 =	sld [smem:$0x65C];
	s14 =	sshrl.u32 s9, $0x1F  }
0x4eb: {  	v14 =	vsel vm14, s22, v14;
	s22 =	sshra.s32 s8, $0x12;
	v13 =	vsel vm4, s14, v13;
	s14 =	sld [smem:$0x65D]  }
0x4ec: {  	s8 =	sshra.s32 s8, $0x1F;
	v14 =	vsel vm2, s22, v14;
	s11 =	sshrl.u32 s10, $0x1F  }
0x4ed: {  	v14 =	vsel vm9, s8, v14;
	s8 =	sld [smem:$0x65E];
	v21 =	vmov s11;
	s11 =	sshrl.u32 s7, $0x1F  }
0x4ee: {  	v15 =	vsel vm0, s11, v21;
	s11 =	sld [smem:$0x65F];
	s22 =	sshrl.u32 s14, $0x1F  }
0x4ef: {  	s2 =	sshra.s32 s9, $0x1F;
	v13 =	vsel vm5, s22, v13;
	s22 =	sshra.s32 s9, $0x12;
	s9 =	sld [smem:$0x660]  }
0x4f0: {  	s6 =	sshra.s32 s6, $0x12;
	s10 =	sshra.s32 s10, $0x12;
	s4 =	sshrl.u32 s8, $0x1F  }
0x4f1: {  	v23 =	vmov s6;
	v24 =	vmov s10;
	s10 =	sshra.s32 s8, $0x12;
	s8 =	sld [smem:$0x662];
	s5 =	sshrl.u32 s11, $0x1F  }
0x4f2: {  	v15 =	vsel vm1, s4, v15;
	s6 =	sshra.s32 s14, $0x1F;
	v14 =	vsel vm4, s22, v14;
	s22 =	sshrl.u32 s12, $0x1F;
	v13 =	vsel vm6, s5, v13;
	s5 =	sshrl.u32 s9, $0x1F  }
0x4f3: {  	v22 =	vsel vm15, s2, v14;
	v58 =	vsel vm7, s22, v13;
	s22 =	sshra.s32 s14, $0x12;
	s14 =	sshra.s32 s11, $0x12;
	v62 =	vsel vm2, s5, v15;
	s5 =	sshra.s32 s7, $0x12  }
0x4f4: {  	v13 =	vsel vm5, s22, v22;
	s7 =	sshra.s32 s0, $0x12;
	s0 =	sshra.s32 s11, $0x1F;
	s11 =	sld [smem:$0x664];
	v15 =	vsel vm0, s5, v24  }
0x4f5: {  	s22 =	sshra.s32 s9, $0x12;
	v13 =	vsel vm10, s6, v13;
	s6 =	sld [smem:$0x661];
	v15 =	vsel vm1, s10, v15  }
0x4f6: {  	s9 =	sshrl.u32 s8, $0x1F;
	v26 =	vsel vm2, s22, v15;
	s22 =	sld [smem:$0x663]  }
0x4f7: {  	v25 =	vmov s9;
	s9 =	sld [smem:$0x665]  }
0x4f8: {  	s1 =	sshra.s32 s1, $0x12;
	v14 =	vsel vm0, s3, v23;
	s2 =	sshra.s32 s8, $0x12;
	s8 =	sld [smem:$0x667]  }
0x4f9: {  	v14 =	vsel vm1, s1, v14;
	s1 =	sshra.s32 s12, $0x12;
	v13 =	vsel vm6, s14, v13;
	s12 =	sshrl.u32 s11, $0x1F  }
0x4fa: {  	v13 =	vsel vm11, s0, v13;
	s14 =	sshra.s32 s11, $0x12;
	s0 =	sshra.s32 s11, $0x1F;
	s10 =	sshra.s32 s22, $0x1F  }
0x4fb: {  	v63 =	vsel vm2, s7, v14;
	s7 =	sshrl.u32 s6, $0x1F;
	v60 =	vsel vm7, s1, v13;
	s1 =	sshrl.u32 s9, $0x1F;
	v54 =	vmov s10;
	s10 =	sshrl.u32 s8, $0x1F  }
0x4fc: {  	v59 =	vmov s12;
	v13 =	vsel vm0, s7, v25;
	s11 =	sshra.s32 s8, $0x12;
	s12 =	sshra.s32 s8, $0x1F;
	s8 =	sld [smem:$0x668]  }
0x4fd: {  	v13 =	vsel vm1, s1, v13;
	s1 =	sld [smem:$0x669];
	v14 =	vsel vm3, s14, v54  }
0x4fe: {  	v14 =	vsel vm12, s0, v14  }
0x4ff: {  	s7 =	sld [smem:$0x666];
	v14 =	vsel vm0, s11, v14;
	s14 =	sshrl.u32 s8, $0x1F  }
0x500: {  	v20 =	vmov s14;
	v14 =	vsel vm13, s12, v14;
	s12 =	sld [smem:$0x66B];
	s14 =	sshra.s32 s1, $0x12  }
0x501: {  	v15 =	vnsel vm3, $0x0, v59;
	v14 =	vsel vm1, s14, v14;
	s14 =	sld [smem:$0x66D]  }
0x502: {  	s3 =	sshra.s32 s6, $0x12;
	s6 =	sshrl.u32 s7, $0x1F;
	v61 =	vsel vm0, s10, v15;
	s0 =	sshrl.u32 s1, $0x1F  }
0x503: {  	v54 =	vsel vm2, s6, v13;
	v13 =	vsel vm1, s0, v61;
	s0 =	sld [smem:$0x66A];
	s11 =	sshrl.u32 s12, $0x1F  }
0x504: {  	s4 =	sshra.s32 s1, $0x1F;
	s1 =	sld [smem:$0x66C];
	v13 =	vsel vm2, s11, v13;
	s11 =	sshrl.u32 s14, $0x1F  }
0x505: {  	v13 =	vsel vm4, s11, v13;
	s11 =	sld [smem:$0x66F]  }
0x506: {  	s10 =	sshrl.u32 s0, $0x1F  }
0x507: {  	v15 =	vsel vm0, s10, v20;
	s10 =	sshrl.u32 s1, $0x1F  }
0x508: {  	v15 =	vsel vm1, s10, v15;
	s10 =	sld [smem:$0x66E];
	s5 =	sshrl.u32 s11, $0x1F  }
0x509: {  	v21 =	vmov s2;
	s6 =	sshra.s32 s12, $0x12;
	v13 =	vsel vm5, s5, v13;
	s5 =	sshra.s32 s12, $0x1F;
	s12 =	sld [smem:$0x670]  }
0x50a: {  	v22 =	vsel vm0, s3, v21;
	s2 =	sshra.s32 s7, $0x12;
	s3 =	sshra.s32 s0, $0x12  }
0x50b: {  	v14 =	vsel vm14, s4, v14;
	s0 =	sshra.s32 s1, $0x12;
	s7 =	sshra.s32 s14, $0x12;
	s4 =	sshrl.u32 s10, $0x1F  }
0x50c: {  	v14 =	vsel vm2, s6, v14;
	s1 =	sshra.s32 s11, $0x12;
	v61 =	vsel vm2, s4, v15;
	s4 =	sshra.s32 s9, $0x12;
	s9 =	sshrl.u32 s12, $0x1F  }
0x50d: {  	v14 =	vsel vm9, s5, v14;
	s5 =	sshra.s32 s11, $0x1F;
	s11 =	sld [smem:$0x672];
	v13 =	vsel vm6, s9, v13;
	s9 =	sshra.s32 s8, $0x12  }
0x50e: {  	s14 =	sshra.s32 s14, $0x1F;
	v14 =	vsel vm4, s7, v14;
	v23 =	vmov s9;
	s9 =	sld [smem:$0x671]  }
0x50f: {  	s6 =	sshrl.u32 s22, $0x1F;
	v14 =	vsel vm15, s14, v14;
	s7 =	sshra.s32 s12, $0x12;
	s14 =	sld [smem:$0x673]  }
0x510: {  	v14 =	vsel vm5, s1, v14;
	s8 =	sshra.s32 s12, $0x1F;
	s12 =	sshrl.u32 s11, $0x1F;
	s1 =	sld [smem:$0x675]  }
0x511: {  	v59 =	vsel vm7, s6, v13;
	v13 =	vsel vm1, s4, v22;
	s6 =	sshra.s32 s10, $0x12;
	v24 =	vmov s12;
	s12 =	sld [smem:$0x677];
	s10 =	sshrl.u32 s9, $0x1F  }
0x512: {  	v25 =	vsel vm2, s2, v13;
	s2 =	sshra.s32 s22, $0x12;
	s22 =	sshrl.u32 s14, $0x1F;
	v24 =	vsel vm0, s10, v24;
	s10 =	sld [smem:$0x674]  }
0x513: {  	v14 =	vsel vm10, s5, v14;
	v13 =	vsel vm0, s3, v23;
	v16 =	vsel vm1, s22, v24;
	s22 =	sld [smem:$0x676]  }
0x514: {  	s5 =	sshra.s32 s11, $0x12;
	v14 =	vsel vm6, s7, v14;
	v13 =	vsel vm1, s0, v13;
	s0 =	sld [smem:$0x678]  }
0x515: {  	s4 =	sshra.s32 s14, $0x12;
	v23 =	vsel vm11, s8, v14;
	s14 =	sshrl.u32 s1, $0x1F;
	s3 =	sshra.s32 s9, $0x12  }
0x516: {  	v20 =	vsel vm2, s6, v13;
	v23 =	vsel vm7, s2, v23;
	v17 =	vmov s14;
	s9 =	sshrl.u32 s12, $0x1F;
	s11 =	sshrl.u32 s10, $0x1F;
	s8 =	sshrl.u32 s22, $0x1F  }
0x517: {  	v22 =	vmov s9;
	s2 =	sshra.s32 s10, $0x12;
	s10 =	sshrl.u32 s0, $0x1F;
	v24 =	vsel vm2, s11, v16;
	s11 =	sshra.s32 s16, $0x1F;
	v21 =	vsel vm0, s8, v17  }
0x518: {  	v15 =	vld [tilespmem:$0x2F0];
	v14 =	vnsel vm3, $0x0, v22;
	v16 =	vmov s11;
	s11 =	smov.u32 s19;
	s19 =	sshrl.u32 s19, $0x1F;
	v13 =	vsel vm1, s10, v21;
	s10 =	sld [smem:$0x679]  }
0x519: {  	(v2sf) =	vpush v12, $0x6;
	v21 =	vsel vm0, s19, v14;
	s19 =	sld [smem:$0x67A]  }
0x51a: {  	s6 =	sshra.s32 s22, $0x12;
	s22 =	sshra.s32 s12, $0x12  }
0x51b: {  	v17 =	vld [tilespmem:$0xF0];
	s8 =	sshra.s32 s1, $0x12;
	s1 =	sshra.s32 s12, $0x1F;
	v16 =	vsel vm3, s22, v16;
	s14 =	sshrl.u32 s10, $0x1F  }
0x51c: {  	(v2sf) =	vpush v12, $0x7;
	v14 =	vsel vm12, s1, v16;
	s12 =	sshrl.u32 s19, $0x1F;
	v22 =	vsel vm2, s14, v13;
	s14 =	sshra.s32 s11, $0x12  }
0x51d: {  	s22 =	sshra.s32 s11, $0x1F;
	v13 =	vsel vm1, s12, v21;
	v21 =	vand.u32 $0x3FF, v15;
	v14 =	vsel vm0, s14, v14  }
0x51e: {  	s9 =	sshra.s32 s0, $0x12;
	s1 =	sshrl.u32 s15, $0x1F;
	s7 =	sshra.s32 s19, $0x12;
	v15 =	vshra.s32 v15, $0xA;
	v16 =	vmul.u32 $0x16A95, v21;
	v14 =	vsel vm13, s22, v14  }
0x51f: {  	s0 =	sshra.s32 s10, $0x12;
	v13 =	vsel vm2, s1, v13;
	v15 =	vmul.u32 $0xBE40, v15;
	s14 =	sshrl.u32 s13, $0x1F;
	v14 =	vsel vm1, s7, v14;
	s7 =	rddreg [dreg:$0x1d]  }
0x520: {  	s11 =	sshra.s32 s15, $0x1F;
	s1 =	sshra.s32 s19, $0x1F;
	v13 =	vsel vm4, s14, v13;
	v16 =	vadd.s32 v17, v16;
	s19 =	sshrl.u32 s7, $0x1F  }
0x521: {  	s22 =	smov.u32 s13;
	s13 =	sshra.s32 s15, $0x12;
	v14 =	vsel vm14, s1, v14;
	s1 =	rddreg [dreg:$0x1b];
	v21 =	vsel vm5, s19, v13;
	v13 =	vadd.s32 v15, v16  }
0x522: {  	s14 =	sshra.s32 s22, $0x12;
	s10 =	sshra.s32 s22, $0x1F;
	s22 =	sshrl.u32 s1, $0x1F;
	v14 =	vsel vm2, s13, v14;
	v15 =	vmov s5;
	v16 =	vmov s8  }
0x523: {  	v21 =	vsel vm6, s22, v21;
	(v2sf) =	vpush v13, $0xD;
	v14 =	vsel vm9, s11, v14  }
0x524: {  	s22 =	sshrl.u32 s16, $0x1F;
	v15 =	vsel vm0, s3, v15;
	v17 =	vsel vm0, s6, v16;
	v14 =	vsel vm4, s14, v14  }
0x525: {  	s15 =	sshra.s32 s7, $0x12;
	v21 =	vsel vm7, s22, v21;
	(v2sf) =	vpush v13, $0xC;
	v14 =	vsel vm15, s10, v14  }
0x526: {  	s12 =	sshra.s32 s7, $0x1F;
	s19 =	smov.u32 s16;
	v15 =	vsel vm1, s4, v15;
	(v2sf) =	vpush v13, $0xE;
	v14 =	vsel vm5, s15, v14  }
0x527: {  	s8 =	sshrl.u32 s23, $0x1F;
	s16 =	sshra.s32 s1, $0x12;
	s22 =	rddreg [dreg:$0x17];
	v16 =	vsel vm2, s2, v15;
	v15 =	vsel vm1, s9, v17;
	v14 =	vsel vm10, s12, v14  }
0x528: {  	s5 =	sshra.s32 s1, $0x1F;
	s1 =	spop (v2sf);
	s14 =	sshrl.u32 s22, $0x1F;
	v17 =	vcombine.low v18, v0;
	v0 =	vmov s8;
	v14 =	vsel vm6, s16, v14  }
0x529: {  	s11 =	sshra.s32 s19, $0x12;
	s6 =	sshrl.u32 s24, $0x1F;
	s13 =	sshra.s32 s1, $0x1F;
	(v2sf) =	vpush v13, $0xF;
	v0 =	vsel vm0, s14, v0;
	v14 =	vsel vm11, s5, v14  }
0x52a: {  	s4 =	smul.u32 $0x431BDE83, s13;
	s13 =	sshrl.u32 s26, $0x1F;
	v0 =	vsel vm1, s6, v0;
	v18 =	vsel vm7, s11, v14;
	v14 =	vperm.xlane v17, v55  }
0x52b: {  	s3 =	smulhi.u32 $0x431BDE83, s1;
	s7 =	spop (v2sf);
	v17 =	vperm.xlane v19, v1;
	v19 =	vsel vm2, s13, v0;
	v0 =	vcombine.low v43, v42  }
0x52c: {  	s19 =	smulhi.u32 $0x431BDE83, s7;
	s1 =	sshra.s32 s7, $0x1F;
	(v2sf) =	vpush v13, $0x9  }
0x52d: {  	v45 =	vperm.xlane v45, v1;
	s7 =	smov.u32 s18;
	s9 =	sshrl.u32 s18, $0x1F;
	s10 =	sshrl.u32 s31, $0x1F;
	(v2sf) =	vpush v13, $0x8;
	v0 =	vperm.xlane v0, v55  }
0x52e: {  	s18 =	smov.u32 s21;
	v15 =	vsel vm2, s0, v15;
	s2 =	smul.u32 $0x431BDE83, s1;
	s1 =	sshrl.u32 s21, $0x1F;
	(v2sf) =	vpush v13, $0xA  }
0x52f: {  	s0 =	sshrl.u32 s25, $0x1F;
	s14 =	sshrl.u32 s20, $0x1F;
	s21 =	rddreg [dreg:$0x11];
	v42 =	vmov s10;
	v17 =	vsel vm8, v17, v14;
	v0 =	vsel vm8, v45, v0  }
0x530: {  	s15 =	sshra.s32 s22, $0x12;
	s8 =	sadd.s32 s2, s19;
	s5 =	sshrl.u32 s28, $0x1F;
	(v2sf) =	vpush v13, $0xB;
	v0 =	vadd.s32 v17, v0;
	v17 =	vcombine.low v47, v44;
	v44 =	vld [tilespmem:$0x1FE60]  }
0x531: {  	s12 =	sshrl.u32 s17, $0x1F;
	v43 =	vmov s5;
	s11 =	sshra.s32 s24, $0x12;
	s24 =	sshra.s32 s8, $0x1F;
	v42 =	vsel vm0, s9, v42;
	(v2sf) =	vpush v13, $0x0  }
0x532: {  	s3 =	sadd.s32 s4, s3;
	s4 =	sshra.s32 s17, $0x12;
	s17 =	sshra.s32 s28, $0x12;
	v14 =	vnsel vm3, $0x0, v43;
	v42 =	vsel vm1, s12, v42;
	v43 =	vmov s24;
	v45 =	vld [tilespmem:$0x1FE70]  }
0x533: {  	s22 =	sshrl.u32 s30, $0x1F;
	s6 =	sshra.s32 s7, $0x12;
	v14 =	vsel vm0, s0, v14;
	s0 =	sshra.s32 s28, $0x1F;
	v42 =	vsel vm2, s1, v42;
	v43 =	vsel vm3, s17, v43  }
0x534: {  	s7 =	sshra.s32 s31, $0x12;
	s19 =	sshrl.u32 s21, $0x1F;
	s12 =	sshra.s32 s25, $0x12;
	v14 =	vsel vm1, s14, v14;
	v43 =	vsel vm12, s0, v43;
	vm12 =	vcmask $0x1714  }
0x535: {  	s31 =	sshra.s32 s18, $0x12;
	s18 =	sshra.s32 s21, $0x1F;
	s2 =	sshrl.u32 s29, $0x1F;
	v14 =	vsel vm2, s19, v14;
	v43 =	vsel vm0, s12, v43;
	v27 =	vcombine.low v27, v44  }
0x536: {  	s16 =	sshra.s32 s23, $0x12;
	s23 =	sshrl.u32 s8, $0x1F;
	s25 =	sshra.s32 s25, $0x1F;
	v0 =	vmul.u32 $0xF4240, v0;
	v17 =	vperm.xlane v17, v55;
	v44 =	vperm.xlane v46, v1  }
0x537: {  	s13 =	sshrl.u32 s3, $0x1F;
	s5 =	sshra.s32 s26, $0x12;
	s26 =	sshra.s32 s20, $0x12;
	v43 =	vsel vm13, s25, v43;
	v45 =	vperm.xlane v45, v1;
	v27 =	vperm.xlane v27, v55  }
0x538: {  	s28 =	sshra.s32 s20, $0x1F;
	s20 =	sshra.s32 s21, $0x12;
	v43 =	vsel vm1, s26, v43;
	s1 =	spop (v2sf);
	v0 =	vsub.s32 v2, v0;
	v2 =	vsel vm8, v44, v17;
	v44 =	vld [tilespmem:$0x1FE90]  }
0x539: {  	s17 =	sshra.s32 s29, $0x1F;
	v14 =	vsel vm4, s2, v14;
	s21 =	smulhi.u32 $0x431BDE83, s1;
	s14 =	sshra.s32 s1, $0x1F;
	v45 =	vsel vm8, v45, v27;
	v27 =	vsel vm12, s28, v43;
	v43 =	vld [tilespmem:$0x1FE80]  }
0x53a: {  	s19 =	sshra.s32 s29, $0x12;
	v14 =	vsel vm5, s22, v14;
	(v2sf) =	vpush v13, $0x1;
	s2 =	spop (v2sf);
	s22 =	smul.u32 $0x431BDE83, s14  }
0x53b: {  	v47 =	vld [tilespmem:$0x1FEB0];
	v14 =	vsel vm6, s13, v14;
	s13 =	sshra.s32 s30, $0x12;
	(v2sf) =	vpush v13, $0x2;
	s29 =	smulhi.u32 $0x431BDE83, s2;
	s14 =	sshra.s32 s2, $0x1F;
	v2 =	vadd.s32 v2, v45  }
0x53c: {  	v28 =	vcombine.low v38, v28;
	vm14 =	vmmov vm9;
	s1 =	spop (v2sf);
	s24 =	smul.u32 $0x431BDE83, s14;
	s14 =	sshra.s32 s30, $0x1F;
	v38 =	vmul.u32 $0xF4240, v2;
	v2 =	vld [tilespmem:$0x1FEA0]  }
0x53d: {  	v14 =	vsel vm7, s23, v14;
	v46 =	vmov s16;
	s30 =	smulhi.u32 $0x431BDE83, s1;
	s0 =	sshra.s32 s1, $0x1F;
	s2 =	spop (v2sf);
	(v2sf) =	vpush v13, $0x3  }
0x53e: {  	s10 =	sshra.s32 s3, $0x1F;
	s12 =	sshra.s32 s3, $0x12;
	s23 =	smul.u32 $0x431BDE83, s0;
	(v2sf) =	vpush v13, $0x4;
	v17 =	vsel vm0, s15, v46;
	v43 =	vcombine.low v44, v43  }
0x53f: {  	vm9 =	vlt.s32 v0, $0x0;
	s25 =	smulhi.u32 $0x431BDE83, s2;
	s9 =	sshra.s32 s2, $0x1F;
	s0 =	sadd.s32 s22, s21;
	(v2sf) =	vpush v13, $0x5;
	v17 =	vsel vm1, s11, v17  }
0x540: {  	s26 =	spop (v2sf);
	s2 =	smul.u32 $0x431BDE83, s9;
	s9 =	sshra.s32 s8, $0x12;
	v27 =	vsel vm2, s20, v27;
	v45 =	vperm.xlane v47, v1;
	v43 =	vperm.xlane v43, v55  }
0x541: {  	s8 =	smulhi.u32 $0x431BDE83, s26;
	s1 =	sshra.s32 s26, $0x1F;
	s16 =	sshrl.u32 s0, $0x1F;
	v44 =	vperm.xlane v2, v1;
	v2 =	vsel vm2, s5, v17;
	v17 =	vsel vm14, s18, v27  }
0x542: {  	s15 =	smul.u32 $0x431BDE83, s1;
	s28 =	spop (v2sf);
	s1 =	sadd.s32 s24, s29;
	v27 =	vperm.xlane v28, v55;
	v46 =	vsel vm4, s19, v17;
	v17 =	vadd.s32 $0xF4240, v0  }
0x543: {  	v30 =	vcombine.low v41, v30;
	s22 =	smulhi.u32 $0x431BDE83, s28;
	s3 =	sshra.s32 s28, $0x1F;
	s29 =	spop (v2sf);
	(v2sf) =	vpush v13, $0x6;
	v17 =	vsel vm9, v17, v0  }
0x544: {  	s0 =	sshra.s32 s0, $0x12;
	s20 =	sshrl.u32 s1, $0x1F;
	s24 =	smul.u32 $0x431BDE83, s3;
	v0 =	vsub.s32 v3, v38;
	v3 =	vsel vm8, v44, v43;
	v27 =	vsel vm8, v45, v27  }
0x545: {  	s3 =	sadd.s32 s23, s30;
	s23 =	smulhi.u32 $0x431BDE83, s29;
	s11 =	sshra.s32 s29, $0x1F;
	v27 =	vadd.s32 v3, v27;
	v3 =	vld [tilespmem:$0x1FEC0]  }
0x546: {  	v30 =	vperm.xlane v30, v55;
	v34 =	vcombine.low v48, v34;
	s30 =	spop (v2sf);
	s8 =	sadd.s32 s15, s8;
	s26 =	smul.u32 $0x431BDE83, s11;
	v28 =	vld [tilespmem:$0x300]  }
0x547: {  	v39 =	vperm.xlane v39, v1;
	v47 =	vmov s7;
	(v2sf) =	vpush v13, $0x7;
	s21 =	smulhi.u32 $0x431BDE83, s30;
	s28 =	spop (v2sf);
	s7 =	sshrl.u32 s8, $0x1F  }
0x548: {  	v32 =	vperm.xlane v32, v1;
	v34 =	vperm.xlane v34, v55;
	s5 =	sadd.s32 s2, s25;
	s2 =	sshra.s32 s30, $0x1F;
	s25 =	smulhi.u32 $0x431BDE83, s28  }
0x549: {  	v35 =	vperm.xlane v35, v1;
	v36 =	vcombine.low v51, v36;
	s29 =	sshra.s32 s28, $0x1F;
	s19 =	smul.u32 $0x431BDE83, s2;
	s30 =	spop (v2sf);
	v44 =	vld [tilespmem:$0x100]  }
0x54a: {  	s18 =	sshrl.u32 s3, $0x1F;
	v38 =	vsel vm0, s6, v47;
	v43 =	vsel vm15, s17, v46;
	s17 =	smul.u32 $0x431BDE83, s29;
	s2 =	spop (v2sf);
	v3 =	vcombine.low v29, v3  }
0x54b: {  	s6 =	sadd.s32 s24, s22;
	s22 =	smulhi.u32 $0x431BDE83, s30;
	s24 =	sshra.s32 s2, $0x1F;
	v29 =	vsel vm1, s4, v38;
	v38 =	vsel vm5, s13, v43;
	v43 =	vand.u32 $0x3FF, v28  }
0x54c: {  	v48 =	vperm.xlane v40, v1;
	v34 =	vsel vm8, v35, v34;
	s15 =	sshra.s32 s30, $0x1F;
	s24 =	smul.u32 $0x431BDE83, s24;
	s28 =	spop (v2sf);
	v43 =	vmul.u32 $0x16A95, v43  }
0x54d: {  	v36 =	vperm.xlane v36, v55;
	v26 =	vcombine.low v26, v63;
	s11 =	sshrl.u32 s5, $0x1F;
	v47 =	vld [tilespmem:$0x1FEE0];
	s29 =	sshra.s32 s28, $0x1F;
	s4 =	smul.u32 $0x431BDE83, s15;
	v28 =	vshra.s32 v28, $0xA  }
0x54e: {  	s30 =	spop (v2sf);
	s15 =	sadd.s32 s26, s23;
	s23 =	smulhi.u32 $0x431BDE83, s2;
	v28 =	vmul.u32 $0xBE40, v28;
	v46 =	vperm.xlane v3, v55;
	v3 =	vadd.s32 v44, v43;
	v44 =	vld [tilespmem:$0x1FED0]  }
0x54f: {  	v26 =	vperm.xlane v26, v55;
	v20 =	vcombine.low v20, v25;
	v41 =	vmov s20;
	s20 =	sshra.s32 s30, $0x1F;
	s13 =	sshrl.u32 s6, $0x1F;
	s26 =	smul.u32 $0x431BDE83, s29  }
0x550: {  	v24 =	vcombine.low v22, v24;
	v38 =	vsel vm10, s14, v38;
	s2 =	sshrl.u32 s15, $0x1F;
	s14 =	sadd.s32 s19, s21;
	s21 =	smulhi.u32 $0x431BDE83, s28;
	v3 =	vadd.s32 v28, v3  }
0x551: {  	v29 =	vsel vm2, s31, v29;
	s19 =	sadd.s32 s17, s25;
	s17 =	smulhi.u32 $0x431BDE83, s30;
	s31 =	spop (v2sf);
	v38 =	vsel vm6, s12, v38;
	(v2sf) =	vpush v3, $0xD  }
0x552: {  	v24 =	vperm.xlane v24, v55;
	v41 =	vsel vm0, s16, v41;
	s12 =	sshrl.u32 s14, $0x1F;
	s16 =	sshrl.u32 s19, $0x1F;
	v38 =	vsel vm11, s10, v38;
	s10 =	smul.u32 $0x431BDE83, s20  }
0x553: {  	s29 =	spop (v2sf);
	v43 =	vperm.xlane v47, v1;
	s20 =	sadd.s32 s4, s22;
	s4 =	smulhi.u32 $0x431BDE83, s31;
	(v2sf) =	vpush v3, $0xC;
	v28 =	vperm.xlane v44, v1  }
0x554: {  	v21 =	vperm.xlane v21, v1;
	v15 =	vcombine.low v15, v16;
	s28 =	sshra.s32 s31, $0x1F;
	v47 =	vsel vm1, s18, v41;
	s30 =	smulhi.u32 $0x431BDE83, s29;
	s31 =	sshra.s32 s29, $0x1F  }
0x555: {  	s18 =	sadd.s32 s24, s23;
	s22 =	sadd.s32 s26, s21;
	s24 =	smul.u32 $0x431BDE83, s31;
	v43 =	vsel vm8, v43, v30;
	(v2sf) =	vpush v3, $0xE;
	v28 =	vsel vm8, v28, v46  }
0x556: {  	vm9 =	vlt.s32 v0, $0x0;
	s25 =	sshrl.u32 s20, $0x1F;
	v30 =	vsel vm7, s9, v38;
	s9 =	smul.u32 $0x431BDE83, s28;
	s28 =	spop (v2sf);
	v28 =	vadd.s32 v28, v43;
	v43 =	vld [tilespmem:$0x1FEF0]  }
0x557: {  	v45 =	vadd.s32 $0xF4240, v0;
	v27 =	vmul.u32 $0xF4240, v27;
	s21 =	sadd.s32 s10, s17;
	s17 =	smulhi.u32 $0x431BDE83, s28;
	s26 =	sshra.s32 s28, $0x1F;
	(v2sf) =	vpush v3, $0xF  }
0x558: {  	v0 =	vsel vm9, v45, v0;
	v45 =	vcombine.low v49, v31;
	v31 =	vsel vm2, s11, v47;
	s28 =	sshrl.u32 s18, $0x1F;
	s31 =	sshrl.u32 s21, $0x1F;
	s11 =	sshra.s32 s21, $0x1F  }
0x559: {  	vm15 =	vmmov vm14;
	v4 =	vsub.s32 v4, v27;
	s10 =	sadd.s32 s9, s4;
	s29 =	smul.u32 $0x431BDE83, s26;
	s26 =	sshrl.u32 s22, $0x1F;
	(v2sf) =	vpush v3, $0x9  }
0x55a: {  	vm9 =	vlt.s32 v4, $0x0;
	s9 =	sadd.s32 s24, s30;
	s4 =	sshra.s32 s8, $0x12;
	s8 =	sshra.s32 s22, $0x1F;
	v46 =	vmov s16;
	(v2sf) =	vpush v3, $0x8  }
0x55b: {  	s30 =	sshrl.u32 s10, $0x1F;
	s24 =	sshrl.u32 s9, $0x1F;
	s17 =	sadd.s32 s29, s17;
	v47 =	vnsel vm3, $0x0, v46;
	v41 =	vmul.u32 $0xF4240, v28;
	v28 =	vcombine.low v33, v43  }
0x55c: {  	vm10 =	vcmask $0x704;
	s29 =	sshra.s32 s1, $0x12;
	s1 =	sshra.s32 s3, $0x12;
	s3 =	sshra.s32 s14, $0x12;
	(v2sf) =	vpush v3, $0xA;
	v38 =	vsel vm0, s25, v47  }
0x55d: {  	s14 =	sshra.s32 s21, $0x12;
	s16 =	sshra.s32 s5, $0x12;
	s5 =	sshra.s32 s6, $0x12;
	(v2sf) =	vpush v3, $0xB;
	v44 =	vperm.xlane v28, v55;
	v28 =	vperm.xlane v45, v55  }
0x55e: {  	s6 =	sshra.s32 s15, $0x12;
	s15 =	sshra.s32 s18, $0x12;
	s25 =	sshrl.u32 s17, $0x1F;
	v5 =	vsub.s32 v5, v41;
	v41 =	vmov s13;
	v43 =	vsel vm1, s28, v38  }
0x55f: {  	s13 =	sshra.s32 s19, $0x12;
	s19 =	sshra.s32 s19, $0x1F;
	s28 =	sshra.s32 s17, $0x1F;
	v45 =	vld [tilespmem:$0x1FF00];
	v27 =	vsel vm8, v39, v44;
	v28 =	vsel vm8, v32, v28;
	v32 =	vsel vm2, s26, v43  }
0x560: {  	v27 =	vadd.s32 v27, v28;
	v28 =	vsel vm0, s7, v41;
	s7 =	sshra.s32 s20, $0x12;
	s20 =	sshra.s32 s20, $0x1F;
	v32 =	vsel vm4, s31, v32;
	s31 =	spop (v2sf)  }
0x561: {  	(v2sf) =	vpush v3, $0x0;
	v28 =	vsel vm1, s2, v28;
	s2 =	sshra.s32 s18, $0x1F;
	v32 =	vsel vm5, s30, v32;
	s23 =	smulhi.u32 $0x431BDE83, s31;
	s30 =	sshra.s32 s31, $0x1F  }
0x562: {  	v46 =	vmov s29;
	v33 =	vadd.s32 $0xF4240, v4;
	s18 =	sshra.s32 s22, $0x12;
	v44 =	vsel vm6, s24, v32;
	s31 =	smul.u32 $0x431BDE83, s30;
	s24 =	spop (v2sf)  }
0x563: {  	v4 =	vsel vm9, v33, v4;
	v47 =	vmov s28;
	v33 =	vsel vm2, s12, v28;
	s12 =	sshra.s32 s10, $0x12;
	s21 =	smulhi.u32 $0x431BDE83, s24;
	s26 =	sshra.s32 s24, $0x1F  }
0x564: {  	(v2sf) =	vpush v3, $0x1;
	v28 =	vcombine.low v37, v45;
	v37 =	vsel vm3, s13, v47;
	s13 =	sshra.s32 s10, $0x1F;
	s28 =	spop (v2sf);
	s24 =	smul.u32 $0x431BDE83, s26  }
0x565: {  	v49 =	vadd.s32 $0xF4240, v5;
	v27 =	vmul.u32 $0xF4240, v27;
	s10 =	sshra.s32 s9, $0x12;
	v32 =	vsel vm7, s25, v44;
	s26 =	smulhi.u32 $0x431BDE83, s28;
	s25 =	sshra.s32 s28, $0x1F  }
0x566: {  	vm9 =	vlt.s32 v5, $0x0;
	(v2sf) =	vpush v3, $0x2;
	s9 =	sshra.s32 s9, $0x1F;
	v37 =	vsel vm10, s19, v37;
	s29 =	spop (v2sf);
	s19 =	smul.u32 $0x431BDE83, s25  }
0x567: {  	v7 =	vsub.s32 v7, v27;
	v27 =	vsel vm0, s0, v46;
	v37 =	vsel vm0, s7, v37;
	s7 =	sshra.s32 s17, $0x12;
	s25 =	smulhi.u32 $0x431BDE83, s29;
	s0 =	sshra.s32 s29, $0x1F  }
0x568: {  	v5 =	vsel vm9, v49, v5;
	(v2sf) =	vpush v3, $0x3;
	v28 =	vperm.xlane v28, v55;
	s30 =	spop (v2sf);
	s17 =	smul.u32 $0x431BDE83, s0;
	s0 =	sadd.s32 s31, s23  }
0x569: {  	v43 =	vcombine.low v56, v52;
	(v2sf) =	vpush v3, $0x4;
	v37 =	vsel vm13, s20, v37;
	s22 =	smulhi.u32 $0x431BDE83, s30;
	s20 =	sshra.s32 s30, $0x1F;
	s31 =	spop (v2sf)  }
0x56a: {  	v27 =	vsel vm1, s1, v27;
	v28 =	vsel vm8, v48, v28;
	v40 =	vsel vm1, s15, v37;
	s1 =	sadd.s32 s24, s21;
	s15 =	sshrl.u32 s0, $0x1F;
	s20 =	smul.u32 $0x431BDE83, s20  }
0x56b: {  	v52 =	vperm.xlane v58, v1;
	v28 =	vadd.s32 v28, v34;
	s21 =	smulhi.u32 $0x431BDE83, s31;
	s23 =	sshra.s32 s31, $0x1F;
	v34 =	vsel vm2, s16, v27;
	s16 =	sshrl.u32 s1, $0x1F  }
0x56c: {  	v56 =	vperm.xlane v60, v1;
	(v2sf) =	vpush v3, $0x5;
	v41 =	vsel vm12, s2, v40;
	s28 =	spop (v2sf);
	s2 =	sadd.s32 s19, s26;
	s23 =	smul.u32 $0x431BDE83, s23  }
0x56d: {  	v35 =	vperm.xlane v43, v55;
	v45 =	vperm.xlane v50, v1;
	s19 =	smulhi.u32 $0x431BDE83, s28;
	s24 =	sshra.s32 s28, $0x1F;
	v27 =	vsel vm2, s18, v41;
	s18 =	sshrl.u32 s2, $0x1F  }
0x56e: {  	v44 =	vmov s5;
	v46 =	vperm.xlane v53, v1;
	(v2sf) =	vpush v3, $0x6;
	s29 =	spop (v2sf);
	s5 =	sadd.s32 s17, s25;
	s24 =	smul.u32 $0x431BDE83, s24  }
0x56f: {  	vm9 =	vlt.s32 v7, $0x0;
	v49 =	vadd.s32 $0xF4240, v7;
	v37 =	vsel vm0, s4, v44;
	s17 =	smulhi.u32 $0x431BDE83, s29;
	s30 =	sshra.s32 s29, $0x1F;
	s4 =	sshrl.u32 s5, $0x1F  }
0x570: {  	v47 =	vld [tilespmem:$0x310];
	v7 =	vsel vm9, v49, v7;
	(v2sf) =	vpush v3, $0x7;
	v27 =	vsel vm14, s8, v27;
	s31 =	spop (v2sf);
	s8 =	sadd.s32 s20, s22;
	s25 =	smul.u32 $0x431BDE83, s30  }
0x571: {  	v49 =	vcombine.low v62, v57;
	v35 =	vsel vm8, v46, v35;
	s20 =	smulhi.u32 $0x431BDE83, s31;
	s28 =	sshra.s32 s31, $0x1F;
	v27 =	vsel vm4, s14, v27;
	s14 =	sshrl.u32 s8, $0x1F  }
0x572: {  	v48 =	vsel vm8, v45, v36;
	v37 =	vsel vm1, s6, v37;
	vm14 =	vcmask $0x2724;
	s6 =	sadd.s32 s23, s21;
	s8 =	sshra.s32 s8, $0x12;
	s22 =	smul.u32 $0x431BDE83, s28  }
0x573: {  	v51 =	vld [tilespmem:$0x110];
	v38 =	vadd.s32 v48, v35;
	v35 =	vsel vm2, s3, v37;
	v27 =	vsel vm14, s11, v27;
	s11 =	sshrl.u32 s6, $0x1F;
	s3 =	sadd.s32 s24, s19;
	s29 =	spop (v2sf)  }
0x574: {  	v26 =	vsel vm8, v56, v26;
	v50 =	vperm.xlane v49, v55;
	v27 =	vsel vm5, s12, v27;
	s12 =	sshrl.u32 s3, $0x1F;
	s21 =	smulhi.u32 $0x431BDE83, s29;
	s30 =	sshra.s32 s29, $0x1F  }
0x575: {  	v53 =	vand.u32 $0x3FF, v47;
	v40 =	vshra.s32 v47, $0xA;
	v28 =	vmul.u32 $0xF4240, v28;
	s17 =	sadd.s32 s25, s17;
	s23 =	smul.u32 $0x431BDE83, s30;
	s31 =	spop (v2sf)  }
0x576: {  	v37 =	vmul.u32 $0x16A95, v53;
	vm14 =	vcmask $0x2F2C;
	v47 =	vmov s11;
	s11 =	sshra.s32 s5, $0x12;
	s24 =	smulhi.u32 $0x431BDE83, s31;
	s28 =	sshra.s32 s31, $0x1F  }
0x577: {  	v40 =	vmul.u32 $0xBE40, v40;
	v57 =	vmov s16;
	v27 =	vsel vm14, s13, v27;
	s16 =	sshrl.u32 s17, $0x1F;
	s29 =	spop (v2sf);
	s13 =	smul.u32 $0x431BDE83, s28  }
0x578: {  	v58 =	vsel vm8, v52, v50;
	v60 =	vsel vm0, s15, v57;
	v36 =	vadd.s32 v51, v37;
	s5 =	sshra.s32 s17, $0x12;
	s25 =	smulhi.u32 $0x431BDE83, s29;
	s19 =	sshra.s32 s29, $0x1F  }
0x579: {  	v28 =	vsub.s32 v6, v28;
	v6 =	vadd.s32 v40, v36;
	v27 =	vsel vm6, s10, v27;
	s30 =	spop (v2sf);
	s15 =	sadd.s32 s23, s21;
	s10 =	smul.u32 $0x431BDE83, s19  }
0x57a: {  	v37 =	vadd.s32 v58, v26;
	v63 =	vsel vm1, s18, v60;
	(v2sf) =	vpush v6, $0xD;
	s19 =	sadd.s32 s22, s20;
	s31 =	smulhi.u32 $0x431BDE83, s30;
	s26 =	sshra.s32 s30, $0x1F  }
0x57b: {  	v15 =	vperm.xlane v15, v55;
	v43 =	vmul.u32 $0xF4240, v37;
	v50 =	vsel vm2, s4, v63;
	s28 =	spop (v2sf);
	s18 =	sshrl.u32 s15, $0x1F;
	s26 =	smul.u32 $0x431BDE83, s26  }
0x57c: {  	v37 =	vsel vm0, s14, v47;
	v27 =	vsel vm11, s9, v27;
	(v2sf) =	vpush v6, $0xC;
	s4 =	sshra.s32 s15, $0x12;
	s21 =	smulhi.u32 $0x431BDE83, s28;
	s20 =	sshra.s32 s28, $0x1F  }
0x57d: {  	v18 =	vperm.xlane v18, v1;
	v51 =	vsel vm1, s12, v37;
	v36 =	vsel vm7, s7, v27;
	s12 =	sshra.s32 s15, $0x1F;
	s29 =	spop (v2sf);
	s7 =	smul.u32 $0x431BDE83, s20  }
0x57e: {  	v23 =	vperm.xlane v23, v1;
	v20 =	vperm.xlane v20, v55;
	(v2sf) =	vpush v6, $0xE;
	s20 =	sadd.s32 s13, s24;
	s13 =	smulhi.u32 $0x431BDE83, s29;
	s23 =	sshra.s32 s29, $0x1F  }
0x57f: {  	v21 =	vsel vm8, v21, v24;
	v15 =	vsel vm8, v18, v15;
	(v2sf) =	vpush v6, $0xF;
	s25 =	sadd.s32 s10, s25;
	s30 =	spop (v2sf);
	s10 =	smul.u32 $0x431BDE83, s23  }
0x580: {  	v23 =	vsel vm8, v23, v20;
	v15 =	vadd.s32 v21, v15;
	(v2sf) =	vpush v6, $0x9;
	s9 =	sshrl.u32 s19, $0x1F;
	s26 =	sadd.s32 s26, s31;
	s28 =	smulhi.u32 $0x431BDE83, s30  }
0x581: {  	v2 =	vcombine.low v29, v2;
	v44 =	vcombine.low v61, v54;
	(v2sf) =	vpush v6, $0x8;
	s31 =	sshra.s32 s30, $0x1F;
	s29 =	sshrl.u32 s20, $0x1F;
	s30 =	sshrl.u32 s25, $0x1F  }
0x582: {  	v46 =	vperm.xlane v59, v1;
	(v2sf) =	vpush v6, $0xA;
	v48 =	vmov s9;
	s14 =	sshra.s32 s25, $0x12;
	s25 =	sshra.s32 s25, $0x1F;
	s24 =	sadd.s32 s7, s21  }
0x583: {  	v45 =	vperm.xlane v44, v55;
	(v2sf) =	vpush v6, $0xB;
	v52 =	vnsel vm3, $0x0, v48;
	s23 =	smul.u32 $0x431BDE83, s31;
	s31 =	sshrl.u32 s26, $0x1F;
	s7 =	sshra.s32 s0, $0x12  }
0x584: {  	v19 =	vcombine.low v42, v19;
	v15 =	vmul.u32 $0xF4240, v15;
	s0 =	sshra.s32 s1, $0x12;
	s1 =	sshra.s32 s19, $0x12;
	v53 =	vsel vm0, s18, v52;
	s18 =	sshra.s32 s26, $0x1F  }
0x585: {  	v2 =	vperm.xlane v2, v55;
	v61 =	vperm.xlane v30, v1;
	v25 =	vsel vm8, v46, v45;
	s22 =	sadd.s32 s10, s13;
	s10 =	sshrl.u32 s24, $0x1F;
	s13 =	sshra.s32 s2, $0x12  }
0x586: {  	v38 =	vmul.u32 $0xF4240, v38;
	v23 =	vadd.s32 v25, v23;
	v25 =	vsel vm1, s29, v53;
	s29 =	sshra.s32 s20, $0x1F;
	s21 =	sadd.s32 s23, s28;
	s23 =	sshrl.u32 s22, $0x1F  }
0x587: {  	v11 =	vsub.s32 v11, v15;
	v14 =	vperm.xlane v14, v1;
	v39 =	vperm.xlane v32, v1;
	s28 =	sshra.s32 s6, $0x12;
	s6 =	sshra.s32 s3, $0x12;
	s3 =	sshra.s32 s19, $0x1F  }
0x588: {  	v2 =	vsel vm8, v61, v2;
	v8 =	vsub.s32 v8, v38;
	(v2sf) =	vpush v6, $0x0;
	s19 =	sshra.s32 s20, $0x12;
	s20 =	sshra.s32 s26, $0x12;
	s17 =	sshra.s32 s21, $0x1F  }
0x589: {  	v22 =	vsel vm2, s16, v51;
	(v2sf) =	vpush v6, $0x1;
	s15 =	sshra.s32 s22, $0x12;
	s9 =	sshrl.u32 s21, $0x1F;
	s16 =	spop (v2sf);
	v54 =	vmov s17  }
0x58a: {  	v60 =	vperm.xlane v19, v55;
	vm9 =	vlt.s32 v28, $0x0;
	s17 =	sshra.s32 s24, $0x12;
	s2 =	sshra.s32 s16, $0x1F;
	v57 =	vsel vm3, s1, v54;
	s1 =	smulhi.u32 $0x431BDE83, s16  }
0x58b: {  	v62 =	vadd.s32 $0xF4240, v28;
	v38 =	vadd.s32 $0xF4240, v8;
	s24 =	sshra.s32 s24, $0x1F;
	s2 =	smul.u32 $0x431BDE83, s2;
	v58 =	vsel vm10, s3, v57;
	s26 =	spop (v2sf)  }
0x58c: {  	v59 =	vmov s0;
	v25 =	vsel vm2, s30, v25;
	s16 =	sshra.s32 s22, $0x1F;
	v16 =	vsel vm0, s4, v58;
	s4 =	smulhi.u32 $0x431BDE83, s26;
	s3 =	sshra.s32 s26, $0x1F  }
0x58d: {  	v56 =	vsel vm4, s31, v25;
	(v2sf) =	vpush v6, $0x2;
	s0 =	sadd.s32 s2, s1;
	v16 =	vsel vm13, s12, v16;
	s3 =	smul.u32 $0x431BDE83, s3;
	s30 =	spop (v2sf)  }
0x58e: {  	v24 =	vsel vm5, s10, v56;
	(v2sf) =	vpush v6, $0x3;
	v16 =	vsel vm1, s19, v16;
	s22 =	smulhi.u32 $0x431BDE83, s30;
	s10 =	sshra.s32 s30, $0x1F;
	s31 =	spop (v2sf)  }
0x58f: {  	v24 =	vsel vm6, s23, v24;
	s12 =	sshra.s32 s21, $0x12;
	(v2sf) =	vpush v6, $0x4;
	v16 =	vsel vm12, s29, v16;
	s10 =	smul.u32 $0x431BDE83, s10;
	s23 =	spop (v2sf)  }
0x590: {  	v26 =	vsel vm9, v62, v28;
	(v2sf) =	vpush v6, $0x5;
	v16 =	vsel vm2, s14, v16;
	s14 =	smulhi.u32 $0x431BDE83, s31;
	s19 =	sshra.s32 s31, $0x1F;
	s29 =	spop (v2sf)  }
0x591: {  	vm9 =	vlt.s32 v8, $0x0;
	v23 =	vmul.u32 $0xF4240, v23;
	s3 =	sadd.s32 s3, s4;
	s1 =	smul.u32 $0x431BDE83, s19;
	s26 =	spop (v2sf);
	(v2sf) =	vpush v6, $0x6  }
0x592: {  	v25 =	vsel vm0, s7, v59;
	v16 =	vsel vm15, s25, v16;
	s7 =	smulhi.u32 $0x431BDE83, s23;
	s30 =	sshra.s32 s23, $0x1F;
	s25 =	spop (v2sf);
	(v2sf) =	vpush v6, $0x7  }
0x593: {  	v14 =	vsel vm8, v14, v60;
	v28 =	vcombine.low v33, v31;
	v31 =	vadd.s32 $0xF4240, v11;
	s19 =	sshrl.u32 s0, $0x1F;
	s2 =	sadd.s32 s10, s22;
	s31 =	smul.u32 $0x431BDE83, s30  }
0x594: {  	v10 =	vsub.s32 v10, v43;
	v8 =	vsel vm9, v38, v8;
	vm14 =	vmmov vm10;
	s22 =	sshrl.u32 s3, $0x1F;
	s10 =	smulhi.u32 $0x431BDE83, s29;
	s29 =	sshra.s32 s29, $0x1F  }
0x595: {  	v2 =	vadd.s32 v14, v2;
	vm9 =	vlt.s32 v10, $0x0;
	v49 =	vadd.s32 $0xF4240, v10;
	s21 =	sshrl.u32 s2, $0x1F;
	s1 =	sadd.s32 s1, s14;
	s30 =	smul.u32 $0x431BDE83, s29  }
0x596: {  	vm10 =	vmmov vm15;
	vm15 =	vcmask $0x2724;
	v16 =	vsel vm4, s20, v16;
	s4 =	sadd.s32 s31, s7;
	s31 =	smulhi.u32 $0x431BDE83, s26;
	s26 =	sshra.s32 s26, $0x1F  }
0x597: {  	v44 =	vld [tilespmem:$0x320];
	v9 =	vsub.s32 v9, v23;
	v2 =	vmul.u32 $0xF4240, v2;
	v30 =	vsel vm15, s18, v16;
	s7 =	sadd.s32 s30, s10;
	s30 =	smul.u32 $0x431BDE83, s26;
	s26 =	spop (v2sf)  }
0x598: {  	v10 =	vsel vm9, v49, v10;
	v27 =	vsel vm1, s13, v25;
	s13 =	sshrl.u32 s1, $0x1F;
	v14 =	vsel vm5, s17, v30;
	s17 =	smulhi.u32 $0x431BDE83, s26;
	s29 =	spop (v2sf)  }
0x599: {  	vm9 =	vlt.s32 v9, $0x0;
	v62 =	vadd.s32 $0xF4240, v9;
	v63 =	vsel vm7, s9, v24;
	s9 =	sadd.s32 s30, s31;
	s31 =	smulhi.u32 $0x431BDE83, s25;
	s25 =	sshra.s32 s25, $0x1F  }
0x59a: {  	v37 =	vcombine.low v35, v34;
	v9 =	vsel vm9, v62, v9;
	vm9 =	vlt.s32 v11, $0x0;
	s18 =	sshra.s32 s26, $0x1F;
	s26 =	sshra.s32 s29, $0x1F;
	s14 =	smul.u32 $0x431BDE83, s25  }
0x59b: {  	v12 =	vsub.s32 v12, v2;
	v2 =	vperm.xlane v28, v55;
	v33 =	vmov s28;
	s20 =	sshrl.u32 s4, $0x1F;
	s23 =	sshrl.u32 s7, $0x1F;
	s28 =	smul.u32 $0x431BDE83, s26  }
0x59c: {  	v20 =	vcombine.low v22, v50;
	v22 =	vshra.s32 v44, $0xA;
	vm13 =	vcmask $0x2F2C;
	s30 =	spop (v2sf);
	s10 =	sadd.s32 s14, s31;
	s14 =	smul.u32 $0x431BDE83, s18  }
0x59d: {  	v11 =	vsel vm9, v31, v11;
	v29 =	vsel vm2, s11, v27;
	v14 =	vsel vm13, s24, v14;
	s11 =	sshrl.u32 s9, $0x1F;
	s31 =	smulhi.u32 $0x431BDE83, s29;
	s25 =	spop (v2sf)  }
0x59e: {  	vm9 =	vlt.s32 v12, $0x0;
	v41 =	vperm.xlane v36, v1;
	v14 =	vsel vm6, s15, v14;
	s29 =	smulhi.u32 $0x431BDE83, s30;
	s30 =	sshra.s32 s30, $0x1F;
	s24 =	spop (v2sf)  }
0x59f: {  	v21 =	vsel vm8, v39, v2;
	v40 =	vsel vm11, s16, v14;
	v2 =	vmov s23;
	s15 =	sshrl.u32 s10, $0x1F;
	s16 =	smul.u32 $0x431BDE83, s30;
	s18 =	spop (v2sf)  }
0x5a0: {  	v38 =	vsel vm0, s8, v33;
	v43 =	vmov s22;
	v2 =	vsel vm0, s20, v2;
	s22 =	smulhi.u32 $0x431BDE83, s25;
	s14 =	sadd.s32 s14, s17;
	s17 =	spop (v2sf)  }
0x5a1: {  	v46 =	vld [tilespmem:$0x120];
	v22 =	vmul.u32 $0xBE40, v22;
	v18 =	vsel vm1, s6, v38;
	v2 =	vsel vm1, s11, v2;
	s8 =	sadd.s32 s28, s31;
	s11 =	smulhi.u32 $0x431BDE83, s24;
	s31 =	spop (v2sf)  }
0x5a2: {  	v48 =	vand.u32 $0x3FF, v44;
	v18 =	vsel vm2, s5, v18;
	v19 =	vsel vm0, s19, v43;
	s25 =	sshra.s32 s25, $0x1F;
	s5 =	smulhi.u32 $0x431BDE83, s31;
	s28 =	sshra.s32 s31, $0x1F  }
0x5a3: {  	v20 =	vperm.xlane v20, v55;
	v27 =	vmul.u32 $0x16A95, v48;
	v19 =	vsel vm1, s21, v19;
	s6 =	sadd.s32 s16, s29;
	s29 =	sshrl.u32 s14, $0x1F;
	s16 =	smul.u32 $0x431BDE83, s28  }
0x5a4: {  	v19 =	vsel vm2, s13, v19;
	v2 =	vsel vm2, s15, v2;
	s24 =	sshra.s32 s24, $0x1F;
	v45 =	vmov s29;
	s31 =	smul.u32 $0x431BDE83, s25  }
0x5a5: {  	v18 =	vcombine.low v18, v29;
	s30 =	sshrl.u32 s8, $0x1F;
	v19 =	vcombine.low v2, v19;
	v2 =	vnsel vm3, $0x0, v45;
	s25 =	smul.u32 $0x431BDE83, s24;
	s5 =	sadd.s32 s16, s5  }
0x5a6: {  	v15 =	vperm.xlane v63, v1;
	v25 =	vadd.s32 v46, v27;
	s19 =	sshrl.u32 s6, $0x1F;
	v2 =	vsel vm0, s30, v2;
	s13 =	sadd.s32 s31, s22;
	s16 =	sshra.s32 s5, $0x1F  }
0x5a7: {  	v18 =	vperm.xlane v18, v55;
	v2 =	vsel vm1, s19, v2;
	s28 =	sshra.s32 s14, $0x12;
	s11 =	sadd.s32 s25, s11;
	s29 =	sshrl.u32 s13, $0x1F;
	v47 =	vmov s16  }
0x5a8: {  	v15 =	vsel vm8, v15, v20;
	s14 =	sshra.s32 s14, $0x1F;
	s23 =	sshrl.u32 s11, $0x1F;
	v2 =	vsel vm2, s29, v2;
	v24 =	vsel vm3, s28, v47  }
0x5a9: {  	s3 =	sshra.s32 s3, $0x12;
	s21 =	sshra.s32 s8, $0x12;
	v49 =	vsel vm4, s23, v2;
	v2 =	vadd.s32 v22, v25;
	v24 =	vsel vm14, s14, v24  }
0x5aa: {  	s8 =	sshra.s32 s8, $0x1F;
	s26 =	smulhi.u32 $0x431BDE83, s18;
	s18 =	sshra.s32 s18, $0x1F;
	(v2sf) =	vpush v2, $0xD;
	vm14 =	vcmask $0xF0C;
	v24 =	vsel vm0, s21, v24  }
0x5ab: {  	v51 =	vmov s3;
	v16 =	vperm.xlane v37, v55;
	s30 =	smul.u32 $0x431BDE83, s18;
	s25 =	sshra.s32 s6, $0x12;
	v24 =	vsel vm14, s8, v24  }
0x5ac: {  	v23 =	vsel vm7, s12, v40;
	s31 =	smulhi.u32 $0x431BDE83, s17;
	s17 =	sshra.s32 s17, $0x1F;
	s6 =	sshra.s32 s6, $0x1F;
	(v2sf) =	vpush v2, $0xC;
	v24 =	vsel vm1, s25, v24  }
0x5ad: {  	v16 =	vsel vm8, v41, v16;
	v23 =	vperm.xlane v23, v1;
	s24 =	sadd.s32 s30, s26;
	s22 =	smul.u32 $0x431BDE83, s17;
	s29 =	sshra.s32 s13, $0x12;
	v24 =	vsel vm12, s6, v24  }
0x5ae: {  	s0 =	sshra.s32 s0, $0x12;
	v59 =	vperm.xlane v19, v55;
	s26 =	sshrl.u32 s24, $0x1F;
	s30 =	sshra.s32 s13, $0x1F;
	(v2sf) =	vpush v2, $0xE;
	v24 =	vsel vm2, s29, v24  }
0x5af: {  	s2 =	sshra.s32 s2, $0x12;
	s15 =	sadd.s32 s22, s31;
	s31 =	sshra.s32 s11, $0x12;
	v25 =	vsel vm0, s0, v51;
	v50 =	vsel vm5, s26, v49;
	v24 =	vsel vm10, s30, v24  }
0x5b0: {  	s28 =	sshrl.u32 s15, $0x1F;
	v53 =	vsel vm1, s2, v25;
	(v2sf) =	vpush v2, $0xF;
	s6 =	sshra.s32 s7, $0x12;
	s7 =	sshra.s32 s11, $0x1F;
	v24 =	vsel vm4, s31, v24  }
0x5b1: {  	s4 =	sshra.s32 s4, $0x12;
	v22 =	vsel vm6, s28, v50;
	s8 =	sshra.s32 s24, $0x12;
	v52 =	vmov s6;
	v24 =	vsel vm15, s7, v24  }
0x5b2: {  	s1 =	sshra.s32 s1, $0x12;
	s12 =	sshra.s32 s24, $0x1F;
	(v2sf) =	vpush v2, $0x9;
	s11 =	sshra.s32 s9, $0x12;
	v27 =	vsel vm0, s4, v52;
	v24 =	vsel vm5, s8, v24  }
0x5b3: {  	[tilespmem:$0x450] =	vst v0;
	s13 =	sshra.s32 s10, $0x12;
	s14 =	sshra.s32 s15, $0x12;
	v0 =	vsel vm2, s1, v53;
	v54 =	vsel vm1, s11, v27;
	v24 =	vsel vm13, s12, v24  }
0x5b4: {  	s16 =	sshrl.u32 s5, $0x1F;
	s17 =	sshra.s32 s15, $0x1F;
	(v2sf) =	vpush v2, $0x8;
	v56 =	vsel vm2, s13, v54;
	v24 =	vsel vm6, s14, v24  }
0x5b5: {  	[tilespmem:$0x440] =	vst v17;
	s18 =	sshra.s32 s5, $0x12;
	v57 =	vsel vm7, s16, v22;
	v0 =	vcombine.low v56, v0;
	v58 =	vsel vm11, s17, v24  }
0x5b6: {  	[tilespmem:$0x460] =	vst v4;
	v4 =	vperm.xlane v57, v1;
	(v2sf) =	vpush v2, $0xA;
	v17 =	vsel vm7, s18, v58  }
0x5b7: {  	v62 =	vsel vm8, v23, v18;
	v0 =	vperm.xlane v0, v55;
	v61 =	vperm.xlane v17, v1  }
0x5b8: {  	v60 =	vadd.s32 v21, v16;
	v63 =	vadd.s32 v15, v62;
	(v2sf) =	vpush v2, $0xB  }
0x5b9: {  	v16 =	vmul.u32 $0xF4240, v63;
	v4 =	vsel vm8, v4, v59;
	s19 =	spop (v2sf);
	v0 =	vsel vm8, v61, v0  }
0x5ba: {  	v42 =	vadd.s32 $0xF4240, v12;
	(v2sf) =	vpush v2, $0x0;
	s25 =	smulhi.u32 $0x431BDE83, s19;
	s0 =	sshra.s32 s19, $0x1F;
	v0 =	vadd.s32 v4, v0  }
0x5bb: {  	v18 =	vsel vm9, v42, v12;
	v3 =	vsub.s32 v3, v16;
	s20 =	spop (v2sf);
	s17 =	smul.u32 $0x431BDE83, s0;
	v0 =	vmul.u32 $0xF4240, v0  }
0x5bc: {  	vm9 =	vlt.s32 v3, $0x0;
	v19 =	vadd.s32 $0xF4240, v3;
	(v2sf) =	vpush v2, $0x1;
	s14 =	smulhi.u32 $0x431BDE83, s20;
	s26 =	sshra.s32 s20, $0x1F  }
0x5bd: {  	v3 =	vsel vm9, v19, v3;
	s21 =	spop (v2sf);
	s19 =	smul.u32 $0x431BDE83, s26;
	v0 =	vsub.s32 v6, v0  }
0x5be: {  	(v2sf) =	vpush v2, $0x2;
	s15 =	smulhi.u32 $0x431BDE83, s21;
	s28 =	sshra.s32 s21, $0x1F;
	vm9 =	vlt.s32 v0, $0x0;
	v20 =	vadd.s32 $0xF4240, v0  }
0x5bf: {  	s22 =	spop (v2sf);
	s20 =	smul.u32 $0x431BDE83, s28;
	v0 =	vsel vm9, v20, v0  }
0x5c0: {  	(v2sf) =	vpush v2, $0x3;
	s16 =	smulhi.u32 $0x431BDE83, s22;
	s29 =	sshra.s32 s22, $0x1F;
	[tilespmem:$0x510] =	vst v0;
	v0 =	vld [tilespmem:$0x330]  }
0x5c1: {  	[tilespmem:$0x480] =	vst v7;
	v7 =	vmul.u32 $0xF4240, v60;
	(v2sf) =	vpush v2, $0x4;
	s23 =	spop (v2sf);
	s22 =	smul.u32 $0x431BDE83, s29  }
0x5c2: {  	s18 =	smulhi.u32 $0x431BDE83, s23;
	s30 =	sshra.s32 s23, $0x1F  }
0x5c3: {  	v15 =	vsub.s32 v13, v7;
	[tilespmem:$0x500] =	vst v3;
	v3 =	vld [tilespmem:$0x130];
	s24 =	spop (v2sf);
	s23 =	smul.u32 $0x431BDE83, s30  }
0x5c4: {  	vm10 =	vlt.s32 v15, $0x0;
	v17 =	vadd.s32 $0xF4240, v15;
	[smem:$0x67B] =	sst s25;
	(v2sf) =	vpush v2, $0x5;
	s21 =	smulhi.u32 $0x431BDE83, s24;
	s31 =	sshra.s32 s24, $0x1F  }
0x5c5: {  	v4 =	vsel vm10, v17, v15;
	s1 =	spop (v2sf);
	s25 =	smul.u32 $0x431BDE83, s31;
	v21 =	vand.u32 $0x3FF, v0  }
0x5c6: {  	[tilespmem:$0x4F0] =	vst v4;
	(v2sf) =	vpush v2, $0x6;
	s24 =	smulhi.u32 $0x431BDE83, s1;
	s0 =	sshra.s32 s1, $0x1F;
	v0 =	vshra.s32 v0, $0xA;
	v4 =	vmul.u32 $0x16A95, v21  }
0x5c7: {  	s2 =	spop (v2sf);
	s26 =	smul.u32 $0x431BDE83, s0;
	v0 =	vmul.u32 $0xBE40, v0  }
0x5c8: {  	(v2sf) =	vpush v2, $0x7;
	s28 =	smulhi.u32 $0x431BDE83, s2;
	s0 =	sshra.s32 s2, $0x1F;
	v3 =	vadd.s32 v3, v4  }
0x5c9: {  	s3 =	spop (v2sf);
	s30 =	smul.u32 $0x431BDE83, s0;
	v3 =	vadd.s32 v0, v3  }
0x5ca: {  	s29 =	smulhi.u32 $0x431BDE83, s3;
	s0 =	sshra.s32 s3, $0x1F;
	(v2sf) =	vpush v3, $0xD  }
0x5cb: {  	s8 =	smul.u32 $0x431BDE83, s0;
	s4 =	spop (v2sf)  }
0x5cc: {  	s31 =	smulhi.u32 $0x431BDE83, s4;
	s0 =	sshra.s32 s4, $0x1F;
	(v2sf) =	vpush v3, $0xC  }
0x5cd: {  	s5 =	spop (v2sf);
	s2 =	smul.u32 $0x431BDE83, s0  }
0x5ce: {  	s6 =	smulhi.u32 $0x431BDE83, s5;
	s0 =	sshra.s32 s5, $0x1F;
	(v2sf) =	vpush v3, $0xE  }
0x5cf: {  	s7 =	spop (v2sf);
	s11 =	smul.u32 $0x431BDE83, s0  }
0x5d0: {  	s9 =	smulhi.u32 $0x431BDE83, s7;
	s0 =	sshra.s32 s7, $0x1F;
	s10 =	spop (v2sf)  }
0x5d1: {  	[smem:$0x67C] =	sst s6;
	s6 =	smul.u32 $0x431BDE83, s0;
	(v2sf) =	vpush v3, $0xF  }
0x5d2: {  	s12 =	smulhi.u32 $0x431BDE83, s10;
	s0 =	sshra.s32 s10, $0x1F  }
0x5d3: {  	s13 =	spop (v2sf);
	s5 =	smul.u32 $0x431BDE83, s0;
	(v2sf) =	vpush v3, $0x9  }
0x5d4: {  	[smem:$0x67D] =	sst s9;
	s3 =	smulhi.u32 $0x431BDE83, s13;
	s0 =	sshra.s32 s13, $0x1F  }
0x5d5: {  	s4 =	spop (v2sf);
	s7 =	smul.u32 $0x431BDE83, s0  }
0x5d6: {  	[smem:$0x67E] =	sst s12;
	s9 =	smulhi.u32 $0x431BDE83, s4;
	s0 =	sshra.s32 s4, $0x1F  }
0x5d7: {  	s10 =	spop (v2sf);
	s1 =	smul.u32 $0x431BDE83, s0  }
0x5d8: {  	[smem:$0x67F] =	sst s3;
	s12 =	smulhi.u32 $0x431BDE83, s10;
	s0 =	sshra.s32 s10, $0x1F;
	(v2sf) =	vpush v3, $0x8  }
0x5d9: {  	s3 =	smul.u32 $0x431BDE83, s0;
	(v2sf) =	vpush v3, $0xA;
	s13 =	spop (v2sf)  }
0x5da: {  	[smem:$0x680] =	sst s9;
	s9 =	smulhi.u32 $0x431BDE83, s13;
	s0 =	sshra.s32 s13, $0x1F  }
0x5db: {  	s10 =	spop (v2sf);
	s0 =	smul.u32 $0x431BDE83, s0  }
0x5dc: {  	[smem:$0x681] =	sst s12;
	s12 =	smulhi.u32 $0x431BDE83, s10  }
0x5dd: {  	s13 =	spop (v2sf);
	[smem:$0x683] =	sst s0;
	s0 =	sshra.s32 s10, $0x1F  }
0x5de: {  	(v2sf) =	vpush v3, $0xB;
	[smem:$0x682] =	sst s9;
	s0 =	smul.u32 $0x431BDE83, s0  }
0x5df: {  	(v2sf) =	vpush v3, $0x0;
	s9 =	smulhi.u32 $0x431BDE83, s13;
	[smem:$0x684] =	sst s12  }
0x5e0: {  	s10 =	spop (v2sf);
	[smem:$0x685] =	sst s0;
	s0 =	sshra.s32 s13, $0x1F  }
0x5e1: {  	[smem:$0x686] =	sst s9;
	s0 =	smul.u32 $0x431BDE83, s0  }
0x5e2: {  	(v2sf) =	vpush v3, $0x1;
	s12 =	smulhi.u32 $0x431BDE83, s10;
	s13 =	spop (v2sf)  }
0x5e3: {  	s9 =	smulhi.u32 $0x431BDE83, s13;
	[smem:$0x687] =	sst s0;
	s0 =	sshra.s32 s10, $0x1F  }
0x5e4: {  	(v2sf) =	vpush v3, $0x2;
	[smem:$0x688] =	sst s12;
	s0 =	smul.u32 $0x431BDE83, s0  }
0x5e5: {  	[smem:$0x68A] =	sst s9  }
0x5e6: {  	[smem:$0x689] =	sst s0;
	s0 =	sshra.s32 s13, $0x1F  }
0x5e7: {  	s10 =	spop (v2sf);
	s0 =	smul.u32 $0x431BDE83, s0  }
0x5e8: {  	(v2sf) =	vpush v3, $0x3;
	s12 =	smulhi.u32 $0x431BDE83, s10;
	s13 =	spop (v2sf)  }
0x5e9: {  	s9 =	smulhi.u32 $0x431BDE83, s13;
	[smem:$0x68B] =	sst s0;
	s0 =	sshra.s32 s10, $0x1F  }
0x5ea: {  	(v2sf) =	vpush v3, $0x4;
	[smem:$0x68C] =	sst s12;
	s0 =	smul.u32 $0x431BDE83, s0  }
0x5eb: {  	[smem:$0x68E] =	sst s9  }
0x5ec: {  	(v2sf) =	vpush v3, $0x5;
	[smem:$0x68D] =	sst s0;
	s0 =	sshra.s32 s13, $0x1F  }
0x5ed: {  	s10 =	spop (v2sf);
	s0 =	smul.u32 $0x431BDE83, s0  }
0x5ee: {  	v0 =	vld [tilespmem:$0x340];
	s12 =	smulhi.u32 $0x431BDE83, s10;
	s13 =	spop (v2sf)  }
0x5ef: {  	s9 =	smulhi.u32 $0x431BDE83, s13;
	[smem:$0x68F] =	sst s0;
	s0 =	sshra.s32 s10, $0x1F  }
0x5f0: {  	(v2sf) =	vpush v3, $0x6;
	[smem:$0x690] =	sst s12;
	s0 =	smul.u32 $0x431BDE83, s0  }
0x5f1: {  	v22 =	vld [tilespmem:$0x140];
	[smem:$0x692] =	sst s9;
	s10 =	spop (v2sf)  }
0x5f2: {  	s12 =	smulhi.u32 $0x431BDE83, s10;
	[smem:$0x691] =	sst s0;
	s0 =	sshra.s32 s13, $0x1F  }
0x5f3: {  	[tilespmem:$0x470] =	vst v5;
	v23 =	vand.u32 $0x3FF, v0;
	s13 =	spop (v2sf);
	s9 =	smul.u32 $0x431BDE83, s0  }
0x5f4: {  	v0 =	vshra.s32 v0, $0xA;
	v5 =	vmul.u32 $0x16A95, v23;
	(v2sf) =	vpush v3, $0x7;
	[smem:$0x693] =	sst s12;
	s0 =	sshra.s32 s10, $0x1F;
	s12 =	smulhi.u32 $0x431BDE83, s13  }
0x5f5: {  	v0 =	vmul.u32 $0xBE40, v0;
	s10 =	smul.u32 $0x431BDE83, s0;
	s0 =	sshra.s32 s13, $0x1F  }
0x5f6: {  	v4 =	vadd.s32 v22, v5;
	s0 =	smul.u32 $0x431BDE83, s0  }
0x5f7: {  	v6 =	vadd.s32 v0, v4;
	s13 =	spop (v2sf);
	[smem:$0x694] =	sst s12  }
0x5f8: {  	(v2sf) =	vpush v6, $0xD;
	s12 =	smulhi.u32 $0x431BDE83, s13;
	[smem:$0x695] =	sst s0;
	s0 =	sshra.s32 s13, $0x1F  }
0x5f9: {  	s4 =	smul.u32 $0x431BDE83, s0;
	s0 =	spop (v2sf)  }
0x5fa: {  	s13 =	smulhi.u32 $0x431BDE83, s0  }
0x5fb: {  	[smem:$0x696] =	sst s12;
	s12 =	spop (v2sf)  }
0x5fc: {  	(v2sf) =	vpush v6, $0xC;
	[smem:$0x697] =	sst s13;
	s13 =	smulhi.u32 $0x431BDE83, s12;
	s12 =	sshra.s32 s12, $0x1F  }
0x5fd: {  	s12 =	smul.u32 $0x431BDE83, s12;
	_ =	sdelay $0x1  }
0x5fe: {  	[smem:$0x699] =	sst s12;
	s12 =	spop (v2sf)  }
0x5ff: {  	(v2sf) =	vpush v6, $0xE;
	[smem:$0x698] =	sst s13;
	s13 =	smulhi.u32 $0x431BDE83, s12;
	s12 =	sshra.s32 s12, $0x1F  }
0x600: {  	s12 =	smul.u32 $0x431BDE83, s12;
	_ =	sdelay $0x1  }
0x601: {  	[smem:$0x69B] =	sst s12;
	s12 =	spop (v2sf)  }
0x602: {  	(v2sf) =	vpush v6, $0xF;
	[smem:$0x69A] =	sst s13;
	s13 =	smulhi.u32 $0x431BDE83, s12;
	s12 =	sshra.s32 s12, $0x1F  }
0x603: {  	s12 =	smul.u32 $0x431BDE83, s12;
	_ =	sdelay $0x1  }
0x604: {  	[smem:$0x69D] =	sst s12;
	s12 =	spop (v2sf)  }
0x605: {  	(v2sf) =	vpush v6, $0x9;
	[smem:$0x69C] =	sst s13;
	s13 =	smulhi.u32 $0x431BDE83, s12;
	s12 =	sshra.s32 s12, $0x1F  }
0x606: {  	s12 =	smul.u32 $0x431BDE83, s12;
	_ =	sdelay $0x1  }
0x607: {  	[smem:$0x69F] =	sst s12;
	s12 =	spop (v2sf)  }
0x608: {  	(v2sf) =	vpush v6, $0x8;
	[smem:$0x69E] =	sst s13;
	s13 =	smulhi.u32 $0x431BDE83, s12;
	s12 =	sshra.s32 s12, $0x1F  }
0x609: {  	s12 =	smul.u32 $0x431BDE83, s12;
	_ =	sdelay $0x1  }
0x60a: {  	[smem:$0x6A1] =	sst s12;
	s12 =	spop (v2sf)  }
0x60b: {  	(v2sf) =	vpush v6, $0xA;
	[smem:$0x6A0] =	sst s13;
	s13 =	smulhi.u32 $0x431BDE83, s12;
	s12 =	sshra.s32 s12, $0x1F  }
0x60c: {  	s12 =	smul.u32 $0x431BDE83, s12;
	_ =	sdelay $0x1  }
0x60d: {  	[smem:$0x6A3] =	sst s12;
	s12 =	spop (v2sf)  }
0x60e: {  	(v2sf) =	vpush v6, $0xB;
	[smem:$0x6A2] =	sst s13;
	s13 =	smulhi.u32 $0x431BDE83, s12;
	s12 =	sshra.s32 s12, $0x1F  }
0x60f: {  	s12 =	smul.u32 $0x431BDE83, s12;
	_ =	sdelay $0x1  }
0x610: {  	[smem:$0x6A5] =	sst s12;
	s12 =	spop (v2sf)  }
0x611: {  	(v2sf) =	vpush v6, $0x0;
	[smem:$0x6A4] =	sst s13;
	s13 =	smulhi.u32 $0x431BDE83, s12;
	s12 =	sshra.s32 s12, $0x1F  }
0x612: {  	s12 =	smul.u32 $0x431BDE83, s12;
	_ =	sdelay $0x1  }
0x613: {  	[smem:$0x6A7] =	sst s12;
	s12 =	spop (v2sf)  }
0x614: {  	(v2sf) =	vpush v6, $0x1;
	[smem:$0x6A6] =	sst s13;
	s13 =	smulhi.u32 $0x431BDE83, s12;
	s12 =	sshra.s32 s12, $0x1F  }
0x615: {  	s12 =	smul.u32 $0x431BDE83, s12;
	_ =	sdelay $0x1  }
0x616: {  	[smem:$0x6A9] =	sst s12;
	s12 =	spop (v2sf)  }
0x617: {  	(v2sf) =	vpush v6, $0x2;
	[smem:$0x6A8] =	sst s13;
	s13 =	smulhi.u32 $0x431BDE83, s12;
	s12 =	sshra.s32 s12, $0x1F  }
0x618: {  	s12 =	smul.u32 $0x431BDE83, s12;
	_ =	sdelay $0x1  }
0x619: {  	[smem:$0x6AB] =	sst s12;
	s12 =	spop (v2sf)  }
0x61a: {  	(v2sf) =	vpush v6, $0x3;
	[smem:$0x6AA] =	sst s13;
	s13 =	smulhi.u32 $0x431BDE83, s12;
	s12 =	sshra.s32 s12, $0x1F  }
0x61b: {  	s12 =	smul.u32 $0x431BDE83, s12;
	_ =	sdelay $0x1  }
0x61c: {  	[smem:$0x6AD] =	sst s12;
	s12 =	spop (v2sf)  }
0x61d: {  	(v2sf) =	vpush v6, $0x4;
	[smem:$0x6AC] =	sst s13;
	s13 =	smulhi.u32 $0x431BDE83, s12;
	s12 =	sshra.s32 s12, $0x1F  }
0x61e: {  	s12 =	smul.u32 $0x431BDE83, s12;
	_ =	sdelay $0x1  }
0x61f: {  	[smem:$0x6AF] =	sst s12;
	s12 =	spop (v2sf)  }
0x620: {  	(v2sf) =	vpush v6, $0x5;
	[smem:$0x6AE] =	sst s13;
	s13 =	smulhi.u32 $0x431BDE83, s12;
	s12 =	sshra.s32 s12, $0x1F  }
0x621: {  	s12 =	smul.u32 $0x431BDE83, s12  }
0x622: {  	v0 =	vld [tilespmem:$0x350]  }
0x623: {  	[smem:$0x6B1] =	sst s12;
	s12 =	spop (v2sf)  }
0x624: {  	(v2sf) =	vpush v6, $0x6;
	[smem:$0x6B0] =	sst s13;
	s13 =	smulhi.u32 $0x431BDE83, s12;
	s12 =	sshra.s32 s12, $0x1F  }
0x625: {  	v24 =	vld [tilespmem:$0x150];
	s12 =	smul.u32 $0x431BDE83, s12;
	_ =	sdelay $0x1  }
0x626: {  	v25 =	vand.u32 $0x3FF, v0;
	[smem:$0x6B3] =	sst s12;
	s12 =	spop (v2sf)  }
0x627: {  	v0 =	vshra.s32 v0, $0xA;
	v5 =	vmul.u32 $0x16A95, v25;
	(v2sf) =	vpush v6, $0x7;
	[smem:$0x6B2] =	sst s13;
	s13 =	smulhi.u32 $0x431BDE83, s12;
	s12 =	sshra.s32 s12, $0x1F  }
0x628: {  	v0 =	vmul.u32 $0xBE40, v0;
	s12 =	smul.u32 $0x431BDE83, s12  }
0x629: {  	v4 =	vadd.s32 v24, v5  }
0x62a: {  	v4 =	vadd.s32 v0, v4;
	[smem:$0x6B5] =	sst s12;
	s12 =	spop (v2sf)  }
0x62b: {  	(v2sf) =	vpush v4, $0xD;
	[smem:$0x6B4] =	sst s13;
	s13 =	smulhi.u32 $0x431BDE83, s12;
	s12 =	sshra.s32 s12, $0x1F  }
0x62c: {  	s12 =	smul.u32 $0x431BDE83, s12;
	_ =	sdelay $0x1  }
0x62d: {  	[smem:$0x6B7] =	sst s12;
	s12 =	spop (v2sf)  }
0x62e: {  	(v2sf) =	vpush v4, $0xC;
	[smem:$0x6B6] =	sst s13;
	s13 =	smulhi.u32 $0x431BDE83, s12;
	s12 =	sshra.s32 s12, $0x1F  }
0x62f: {  	s12 =	smul.u32 $0x431BDE83, s12;
	_ =	sdelay $0x1  }
0x630: {  	[smem:$0x6B9] =	sst s12;
	s12 =	spop (v2sf)  }
0x631: {  	(v2sf) =	vpush v4, $0xE;
	[smem:$0x6B8] =	sst s13;
	s13 =	smulhi.u32 $0x431BDE83, s12;
	s12 =	sshra.s32 s12, $0x1F  }
0x632: {  	s12 =	smul.u32 $0x431BDE83, s12;
	_ =	sdelay $0x1  }
0x633: {  	[smem:$0x6BB] =	sst s12;
	s12 =	spop (v2sf)  }
0x634: {  	(v2sf) =	vpush v4, $0xF;
	[smem:$0x6BA] =	sst s13;
	s13 =	smulhi.u32 $0x431BDE83, s12;
	s12 =	sshra.s32 s12, $0x1F  }
0x635: {  	s12 =	smul.u32 $0x431BDE83, s12;
	_ =	sdelay $0x1  }
0x636: {  	[smem:$0x6BD] =	sst s12;
	s12 =	spop (v2sf)  }
0x637: {  	(v2sf) =	vpush v4, $0x9;
	[smem:$0x6BC] =	sst s13;
	s13 =	smulhi.u32 $0x431BDE83, s12;
	s12 =	sshra.s32 s12, $0x1F  }
0x638: {  	s12 =	smul.u32 $0x431BDE83, s12;
	_ =	sdelay $0x1  }
0x639: {  	[smem:$0x6BF] =	sst s12;
	s12 =	spop (v2sf)  }
0x63a: {  	(v2sf) =	vpush v4, $0x8;
	[smem:$0x6BE] =	sst s13;
	s13 =	smulhi.u32 $0x431BDE83, s12;
	s12 =	sshra.s32 s12, $0x1F  }
0x63b: {  	s12 =	smul.u32 $0x431BDE83, s12;
	_ =	sdelay $0x1  }
0x63c: {  	[smem:$0x6C1] =	sst s12;
	s12 =	spop (v2sf)  }
0x63d: {  	(v2sf) =	vpush v4, $0xA;
	[smem:$0x6C0] =	sst s13;
	s13 =	smulhi.u32 $0x431BDE83, s12;
	s12 =	sshra.s32 s12, $0x1F  }
0x63e: {  	s12 =	smul.u32 $0x431BDE83, s12;
	_ =	sdelay $0x1  }
0x63f: {  	[smem:$0x6C3] =	sst s12;
	s12 =	spop (v2sf)  }
0x640: {  	(v2sf) =	vpush v4, $0xB;
	[smem:$0x6C2] =	sst s13;
	s13 =	smulhi.u32 $0x431BDE83, s12;
	s12 =	sshra.s32 s12, $0x1F  }
0x641: {  	s12 =	smul.u32 $0x431BDE83, s12;
	_ =	sdelay $0x1  }
0x642: {  	[smem:$0x6C5] =	sst s12;
	s12 =	spop (v2sf)  }
0x643: {  	(v2sf) =	vpush v4, $0x0;
	[smem:$0x6C4] =	sst s13;
	s13 =	smulhi.u32 $0x431BDE83, s12;
	s12 =	sshra.s32 s12, $0x1F  }
0x644: {  	s12 =	smul.u32 $0x431BDE83, s12;
	_ =	sdelay $0x1  }
0x645: {  	[smem:$0x6C7] =	sst s12;
	s12 =	spop (v2sf)  }
0x646: {  	(v2sf) =	vpush v4, $0x1;
	[smem:$0x6C6] =	sst s13;
	s13 =	smulhi.u32 $0x431BDE83, s12;
	s12 =	sshra.s32 s12, $0x1F  }
0x647: {  	s12 =	smul.u32 $0x431BDE83, s12;
	_ =	sdelay $0x1  }
0x648: {  	[smem:$0x6C9] =	sst s12;
	s12 =	spop (v2sf)  }
0x649: {  	(v2sf) =	vpush v4, $0x2;
	[smem:$0x6C8] =	sst s13;
	s13 =	smulhi.u32 $0x431BDE83, s12;
	s12 =	sshra.s32 s12, $0x1F  }
0x64a: {  	s12 =	smul.u32 $0x431BDE83, s12;
	_ =	sdelay $0x1  }
0x64b: {  	[smem:$0x6CB] =	sst s12;
	s12 =	spop (v2sf)  }
0x64c: {  	(v2sf) =	vpush v4, $0x3;
	[smem:$0x6CA] =	sst s13;
	s13 =	smulhi.u32 $0x431BDE83, s12;
	s12 =	sshra.s32 s12, $0x1F  }
0x64d: {  	s12 =	smul.u32 $0x431BDE83, s12;
	_ =	sdelay $0x1  }
0x64e: {  	[smem:$0x6CD] =	sst s12;
	s12 =	spop (v2sf)  }
0x64f: {  	(v2sf) =	vpush v4, $0x4;
	[smem:$0x6CC] =	sst s13;
	s13 =	smulhi.u32 $0x431BDE83, s12;
	s12 =	sshra.s32 s12, $0x1F  }
0x650: {  	s12 =	smul.u32 $0x431BDE83, s12;
	_ =	sdelay $0x1  }
0x651: {  	[smem:$0x6CF] =	sst s12;
	s12 =	spop (v2sf)  }
0x652: {  	(v2sf) =	vpush v4, $0x5;
	[smem:$0x6CE] =	sst s13;
	s13 =	smulhi.u32 $0x431BDE83, s12;
	s12 =	sshra.s32 s12, $0x1F  }
0x653: {  	s12 =	smul.u32 $0x431BDE83, s12  }
0x654: {  	v0 =	vld [tilespmem:$0x360]  }
0x655: {  	[smem:$0x6D1] =	sst s12;
	s12 =	spop (v2sf)  }
0x656: {  	(v2sf) =	vpush v4, $0x6;
	[smem:$0x6D0] =	sst s13;
	s13 =	smulhi.u32 $0x431BDE83, s12;
	s12 =	sshra.s32 s12, $0x1F  }
0x657: {  	[tilespmem:$0x490] =	vst v26;
	v26 =	vld [tilespmem:$0x160];
	s12 =	smul.u32 $0x431BDE83, s12;
	_ =	sdelay $0x1  }
0x658: {  	v27 =	vand.u32 $0x3FF, v0;
	[smem:$0x6D3] =	sst s12;
	s12 =	spop (v2sf)  }
0x659: {  	v0 =	vshra.s32 v0, $0xA;
	v7 =	vmul.u32 $0x16A95, v27;
	(v2sf) =	vpush v4, $0x7;
	[smem:$0x6D2] =	sst s13;
	s13 =	smulhi.u32 $0x431BDE83, s12;
	s12 =	sshra.s32 s12, $0x1F  }
0x65a: {  	v0 =	vmul.u32 $0xBE40, v0;
	s12 =	smul.u32 $0x431BDE83, s12  }
0x65b: {  	v5 =	vadd.s32 v26, v7  }
0x65c: {  	v5 =	vadd.s32 v0, v5;
	[smem:$0x6D5] =	sst s12;
	s12 =	spop (v2sf)  }
0x65d: {  	(v2sf) =	vpush v5, $0xD;
	[smem:$0x6D4] =	sst s13;
	s13 =	smulhi.u32 $0x431BDE83, s12;
	s12 =	sshra.s32 s12, $0x1F  }
0x65e: {  	s12 =	smul.u32 $0x431BDE83, s12;
	_ =	sdelay $0x1  }
0x65f: {  	[smem:$0x6D7] =	sst s12;
	s12 =	spop (v2sf)  }
0x660: {  	(v2sf) =	vpush v5, $0xC;
	[smem:$0x6D6] =	sst s13;
	s13 =	smulhi.u32 $0x431BDE83, s12;
	s12 =	sshra.s32 s12, $0x1F  }
0x661: {  	s12 =	smul.u32 $0x431BDE83, s12;
	_ =	sdelay $0x1  }
0x662: {  	[smem:$0x6D9] =	sst s12;
	s12 =	spop (v2sf)  }
0x663: {  	(v2sf) =	vpush v5, $0xE;
	[smem:$0x6D8] =	sst s13;
	s13 =	smulhi.u32 $0x431BDE83, s12;
	s12 =	sshra.s32 s12, $0x1F  }
0x664: {  	s12 =	smul.u32 $0x431BDE83, s12;
	_ =	sdelay $0x1  }
0x665: {  	[smem:$0x6DB] =	sst s12;
	s12 =	spop (v2sf)  }
0x666: {  	(v2sf) =	vpush v5, $0xF;
	[smem:$0x6DA] =	sst s13;
	s13 =	smulhi.u32 $0x431BDE83, s12;
	s12 =	sshra.s32 s12, $0x1F  }
0x667: {  	s12 =	smul.u32 $0x431BDE83, s12;
	_ =	sdelay $0x1  }
0x668: {  	[smem:$0x6DD] =	sst s12;
	s12 =	spop (v2sf)  }
0x669: {  	(v2sf) =	vpush v5, $0x9;
	[smem:$0x6DC] =	sst s13;
	s13 =	smulhi.u32 $0x431BDE83, s12;
	s12 =	sshra.s32 s12, $0x1F  }
0x66a: {  	s12 =	smul.u32 $0x431BDE83, s12;
	_ =	sdelay $0x1  }
0x66b: {  	[smem:$0x6DF] =	sst s12;
	s12 =	spop (v2sf)  }
0x66c: {  	(v2sf) =	vpush v5, $0x8;
	[smem:$0x6DE] =	sst s13;
	s13 =	smulhi.u32 $0x431BDE83, s12;
	s12 =	sshra.s32 s12, $0x1F  }
0x66d: {  	s12 =	smul.u32 $0x431BDE83, s12;
	_ =	sdelay $0x1  }
0x66e: {  	[smem:$0x6E1] =	sst s12;
	s12 =	spop (v2sf)  }
0x66f: {  	(v2sf) =	vpush v5, $0xA;
	[smem:$0x6E0] =	sst s13;
	s13 =	smulhi.u32 $0x431BDE83, s12;
	s12 =	sshra.s32 s12, $0x1F  }
0x670: {  	s12 =	smul.u32 $0x431BDE83, s12;
	_ =	sdelay $0x1  }
0x671: {  	[smem:$0x6E3] =	sst s12;
	s12 =	spop (v2sf)  }
0x672: {  	(v2sf) =	vpush v5, $0xB;
	[smem:$0x6E2] =	sst s13;
	s13 =	smulhi.u32 $0x431BDE83, s12;
	s12 =	sshra.s32 s12, $0x1F  }
0x673: {  	s12 =	smul.u32 $0x431BDE83, s12;
	_ =	sdelay $0x1  }
0x674: {  	[smem:$0x6E5] =	sst s12;
	s12 =	spop (v2sf)  }
0x675: {  	(v2sf) =	vpush v5, $0x0;
	[smem:$0x6E4] =	sst s13;
	s13 =	smulhi.u32 $0x431BDE83, s12;
	s12 =	sshra.s32 s12, $0x1F  }
0x676: {  	s12 =	smul.u32 $0x431BDE83, s12;
	_ =	sdelay $0x1  }
0x677: {  	[smem:$0x6E7] =	sst s12;
	s12 =	spop (v2sf)  }
0x678: {  	(v2sf) =	vpush v5, $0x1;
	[smem:$0x6E6] =	sst s13;
	s13 =	smulhi.u32 $0x431BDE83, s12;
	s12 =	sshra.s32 s12, $0x1F  }
0x679: {  	s12 =	smul.u32 $0x431BDE83, s12;
	_ =	sdelay $0x1  }
0x67a: {  	[smem:$0x6E9] =	sst s12;
	s12 =	spop (v2sf)  }
0x67b: {  	(v2sf) =	vpush v5, $0x2;
	[smem:$0x6E8] =	sst s13;
	s13 =	smulhi.u32 $0x431BDE83, s12;
	s12 =	sshra.s32 s12, $0x1F  }
0x67c: {  	s12 =	smul.u32 $0x431BDE83, s12;
	_ =	sdelay $0x1  }
0x67d: {  	[smem:$0x6EB] =	sst s12;
	s12 =	spop (v2sf)  }
0x67e: {  	(v2sf) =	vpush v5, $0x3;
	[smem:$0x6EA] =	sst s13;
	s13 =	smulhi.u32 $0x431BDE83, s12;
	s12 =	sshra.s32 s12, $0x1F  }
0x67f: {  	s12 =	smul.u32 $0x431BDE83, s12;
	_ =	sdelay $0x1  }
0x680: {  	[smem:$0x6ED] =	sst s12;
	s12 =	spop (v2sf)  }
0x681: {  	(v2sf) =	vpush v5, $0x4;
	[smem:$0x6EC] =	sst s13;
	s13 =	smulhi.u32 $0x431BDE83, s12;
	s12 =	sshra.s32 s12, $0x1F  }
0x682: {  	s12 =	smul.u32 $0x431BDE83, s12;
	_ =	sdelay $0x1  }
0x683: {  	[smem:$0x6EF] =	sst s12;
	s12 =	spop (v2sf)  }
0x684: {  	(v2sf) =	vpush v5, $0x5;
	[smem:$0x6EE] =	sst s13;
	s13 =	smulhi.u32 $0x431BDE83, s12;
	s12 =	sshra.s32 s12, $0x1F  }
0x685: {  	s12 =	smul.u32 $0x431BDE83, s12  }
0x686: {  	v0 =	vld [tilespmem:$0x370]  }
0x687: {  	[smem:$0x6F1] =	sst s12;
	s12 =	spop (v2sf)  }
0x688: {  	(v2sf) =	vpush v5, $0x6;
	[smem:$0x6F0] =	sst s13;
	s13 =	smulhi.u32 $0x431BDE83, s12;
	s12 =	sshra.s32 s12, $0x1F  }
0x689: {  	v28 =	vld [tilespmem:$0x170];
	s12 =	smul.u32 $0x431BDE83, s12;
	_ =	sdelay $0x1  }
0x68a: {  	[tilespmem:$0x4A0] =	vst v8;
	v29 =	vand.u32 $0x3FF, v0;
	[smem:$0x6F3] =	sst s12;
	s12 =	spop (v2sf)  }
0x68b: {  	v0 =	vshra.s32 v0, $0xA;
	v8 =	vmul.u32 $0x16A95, v29;
	(v2sf) =	vpush v5, $0x7;
	[smem:$0x6F2] =	sst s13;
	s13 =	smulhi.u32 $0x431BDE83, s12;
	s12 =	sshra.s32 s12, $0x1F  }
0x68c: {  	v0 =	vmul.u32 $0xBE40, v0;
	s12 =	smul.u32 $0x431BDE83, s12  }
0x68d: {  	v7 =	vadd.s32 v28, v8  }
0x68e: {  	v8 =	vadd.s32 v0, v7;
	[smem:$0x6F5] =	sst s12;
	s12 =	spop (v2sf)  }
0x68f: {  	(v2sf) =	vpush v8, $0xD;
	[smem:$0x6F4] =	sst s13;
	s13 =	smulhi.u32 $0x431BDE83, s12;
	s12 =	sshra.s32 s12, $0x1F  }
0x690: {  	s12 =	smul.u32 $0x431BDE83, s12;
	_ =	sdelay $0x1  }
0x691: {  	[smem:$0x6F7] =	sst s12;
	s12 =	spop (v2sf)  }
0x692: {  	(v2sf) =	vpush v8, $0xC;
	[smem:$0x6F6] =	sst s13;
	s13 =	smulhi.u32 $0x431BDE83, s12;
	s12 =	sshra.s32 s12, $0x1F  }
0x693: {  	s12 =	smul.u32 $0x431BDE83, s12;
	_ =	sdelay $0x1  }
0x694: {  	[smem:$0x6F9] =	sst s12;
	s12 =	spop (v2sf)  }
0x695: {  	(v2sf) =	vpush v8, $0xE;
	[smem:$0x6F8] =	sst s13;
	s13 =	smulhi.u32 $0x431BDE83, s12;
	s12 =	sshra.s32 s12, $0x1F  }
0x696: {  	s12 =	smul.u32 $0x431BDE83, s12;
	_ =	sdelay $0x1  }
0x697: {  	[smem:$0x6FB] =	sst s12;
	s12 =	spop (v2sf)  }
0x698: {  	(v2sf) =	vpush v8, $0xF;
	[smem:$0x6FA] =	sst s13;
	s13 =	smulhi.u32 $0x431BDE83, s12;
	s12 =	sshra.s32 s12, $0x1F  }
0x699: {  	s12 =	smul.u32 $0x431BDE83, s12;
	_ =	sdelay $0x1  }
0x69a: {  	[smem:$0x6FD] =	sst s12;
	s12 =	spop (v2sf)  }
0x69b: {  	(v2sf) =	vpush v8, $0x9;
	[smem:$0x6FC] =	sst s13;
	s13 =	smulhi.u32 $0x431BDE83, s12;
	s12 =	sshra.s32 s12, $0x1F  }
0x69c: {  	s12 =	smul.u32 $0x431BDE83, s12;
	_ =	sdelay $0x1  }
0x69d: {  	[smem:$0x6FF] =	sst s12;
	s12 =	spop (v2sf)  }
0x69e: {  	(v2sf) =	vpush v8, $0x8;
	[smem:$0x6FE] =	sst s13;
	s13 =	smulhi.u32 $0x431BDE83, s12;
	s12 =	sshra.s32 s12, $0x1F  }
0x69f: {  	s12 =	smul.u32 $0x431BDE83, s12;
	_ =	sdelay $0x1  }
0x6a0: {  	[smem:$0x701] =	sst s12;
	s12 =	spop (v2sf)  }
0x6a1: {  	(v2sf) =	vpush v8, $0xA;
	[smem:$0x700] =	sst s13;
	s13 =	smulhi.u32 $0x431BDE83, s12;
	s12 =	sshra.s32 s12, $0x1F  }
0x6a2: {  	s12 =	smul.u32 $0x431BDE83, s12;
	_ =	sdelay $0x1  }
0x6a3: {  	[smem:$0x703] =	sst s12;
	s12 =	spop (v2sf)  }
0x6a4: {  	(v2sf) =	vpush v8, $0xB;
	[smem:$0x702] =	sst s13;
	s13 =	smulhi.u32 $0x431BDE83, s12;
	s12 =	sshra.s32 s12, $0x1F  }
0x6a5: {  	s12 =	smul.u32 $0x431BDE83, s12;
	_ =	sdelay $0x1  }
0x6a6: {  	[smem:$0x705] =	sst s12;
	s12 =	spop (v2sf)  }
0x6a7: {  	[smem:$0x704] =	sst s13;
	s13 =	smulhi.u32 $0x431BDE83, s12;
	s12 =	sshra.s32 s12, $0x1F  }
0x6a8: {  	(v2sf) =	vpush v8, $0x0;
	s12 =	smul.u32 $0x431BDE83, s12;
	_ =	sdelay $0x1  }
0x6a9: {  	[smem:$0x707] =	sst s12;
	s12 =	spop (v2sf)  }
0x6aa: {  	[smem:$0x706] =	sst s13;
	s13 =	smulhi.u32 $0x431BDE83, s12;
	s12 =	sshra.s32 s12, $0x1F  }
0x6ab: {  	(v2sf) =	vpush v8, $0x1;
	s12 =	smul.u32 $0x431BDE83, s12;
	_ =	sdelay $0x1  }
0x6ac: {  	[smem:$0x709] =	sst s12;
	s12 =	spop (v2sf)  }
0x6ad: {  	[smem:$0x708] =	sst s13;
	s13 =	smulhi.u32 $0x431BDE83, s12;
	s12 =	sshra.s32 s12, $0x1F  }
0x6ae: {  	s12 =	smul.u32 $0x431BDE83, s12  }
0x6af: {  	(v2sf) =	vpush v8, $0x2  }
0x6b0: {  	[tilespmem:$0x4B0] =	vst v10;
	(v2sf) =	vpush v8, $0x3;
	[smem:$0x70B] =	sst s12;
	s12 =	spop (v2sf)  }
0x6b1: {  	[tilespmem:$0x4C0] =	vst v9;
	(v2sf) =	vpush v8, $0x4;
	[smem:$0x70A] =	sst s13;
	s13 =	smulhi.u32 $0x431BDE83, s12;
	s12 =	sshra.s32 s12, $0x1F  }
0x6b2: {  	[tilespmem:$0x4D0] =	vst v11;
	(v2sf) =	vpush v8, $0x5;
	s12 =	smul.u32 $0x431BDE83, s12  }
0x6b3: {  	v30 =	vld [tilespmem:$0x180];
	[tilespmem:$0x4E0] =	vst v18;
	(v2sf) =	vpush v8, $0x6;
	[smem:$0x70C] =	sst s13  }
0x6b4: {  	s14 =	sadd.s32 s19, s14;
	s19 =	sadd.s32 s20, s15;
	v0 =	vld [tilespmem:$0x380];
	(v2sf) =	vpush v8, $0x7;
	[smem:$0x70D] =	sst s12  }
0x6b5: {  	s16 =	sadd.s32 s22, s16;
	[smem:$0x768] =	sst s14;
	s12 =	spop (v2sf)  }
0x6b6: {  	[smem:$0x76A] =	sst s19;
	s13 =	smulhi.u32 $0x431BDE83, s12;
	s12 =	sshra.s32 s12, $0x1F  }
0x6b7: {  	s28 =	sadd.s32 s30, s28;
	[smem:$0x76B] =	sst s16;
	s12 =	smul.u32 $0x431BDE83, s12  }
0x6b8: {  	[smem:$0x773] =	sst s28  }
0x6b9: {  	[smem:$0x70F] =	sst s12;
	s12 =	spop (v2sf)  }
0x6ba: {  	s8 =	sadd.s32 s8, s29;
	v31 =	vand.u32 $0x3FF, v0;
	[smem:$0x70E] =	sst s13;
	s13 =	smulhi.u32 $0x431BDE83, s12  }
0x6bb: {  	v0 =	vshra.s32 v0, $0xA;
	v9 =	vmul.u32 $0x16A95, v31;
	[smem:$0x766] =	sst s8  }
0x6bc: {  	v0 =	vmul.u32 $0xBE40, v0;
	[smem:$0x710] =	sst s13  }
0x6bd: {  	s2 =	sadd.s32 s2, s31;
	v7 =	vadd.s32 v30, v9;
	s13 =	sld [smem:$0x67B]  }
0x6be: {  	v7 =	vadd.s32 v0, v7;
	[smem:$0x769] =	sst s2  }
0x6bf: {  	(v2sf) =	vpush v7, $0xD;
	s29 =	sld [smem:$0x67F];
	s12 =	sshra.s32 s12, $0x1F  }
0x6c0: {  	s13 =	sadd.s32 s17, s13;
	s17 =	smul.u32 $0x431BDE83, s12;
	s12 =	spop (v2sf)  }
0x6c1: {  	[smem:$0x767] =	sst s13;
	s14 =	smulhi.u32 $0x431BDE83, s12;
	s12 =	sshra.s32 s12, $0x1F  }
0x6c2: {  	s20 =	spop (v2sf);
	s19 =	smul.u32 $0x431BDE83, s12  }
0x6c3: {  	s15 =	smulhi.u32 $0x431BDE83, s20;
	s12 =	sshra.s32 s20, $0x1F;
	s20 =	sadd.s32 s23, s18  }
0x6c4: {  	s22 =	spop (v2sf);
	s23 =	sadd.s32 s25, s21;
	[smem:$0x76F] =	sst s20  }
0x6c5: {  	s25 =	sadd.s32 s26, s24;
	s18 =	smul.u32 $0x431BDE83, s12;
	[smem:$0x76D] =	sst s23  }
0x6c6: {  	s16 =	smulhi.u32 $0x431BDE83, s22;
	[smem:$0x771] =	sst s25  }
0x6c7: {  	s12 =	sshra.s32 s22, $0x1F;
	s26 =	spop (v2sf);
	s23 =	sld [smem:$0x67C]  }
0x6c8: {  	s25 =	sld [smem:$0x67D];
	s20 =	smul.u32 $0x431BDE83, s12  }
0x6c9: {  	s13 =	smulhi.u32 $0x431BDE83, s26;
	s12 =	sshra.s32 s26, $0x1F;
	s30 =	spop (v2sf)  }
0x6ca: {  	s26 =	sld [smem:$0x67E];
	s21 =	smul.u32 $0x431BDE83, s12  }
0x6cb: {  	s12 =	smulhi.u32 $0x431BDE83, s30;
	s22 =	sshra.s32 s30, $0x1F;
	s30 =	sld [smem:$0x680]  }
0x6cc: {  	s24 =	spop (v2sf);
	s8 =	sadd.s32 s11, s23;
	s23 =	sld [smem:$0x682]  }
0x6cd: {  	(v2sf) =	vpush v7, $0xC;
	s11 =	smul.u32 $0x431BDE83, s22;
	s6 =	sadd.s32 s6, s25;
	[smem:$0x76C] =	sst s8  }
0x6ce: {  	s28 =	spop (v2sf);
	[smem:$0x76E] =	sst s6  }
0x6cf: {  	s2 =	sshra.s32 s24, $0x1F;
	s8 =	smulhi.u32 $0x431BDE83, s24;
	s24 =	sld [smem:$0x683]  }
0x6d0: {  	s5 =	sadd.s32 s5, s26;
	s22 =	smul.u32 $0x431BDE83, s2;
	s26 =	sld [smem:$0x684]  }
0x6d1: {  	(v2sf) =	vpush v7, $0xE;
	s6 =	smulhi.u32 $0x431BDE83, s28;
	s2 =	sshra.s32 s28, $0x1F;
	s28 =	sld [smem:$0x685]  }
0x6d2: {  	(v2sf) =	vpush v7, $0xF;
	[smem:$0x770] =	sst s5  }
0x6d3: {  	s5 =	sadd.s32 s7, s29;
	s7 =	sld [smem:$0x681]  }
0x6d4: {  	s29 =	sld [smem:$0x686]  }
0x6d5: {  	(v2sf) =	vpush v7, $0x9;
	s1 =	sadd.s32 s1, s30;
	s30 =	sld [smem:$0x687]  }
0x6d6: {  	[smem:$0x772] =	sst s5  }
0x6d7: {  	[smem:$0x774] =	sst s1  }
0x6d8: {  	s5 =	smul.u32 $0x431BDE83, s2;
	s2 =	sadd.s32 s3, s7;
	s3 =	sld [smem:$0x68C]  }
0x6d9: {  	[smem:$0x765] =	sst s2;
	s2 =	sadd.s32 s24, s23  }
0x6da: {  	[smem:$0x775] =	sst s2  }
0x6db: {  	s2 =	sadd.s32 s28, s26;
	s26 =	sld [smem:$0x688]  }
0x6dc: {  	s31 =	spop (v2sf);
	s28 =	sld [smem:$0x689]  }
0x6dd: {  	s1 =	sshra.s32 s31, $0x1F;
	[smem:$0x777] =	sst s2  }
0x6de: {  	s7 =	smulhi.u32 $0x431BDE83, s31;
	s2 =	sadd.s32 s30, s29;
	s29 =	sld [smem:$0x68A]  }
0x6df: {  	s24 =	smul.u32 $0x431BDE83, s1;
	s30 =	sld [smem:$0x68B]  }
0x6e0: {  	s25 =	spop (v2sf);
	[smem:$0x779] =	sst s2  }
0x6e1: {  	s23 =	smulhi.u32 $0x431BDE83, s25;
	s1 =	sshra.s32 s25, $0x1F;
	s31 =	spop (v2sf)  }
0x6e2: {  	s2 =	sadd.s32 s28, s26;
	s28 =	sld [smem:$0x68D];
	s25 =	smul.u32 $0x431BDE83, s1  }
0x6e3: {  	[smem:$0x77B] =	sst s2;
	s26 =	smulhi.u32 $0x431BDE83, s31;
	s1 =	sshra.s32 s31, $0x1F  }
0x6e4: {  	s2 =	sadd.s32 s30, s29;
	s31 =	spop (v2sf);
	s30 =	sld [smem:$0x68E]  }
0x6e5: {  	[smem:$0x77F] =	sst s2;
	s29 =	smul.u32 $0x431BDE83, s1;
	s1 =	sshra.s32 s31, $0x1F  }
0x6e6: {  	s2 =	sadd.s32 s28, s3;
	s28 =	smulhi.u32 $0x431BDE83, s31;
	s31 =	sld [smem:$0x68F]  }
0x6e7: {  	(v2sf) =	vpush v7, $0x8;
	s3 =	sld [smem:$0x690]  }
0x6e8: {  	[smem:$0x77D] =	sst s2  }
0x6e9: {  	s2 =	sadd.s32 s31, s30;
	s31 =	sld [smem:$0x691]  }
0x6ea: {  	(v2sf) =	vpush v7, $0xA  }
0x6eb: {  	[smem:$0x781] =	sst s2  }
0x6ec: {  	(v2sf) =	vpush v7, $0xB;
	s2 =	sadd.s32 s31, s3;
	s3 =	sld [smem:$0x692];
	_ =	sdelay $0x1  }
0x6ed: {  	[smem:$0x783] =	sst s2  }
0x6ee: {  	s2 =	sadd.s32 s9, s3;
	s3 =	sld [smem:$0x693];
	_ =	sdelay $0x1  }
0x6ef: {  	[smem:$0x778] =	sst s2  }
0x6f0: {  	s2 =	sadd.s32 s10, s3;
	s3 =	sld [smem:$0x695]  }
0x6f1: {  	[smem:$0x77A] =	sst s2  }
0x6f2: {  	s2 =	sld [smem:$0x694]  }
0x6f3: {  	(v2sf) =	vpush v7, $0x0  }
0x6f4: {  	s30 =	smul.u32 $0x431BDE83, s1;
	s1 =	spop (v2sf)  }
0x6f5: {  	s31 =	smulhi.u32 $0x431BDE83, s1;
	s1 =	sshra.s32 s1, $0x1F;
	s2 =	sadd.s32 s3, s2  }
0x6f6: {  	s9 =	smul.u32 $0x431BDE83, s1;
	[smem:$0x77C] =	sst s2  }
0x6f7: {  	s1 =	spop (v2sf);
	s2 =	sld [smem:$0x696]  }
0x6f8: {  	s10 =	smulhi.u32 $0x431BDE83, s1;
	s1 =	sshra.s32 s1, $0x1F  }
0x6f9: {  	s3 =	smul.u32 $0x431BDE83, s1;
	s1 =	spop (v2sf)  }
0x6fa: {  	s2 =	sadd.s32 s4, s2;
	s4 =	smulhi.u32 $0x431BDE83, s1;
	s1 =	sshra.s32 s1, $0x1F  }
0x6fb: {  	[smem:$0x77E] =	sst s2;
	s1 =	smul.u32 $0x431BDE83, s1  }
0x6fc: {  	s0 =	sshra.s32 s0, $0x1F;
	s2 =	sld [smem:$0x697]  }
0x6fd: {  	s0 =	smul.u32 $0x431BDE83, s0;
	[smem:$0x711] =	sst s1  }
0x6fe: {  	s1 =	sld [smem:$0x698]  }
0x6ff: {  	(v2sf) =	vpush v7, $0x1;
	s0 =	sadd.s32 s0, s2;
	s2 =	sld [smem:$0x699];
	_ =	sdelay $0x2  }
0x700: {  	[smem:$0x780] =	sst s0;
	s0 =	spop (v2sf);
	s1 =	sadd.s32 s2, s1  }
0x701: {  	s2 =	smulhi.u32 $0x431BDE83, s0;
	[smem:$0x782] =	sst s1  }
0x702: {  	s1 =	sld [smem:$0x69A]  }
0x703: {  	[smem:$0x712] =	sst s2  }
0x704: {  	s2 =	sld [smem:$0x69B];
	_ =	sdelay $0x2  }
0x705: {  	s1 =	sadd.s32 s2, s1;
	s2 =	sld [smem:$0x69D]  }
0x706: {  	[smem:$0x784] =	sst s1  }
0x707: {  	(v2sf) =	vpush v7, $0x2;
	s0 =	sshra.s32 s0, $0x1F;
	s1 =	sld [smem:$0x69C]  }
0x708: {  	s0 =	smul.u32 $0x431BDE83, s0;
	_ =	sdelay $0x1  }
0x709: {  	[smem:$0x713] =	sst s0;
	s0 =	spop (v2sf);
	s1 =	sadd.s32 s2, s1  }
0x70a: {  	s2 =	smulhi.u32 $0x431BDE83, s0;
	[smem:$0x776] =	sst s1  }
0x70b: {  	s1 =	sld [smem:$0x69E]  }
0x70c: {  	[smem:$0x714] =	sst s2  }
0x70d: {  	s2 =	sld [smem:$0x69F];
	_ =	sdelay $0x2  }
0x70e: {  	s1 =	sadd.s32 s2, s1;
	s2 =	sld [smem:$0x6A1]  }
0x70f: {  	[smem:$0x788] =	sst s1  }
0x710: {  	(v2sf) =	vpush v7, $0x3;
	s0 =	sshra.s32 s0, $0x1F;
	s1 =	sld [smem:$0x6A0]  }
0x711: {  	s0 =	smul.u32 $0x431BDE83, s0;
	_ =	sdelay $0x1  }
0x712: {  	[smem:$0x715] =	sst s0;
	s0 =	spop (v2sf);
	s1 =	sadd.s32 s2, s1  }
0x713: {  	s2 =	smulhi.u32 $0x431BDE83, s0;
	[smem:$0x786] =	sst s1  }
0x714: {  	s1 =	sld [smem:$0x6A2]  }
0x715: {  	[smem:$0x716] =	sst s2  }
0x716: {  	s2 =	sld [smem:$0x6A3];
	_ =	sdelay $0x2  }
0x717: {  	s1 =	sadd.s32 s2, s1;
	s2 =	sld [smem:$0x6A5]  }
0x718: {  	[smem:$0x789] =	sst s1  }
0x719: {  	(v2sf) =	vpush v7, $0x4;
	s0 =	sshra.s32 s0, $0x1F;
	s1 =	sld [smem:$0x6A4]  }
0x71a: {  	s0 =	smul.u32 $0x431BDE83, s0;
	_ =	sdelay $0x1  }
0x71b: {  	[smem:$0x717] =	sst s0;
	s0 =	spop (v2sf);
	s1 =	sadd.s32 s2, s1  }
0x71c: {  	s2 =	smulhi.u32 $0x431BDE83, s0;
	[smem:$0x78B] =	sst s1  }
0x71d: {  	s1 =	sld [smem:$0x6A6]  }
0x71e: {  	[smem:$0x718] =	sst s2  }
0x71f: {  	s2 =	sld [smem:$0x6A7];
	_ =	sdelay $0x2  }
0x720: {  	s1 =	sadd.s32 s2, s1;
	s2 =	sld [smem:$0x6A9]  }
0x721: {  	[smem:$0x78E] =	sst s1  }
0x722: {  	(v2sf) =	vpush v7, $0x5;
	s0 =	sshra.s32 s0, $0x1F;
	s1 =	sld [smem:$0x6A8]  }
0x723: {  	s0 =	smul.u32 $0x431BDE83, s0;
	_ =	sdelay $0x1  }
0x724: {  	[smem:$0x719] =	sst s0;
	s0 =	spop (v2sf);
	s1 =	sadd.s32 s2, s1  }
0x725: {  	s2 =	smulhi.u32 $0x431BDE83, s0;
	[smem:$0x78C] =	sst s1  }
0x726: {  	s1 =	sld [smem:$0x6AA]  }
0x727: {  	[smem:$0x71A] =	sst s2  }
0x728: {  	s2 =	sld [smem:$0x6AB];
	_ =	sdelay $0x2  }
0x729: {  	s1 =	sadd.s32 s2, s1;
	s2 =	sld [smem:$0x6AD]  }
0x72a: {  	[smem:$0x790] =	sst s1  }
0x72b: {  	(v2sf) =	vpush v7, $0x6;
	s0 =	sshra.s32 s0, $0x1F;
	s1 =	sld [smem:$0x6AC]  }
0x72c: {  	s0 =	smul.u32 $0x431BDE83, s0;
	_ =	sdelay $0x1  }
0x72d: {  	[smem:$0x71B] =	sst s0;
	s0 =	spop (v2sf);
	s1 =	sadd.s32 s2, s1  }
0x72e: {  	s2 =	smulhi.u32 $0x431BDE83, s0;
	[smem:$0x792] =	sst s1  }
0x72f: {  	s1 =	sld [smem:$0x6AE]  }
0x730: {  	[smem:$0x71C] =	sst s2  }
0x731: {  	s2 =	sld [smem:$0x6AF];
	_ =	sdelay $0x2  }
0x732: {  	s1 =	sadd.s32 s2, s1;
	s2 =	sld [smem:$0x6B1]  }
0x733: {  	[smem:$0x787] =	sst s1  }
0x734: {  	(v2sf) =	vpush v7, $0x7;
	s0 =	sshra.s32 s0, $0x1F;
	s1 =	sld [smem:$0x6B0]  }
0x735: {  	s0 =	smul.u32 $0x431BDE83, s0  }
0x736: {  	v0 =	vld [tilespmem:$0x390]  }
0x737: {  	[smem:$0x71D] =	sst s0;
	s0 =	spop (v2sf);
	s1 =	sadd.s32 s2, s1  }
0x738: {  	s2 =	smulhi.u32 $0x431BDE83, s0;
	[smem:$0x78A] =	sst s1  }
0x739: {  	v32 =	vld [tilespmem:$0x190];
	s1 =	sld [smem:$0x6B2]  }
0x73a: {  	[smem:$0x71E] =	sst s2  }
0x73b: {  	v33 =	vand.u32 $0x3FF, v0;
	s2 =	sld [smem:$0x6B3]  }
0x73c: {  	v0 =	vshra.s32 v0, $0xA;
	v10 =	vmul.u32 $0x16A95, v33  }
0x73d: {  	v0 =	vmul.u32 $0xBE40, v0  }
0x73e: {  	v9 =	vadd.s32 v32, v10;
	s1 =	sadd.s32 s2, s1;
	s2 =	sld [smem:$0x6B5]  }
0x73f: {  	v9 =	vadd.s32 v0, v9;
	[smem:$0x78D] =	sst s1  }
0x740: {  	(v2sf) =	vpush v9, $0xD;
	s0 =	sshra.s32 s0, $0x1F;
	s1 =	sld [smem:$0x6B4]  }
0x741: {  	s0 =	smul.u32 $0x431BDE83, s0;
	_ =	sdelay $0x1  }
0x742: {  	[smem:$0x71F] =	sst s0;
	s0 =	spop (v2sf);
	s1 =	sadd.s32 s2, s1  }
0x743: {  	s2 =	smulhi.u32 $0x431BDE83, s0;
	[smem:$0x78F] =	sst s1  }
0x744: {  	s1 =	sld [smem:$0x6B6]  }
0x745: {  	[smem:$0x720] =	sst s2  }
0x746: {  	s2 =	sld [smem:$0x6B7];
	_ =	sdelay $0x2  }
0x747: {  	s1 =	sadd.s32 s2, s1;
	s2 =	sld [smem:$0x6B9]  }
0x748: {  	[smem:$0x791] =	sst s1  }
0x749: {  	(v2sf) =	vpush v9, $0xC;
	s0 =	sshra.s32 s0, $0x1F;
	s1 =	sld [smem:$0x6B8]  }
0x74a: {  	s0 =	smul.u32 $0x431BDE83, s0;
	_ =	sdelay $0x1  }
0x74b: {  	[smem:$0x721] =	sst s0;
	s0 =	spop (v2sf);
	s1 =	sadd.s32 s2, s1  }
0x74c: {  	s2 =	smulhi.u32 $0x431BDE83, s0;
	[smem:$0x793] =	sst s1  }
0x74d: {  	s1 =	sld [smem:$0x6BA]  }
0x74e: {  	[smem:$0x722] =	sst s2  }
0x74f: {  	s2 =	sld [smem:$0x6BB];
	_ =	sdelay $0x2  }
0x750: {  	s1 =	sadd.s32 s2, s1;
	s2 =	sld [smem:$0x6BD]  }
0x751: {  	[smem:$0x794] =	sst s1  }
0x752: {  	(v2sf) =	vpush v9, $0xE;
	s0 =	sshra.s32 s0, $0x1F;
	s1 =	sld [smem:$0x6BC]  }
0x753: {  	s0 =	smul.u32 $0x431BDE83, s0;
	_ =	sdelay $0x1  }
0x754: {  	[smem:$0x723] =	sst s0;
	s0 =	spop (v2sf);
	s1 =	sadd.s32 s2, s1  }
0x755: {  	s2 =	smulhi.u32 $0x431BDE83, s0;
	[smem:$0x785] =	sst s1  }
0x756: {  	s1 =	sld [smem:$0x6BE]  }
0x757: {  	[smem:$0x724] =	sst s2  }
0x758: {  	s2 =	sld [smem:$0x6BF];
	_ =	sdelay $0x2  }
0x759: {  	s1 =	sadd.s32 s2, s1;
	s2 =	sld [smem:$0x6C1]  }
0x75a: {  	[smem:$0x798] =	sst s1  }
0x75b: {  	(v2sf) =	vpush v9, $0xF;
	s0 =	sshra.s32 s0, $0x1F;
	s1 =	sld [smem:$0x6C0]  }
0x75c: {  	s0 =	smul.u32 $0x431BDE83, s0;
	_ =	sdelay $0x1  }
0x75d: {  	[smem:$0x725] =	sst s0;
	s0 =	spop (v2sf);
	s1 =	sadd.s32 s2, s1  }
0x75e: {  	s2 =	smulhi.u32 $0x431BDE83, s0;
	[smem:$0x797] =	sst s1  }
0x75f: {  	s1 =	sld [smem:$0x6C2]  }
0x760: {  	[smem:$0x726] =	sst s2  }
0x761: {  	s2 =	sld [smem:$0x6C3];
	_ =	sdelay $0x2  }
0x762: {  	s1 =	sadd.s32 s2, s1;
	s2 =	sld [smem:$0x6C5]  }
0x763: {  	[smem:$0x79A] =	sst s1  }
0x764: {  	(v2sf) =	vpush v9, $0x9;
	s0 =	sshra.s32 s0, $0x1F;
	s1 =	sld [smem:$0x6C4]  }
0x765: {  	s0 =	smul.u32 $0x431BDE83, s0;
	_ =	sdelay $0x1  }
0x766: {  	[smem:$0x727] =	sst s0;
	s0 =	spop (v2sf);
	s1 =	sadd.s32 s2, s1  }
0x767: {  	s2 =	smulhi.u32 $0x431BDE83, s0;
	[smem:$0x79B] =	sst s1  }
0x768: {  	s1 =	sld [smem:$0x6C6]  }
0x769: {  	[smem:$0x728] =	sst s2  }
0x76a: {  	s2 =	sld [smem:$0x6C7];
	_ =	sdelay $0x2  }
0x76b: {  	s1 =	sadd.s32 s2, s1;
	s2 =	sld [smem:$0x6C9]  }
0x76c: {  	[smem:$0x79E] =	sst s1  }
0x76d: {  	(v2sf) =	vpush v9, $0x8;
	s0 =	sshra.s32 s0, $0x1F;
	s1 =	sld [smem:$0x6C8]  }
0x76e: {  	s0 =	smul.u32 $0x431BDE83, s0;
	_ =	sdelay $0x1  }
0x76f: {  	[smem:$0x729] =	sst s0;
	s0 =	spop (v2sf);
	s1 =	sadd.s32 s2, s1  }
0x770: {  	s2 =	smulhi.u32 $0x431BDE83, s0;
	[smem:$0x79D] =	sst s1  }
0x771: {  	s1 =	sld [smem:$0x6CA]  }
0x772: {  	[smem:$0x72A] =	sst s2  }
0x773: {  	s2 =	sld [smem:$0x6CB];
	_ =	sdelay $0x2  }
0x774: {  	s1 =	sadd.s32 s2, s1;
	s2 =	sld [smem:$0x6CD]  }
0x775: {  	[smem:$0x7A0] =	sst s1  }
0x776: {  	(v2sf) =	vpush v9, $0xA;
	s0 =	sshra.s32 s0, $0x1F;
	s1 =	sld [smem:$0x6CC]  }
0x777: {  	s0 =	smul.u32 $0x431BDE83, s0;
	_ =	sdelay $0x1  }
0x778: {  	[smem:$0x72B] =	sst s0;
	s0 =	spop (v2sf);
	s1 =	sadd.s32 s2, s1  }
0x779: {  	s2 =	smulhi.u32 $0x431BDE83, s0;
	[smem:$0x7A2] =	sst s1  }
0x77a: {  	s1 =	sld [smem:$0x6CE]  }
0x77b: {  	[smem:$0x72C] =	sst s2  }
0x77c: {  	s2 =	sld [smem:$0x6CF];
	_ =	sdelay $0x2  }
0x77d: {  	s1 =	sadd.s32 s2, s1;
	s2 =	sld [smem:$0x6D1]  }
0x77e: {  	[smem:$0x796] =	sst s1  }
0x77f: {  	(v2sf) =	vpush v9, $0xB;
	s0 =	sshra.s32 s0, $0x1F;
	s1 =	sld [smem:$0x6D0]  }
0x780: {  	s0 =	smul.u32 $0x431BDE83, s0;
	_ =	sdelay $0x1  }
0x781: {  	[smem:$0x72D] =	sst s0;
	s0 =	spop (v2sf);
	s1 =	sadd.s32 s2, s1  }
0x782: {  	s2 =	smulhi.u32 $0x431BDE83, s0;
	[smem:$0x799] =	sst s1  }
0x783: {  	s1 =	sld [smem:$0x6D2]  }
0x784: {  	[smem:$0x72E] =	sst s2  }
0x785: {  	s2 =	sld [smem:$0x6D3];
	_ =	sdelay $0x2  }
0x786: {  	s1 =	sadd.s32 s2, s1;
	s2 =	sld [smem:$0x6D5]  }
0x787: {  	[smem:$0x79C] =	sst s1  }
0x788: {  	(v2sf) =	vpush v9, $0x0;
	s0 =	sshra.s32 s0, $0x1F;
	s1 =	sld [smem:$0x6D4]  }
0x789: {  	s0 =	smul.u32 $0x431BDE83, s0;
	_ =	sdelay $0x1  }
0x78a: {  	[smem:$0x72F] =	sst s0;
	s0 =	spop (v2sf);
	s1 =	sadd.s32 s2, s1  }
0x78b: {  	s2 =	smulhi.u32 $0x431BDE83, s0;
	[smem:$0x79F] =	sst s1  }
0x78c: {  	s1 =	sld [smem:$0x6D6]  }
0x78d: {  	[smem:$0x730] =	sst s2  }
0x78e: {  	s2 =	sld [smem:$0x6D7];
	_ =	sdelay $0x2  }
0x78f: {  	s1 =	sadd.s32 s2, s1;
	s2 =	sld [smem:$0x6D9]  }
0x790: {  	[smem:$0x7A1] =	sst s1  }
0x791: {  	(v2sf) =	vpush v9, $0x1;
	s0 =	sshra.s32 s0, $0x1F;
	s1 =	sld [smem:$0x6D8]  }
0x792: {  	s0 =	smul.u32 $0x431BDE83, s0;
	_ =	sdelay $0x1  }
0x793: {  	[smem:$0x731] =	sst s0;
	s0 =	spop (v2sf);
	s1 =	sadd.s32 s2, s1  }
0x794: {  	s2 =	smulhi.u32 $0x431BDE83, s0;
	[smem:$0x7A3] =	sst s1  }
0x795: {  	s1 =	sld [smem:$0x6DA]  }
0x796: {  	[smem:$0x732] =	sst s2  }
0x797: {  	s2 =	sld [smem:$0x6DB];
	_ =	sdelay $0x2  }
0x798: {  	s1 =	sadd.s32 s2, s1;
	s2 =	sld [smem:$0x6DD]  }
0x799: {  	[smem:$0x7A4] =	sst s1  }
0x79a: {  	(v2sf) =	vpush v9, $0x2;
	s0 =	sshra.s32 s0, $0x1F;
	s1 =	sld [smem:$0x6DC]  }
0x79b: {  	s0 =	smul.u32 $0x431BDE83, s0;
	_ =	sdelay $0x1  }
0x79c: {  	[smem:$0x733] =	sst s0;
	s0 =	spop (v2sf);
	s1 =	sadd.s32 s2, s1  }
0x79d: {  	s2 =	smulhi.u32 $0x431BDE83, s0;
	[smem:$0x795] =	sst s1  }
0x79e: {  	s1 =	sld [smem:$0x6DE]  }
0x79f: {  	[smem:$0x734] =	sst s2  }
0x7a0: {  	s2 =	sld [smem:$0x6DF];
	_ =	sdelay $0x2  }
0x7a1: {  	s1 =	sadd.s32 s2, s1;
	s2 =	sld [smem:$0x6E1]  }
0x7a2: {  	[smem:$0x7A7] =	sst s1  }
0x7a3: {  	(v2sf) =	vpush v9, $0x3;
	s0 =	sshra.s32 s0, $0x1F;
	s1 =	sld [smem:$0x6E0]  }
0x7a4: {  	s0 =	smul.u32 $0x431BDE83, s0;
	_ =	sdelay $0x1  }
0x7a5: {  	[smem:$0x735] =	sst s0;
	s0 =	spop (v2sf);
	s1 =	sadd.s32 s2, s1  }
0x7a6: {  	s2 =	smulhi.u32 $0x431BDE83, s0;
	[smem:$0x7A8] =	sst s1  }
0x7a7: {  	s1 =	sld [smem:$0x6E2]  }
0x7a8: {  	[smem:$0x736] =	sst s2  }
0x7a9: {  	s2 =	sld [smem:$0x6E3];
	_ =	sdelay $0x2  }
0x7aa: {  	s1 =	sadd.s32 s2, s1;
	s2 =	sld [smem:$0x6E5]  }
0x7ab: {  	[smem:$0x7AA] =	sst s1  }
0x7ac: {  	(v2sf) =	vpush v9, $0x4;
	s0 =	sshra.s32 s0, $0x1F;
	s1 =	sld [smem:$0x6E4]  }
0x7ad: {  	s0 =	smul.u32 $0x431BDE83, s0;
	_ =	sdelay $0x1  }
0x7ae: {  	[smem:$0x737] =	sst s0;
	s0 =	spop (v2sf);
	s1 =	sadd.s32 s2, s1  }
0x7af: {  	s2 =	smulhi.u32 $0x431BDE83, s0;
	[smem:$0x7AB] =	sst s1  }
0x7b0: {  	s1 =	sld [smem:$0x6E6]  }
0x7b1: {  	[smem:$0x738] =	sst s2  }
0x7b2: {  	s2 =	sld [smem:$0x6E7];
	_ =	sdelay $0x2  }
0x7b3: {  	s1 =	sadd.s32 s2, s1;
	s2 =	sld [smem:$0x6E9]  }
0x7b4: {  	[smem:$0x7AF] =	sst s1  }
0x7b5: {  	(v2sf) =	vpush v9, $0x5;
	s0 =	sshra.s32 s0, $0x1F;
	s1 =	sld [smem:$0x6E8]  }
0x7b6: {  	s0 =	smul.u32 $0x431BDE83, s0;
	_ =	sdelay $0x1  }
0x7b7: {  	[smem:$0x739] =	sst s0;
	s0 =	spop (v2sf);
	s1 =	sadd.s32 s2, s1  }
0x7b8: {  	s2 =	smulhi.u32 $0x431BDE83, s0;
	[smem:$0x7AD] =	sst s1  }
0x7b9: {  	s1 =	sld [smem:$0x6EA]  }
0x7ba: {  	[smem:$0x73A] =	sst s2  }
0x7bb: {  	s2 =	sld [smem:$0x6EB];
	_ =	sdelay $0x2  }
0x7bc: {  	s1 =	sadd.s32 s2, s1;
	s2 =	sld [smem:$0x6ED]  }
0x7bd: {  	[smem:$0x7B1] =	sst s1  }
0x7be: {  	(v2sf) =	vpush v9, $0x6;
	s0 =	sshra.s32 s0, $0x1F;
	s1 =	sld [smem:$0x6EC]  }
0x7bf: {  	s0 =	smul.u32 $0x431BDE83, s0;
	_ =	sdelay $0x1  }
0x7c0: {  	[smem:$0x73B] =	sst s0;
	s0 =	spop (v2sf);
	s1 =	sadd.s32 s2, s1  }
0x7c1: {  	s2 =	smulhi.u32 $0x431BDE83, s0;
	[smem:$0x7B3] =	sst s1  }
0x7c2: {  	s1 =	sld [smem:$0x6EE]  }
0x7c3: {  	[smem:$0x73C] =	sst s2  }
0x7c4: {  	s2 =	sld [smem:$0x6EF];
	_ =	sdelay $0x2  }
0x7c5: {  	s1 =	sadd.s32 s2, s1;
	s2 =	sld [smem:$0x6F1]  }
0x7c6: {  	[smem:$0x7A6] =	sst s1  }
0x7c7: {  	(v2sf) =	vpush v9, $0x7;
	s0 =	sshra.s32 s0, $0x1F;
	s1 =	sld [smem:$0x6F0]  }
0x7c8: {  	s0 =	smul.u32 $0x431BDE83, s0  }
0x7c9: {  	v0 =	vld [tilespmem:$0x3A0]  }
0x7ca: {  	[smem:$0x73D] =	sst s0;
	s0 =	spop (v2sf);
	s1 =	sadd.s32 s2, s1  }
0x7cb: {  	s2 =	smulhi.u32 $0x431BDE83, s0;
	[smem:$0x7A9] =	sst s1  }
0x7cc: {  	v34 =	vld [tilespmem:$0x1A0];
	s1 =	sld [smem:$0x6F2]  }
0x7cd: {  	[smem:$0x73E] =	sst s2  }
0x7ce: {  	v35 =	vand.u32 $0x3FF, v0;
	s2 =	sld [smem:$0x6F3]  }
0x7cf: {  	v0 =	vshra.s32 v0, $0xA;
	v11 =	vmul.u32 $0x16A95, v35  }
0x7d0: {  	v0 =	vmul.u32 $0xBE40, v0  }
0x7d1: {  	v10 =	vadd.s32 v34, v11;
	s1 =	sadd.s32 s2, s1;
	s2 =	sld [smem:$0x6F5]  }
0x7d2: {  	v10 =	vadd.s32 v0, v10;
	[smem:$0x7AC] =	sst s1  }
0x7d3: {  	(v2sf) =	vpush v10, $0xD;
	s0 =	sshra.s32 s0, $0x1F;
	s1 =	sld [smem:$0x6F4]  }
0x7d4: {  	s0 =	smul.u32 $0x431BDE83, s0;
	_ =	sdelay $0x1  }
0x7d5: {  	[smem:$0x73F] =	sst s0;
	s0 =	spop (v2sf);
	s1 =	sadd.s32 s2, s1  }
0x7d6: {  	s2 =	smulhi.u32 $0x431BDE83, s0;
	[smem:$0x7AE] =	sst s1  }
0x7d7: {  	s1 =	sld [smem:$0x6F6]  }
0x7d8: {  	[smem:$0x740] =	sst s2  }
0x7d9: {  	s2 =	sld [smem:$0x6F7];
	_ =	sdelay $0x2  }
0x7da: {  	s1 =	sadd.s32 s2, s1;
	s2 =	sld [smem:$0x6F9]  }
0x7db: {  	[smem:$0x7B0] =	sst s1  }
0x7dc: {  	(v2sf) =	vpush v10, $0xC;
	s0 =	sshra.s32 s0, $0x1F;
	s1 =	sld [smem:$0x6F8]  }
0x7dd: {  	s0 =	smul.u32 $0x431BDE83, s0;
	_ =	sdelay $0x1  }
0x7de: {  	[smem:$0x741] =	sst s0;
	s0 =	spop (v2sf);
	s1 =	sadd.s32 s2, s1  }
0x7df: {  	s2 =	smulhi.u32 $0x431BDE83, s0;
	[smem:$0x7B2] =	sst s1  }
0x7e0: {  	s1 =	sld [smem:$0x6FA]  }
0x7e1: {  	[smem:$0x742] =	sst s2  }
0x7e2: {  	s2 =	sld [smem:$0x6FB];
	_ =	sdelay $0x2  }
0x7e3: {  	s1 =	sadd.s32 s2, s1;
	s2 =	sld [smem:$0x6FD]  }
0x7e4: {  	[smem:$0x7B4] =	sst s1  }
0x7e5: {  	(v2sf) =	vpush v10, $0xE;
	s0 =	sshra.s32 s0, $0x1F;
	s1 =	sld [smem:$0x6FC]  }
0x7e6: {  	s0 =	smul.u32 $0x431BDE83, s0;
	_ =	sdelay $0x1  }
0x7e7: {  	[smem:$0x743] =	sst s0;
	s0 =	spop (v2sf);
	s1 =	sadd.s32 s2, s1  }
0x7e8: {  	s2 =	smulhi.u32 $0x431BDE83, s0;
	[smem:$0x7A5] =	sst s1  }
0x7e9: {  	s1 =	sld [smem:$0x6FE]  }
0x7ea: {  	[smem:$0x744] =	sst s2  }
0x7eb: {  	s2 =	sld [smem:$0x6FF];
	_ =	sdelay $0x2  }
0x7ec: {  	s1 =	sadd.s32 s2, s1;
	s2 =	sld [smem:$0x701]  }
0x7ed: {  	[smem:$0x7B5] =	sst s1  }
0x7ee: {  	(v2sf) =	vpush v10, $0xF;
	s0 =	sshra.s32 s0, $0x1F;
	s1 =	sld [smem:$0x700]  }
0x7ef: {  	s0 =	smul.u32 $0x431BDE83, s0;
	_ =	sdelay $0x1  }
0x7f0: {  	[smem:$0x745] =	sst s0;
	s0 =	spop (v2sf);
	s1 =	sadd.s32 s2, s1  }
0x7f1: {  	s2 =	smulhi.u32 $0x431BDE83, s0;
	[smem:$0x7B8] =	sst s1  }
0x7f2: {  	s1 =	sld [smem:$0x702]  }
0x7f3: {  	[smem:$0x746] =	sst s2  }
0x7f4: {  	s2 =	sld [smem:$0x703];
	_ =	sdelay $0x2  }
0x7f5: {  	s1 =	sadd.s32 s2, s1;
	s2 =	sld [smem:$0x705]  }
0x7f6: {  	[smem:$0x7B9] =	sst s1  }
0x7f7: {  	(v2sf) =	vpush v10, $0x9;
	s0 =	sshra.s32 s0, $0x1F;
	s1 =	sld [smem:$0x704]  }
0x7f8: {  	s14 =	sadd.s32 s19, s14;
	s0 =	smul.u32 $0x431BDE83, s0  }
0x7f9: {  	[smem:$0x7BB] =	sst s14  }
0x7fa: {  	[smem:$0x747] =	sst s0;
	s0 =	spop (v2sf);
	s1 =	sadd.s32 s2, s1  }
0x7fb: {  	s2 =	smulhi.u32 $0x431BDE83, s0;
	[smem:$0x7BC] =	sst s1  }
0x7fc: {  	s1 =	sld [smem:$0x706]  }
0x7fd: {  	[smem:$0x748] =	sst s2  }
0x7fe: {  	s18 =	sadd.s32 s18, s15;
	s2 =	sld [smem:$0x707]  }
0x7ff: {  	[smem:$0x7BD] =	sst s18;
	s15 =	sadd.s32 s21, s13  }
0x800: {  	[smem:$0x7C1] =	sst s15  }
0x801: {  	s1 =	sadd.s32 s2, s1;
	s2 =	sld [smem:$0x709]  }
0x802: {  	[smem:$0x7C0] =	sst s1  }
0x803: {  	s23 =	sadd.s32 s25, s23;
	(v2sf) =	vpush v10, $0x8;
	s0 =	sshra.s32 s0, $0x1F;
	s1 =	sld [smem:$0x708]  }
0x804: {  	[smem:$0x7C8] =	sst s23;
	s25 =	sadd.s32 s29, s26;
	s0 =	smul.u32 $0x431BDE83, s0  }
0x805: {  	[smem:$0x7CA] =	sst s25  }
0x806: {  	[smem:$0x749] =	sst s0;
	s0 =	spop (v2sf);
	s1 =	sadd.s32 s2, s1  }
0x807: {  	s2 =	smulhi.u32 $0x431BDE83, s0;
	[smem:$0x7BE] =	sst s1  }
0x808: {  	s1 =	sld [smem:$0x70A]  }
0x809: {  	[smem:$0x74A] =	sst s2  }
0x80a: {  	s29 =	sadd.s32 s30, s28;
	s2 =	sld [smem:$0x70B]  }
0x80b: {  	[smem:$0x7CD] =	sst s29;
	s10 =	sadd.s32 s3, s10  }
0x80c: {  	[smem:$0x7CF] =	sst s10;
	(v2sf) =	vpush v10, $0xA  }
0x80d: {  	s1 =	sadd.s32 s2, s1;
	s2 =	sld [smem:$0x70D]  }
0x80e: {  	(v2sf) =	vpush v10, $0xB;
	[smem:$0x7C2] =	sst s1  }
0x80f: {  	s0 =	sshra.s32 s0, $0x1F;
	s1 =	sld [smem:$0x70C]  }
0x810: {  	s13 =	sld [smem:$0x711];
	s0 =	smul.u32 $0x431BDE83, s0  }
0x811: {  	s15 =	sld [smem:$0x713]  }
0x812: {  	[smem:$0x74B] =	sst s0;
	s0 =	spop (v2sf);
	s1 =	sadd.s32 s2, s1  }
0x813: {  	s2 =	smulhi.u32 $0x431BDE83, s0;
	[smem:$0x7C4] =	sst s1  }
0x814: {  	(v2sf) =	vpush v10, $0x0;
	s1 =	sld [smem:$0x70E]  }
0x815: {  	[smem:$0x74C] =	sst s2  }
0x816: {  	s2 =	sld [smem:$0x70F]  }
0x817: {  	s23 =	sld [smem:$0x718]  }
0x818: {  	s28 =	sld [smem:$0x71B];
	(v2sf) =	vpush v10, $0x1;
	s0 =	sshra.s32 s0, $0x1F  }
0x819: {  	s0 =	smul.u32 $0x431BDE83, s0;
	s1 =	sadd.s32 s2, s1;
	s2 =	sld [smem:$0x710]  }
0x81a: {  	s10 =	sld [smem:$0x71E];
	(v2sf) =	vpush v10, $0x2  }
0x81b: {  	[smem:$0x74D] =	sst s0;
	s0 =	spop (v2sf)  }
0x81c: {  	(v2sf) =	vpush v10, $0x3;
	[smem:$0x7B7] =	sst s1;
	s1 =	sadd.s32 s17, s2;
	s2 =	smulhi.u32 $0x431BDE83, s0  }
0x81d: {  	s0 =	sshra.s32 s0, $0x1F;
	s17 =	spop (v2sf);
	[smem:$0x7BA] =	sst s1  }
0x81e: {  	(v2sf) =	vpush v10, $0x4;
	s0 =	smul.u32 $0x431BDE83, s0;
	s1 =	sadd.s32 s13, s4;
	[smem:$0x74E] =	sst s2  }
0x81f: {  	s19 =	smulhi.u32 $0x431BDE83, s17;
	[smem:$0x7D1] =	sst s1  }
0x820: {  	[smem:$0x74F] =	sst s0  }
0x821: {  	s2 =	sadd.s32 s20, s16;
	[smem:$0x750] =	sst s19  }
0x822: {  	s20 =	sadd.s32 s5, s6;
	[smem:$0x7BF] =	sst s2  }
0x823: {  	s14 =	spop (v2sf);
	[smem:$0x7C5] =	sst s20  }
0x824: {  	s16 =	smulhi.u32 $0x431BDE83, s14;
	s20 =	sld [smem:$0x716]  }
0x825: {  	s2 =	sadd.s32 s9, s31;
	s31 =	sld [smem:$0x71D]  }
0x826: {  	s0 =	sshra.s32 s17, $0x1F;
	s17 =	sadd.s32 s11, s12;
	[smem:$0x752] =	sst s16  }
0x827: {  	s18 =	spop (v2sf);
	s19 =	sadd.s32 s22, s8;
	[smem:$0x7C3] =	sst s17  }
0x828: {  	s8 =	smulhi.u32 $0x431BDE83, s18;
	s22 =	sadd.s32 s24, s7;
	[smem:$0x7B6] =	sst s19  }
0x829: {  	s21 =	spop (v2sf);
	[smem:$0x7C6] =	sst s22  }
0x82a: {  	s0 =	smul.u32 $0x431BDE83, s0;
	[smem:$0x7CC] =	sst s2  }
0x82b: {  	s24 =	spop (v2sf);
	s17 =	sld [smem:$0x714]  }
0x82c: {  	s26 =	smulhi.u32 $0x431BDE83, s24;
	[smem:$0x751] =	sst s0  }
0x82d: {  	s30 =	spop (v2sf);
	s0 =	sshra.s32 s14, $0x1F;
	s14 =	sld [smem:$0x712]  }
0x82e: {  	(v2sf) =	vpush v10, $0x5;
	s9 =	smulhi.u32 $0x431BDE83, s30;
	[smem:$0x753] =	sst s26  }
0x82f: {  	(v2sf) =	vpush v10, $0x6;
	s11 =	smul.u32 $0x431BDE83, s0;
	s0 =	sshra.s32 s18, $0x1F;
	s18 =	sld [smem:$0x715]  }
0x830: {  	s26 =	sld [smem:$0x71A]  }
0x831: {  	v0 =	vld [tilespmem:$0x3B0];
	s5 =	smulhi.u32 $0x431BDE83, s21;
	[smem:$0x755] =	sst s9  }
0x832: {  	s6 =	smul.u32 $0x431BDE83, s0;
	s0 =	sshra.s32 s21, $0x1F;
	s21 =	sld [smem:$0x717]  }
0x833: {  	s7 =	smul.u32 $0x431BDE83, s0;
	s0 =	sshra.s32 s24, $0x1F;
	s24 =	sld [smem:$0x719]  }
0x834: {  	v36 =	vld [tilespmem:$0x1B0];
	s1 =	sadd.s32 s15, s14;
	s14 =	sld [smem:$0x720]  }
0x835: {  	s15 =	sld [smem:$0x721]  }
0x836: {  	v37 =	vand.u32 $0x3FF, v0;
	[smem:$0x7C9] =	sst s1  }
0x837: {  	v0 =	vshra.s32 v0, $0xA;
	v12 =	vmul.u32 $0x16A95, v37;
	(v2sf) =	vpush v10, $0x7;
	s1 =	sadd.s32 s18, s17;
	s17 =	sld [smem:$0x722]  }
0x838: {  	v0 =	vmul.u32 $0xBE40, v0;
	s18 =	sld [smem:$0x723]  }
0x839: {  	v11 =	vadd.s32 v36, v12;
	[smem:$0x7CB] =	sst s1  }
0x83a: {  	v12 =	vadd.s32 v0, v11;
	s0 =	smul.u32 $0x431BDE83, s0;
	s1 =	sadd.s32 s21, s20;
	s20 =	sld [smem:$0x724]  }
0x83b: {  	(v2sf) =	vpush v12, $0xD;
	s21 =	sld [smem:$0x725]  }
0x83c: {  	[smem:$0x754] =	sst s0  }
0x83d: {  	s12 =	spop (v2sf);
	[smem:$0x7CE] =	sst s1  }
0x83e: {  	(v2sf) =	vpush v12, $0xC;
	s16 =	spop (v2sf);
	s0 =	sshra.s32 s30, $0x1F;
	s30 =	sld [smem:$0x71C]  }
0x83f: {  	s19 =	smulhi.u32 $0x431BDE83, s16;
	s1 =	sadd.s32 s24, s23;
	s23 =	sld [smem:$0x726]  }
0x840: {  	s24 =	sld [smem:$0x727]  }
0x841: {  	(v2sf) =	vpush v12, $0xE;
	[smem:$0x757] =	sst s19  }
0x842: {  	s4 =	smulhi.u32 $0x431BDE83, s12;
	[smem:$0x7D0] =	sst s1  }
0x843: {  	s3 =	smul.u32 $0x431BDE83, s0;
	s0 =	sshra.s32 s12, $0x1F;
	s12 =	sld [smem:$0x71F]  }
0x844: {  	s1 =	sadd.s32 s28, s26;
	s26 =	sld [smem:$0x728]  }
0x845: {  	s28 =	sld [smem:$0x729];
	s0 =	smul.u32 $0x431BDE83, s0  }
0x846: {  	(v2sf) =	vpush v12, $0xF;
	[smem:$0x7D2] =	sst s1;
	s22 =	spop (v2sf)  }
0x847: {  	s1 =	sadd.s32 s31, s30;
	[smem:$0x756] =	sst s0;
	s0 =	sshra.s32 s16, $0x1F  }
0x848: {  	[smem:$0x7D3] =	sst s1;
	s1 =	sadd.s32 s12, s10;
	s0 =	smul.u32 $0x431BDE83, s0  }
0x849: {  	s25 =	smulhi.u32 $0x431BDE83, s22;
	[smem:$0x7D4] =	sst s1  }
0x84a: {  	s29 =	spop (v2sf);
	[smem:$0x758] =	sst s0;
	s0 =	sshra.s32 s22, $0x1F  }
0x84b: {  	s1 =	sadd.s32 s15, s14;
	[smem:$0x759] =	sst s25;
	s0 =	smul.u32 $0x431BDE83, s0  }
0x84c: {  	s9 =	smulhi.u32 $0x431BDE83, s29;
	[smem:$0x7C7] =	sst s1  }
0x84d: {  	s13 =	spop (v2sf);
	[smem:$0x75A] =	sst s0;
	s0 =	sshra.s32 s29, $0x1F  }
0x84e: {  	s1 =	sadd.s32 s18, s17;
	[smem:$0x75B] =	sst s9;
	s0 =	smul.u32 $0x431BDE83, s0  }
0x84f: {  	s16 =	smulhi.u32 $0x431BDE83, s13;
	[smem:$0x7D6] =	sst s1  }
0x850: {  	s19 =	spop (v2sf);
	[smem:$0x75C] =	sst s0;
	s0 =	sshra.s32 s13, $0x1F  }
0x851: {  	(v2sf) =	vpush v12, $0x9;
	s1 =	sadd.s32 s21, s20;
	[smem:$0x75D] =	sst s16;
	s0 =	smul.u32 $0x431BDE83, s0  }
0x852: {  	(v2sf) =	vpush v12, $0x8;
	s22 =	smulhi.u32 $0x431BDE83, s19;
	[smem:$0x7D8] =	sst s1  }
0x853: {  	(v2sf) =	vpush v12, $0xA;
	[smem:$0x75E] =	sst s0;
	s0 =	sshra.s32 s19, $0x1F  }
0x854: {  	(v2sf) =	vpush v12, $0xB;
	s1 =	sadd.s32 s24, s23;
	[smem:$0x75F] =	sst s22;
	s0 =	smul.u32 $0x431BDE83, s0  }
0x855: {  	(v2sf) =	vpush v12, $0x0;
	s25 =	spop (v2sf);
	[smem:$0x7DA] =	sst s1  }
0x856: {  	(v2sf) =	vpush v12, $0x1;
	s1 =	sadd.s32 s28, s26;
	s29 =	smulhi.u32 $0x431BDE83, s25;
	[smem:$0x760] =	sst s0  }
0x857: {  	(v2sf) =	vpush v12, $0x2;
	[smem:$0x7DB] =	sst s1  }
0x858: {  	[smem:$0x761] =	sst s29  }
0x859: {  	s30 =	sld [smem:$0x72A]  }
0x85a: {  	s31 =	sld [smem:$0x72B]  }
0x85b: {  	s10 =	sld [smem:$0x72C]  }
0x85c: {  	s12 =	sld [smem:$0x72D]  }
0x85d: {  	s14 =	sld [smem:$0x72E]  }
0x85e: {  	s15 =	sld [smem:$0x72F]  }
0x85f: {  	s17 =	sld [smem:$0x730]  }
0x860: {  	s18 =	sld [smem:$0x731]  }
0x861: {  	s20 =	sld [smem:$0x732]  }
0x862: {  	s21 =	sld [smem:$0x733]  }
0x863: {  	s23 =	sld [smem:$0x734]  }
0x864: {  	s24 =	sld [smem:$0x735]  }
0x865: {  	s0 =	sshra.s32 s25, $0x1F;
	s9 =	spop (v2sf);
	s25 =	sld [smem:$0x736]  }
0x866: {  	s29 =	sld [smem:$0x737];
	s13 =	smulhi.u32 $0x431BDE83, s9  }
0x867: {  	s2 =	sld [smem:$0x738];
	s16 =	spop (v2sf)  }
0x868: {  	s19 =	smulhi.u32 $0x431BDE83, s16;
	s1 =	sadd.s32 s31, s30;
	[smem:$0x762] =	sst s13  }
0x869: {  	s30 =	smul.u32 $0x431BDE83, s0;
	s0 =	sshra.s32 s9, $0x1F;
	s9 =	sld [smem:$0x739]  }
0x86a: {  	[smem:$0x7DE] =	sst s1  }
0x86b: {  	[smem:$0x764] =	sst s19  }
0x86c: {  	s1 =	sadd.s32 s12, s10;
	s10 =	sld [smem:$0x73A]  }
0x86d: {  	s12 =	sld [smem:$0x73B]  }
0x86e: {  	s19 =	sld [smem:$0x740]  }
0x86f: {  	[smem:$0x7DF] =	sst s1  }
0x870: {  	s1 =	sadd.s32 s15, s14;
	s14 =	sld [smem:$0x73C]  }
0x871: {  	s0 =	smul.u32 $0x431BDE83, s0;
	s15 =	sld [smem:$0x73D]  }
0x872: {  	[smem:$0x7E2] =	sst s1  }
0x873: {  	[smem:$0x763] =	sst s0  }
0x874: {  	s0 =	sshra.s32 s16, $0x1F;
	s16 =	sld [smem:$0x73E]  }
0x875: {  	s22 =	spop (v2sf);
	s1 =	sadd.s32 s18, s17;
	s17 =	sld [smem:$0x73F]  }
0x876: {  	s28 =	smulhi.u32 $0x431BDE83, s22;
	[smem:$0x7E4] =	sst s1  }
0x877: {  	s31 =	spop (v2sf);
	s1 =	sadd.s32 s21, s20;
	s21 =	sld [smem:$0x741]  }
0x878: {  	s13 =	spop (v2sf);
	[smem:$0x7D7] =	sst s1;
	s1 =	sadd.s32 s24, s23  }
0x879: {  	s26 =	smul.u32 $0x431BDE83, s0;
	s0 =	sshra.s32 s22, $0x1F;
	[smem:$0x7D9] =	sst s1  }
0x87a: {  	s24 =	smulhi.u32 $0x431BDE83, s31;
	s1 =	sadd.s32 s29, s25;
	s29 =	sld [smem:$0x742]  }
0x87b: {  	s25 =	smul.u32 $0x431BDE83, s0;
	s0 =	sshra.s32 s31, $0x1F;
	s31 =	sld [smem:$0x743]  }
0x87c: {  	s23 =	smulhi.u32 $0x431BDE83, s13;
	[smem:$0x7DC] =	sst s1;
	s1 =	sadd.s32 s9, s2  }
0x87d: {  	s22 =	smul.u32 $0x431BDE83, s0;
	s0 =	sshra.s32 s13, $0x1F;
	s13 =	sld [smem:$0x746]  }
0x87e: {  	(v2sf) =	vpush v12, $0x3;
	[smem:$0x7DD] =	sst s1  }
0x87f: {  	s1 =	sadd.s32 s12, s10;
	s10 =	sld [smem:$0x744]  }
0x880: {  	s2 =	sadd.s32 s6, s8;
	s12 =	sld [smem:$0x745]  }
0x881: {  	s6 =	sadd.s32 s7, s5;
	[smem:$0x7EC] =	sst s2  }
0x882: {  	s18 =	spop (v2sf);
	[smem:$0x7ED] =	sst s6  }
0x883: {  	s9 =	spop (v2sf);
	s2 =	sld [smem:$0x755]  }
0x884: {  	s20 =	smul.u32 $0x431BDE83, s0;
	[smem:$0x7E0] =	sst s1;
	s1 =	sadd.s32 s15, s14  }
0x885: {  	s0 =	sshra.s32 s18, $0x1F;
	[smem:$0x7E1] =	sst s1;
	s1 =	sadd.s32 s17, s16  }
0x886: {  	(v2sf) =	vpush v12, $0x4;
	[smem:$0x7E3] =	sst s1;
	s1 =	sadd.s32 s21, s19;
	s21 =	smulhi.u32 $0x431BDE83, s18  }
0x887: {  	s14 =	sld [smem:$0x747];
	s18 =	smul.u32 $0x431BDE83, s0  }
0x888: {  	(v2sf) =	vpush v12, $0x5;
	s19 =	smulhi.u32 $0x431BDE83, s9;
	s0 =	sshra.s32 s9, $0x1F;
	s9 =	sld [smem:$0x74A]  }
0x889: {  	[smem:$0x7D5] =	sst s1  }
0x88a: {  	s1 =	sadd.s32 s31, s29;
	s29 =	sld [smem:$0x748]  }
0x88b: {  	(v2sf) =	vpush v12, $0x6;
	s31 =	sld [smem:$0x749]  }
0x88c: {  	v0 =	vld [tilespmem:$0x3C0];
	(v2sf) =	vpush v12, $0x7;
	s16 =	smul.u32 $0x431BDE83, s0;
	[smem:$0x7E5] =	sst s1  }
0x88d: {  	s15 =	spop (v2sf);
	s1 =	sadd.s32 s12, s10;
	s10 =	sld [smem:$0x74B]  }
0x88e: {  	s17 =	smulhi.u32 $0x431BDE83, s15;
	s0 =	sshra.s32 s15, $0x1F;
	s15 =	sld [smem:$0x74D]  }
0x88f: {  	v38 =	vld [tilespmem:$0x1C0];
	[smem:$0x7E6] =	sst s1  }
0x890: {  	s1 =	sadd.s32 s14, s13;
	s13 =	sld [smem:$0x74C]  }
0x891: {  	v39 =	vand.u32 $0x3FF, v0;
	[smem:$0x7E7] =	sst s1  }
0x892: {  	v0 =	vshra.s32 v0, $0xA;
	v13 =	vmul.u32 $0x16A95, v39;
	s1 =	sadd.s32 s31, s29;
	s29 =	sld [smem:$0x74E]  }
0x893: {  	v0 =	vmul.u32 $0xBE40, v0;
	s31 =	sld [smem:$0x74F]  }
0x894: {  	v11 =	vadd.s32 v38, v13;
	[smem:$0x7EA] =	sst s1  }
0x895: {  	v11 =	vadd.s32 v0, v11;
	s12 =	spop (v2sf);
	s1 =	sadd.s32 s10, s9;
	s10 =	sld [smem:$0x750]  }
0x896: {  	(v2sf) =	vpush v11, $0xD;
	s14 =	smul.u32 $0x431BDE83, s0;
	[smem:$0x7EB] =	sst s1  }
0x897: {  	(v2sf) =	vpush v11, $0xC;
	s9 =	spop (v2sf);
	s1 =	sadd.s32 s15, s13;
	s13 =	sld [smem:$0x751]  }
0x898: {  	s0 =	sshra.s32 s12, $0x1F;
	s15 =	smulhi.u32 $0x431BDE83, s12;
	[smem:$0x7EE] =	sst s1  }
0x899: {  	s12 =	smul.u32 $0x431BDE83, s0;
	s1 =	sadd.s32 s31, s29;
	s29 =	sld [smem:$0x752]  }
0x89a: {  	s0 =	sshra.s32 s9, $0x1F;
	s31 =	spop (v2sf);
	[smem:$0x7F1] =	sst s1  }
0x89b: {  	s7 =	spop (v2sf);
	s1 =	sadd.s32 s13, s10;
	s13 =	smulhi.u32 $0x431BDE83, s9  }
0x89c: {  	s10 =	smul.u32 $0x431BDE83, s0;
	[smem:$0x7F3] =	sst s1  }
0x89d: {  	s9 =	smulhi.u32 $0x431BDE83, s7;
	s1 =	sadd.s32 s11, s29;
	s29 =	sld [smem:$0x753]  }
0x89e: {  	s0 =	sshra.s32 s31, $0x1F;
	s11 =	smulhi.u32 $0x431BDE83, s31;
	s31 =	sld [smem:$0x754]  }
0x89f: {  	s8 =	smul.u32 $0x431BDE83, s0;
	s0 =	sshra.s32 s7, $0x1F;
	s7 =	sld [smem:$0x756]  }
0x8a0: {  	[smem:$0x7E8] =	sst s1  }
0x8a1: {  	s1 =	sadd.s32 s31, s29;
	s29 =	sld [smem:$0x757]  }
0x8a2: {  	s31 =	sld [smem:$0x758]  }
0x8a3: {  	[smem:$0x7EF] =	sst s1  }
0x8a4: {  	s6 =	smul.u32 $0x431BDE83, s0;
	s1 =	sadd.s32 s3, s2;
	s2 =	sld [smem:$0x75B]  }
0x8a5: {  	s5 =	spop (v2sf);
	[smem:$0x7F0] =	sst s1;
	s1 =	sadd.s32 s7, s4  }
0x8a6: {  	s0 =	sshra.s32 s5, $0x1F;
	s3 =	spop (v2sf);
	[smem:$0x7F2] =	sst s1  }
0x8a7: {  	s7 =	smulhi.u32 $0x431BDE83, s5;
	s1 =	sadd.s32 s31, s29;
	s29 =	sld [smem:$0x759]  }
0x8a8: {  	s5 =	smul.u32 $0x431BDE83, s0;
	s31 =	sld [smem:$0x75A]  }
0x8a9: {  	(v2sf) =	vpush v11, $0xE;
	s4 =	smulhi.u32 $0x431BDE83, s3;
	s0 =	sshra.s32 s3, $0x1F;
	s3 =	sld [smem:$0x75C]  }
0x8aa: {  	[smem:$0x7F4] =	sst s1  }
0x8ab: {  	s1 =	sadd.s32 s31, s29;
	s29 =	sld [smem:$0x75D]  }
0x8ac: {  	(v2sf) =	vpush v11, $0xF;
	s31 =	sld [smem:$0x75E]  }
0x8ad: {  	[smem:$0x7E9] =	sst s1;
	s1 =	sadd.s32 s3, s2  }
0x8ae: {  	[smem:$0x7F5] =	sst s1  }
0x8af: {  	(v2sf) =	vpush v11, $0x9;
	s1 =	sadd.s32 s31, s29;
	s29 =	sld [smem:$0x760]  }
0x8b0: {  	[smem:$0x7F6] =	sst s1  }
0x8b1: {  	s25 =	sadd.s32 s25, s28;
	(v2sf) =	vpush v11, $0x8;
	s1 =	sld [smem:$0x75F]  }
0x8b2: {  	[smem:$0x7FB] =	sst s25;
	s22 =	sadd.s32 s22, s24  }
0x8b3: {  	[smem:$0x7FC] =	sst s22;
	(v2sf) =	vpush v11, $0xA  }
0x8b4: {  	s14 =	sadd.s32 s14, s17;
	s1 =	sadd.s32 s29, s1;
	s29 =	sld [smem:$0x761]  }
0x8b5: {  	[smem:$0x7FD] =	sst s14;
	(v2sf) =	vpush v11, $0xB;
	s10 =	sadd.s32 s10, s13  }
0x8b6: {  	s28 =	sadd.s32 s20, s23;
	s24 =	sadd.s32 s18, s21;
	(v2sf) =	vpush v11, $0x0;
	[dreg:$0x1f] =	wrdreg s10  }
0x8b7: {  	(v2sf) =	vpush v11, $0x1;
	s3 =	smul.u32 $0x431BDE83, s0;
	s31 =	sadd.s32 s30, s29;
	s30 =	sld [smem:$0x762]  }
0x8b8: {  	s8 =	sadd.s32 s8, s11;
	s0 =	spop (v2sf);
	s29 =	sld [smem:$0x763]  }
0x8b9: {  	[dreg:$0x1e] =	wrdreg s8;
	(v2sf) =	vpush v11, $0x2;
	s2 =	smulhi.u32 $0x431BDE83, s0;
	s0 =	sshra.s32 s0, $0x1F  }
0x8ba: {  	s5 =	sadd.s32 s5, s7;
	[smem:$0x7F7] =	sst s1;
	s1 =	smul.u32 $0x431BDE83, s0  }
0x8bb: {  	s0 =	spop (v2sf);
	s30 =	sadd.s32 s29, s30;
	s29 =	sld [smem:$0x764]  }
0x8bc: {  	[smem:$0x7F8] =	sst s31;
	s31 =	smulhi.u32 $0x431BDE83, s0;
	s0 =	sshra.s32 s0, $0x1F  }
0x8bd: {  	s23 =	sadd.s32 s16, s19;
	[dreg:$0x1a] =	wrdreg s5;
	s0 =	smul.u32 $0x431BDE83, s0  }
0x8be: {  	[smem:$0x7F9] =	sst s30;
	s30 =	spop (v2sf);
	s26 =	sadd.s32 s26, s29  }
0x8bf: {  	[smem:$0x7FA] =	sst s26;
	s26 =	smulhi.u32 $0x431BDE83, s30;
	s30 =	sshra.s32 s30, $0x1F  }
0x8c0: {  	s3 =	sadd.s32 s3, s4;
	(v2sf) =	vpush v11, $0x3;
	s25 =	smul.u32 $0x431BDE83, s30;
	s30 =	spop (v2sf)  }
0x8c1: {  	[dreg:$0x1c] =	wrdreg s3;
	s22 =	smulhi.u32 $0x431BDE83, s30;
	s29 =	sshra.s32 s30, $0x1F  }
0x8c2: {  	s1 =	sadd.s32 s1, s2;
	s30 =	spop (v2sf);
	s20 =	smul.u32 $0x431BDE83, s29  }
0x8c3: {  	[dreg:$0x19] =	wrdreg s1;
	s18 =	smulhi.u32 $0x431BDE83, s30;
	s29 =	sshra.s32 s30, $0x1F  }
0x8c4: {  	s19 =	sadd.s32 s12, s15;
	(v2sf) =	vpush v11, $0x4;
	s30 =	spop (v2sf);
	s16 =	smul.u32 $0x431BDE83, s29  }
0x8c5: {  	s14 =	smulhi.u32 $0x431BDE83, s30;
	s21 =	sshra.s32 s30, $0x1F;
	s29 =	spop (v2sf)  }
0x8c6: {  	s0 =	sadd.s32 s0, s31;
	(v2sf) =	vpush v11, $0x5;
	s12 =	smul.u32 $0x431BDE83, s21;
	s13 =	spop (v2sf)  }
0x8c7: {  	[dreg:$0x18] =	wrdreg s0;
	s10 =	smulhi.u32 $0x431BDE83, s29;
	s15 =	sshra.s32 s13, $0x1F  }
0x8c8: {  	s17 =	spop (v2sf);
	s5 =	smul.u32 $0x431BDE83, s15  }
0x8c9: {  	(v2sf) =	vpush v11, $0x6;
	s30 =	sshra.s32 s29, $0x1F;
	s3 =	smulhi.u32 $0x431BDE83, s17;
	s29 =	sshra.s32 s17, $0x1F  }
0x8ca: {  	s15 =	sadd.s32 s16, s18;
	s17 =	sadd.s32 s12, s14;
	s14 =	sld [smem:$0x765]  }
0x8cb: {  	s8 =	smul.u32 $0x431BDE83, s30;
	[dreg:$0x15] =	wrdreg s15  }
0x8cc: {  	s21 =	sadd.s32 s6, s9;
	[dreg:$0x16] =	wrdreg s17  }
0x8cd: {  	s6 =	smulhi.u32 $0x431BDE83, s13;
	s8 =	sadd.s32 s8, s10;
	s15 =	sld [smem:$0x766]  }
0x8ce: {  	[dreg:$0x14] =	wrdreg s8  }
0x8cf: {  	s4 =	spop (v2sf);
	s5 =	sadd.s32 s5, s6;
	s6 =	sld [smem:$0x768]  }
0x8d0: {  	s25 =	sadd.s32 s25, s26;
	s30 =	smul.u32 $0x431BDE83, s29;
	s8 =	sld [smem:$0x769]  }
0x8d1: {  	s7 =	smulhi.u32 $0x431BDE83, s4;
	s2 =	sshra.s32 s4, $0x1F;
	[dreg:$0x13] =	wrdreg s5  }
0x8d2: {  	s2 =	smul.u32 $0x431BDE83, s2;
	s1 =	sadd.s32 s30, s3;
	s5 =	sld [smem:$0x76B]  }
0x8d3: {  	s26 =	sadd.s32 s20, s22;
	[dreg:$0x12] =	wrdreg s1;
	s11 =	spop (v2sf)  }
0x8d4: {  	s0 =	sadd.s32 s2, s7;
	s13 =	smulhi.u32 $0x431BDE83, s11;
	s4 =	sshra.s32 s11, $0x1F  }
0x8d5: {  	s17 =	sshra.s32 s15, $0x12;
	s4 =	smul.u32 $0x431BDE83, s4;
	s16 =	spop (v2sf)  }
0x8d6: {  	[dreg:$0x10] =	wrdreg s0;
	s18 =	smulhi.u32 $0x431BDE83, s16;
	s9 =	sshra.s32 s16, $0x1F  }
0x8d7: {  	s7 =	sshrl.u32 s6, $0x1F;
	s11 =	sshra.s32 s8, $0x1F;
	s20 =	smul.u32 $0x431BDE83, s9  }
0x8d8: {  	s31 =	sadd.s32 s4, s13;
	s13 =	sshra.s32 s14, $0x1F;
	s22 =	spop (v2sf)  }
0x8d9: {  	s16 =	sshrl.u32 s15, $0x1F;
	s30 =	sadd.s32 s20, s18;
	s20 =	sld [smem:$0x767]  }
0x8da: {  	s29 =	smulhi.u32 $0x431BDE83, s22;
	s10 =	sshra.s32 s22, $0x1F;
	s9 =	sshra.s32 s8, $0x12  }
0x8db: {  	vm14 =	vmmov vm12;
	s12 =	smul.u32 $0x431BDE83, s10;
	s10 =	sshrl.u32 s8, $0x1F;
	s8 =	sld [smem:$0x76A]  }
0x8dc: {  	vm12 =	vcmask $0x704;
	v40 =	vmov s7;
	v0 =	vmov s13;
	s18 =	sshra.s32 s15, $0x1F;
	s15 =	sld [smem:$0x76C];
	s22 =	sshrl.u32 s20, $0x1F  }
0x8dd: {  	v0 =	vsel vm3, s17, v0;
	v41 =	vmov s16;
	v13 =	vsel vm0, s22, v40;
	s22 =	sld [smem:$0x76E]  }
0x8de: {  	vm13 =	vcmask $0xF0C;
	s1 =	sshra.s32 s6, $0x12;
	v14 =	vnsel vm3, $0x0, v41;
	s29 =	sadd.s32 s12, s29;
	v0 =	vsel vm12, s18, v0;
	s12 =	sshrl.u32 s8, $0x1F  }
0x8df: {  	s6 =	sld [smem:$0x76D];
	s13 =	sshrl.u32 s5, $0x1F;
	v14 =	vsel vm0, s10, v14;
	v0 =	vsel vm0, s9, v0;
	s16 =	sshrl.u32 s15, $0x1F;
	v13 =	vsel vm1, s12, v13  }
0x8e0: {  	v0 =	vsel vm13, s11, v0;
	s17 =	sshra.s32 s15, $0x12;
	v42 =	vsel vm1, s16, v14;
	v48 =	vsel vm2, s13, v13;
	s13 =	sld [smem:$0x770];
	s9 =	sshrl.u32 s22, $0x1F  }
0x8e1: {  	s18 =	sshra.s32 s15, $0x1F;
	v0 =	vsel vm1, s17, v0;
	v13 =	vsel vm2, s9, v42;
	s9 =	sld [smem:$0x76F]  }
0x8e2: {  	s7 =	sld [smem:$0x773];
	s0 =	sshra.s32 s20, $0x12;
	v0 =	vsel vm14, s18, v0;
	s12 =	sshra.s32 s22, $0x12  }
0x8e3: {  	vm15 =	vmmov vm5;
	vm5 =	vcmask $0x2320;
	s20 =	sshrl.u32 s6, $0x1F;
	v0 =	vsel vm2, s12, v0;
	s12 =	sld [smem:$0x772];
	s11 =	sshrl.u32 s13, $0x1F  }
0x8e4: {  	v43 =	vmov s20;
	v13 =	vsel vm5, s11, v13;
	s11 =	sld [smem:$0x774];
	s10 =	sshrl.u32 s9, $0x1F  }
0x8e5: {  	v14 =	vsel vm0, s10, v43;
	s10 =	sld [smem:$0x771]  }
0x8e6: {  	s8 =	sshra.s32 s8, $0x12;
	s18 =	sshrl.u32 s7, $0x1F;
	s17 =	sshrl.u32 s12, $0x1F  }
0x8e7: {  	vm6 =	vmmov vm15;
	s15 =	sshra.s32 s22, $0x1F;
	s22 =	sshra.s32 s13, $0x12;
	s13 =	sshra.s32 s13, $0x1F;
	v13 =	vsel vm15, s17, v13;
	vm15 =	vcmask $0x1F1C  }
0x8e8: {  	vm4 =	vmmov vm7;
	vm7 =	vcmask $0x3330;
	v0 =	vsel vm15, s15, v0;
	s20 =	sshrl.u32 s11, $0x1F;
	s15 =	sshrl.u32 s14, $0x1F;
	s16 =	sshrl.u32 s10, $0x1F  }
0x8e9: {  	v44 =	vmov s1;
	v13 =	vsel vm7, s20, v13;
	v0 =	vsel vm5, s22, v0;
	s22 =	sshra.s32 s10, $0x12;
	s10 =	sshra.s32 s14, $0x12;
	s14 =	sld [smem:$0x776]  }
0x8ea: {  	vm10 =	vcmask $0x2724;
	s17 =	sshra.s32 s9, $0x12;
	s20 =	sshra.s32 s6, $0x12;
	v49 =	vsel vm4, s15, v13;
	v13 =	vsel vm0, s0, v44;
	s15 =	sld [smem:$0x777]  }
0x8eb: {  	s9 =	sshra.s32 s11, $0x1F;
	v45 =	vmov s20;
	v14 =	vsel vm1, s16, v14;
	v13 =	vsel vm1, s8, v13;
	s8 =	sshra.s32 s11, $0x12;
	s11 =	sld [smem:$0x775]  }
0x8ec: {  	s7 =	sshra.s32 s7, $0x12;
	v0 =	vsel vm10, s13, v0;
	v46 =	vsel vm0, s17, v45;
	s17 =	sld [smem:$0x778];
	v50 =	vsel vm2, s18, v14;
	s18 =	sshra.s32 s12, $0x12  }
0x8ed: {  	vm9 =	vcmask $0x2F2C;
	s6 =	sshra.s32 s12, $0x1F;
	s16 =	sshra.s32 s5, $0x12;
	s5 =	sld [smem:$0x788];
	v0 =	vsel vm6, s18, v0  }
0x8ee: {  	v52 =	vsel vm2, s16, v13;
	v13 =	vsel vm1, s22, v46;
	s16 =	sshrl.u32 s15, $0x1F;
	s1 =	sshra.s32 s15, $0x12;
	s15 =	sld [smem:$0x77C];
	v0 =	vsel vm9, s6, v0  }
0x8ef: {  	s13 =	sshra.s32 s14, $0x1F;
	v54 =	vsel vm2, s7, v13;
	s6 =	sld [smem:$0x779];
	v0 =	vsel vm7, s8, v0  }
0x8f0: {  	s12 =	sshrl.u32 s11, $0x1F;
	v47 =	vmov s13;
	s18 =	sshra.s32 s17, $0x12;
	v57 =	vmov s16;
	s8 =	sld [smem:$0x77A];
	v0 =	vsel vm11, s9, v0  }
0x8f1: {  	s20 =	sshrl.u32 s17, $0x1F;
	s22 =	sshra.s32 s17, $0x1F;
	v13 =	vsel vm0, s12, v57;
	s12 =	sld [smem:$0x77B];
	v51 =	vsel vm4, s10, v0;
	v0 =	vsel vm3, s18, v47  }
0x8f2: {  	(v2sf) =	vpush v11, $0x7;
	s0 =	sshra.s32 s11, $0x12;
	v58 =	vmov s20;
	s16 =	sshrl.u32 s15, $0x1F;
	v0 =	vsel vm12, s22, v0;
	s22 =	sld [smem:$0x77E]  }
0x8f3: {  	v14 =	vnsel vm3, $0x0, v58;
	s7 =	sshrl.u32 s6, $0x1F;
	s9 =	sshra.s32 s8, $0x12;
	s10 =	sshrl.u32 s8, $0x1F  }
0x8f4: {  	s11 =	sshra.s32 s8, $0x1F;
	s13 =	sshrl.u32 s12, $0x1F;
	v13 =	vsel vm1, s7, v13;
	s7 =	sld [smem:$0x77D];
	v0 =	vsel vm0, s9, v0;
	v14 =	vsel vm0, s10, v14  }
0x8f5: {  	s17 =	sshra.s32 s15, $0x12;
	v53 =	vsel vm2, s13, v13;
	s13 =	sld [smem:$0x780];
	v0 =	vsel vm13, s11, v0;
	v59 =	vsel vm1, s16, v14;
	s9 =	sshrl.u32 s22, $0x1F  }
0x8f6: {  	s18 =	sshra.s32 s15, $0x1F;
	v0 =	vsel vm1, s17, v0;
	v13 =	vsel vm2, s9, v59;
	s9 =	sld [smem:$0x77F]  }
0x8f7: {  	s2 =	sshra.s32 s12, $0x12;
	s8 =	sld [smem:$0x783];
	s12 =	sshra.s32 s22, $0x12;
	v0 =	vsel vm14, s18, v0  }
0x8f8: {  	s20 =	sshrl.u32 s7, $0x1F;
	s11 =	sshrl.u32 s13, $0x1F;
	v0 =	vsel vm2, s12, v0;
	s12 =	sld [smem:$0x782]  }
0x8f9: {  	v60 =	vmov s20;
	v13 =	vsel vm5, s11, v13;
	s11 =	sld [smem:$0x784];
	s10 =	sshrl.u32 s9, $0x1F  }
0x8fa: {  	s15 =	sshra.s32 s22, $0x1F;
	v14 =	vsel vm0, s10, v60;
	s10 =	sld [smem:$0x781]  }
0x8fb: {  	s4 =	sshra.s32 s6, $0x12;
	s22 =	sshra.s32 s13, $0x12;
	v0 =	vsel vm15, s15, v0;
	s17 =	sshrl.u32 s12, $0x1F  }
0x8fc: {  	s18 =	sshrl.u32 s8, $0x1F;
	s15 =	sshra.s32 s13, $0x1F;
	v0 =	vsel vm5, s22, v0;
	s20 =	sshrl.u32 s11, $0x1F;
	v13 =	vsel vm6, s17, v13  }
0x8fd: {  	s9 =	sshra.s32 s9, $0x12;
	v0 =	vsel vm10, s15, v0;
	v13 =	vsel vm7, s20, v13;
	s20 =	sshra.s32 s12, $0x12;
	s16 =	sshrl.u32 s10, $0x1F  }
0x8fe: {  	s22 =	sshra.s32 s8, $0x12;
	s6 =	sshra.s32 s12, $0x1F;
	v0 =	vsel vm6, s20, v0;
	v14 =	vsel vm1, s16, v14;
	s16 =	sshrl.u32 s14, $0x1F  }
0x8ff: {  	s17 =	sshra.s32 s7, $0x12;
	s7 =	sshra.s32 s11, $0x12;
	v0 =	vsel vm9, s6, v0;
	v14 =	vsel vm2, s18, v14;
	v13 =	vsel vm4, s16, v13;
	s16 =	sld [smem:$0x787]  }
0x900: {  	v61 =	vmov s1;
	s8 =	sshra.s32 s11, $0x1F;
	v62 =	vmov s17;
	s18 =	sshra.s32 s10, $0x12;
	v0 =	vsel vm7, s7, v0;
	s7 =	sld [smem:$0x789];
	[tilespmem:$0x1FF10] =	vst v14  }
0x901: {  	s10 =	spop (v2sf);
	[tilespmem:$0x1FF20] =	vst v13;
	v13 =	vsel vm0, s0, v61;
	v14 =	vsel vm0, s9, v62;
	s9 =	sshra.s32 s14, $0x12;
	s14 =	sld [smem:$0x785]  }
0x902: {  	s11 =	smulhi.u32 $0x431BDE83, s10;
	v13 =	vsel vm1, s4, v13;
	s4 =	sshra.s32 s10, $0x1F;
	s10 =	sld [smem:$0x786]  }
0x903: {  	s13 =	smul.u32 $0x431BDE83, s4;
	s4 =	sld [smem:$0x78A]  }
0x904: {  	v63 =	vsel vm1, s18, v14;
	s17 =	sshra.s32 s16, $0x12;
	s18 =	sshrl.u32 s16, $0x1F;
	s20 =	sshra.s32 s16, $0x1F  }
0x905: {  	s12 =	sshra.s32 s14, $0x1F;
	s0 =	sadd.s32 s13, s11;
	s13 =	sld [smem:$0x78D]  }
0x906: {  	v0 =	vsel vm11, s8, v0;
	v15 =	vsel vm2, s22, v63;
	s22 =	sshrl.u32 s5, $0x1F;
	v16 =	vmov s12;
	s15 =	sshrl.u32 s10, $0x1F;
	s6 =	sshra.s32 s4, $0x12  }
0x907: {  	v0 =	vsel vm4, s9, v0;
	v28 =	vsel vm2, s2, v13;
	v13 =	vsel vm3, s17, v16;
	s8 =	sshrl.u32 s4, $0x1F;
	s9 =	sshra.s32 s4, $0x1F;
	s4 =	sld [smem:$0x78B]  }
0x908: {  	[tilespmem:$0x1FF30] =	vst v0;
	s3 =	sshrl.u32 s7, $0x1F;
	v0 =	vmov s15;
	v13 =	vsel vm12, s20, v13;
	s20 =	sld [smem:$0x78F];
	s15 =	sshrl.u32 s13, $0x1F  }
0x909: {  	v0 =	vsel vm0, s22, v0;
	s16 =	sshra.s32 s13, $0x12;
	s17 =	sshra.s32 s13, $0x1F;
	s13 =	sld [smem:$0x791]  }
0x90a: {  	v0 =	vsel vm1, s3, v0;
	v13 =	vsel vm0, s6, v13;
	s6 =	sld [smem:$0x792];
	s11 =	sshrl.u32 s4, $0x1F  }
0x90b: {  	v17 =	vmov s18;
	v0 =	vsel vm2, s11, v0;
	s11 =	sld [smem:$0x78C]  }
0x90c: {  	v14 =	vnsel vm3, $0x0, v17;
	v13 =	vsel vm13, s9, v13;
	s9 =	sld [smem:$0x790]  }
0x90d: {  	[tilespmem:$0x1FF40] =	vst v0;
	v0 =	vsel vm0, s8, v14;
	s8 =	sld [smem:$0x78E]  }
0x90e: {  	v13 =	vsel vm1, s16, v13;
	s22 =	sshrl.u32 s20, $0x1F;
	s3 =	sshrl.u32 s13, $0x1F;
	s12 =	sshrl.u32 s11, $0x1F  }
0x90f: {  	v13 =	vsel vm14, s17, v13;
	s16 =	sshrl.u32 s6, $0x1F;
	s2 =	sshrl.u32 s9, $0x1F;
	v18 =	vmov s12;
	s12 =	sshra.s32 s20, $0x12  }
0x910: {  	v0 =	vsel vm1, s15, v0;
	s15 =	sshra.s32 s20, $0x1F;
	s18 =	sshrl.u32 s8, $0x1F;
	v13 =	vsel vm2, s12, v13;
	s12 =	sld [smem:$0x793]  }
0x911: {  	v0 =	vsel vm2, s22, v0;
	s22 =	sshra.s32 s13, $0x12;
	v14 =	vsel vm0, s18, v18;
	s18 =	sshra.s32 s10, $0x12;
	s10 =	sld [smem:$0x794]  }
0x912: {  	v14 =	vsel vm1, s2, v14;
	v13 =	vsel vm15, s15, v13;
	v19 =	vmov s18;
	s15 =	sshra.s32 s5, $0x12;
	s5 =	smov.u32 s14;
	s18 =	sshra.s32 s7, $0x12  }
0x913: {  	v0 =	vsel vm5, s3, v0;
	v37 =	vsel vm2, s16, v14;
	s16 =	sshra.s32 s13, $0x1F;
	s13 =	sshra.s32 s9, $0x12;
	s17 =	sshrl.u32 s12, $0x1F  }
0x914: {  	v13 =	vsel vm5, s22, v13;
	s9 =	sld [smem:$0x797];
	s20 =	sshrl.u32 s10, $0x1F;
	s22 =	sshra.s32 s12, $0x12;
	v0 =	vsel vm6, s17, v0  }
0x915: {  	v13 =	vsel vm10, s16, v13;
	s17 =	sshrl.u32 s14, $0x1F;
	s14 =	sld [smem:$0x795];
	v0 =	vsel vm7, s20, v0;
	s20 =	sshra.s32 s11, $0x12  }
0x916: {  	s7 =	sshra.s32 s4, $0x12;
	s12 =	sshra.s32 s12, $0x1F;
	v13 =	vsel vm6, s22, v13;
	v0 =	vsel vm4, s17, v0;
	v20 =	vmov s20;
	s20 =	sld [smem:$0x796]  }
0x917: {  	s5 =	sshra.s32 s5, $0x12;
	s11 =	sshra.s32 s8, $0x12;
	v13 =	vsel vm9, s12, v13;
	s12 =	sld [smem:$0x799];
	[tilespmem:$0x1FF50] =	vst v0;
	v0 =	vsel vm0, s15, v19  }
0x918: {  	s17 =	sshra.s32 s6, $0x12;
	s15 =	sshra.s32 s10, $0x12;
	s16 =	sshra.s32 s14, $0x1F;
	v0 =	vsel vm1, s18, v0  }
0x919: {  	v21 =	vmov s16;
	s18 =	sshra.s32 s10, $0x1F;
	s10 =	sld [smem:$0x798];
	v36 =	vsel vm2, s7, v0;
	v0 =	vsel vm0, s11, v20;
	s22 =	sshra.s32 s20, $0x12  }
0x91a: {  	v13 =	vsel vm7, s15, v13;
	s7 =	sshra.s32 s20, $0x1F;
	s8 =	sshrl.u32 s20, $0x1F;
	s20 =	sld [smem:$0x79C];
	v0 =	vsel vm1, s13, v0;
	v22 =	vsel vm3, s22, v21  }
0x91b: {  	s6 =	sshrl.u32 s9, $0x1F;
	s13 =	sshra.s32 s12, $0x12;
	v30 =	vsel vm2, s17, v0;
	v0 =	vsel vm11, s18, v13;
	v13 =	vsel vm12, s7, v22;
	s7 =	sld [smem:$0x79A]  }
0x91c: {  	s16 =	sshra.s32 s12, $0x1F;
	s11 =	sshrl.u32 s10, $0x1F;
	v31 =	vsel vm4, s5, v0;
	v0 =	vmov s6;
	v13 =	vsel vm0, s13, v13;
	s6 =	sld [smem:$0x79B]  }
0x91d: {  	s2 =	sshra.s32 s10, $0x12;
	s22 =	sshra.s32 s20, $0x12;
	v0 =	vsel vm0, s11, v0;
	v13 =	vsel vm13, s16, v13;
	s11 =	sld [smem:$0x79D]  }
0x91e: {  	s10 =	sshra.s32 s20, $0x1F;
	s5 =	sld [smem:$0x79E];
	s17 =	sshrl.u32 s7, $0x1F;
	v13 =	vsel vm1, s22, v13  }
0x91f: {  	v23 =	vmov s8;
	v0 =	vsel vm1, s17, v0;
	s18 =	sshrl.u32 s6, $0x1F;
	v13 =	vsel vm14, s10, v13;
	s10 =	sld [smem:$0x7A0]  }
0x920: {  	s15 =	sshrl.u32 s12, $0x1F;
	v14 =	vnsel vm3, $0x0, v23;
	s22 =	sld [smem:$0x7A1];
	v0 =	vsel vm2, s18, v0;
	s12 =	sshrl.u32 s11, $0x1F  }
0x921: {  	s13 =	sshrl.u32 s5, $0x1F;
	[tilespmem:$0x1FF60] =	vst v0;
	v0 =	vsel vm0, s15, v14;
	v24 =	vmov s12;
	s15 =	sld [smem:$0x79F]  }
0x922: {  	s8 =	sshrl.u32 s20, $0x1F;
	s12 =	sld [smem:$0x7A3];
	v14 =	vsel vm0, s13, v24;
	s20 =	sshrl.u32 s10, $0x1F  }
0x923: {  	s5 =	sshra.s32 s5, $0x12;
	v0 =	vsel vm1, s8, v0;
	s8 =	sld [smem:$0x7A2];
	v14 =	vsel vm1, s20, v14;
	s20 =	sshra.s32 s9, $0x12  }
0x924: {  	s9 =	sld [smem:$0x7A4];
	s16 =	sshrl.u32 s15, $0x1F;
	s17 =	sshra.s32 s15, $0x12  }
0x925: {  	s18 =	sshra.s32 s15, $0x1F;
	s15 =	sshrl.u32 s22, $0x1F;
	v25 =	vmov s20;
	s20 =	sshra.s32 s11, $0x12;
	v0 =	vsel vm2, s16, v0  }
0x926: {  	s11 =	sshra.s32 s14, $0x12;
	v13 =	vsel vm2, s17, v13;
	s16 =	sshrl.u32 s8, $0x1F;
	s17 =	sshrl.u32 s12, $0x1F;
	v0 =	vsel vm5, s15, v0  }
0x927: {  	v26 =	vmov s20;
	s20 =	sld [smem:$0x7A8];
	v13 =	vsel vm15, s18, v13;
	s18 =	sshra.s32 s22, $0x12;
	s13 =	sshrl.u32 s9, $0x1F;
	v0 =	vsel vm6, s17, v0  }
0x928: {  	v29 =	vsel vm2, s16, v14;
	s22 =	sshra.s32 s22, $0x1F;
	s15 =	sshra.s32 s7, $0x12;
	s16 =	sshrl.u32 s14, $0x1F;
	v13 =	vsel vm5, s18, v13;
	v0 =	vsel vm7, s13, v0  }
0x929: {  	s17 =	sshra.s32 s12, $0x12;
	v13 =	vsel vm10, s22, v13;
	s22 =	sshra.s32 s12, $0x1F;
	s12 =	sld [smem:$0x7A6];
	v33 =	vsel vm4, s16, v0;
	v0 =	vsel vm0, s2, v25  }
0x92a: {  	s7 =	sshra.s32 s9, $0x12;
	s18 =	sshra.s32 s6, $0x12;
	v13 =	vsel vm6, s17, v13;
	v0 =	vsel vm1, s15, v0;
	s15 =	sld [smem:$0x7A5]  }
0x92b: {  	s9 =	sshra.s32 s9, $0x1F;
	s6 =	sshra.s32 s10, $0x12;
	s17 =	sld [smem:$0x7A7];
	v13 =	vsel vm9, s22, v13;
	v0 =	vsel vm2, s18, v0  }
0x92c: {  	s3 =	sshra.s32 s20, $0x12;
	s22 =	sshrl.u32 s20, $0x1F;
	s20 =	sld [smem:$0x7AE];
	v13 =	vsel vm7, s7, v13;
	[tilespmem:$0x1FF70] =	vst v0;
	v0 =	vsel vm0, s5, v26  }
0x92d: {  	s8 =	sshra.s32 s8, $0x12;
	v13 =	vsel vm11, s9, v13;
	s10 =	sshra.s32 s15, $0x1F;
	v0 =	vsel vm1, s6, v0;
	s6 =	sld [smem:$0x7A9]  }
0x92e: {  	s13 =	sshrl.u32 s12, $0x1F;
	s14 =	sshra.s32 s12, $0x12;
	s9 =	sld [smem:$0x7AA];
	v27 =	vmov s10;
	v34 =	vsel vm2, s8, v0;
	v0 =	vsel vm4, s11, v13  }
0x92f: {  	s16 =	sshra.s32 s12, $0x1F;
	v35 =	vmov s13;
	s13 =	sld [smem:$0x7AC];
	[tilespmem:$0x1FF80] =	vst v0;
	v0 =	vsel vm3, s14, v27  }
0x930: {  	v32 =	vmov s22;
	s18 =	sshrl.u32 s17, $0x1F;
	s1 =	sshra.s32 s17, $0x12;
	v0 =	vsel vm12, s16, v0;
	s7 =	sshra.s32 s6, $0x12  }
0x931: {  	v13 =	vsel vm0, s18, v32;
	s11 =	sshrl.u32 s9, $0x1F;
	s10 =	sshra.s32 s6, $0x1F;
	v0 =	vsel vm0, s7, v0;
	s7 =	sld [smem:$0x7AB]  }
0x932: {  	v14 =	vnsel vm3, $0x0, v35;
	s8 =	sshrl.u32 s6, $0x1F;
	v13 =	vsel vm1, s11, v13;
	s16 =	sshra.s32 s13, $0x12;
	s11 =	sld [smem:$0x7AD];
	v0 =	vsel vm13, s10, v0  }
0x933: {  	s14 =	sshrl.u32 s13, $0x1F;
	s17 =	sshra.s32 s13, $0x1F;
	s6 =	sld [smem:$0x7AF];
	v14 =	vsel vm0, s8, v14;
	v0 =	vsel vm1, s16, v0  }
0x934: {  	v38 =	vsel vm1, s14, v14;
	s14 =	sld [smem:$0x7B0];
	s10 =	sshra.s32 s20, $0x12;
	s12 =	sshrl.u32 s7, $0x1F;
	v0 =	vsel vm14, s17, v0  }
0x935: {  	s13 =	sld [smem:$0x7B2];
	v13 =	vsel vm2, s12, v13;
	v0 =	vsel vm2, s10, v0;
	s12 =	sshra.s32 s20, $0x1F  }
0x936: {  	s22 =	sshrl.u32 s20, $0x1F;
	v0 =	vsel vm15, s12, v0;
	s12 =	sld [smem:$0x7B4]  }
0x937: {  	s2 =	sshra.s32 s9, $0x12;
	s5 =	sshrl.u32 s14, $0x1F;
	s10 =	sld [smem:$0x7B1];
	[tilespmem:$0x1FF90] =	vst v13;
	v13 =	vsel vm2, s22, v38  }
0x938: {  	s8 =	sld [smem:$0x7B3];
	s18 =	sshrl.u32 s11, $0x1F;
	s17 =	sshrl.u32 s13, $0x1F;
	v13 =	vsel vm5, s5, v13  }
0x939: {  	s4 =	sshrl.u32 s6, $0x1F;
	s9 =	sshra.s32 s13, $0x1F;
	v39 =	vmov s18;
	v13 =	vsel vm6, s17, v13;
	s20 =	sshrl.u32 s12, $0x1F  }
0x93a: {  	v40 =	vmov s3;
	v14 =	vsel vm0, s4, v39;
	s22 =	sshra.s32 s14, $0x12;
	s16 =	sshrl.u32 s10, $0x1F;
	s17 =	sshrl.u32 s15, $0x1F;
	v13 =	vsel vm7, s20, v13  }
0x93b: {  	s18 =	sshrl.u32 s8, $0x1F;
	v0 =	vsel vm5, s22, v0;
	s22 =	sshra.s32 s13, $0x12;
	v14 =	vsel vm1, s16, v14;
	s16 =	sshra.s32 s14, $0x1F;
	v13 =	vsel vm4, s17, v13  }
0x93c: {  	s13 =	sshra.s32 s15, $0x12;
	s15 =	sld [smem:$0x7B5];
	v14 =	vsel vm2, s18, v14;
	v0 =	vsel vm10, s16, v0;
	s20 =	sshra.s32 s11, $0x12;
	[tilespmem:$0x1FFD0] =	vst v13;
	v13 =	vsel vm0, s1, v40  }
0x93d: {  	s6 =	sshra.s32 s6, $0x12;
	s14 =	sld [smem:$0x7B6];
	s18 =	sshra.s32 s7, $0x12;
	v41 =	vmov s20;
	v0 =	vsel vm6, s22, v0;
	v13 =	vsel vm1, s2, v13  }
0x93e: {  	s7 =	sshra.s32 s10, $0x12;
	s11 =	sshra.s32 s12, $0x12;
	[tilespmem:$0x1FFA0] =	vst v14;
	v14 =	vsel vm0, s6, v41;
	v0 =	vsel vm9, s9, v0;
	v13 =	vsel vm2, s18, v13;
	s18 =	sld [smem:$0x7B7]  }
0x93f: {  	s10 =	sshra.s32 s8, $0x12;
	s12 =	sshra.s32 s12, $0x1F;
	v42 =	vsel vm1, s7, v14;
	v0 =	vsel vm7, s11, v0;
	s7 =	sld [smem:$0x7B8]  }
0x940: {  	s16 =	sshrl.u32 s15, $0x1F;
	s17 =	sshra.s32 s14, $0x1F;
	v0 =	vsel vm11, s12, v0;
	s12 =	sld [smem:$0x7BA]  }
0x941: {  	s1 =	sshra.s32 s15, $0x12;
	v43 =	vmov s17;
	[tilespmem:$0x1FFB0] =	vst v13;
	v13 =	vsel vm2, s10, v42;
	s10 =	sld [smem:$0x7B9];
	s22 =	sshra.s32 s18, $0x12  }
0x942: {  	s17 =	sld [smem:$0x7BB];
	[tilespmem:$0x1FFC0] =	vst v13;
	s8 =	sshrl.u32 s7, $0x1F;
	s9 =	sshra.s32 s18, $0x1F;
	v13 =	vsel vm3, s22, v43  }
0x943: {  	s4 =	sshra.s32 s7, $0x12;
	s7 =	sld [smem:$0x7C0];
	v44 =	vmov s8;
	s15 =	sshra.s32 s12, $0x12;
	v13 =	vsel vm12, s9, v13  }
0x944: {  	v0 =	vsel vm4, s13, v0;
	s20 =	sshrl.u32 s18, $0x1F;
	s11 =	sshrl.u32 s10, $0x1F;
	v14 =	vsel vm0, s16, v44;
	s16 =	sshra.s32 s12, $0x1F;
	v13 =	vsel vm0, s15, v13  }
0x945: {  	[tilespmem:$0x1FFE0] =	vst v0;
	v0 =	vmov s20;
	s22 =	sld [smem:$0x7BD];
	v14 =	vsel vm1, s11, v14;
	s11 =	sshra.s32 s17, $0x12;
	v13 =	vsel vm13, s16, v13  }
0x946: {  	s13 =	sshrl.u32 s12, $0x1F;
	v0 =	vnsel vm3, $0x0, v0;
	v13 =	vsel vm1, s11, v13;
	s11 =	sld [smem:$0x7BE]  }
0x947: {  	s18 =	sshrl.u32 s17, $0x1F;
	s8 =	sld [smem:$0x7BC];
	v0 =	vsel vm0, s13, v0  }
0x948: {  	s3 =	sshra.s32 s10, $0x12;
	s15 =	sld [smem:$0x7BF];
	v0 =	vsel vm1, s18, v0;
	s10 =	sshrl.u32 s22, $0x1F  }
0x949: {  	v0 =	vsel vm2, s10, v0;
	s10 =	sld [smem:$0x7C2];
	s13 =	sshrl.u32 s11, $0x1F  }
0x94a: {  	s12 =	sshra.s32 s17, $0x1F;
	s17 =	sshrl.u32 s7, $0x1F;
	v45 =	vmov s13;
	s13 =	sld [smem:$0x7C1]  }
0x94b: {  	s7 =	sshra.s32 s7, $0x12;
	s20 =	sshrl.u32 s8, $0x1F;
	v13 =	vsel vm14, s12, v13;
	s12 =	sld [smem:$0x7C3]  }
0x94c: {  	s2 =	sshra.s32 s8, $0x12;
	v44 =	vsel vm2, s20, v14;
	s20 =	sshra.s32 s22, $0x12;
	s16 =	sshrl.u32 s15, $0x1F  }
0x94d: {  	s22 =	sshra.s32 s22, $0x1F;
	v0 =	vsel vm5, s16, v0;
	v13 =	vsel vm2, s20, v13;
	s6 =	sshrl.u32 s10, $0x1F;
	s18 =	sshrl.u32 s13, $0x1F  }
0x94e: {  	v13 =	vsel vm15, s22, v13;
	s20 =	sshra.s32 s11, $0x12;
	s22 =	sshra.s32 s15, $0x1F;
	s9 =	sshrl.u32 s12, $0x1F;
	v0 =	vsel vm6, s18, v0  }
0x94f: {  	v14 =	vsel vm0, s17, v45;
	s17 =	sshrl.u32 s14, $0x1F;
	s18 =	sshra.s32 s15, $0x12;
	v0 =	vsel vm7, s9, v0;
	s9 =	sld [smem:$0x7C4]  }
0x950: {  	s8 =	sshra.s32 s10, $0x12;
	s10 =	sshra.s32 s13, $0x12;
	v45 =	vsel vm4, s17, v0;
	v0 =	vsel vm5, s18, v13;
	s18 =	sld [smem:$0x7C5]  }
0x951: {  	s13 =	sshra.s32 s13, $0x1F;
	s15 =	sshra.s32 s12, $0x12;
	v0 =	vsel vm10, s22, v0;
	s22 =	sld [smem:$0x7C6]  }
0x952: {  	v47 =	vmov s20;
	v14 =	vsel vm1, s6, v14;
	s17 =	sshra.s32 s14, $0x12;
	s16 =	sshrl.u32 s9, $0x1F;
	v0 =	vsel vm6, s10, v0;
	s10 =	sld [smem:$0x7C8]  }
0x953: {  	s14 =	sld [smem:$0x7C7];
	s11 =	sshra.s32 s9, $0x12;
	v35 =	vsel vm2, s16, v14;
	v14 =	vsel vm0, s7, v47;
	v0 =	vsel vm9, s13, v0;
	s16 =	sshra.s32 s12, $0x1F  }
0x954: {  	v46 =	vmov s4;
	s20 =	sshrl.u32 s18, $0x1F;
	s12 =	sld [smem:$0x7C9];
	v14 =	vsel vm1, s8, v14;
	v0 =	vsel vm7, s15, v0;
	s8 =	sshrl.u32 s22, $0x1F  }
0x955: {  	v59 =	vsel vm2, s11, v14;
	v0 =	vsel vm11, s16, v0;
	v56 =	vmov s8;
	s11 =	sshrl.u32 s10, $0x1F;
	s4 =	sshra.s32 s10, $0x12;
	s10 =	sld [smem:$0x7CC]  }
0x956: {  	v13 =	vsel vm0, s1, v46;
	s9 =	sshra.s32 s14, $0x1F;
	v32 =	vsel vm4, s17, v0;
	v0 =	vsel vm0, s20, v56;
	s20 =	sld [smem:$0x7CB]  }
0x957: {  	v13 =	vsel vm1, s3, v13;
	v58 =	vmov s9;
	s13 =	sshra.s32 s12, $0x12  }
0x958: {  	v57 =	vsel vm2, s2, v13;
	s2 =	sshra.s32 s22, $0x12;
	s16 =	sshra.s32 s12, $0x1F;
	v60 =	vsel vm3, s13, v58  }
0x959: {  	s17 =	sld [smem:$0x7CA];
	v0 =	vsel vm1, s11, v0;
	v13 =	vsel vm12, s16, v60;
	s11 =	sshrl.u32 s10, $0x1F;
	s22 =	sshra.s32 s20, $0x12  }
0x95a: {  	s9 =	sshra.s32 s20, $0x1F;
	v62 =	vmov s11;
	s11 =	sld [smem:$0x7CD];
	v13 =	vsel vm0, s22, v13  }
0x95b: {  	s1 =	sshra.s32 s18, $0x12;
	v13 =	vsel vm13, s9, v13;
	s9 =	sld [smem:$0x7CF]  }
0x95c: {  	s15 =	sshrl.u32 s12, $0x1F;
	s13 =	sld [smem:$0x7CE];
	s18 =	sshrl.u32 s17, $0x1F  }
0x95d: {  	v61 =	vmov s15;
	s8 =	sshrl.u32 s20, $0x1F;
	s20 =	sld [smem:$0x7D0];
	s12 =	sshrl.u32 s11, $0x1F  }
0x95e: {  	v14 =	vnsel vm3, $0x0, v61;
	s10 =	sshra.s32 s10, $0x12;
	v0 =	vsel vm2, s18, v0;
	v16 =	vsel vm0, s12, v62;
	s12 =	sld [smem:$0x7D2];
	s18 =	sshrl.u32 s9, $0x1F  }
0x95f: {  	v14 =	vsel vm0, s8, v14;
	s15 =	sshrl.u32 s13, $0x1F;
	s16 =	sshra.s32 s13, $0x12;
	v16 =	vsel vm1, s18, v16;
	s18 =	sld [smem:$0x7D3]  }
0x960: {  	s5 =	sshra.s32 s17, $0x12;
	s17 =	sshra.s32 s13, $0x1F;
	v14 =	vsel vm1, s15, v14;
	v13 =	vsel vm1, s16, v13;
	s22 =	sshrl.u32 s20, $0x1F  }
0x961: {  	s13 =	sld [smem:$0x7D4];
	s16 =	sshra.s32 s20, $0x12;
	v14 =	vsel vm2, s22, v14;
	v13 =	vsel vm14, s17, v13;
	s15 =	sshrl.u32 s12, $0x1F  }
0x962: {  	s8 =	sld [smem:$0x7D1];
	s17 =	sshra.s32 s20, $0x1F;
	v13 =	vsel vm2, s16, v13;
	v14 =	vsel vm5, s15, v14;
	s22 =	sshrl.u32 s18, $0x1F  }
0x963: {  	s3 =	sshra.s32 s11, $0x12;
	s11 =	sshra.s32 s14, $0x12;
	v13 =	vsel vm15, s17, v13;
	v14 =	vsel vm6, s22, v14;
	s22 =	sshra.s32 s12, $0x12  }
0x964: {  	s20 =	sshrl.u32 s13, $0x1F;
	s15 =	sshra.s32 s12, $0x1F;
	s12 =	sld [smem:$0x7D5];
	v13 =	vsel vm5, s22, v13  }
0x965: {  	s16 =	sshrl.u32 s14, $0x1F;
	s14 =	sld [smem:$0x7D7];
	s17 =	sshra.s32 s18, $0x12;
	v13 =	vsel vm10, s15, v13  }
0x966: {  	v63 =	vmov s2;
	s7 =	sshrl.u32 s8, $0x1F;
	s18 =	sshra.s32 s18, $0x1F;
	v14 =	vsel vm7, s20, v14;
	s20 =	sshra.s32 s13, $0x12;
	v13 =	vsel vm6, s17, v13  }
0x967: {  	v19 =	vmov s10;
	v47 =	vsel vm2, s7, v16;
	s22 =	sshra.s32 s13, $0x1F;
	s13 =	sld [smem:$0x7D6];
	s10 =	sshra.s32 s12, $0x1F;
	v13 =	vsel vm9, s18, v13  }
0x968: {  	v16 =	vsel vm0, s1, v63;
	s15 =	sshra.s32 s14, $0x12;
	v20 =	vmov s10;
	s18 =	sld [smem:$0x7D8];
	v13 =	vsel vm7, s20, v13  }
0x969: {  	v18 =	vsel vm1, s4, v16;
	s17 =	sshra.s32 s14, $0x1F;
	v16 =	vsel vm3, s15, v20;
	v13 =	vsel vm11, s22, v13;
	s22 =	sld [smem:$0x7D9]  }
0x96a: {  	s9 =	sshra.s32 s9, $0x12;
	v46 =	vsel vm4, s16, v14;
	s16 =	sshrl.u32 s14, $0x1F;
	v21 =	vsel vm12, s17, v16;
	s17 =	sld [smem:$0x7DC]  }
0x96b: {  	s7 =	sld [smem:$0x7DD];
	s4 =	sshra.s32 s8, $0x12;
	v22 =	vmov s16;
	s6 =	sshrl.u32 s13, $0x1F  }
0x96c: {  	v14 =	vsel vm0, s3, v19;
	s1 =	sshra.s32 s13, $0x12;
	s20 =	sshrl.u32 s18, $0x1F;
	v39 =	vsel vm4, s11, v13;
	v13 =	vnsel vm3, $0x0, v22;
	s10 =	sshrl.u32 s22, $0x1F  }
0x96d: {  	v14 =	vsel vm1, s9, v14;
	s13 =	sld [smem:$0x7DA];
	v23 =	vmov s20;
	s9 =	sshra.s32 s22, $0x12;
	s20 =	sshrl.u32 s17, $0x1F;
	v13 =	vsel vm0, s10, v13  }
0x96e: {  	v38 =	vsel vm2, s4, v14;
	s15 =	sld [smem:$0x7DB];
	v14 =	vsel vm0, s9, v21;
	s9 =	sshrl.u32 s7, $0x1F;
	v13 =	vsel vm1, s20, v13  }
0x96f: {  	s11 =	sshra.s32 s22, $0x1F;
	v13 =	vsel vm2, s9, v13;
	s9 =	sld [smem:$0x7DF]  }
0x970: {  	v14 =	vsel vm13, s11, v14;
	s11 =	sld [smem:$0x7DE]  }
0x971: {  	s14 =	sshrl.u32 s13, $0x1F;
	s16 =	sshrl.u32 s15, $0x1F;
	v16 =	vsel vm0, s6, v23  }
0x972: {  	s2 =	sshra.s32 s15, $0x12;
	s15 =	sld [smem:$0x7E0];
	v16 =	vsel vm1, s14, v16;
	s14 =	sshrl.u32 s9, $0x1F  }
0x973: {  	s3 =	sshra.s32 s13, $0x12;
	s13 =	sshrl.u32 s11, $0x1F;
	v24 =	vmov s14;
	s14 =	sld [smem:$0x7E1]  }
0x974: {  	v41 =	vsel vm2, s5, v18;
	s5 =	sshra.s32 s18, $0x12;
	s18 =	sshra.s32 s17, $0x12;
	v43 =	vsel vm2, s16, v16;
	v16 =	vsel vm0, s13, v24;
	s13 =	sld [smem:$0x7E3]  }
0x975: {  	s22 =	sshra.s32 s17, $0x1F;
	s16 =	sshrl.u32 s15, $0x1F;
	v14 =	vsel vm1, s18, v14  }
0x976: {  	s10 =	sshra.s32 s7, $0x12;
	v14 =	vsel vm14, s22, v14;
	v13 =	vsel vm5, s16, v13;
	s17 =	sshrl.u32 s14, $0x1F  }
0x977: {  	s8 =	sshra.s32 s7, $0x1F;
	s22 =	sld [smem:$0x7E2];
	v14 =	vsel vm2, s10, v14;
	v13 =	vsel vm6, s17, v13;
	s10 =	sshrl.u32 s13, $0x1F  }
0x978: {  	s18 =	sshra.s32 s15, $0x12;
	v14 =	vsel vm15, s8, v14;
	v13 =	vsel vm7, s10, v13;
	s10 =	sld [smem:$0x7E4]  }
0x979: {  	s20 =	sshra.s32 s15, $0x1F;
	s6 =	sshra.s32 s11, $0x12;
	v14 =	vsel vm5, s18, v14  }
0x97a: {  	s8 =	sshrl.u32 s22, $0x1F;
	s18 =	sshra.s32 s9, $0x12;
	v14 =	vsel vm10, s20, v14;
	s20 =	sshra.s32 s22, $0x12  }
0x97b: {  	v27 =	vmov s18;
	v16 =	vsel vm1, s8, v16;
	s8 =	sld [smem:$0x7E7];
	s11 =	sshra.s32 s13, $0x1F;
	s15 =	sshrl.u32 s10, $0x1F  }
0x97c: {  	s9 =	sshra.s32 s10, $0x12;
	s10 =	sshra.s32 s13, $0x12;
	s13 =	sld [smem:$0x7E5];
	v56 =	vsel vm2, s15, v16;
	v16 =	vsel vm0, s6, v27  }
0x97d: {  	s16 =	sshrl.u32 s12, $0x1F;
	s17 =	sshra.s32 s14, $0x12;
	v16 =	vsel vm1, s20, v16;
	s20 =	sld [smem:$0x7E6]  }
0x97e: {  	v26 =	vmov s5;
	s22 =	sshra.s32 s14, $0x1F;
	v25 =	vsel vm6, s17, v14;
	v40 =	vsel vm4, s16, v13;
	s16 =	sld [smem:$0x7E9]  }
0x97f: {  	s12 =	sshra.s32 s12, $0x12;
	v14 =	vsel vm0, s1, v26;
	v13 =	vsel vm9, s22, v25;
	s15 =	sld [smem:$0x7E8];
	s14 =	sshrl.u32 s13, $0x1F  }
0x980: {  	v14 =	vsel vm1, s3, v14;
	v13 =	vsel vm7, s10, v13;
	s1 =	sshra.s32 s13, $0x12;
	s13 =	sld [smem:$0x7EB];
	s22 =	sshrl.u32 s20, $0x1F  }
0x981: {  	v61 =	vsel vm2, s2, v14;
	s18 =	sshra.s32 s16, $0x1F;
	v13 =	vsel vm11, s11, v13;
	s7 =	sshra.s32 s20, $0x12;
	s20 =	sld [smem:$0x7EA];
	v42 =	vmov s22  }
0x982: {  	s2 =	sshra.s32 s8, $0x12;
	v63 =	vmov s18;
	v58 =	vsel vm4, s12, v13;
	s11 =	sshra.s32 s15, $0x12;
	v13 =	vsel vm0, s14, v42;
	s14 =	sld [smem:$0x7EC]  }
0x983: {  	s10 =	sshrl.u32 s8, $0x1F;
	v62 =	vsel vm2, s9, v16;
	s17 =	sshrl.u32 s15, $0x1F;
	v16 =	vsel vm3, s11, v63;
	s11 =	sld [smem:$0x7ED]  }
0x984: {  	s12 =	sshra.s32 s15, $0x1F;
	v60 =	vmov s17;
	s22 =	sshrl.u32 s20, $0x1F;
	v13 =	vsel vm1, s10, v13;
	s10 =	sld [smem:$0x7F3]  }
0x985: {  	v14 =	vnsel vm3, $0x0, v60;
	s3 =	sshra.s32 s20, $0x12;
	v60 =	vsel vm2, s22, v13;
	s22 =	sld [smem:$0x7EE];
	s15 =	sshrl.u32 s14, $0x1F  }
0x986: {  	s18 =	sshra.s32 s14, $0x12;
	s20 =	sshra.s32 s14, $0x1F;
	s14 =	sld [smem:$0x7F0]  }
0x987: {  	s6 =	sshrl.u32 s13, $0x1F;
	v16 =	vsel vm12, s12, v16;
	s5 =	sshra.s32 s13, $0x12;
	v14 =	vsel vm0, s15, v14;
	s15 =	sld [smem:$0x7EF]  }
0x988: {  	s17 =	sshrl.u32 s11, $0x1F;
	v21 =	vsel vm0, s18, v16;
	s18 =	sshra.s32 s11, $0x1F;
	s9 =	sshrl.u32 s22, $0x1F  }
0x989: {  	v20 =	vsel vm1, s17, v14;
	v14 =	vsel vm13, s20, v21;
	s4 =	sshra.s32 s22, $0x12;
	s17 =	sshra.s32 s11, $0x12;
	s11 =	sld [smem:$0x7F1]  }
0x98a: {  	v22 =	vmov s9;
	s13 =	sshrl.u32 s14, $0x1F;
	v14 =	vsel vm1, s17, v14;
	s9 =	sshrl.u32 s10, $0x1F;
	s12 =	sshrl.u32 s15, $0x1F  }
0x98b: {  	v23 =	vld [tilespmem:$0x3D0];
	s10 =	sshra.s32 s10, $0x12;
	v27 =	vmov s4;
	v14 =	vsel vm14, s18, v14;
	s18 =	sshra.s32 s15, $0x12;
	v13 =	vsel vm2, s12, v20;
	s12 =	sld [smem:$0x7F2]  }
0x98c: {  	v16 =	vsel vm0, s6, v22;
	v17 =	vsel vm0, s5, v27;
	s20 =	sshrl.u32 s11, $0x1F;
	s6 =	sshra.s32 s11, $0x12;
	v13 =	vsel vm5, s13, v13;
	s13 =	sld [smem:$0x7F4]  }
0x98d: {  	v14 =	vsel vm2, s18, v14;
	s11 =	sshra.s32 s14, $0x12;
	v16 =	vsel vm1, s20, v16;
	s20 =	sshra.s32 s15, $0x1F;
	v20 =	vsel vm1, s6, v17;
	s6 =	sld [smem:$0x7F6]  }
0x98e: {  	s14 =	sshra.s32 s14, $0x1F;
	v14 =	vsel vm15, s20, v14;
	s20 =	sld [smem:$0x7F5];
	s22 =	sshrl.u32 s12, $0x1F  }
0x98f: {  	v26 =	vmov s7;
	v14 =	vsel vm5, s11, v14;
	s15 =	sshra.s32 s12, $0x12;
	s11 =	sshra.s32 s16, $0x12;
	s17 =	sshrl.u32 s13, $0x1F  }
0x990: {  	v22 =	vand.u32 $0x3FF, v23;
	v13 =	vsel vm6, s22, v13;
	s22 =	sshrl.u32 s16, $0x1F;
	s18 =	sshra.s32 s13, $0x12;
	v14 =	vsel vm10, s14, v14;
	s14 =	sld [smem:$0x7F7]  }
0x991: {  	v42 =	vsel vm2, s9, v16;
	s9 =	sshra.s32 s13, $0x1F;
	s16 =	sld [smem:$0x7F8];
	v13 =	vsel vm7, s17, v13;
	s17 =	sshra.s32 s12, $0x1F;
	v14 =	vsel vm6, s15, v14  }
0x992: {  	s4 =	sshra.s32 s6, $0x12;
	s12 =	sshrl.u32 s6, $0x1F;
	v63 =	vsel vm4, s22, v13;
	v13 =	vsel vm0, s1, v26;
	v21 =	vsel vm9, s17, v14;
	s17 =	sld [smem:$0x7F9]  }
0x993: {  	v16 =	vshra.s32 v23, $0xA;
	s22 =	sshrl.u32 s20, $0x1F;
	v23 =	vmov s12;
	v13 =	vsel vm1, s2, v13;
	s2 =	sshra.s32 s20, $0x12;
	s20 =	sld [smem:$0x7FB]  }
0x994: {  	v18 =	vld [tilespmem:$0x1D0];
	v25 =	vsel vm2, s10, v20;
	s15 =	sshrl.u32 s14, $0x1F;
	s1 =	sshra.s32 s14, $0x12;
	v20 =	vsel vm0, s22, v23;
	s22 =	sld [smem:$0x7FC]  }
0x995: {  	s8 =	sshrl.u32 s16, $0x1F;
	v27 =	vsel vm2, s3, v13;
	v13 =	vsel vm7, s18, v21;
	s3 =	sshra.s32 s16, $0x12;
	s18 =	sld [smem:$0x7FA]  }
0x996: {  	v49 =	vperm.xlane v49, v1;
	s16 =	sshra.s32 s21, $0x1F;
	v17 =	vsel vm1, s15, v20;
	s15 =	sshra.s32 s19, $0x1F;
	s13 =	sshrl.u32 s17, $0x1F  }
0x997: {  	v52 =	vcombine.low v54, v52;
	v14 =	vmul.u32 $0x16A95, v22;
	s10 =	sshra.s32 s17, $0x12;
	s17 =	sshrl.u32 s28, $0x1F;
	v24 =	vsel vm2, s8, v17;
	s8 =	rddreg [dreg:$0x1a]  }
0x998: {  	v15 =	vcombine.low v15, v28;
	v16 =	vmul.u32 $0xBE40, v16;
	v13 =	vsel vm11, s9, v13;
	s14 =	sshrl.u32 s20, $0x1F;
	s12 =	sshra.s32 s20, $0x12;
	s9 =	sshrl.u32 s22, $0x1F  }
0x999: {  	v14 =	vadd.s32 v18, v14;
	v26 =	vsel vm4, s11, v13;
	s11 =	sshra.s32 s22, $0x12;
	v22 =	vmov s17;
	s20 =	sshra.s32 s28, $0x1F;
	s22 =	sshrl.u32 s24, $0x1F  }
0x99a: {  	v21 =	vmov s16;
	v13 =	vadd.s32 v16, v14;
	s6 =	sshrl.u32 s18, $0x1F;
	s5 =	sshra.s32 s18, $0x12;
	s18 =	sshra.s32 s28, $0x12;
	v14 =	vnsel vm3, $0x0, v22  }
0x99b: {  	s17 =	sshra.s32 s24, $0x1F;
	s28 =	sshra.s32 s24, $0x12;
	v23 =	vsel vm3, s18, v21;
	s18 =	sshrl.u32 s23, $0x1F;
	v20 =	vmov s6;
	v14 =	vsel vm0, s22, v14  }
0x99c: {  	s6 =	sshra.s32 s23, $0x1F;
	s22 =	sld [smem:$0x7FD];
	v22 =	vmov s5;
	s5 =	sshra.s32 s26, $0x12;
	v16 =	vsel vm12, s20, v23;
	v17 =	vsel vm0, s13, v20  }
0x99d: {  	v15 =	vperm.xlane v15, v55;
	s20 =	sshra.s32 s23, $0x12;
	s13 =	sshra.s32 s19, $0x12;
	s23 =	rddreg [dreg:$0x1e];
	v16 =	vsel vm0, s28, v16;
	v17 =	vsel vm1, s14, v17  }
0x99e: {  	v30 =	vcombine.low v30, v36;
	s28 =	sshrl.u32 s19, $0x1F;
	s19 =	sshra.s32 s23, $0x12;
	v16 =	vsel vm13, s17, v16;
	v18 =	vsel vm2, s9, v17;
	s9 =	rddreg [dreg:$0x1c]  }
0x99f: {  	(v2sf) =	vpush v13, $0xD;
	s24 =	sshrl.u32 s22, $0x1F;
	s16 =	sshra.s32 s22, $0x12;
	v17 =	vmov s4;
	v16 =	vsel vm1, s20, v16;
	s20 =	rddreg [dreg:$0x1f]  }
0x9a0: {  	(v2sf) =	vpush v13, $0xC;
	v14 =	vsel vm1, s18, v14;
	s7 =	sshra.s32 s22, $0x1F;
	s4 =	sshra.s32 s25, $0x12;
	v21 =	vsel vm0, s2, v17;
	s2 =	rddreg [dreg:$0x15]  }
0x9a1: {  	v45 =	vperm.xlane v45, v1;
	v14 =	vsel vm2, s24, v14;
	s24 =	sshrl.u32 s23, $0x1F;
	v17 =	vsel vm0, s10, v22;
	s10 =	rddreg [dreg:$0x16];
	s22 =	sshrl.u32 s20, $0x1F  }
0x9a2: {  	v35 =	vcombine.low v35, v44;
	(v2sf) =	vpush v13, $0xE;
	s18 =	sshra.s32 s20, $0x12;
	v14 =	vsel vm5, s28, v14;
	s14 =	sshra.s32 s20, $0x1F;
	s28 =	sshrl.u32 s21, $0x1F  }
0x9a3: {  	v44 =	vcombine.low v59, v57;
	v16 =	vsel vm14, s6, v16;
	s20 =	sshra.s32 s21, $0x12;
	s21 =	sshrl.u32 s8, $0x1F;
	v23 =	vsel vm1, s12, v17;
	s12 =	sshra.s32 s31, $0x1F  }
0x9a4: {  	(v2sf) =	vpush v13, $0xF;
	v14 =	vsel vm6, s22, v14;
	v16 =	vsel vm2, s16, v16;
	s16 =	sshra.s32 s23, $0x1F;
	s22 =	sshrl.u32 s9, $0x1F;
	s23 =	rddreg [dreg:$0x19]  }
0x9a5: {  	(v2sf) =	vpush v13, $0x9;
	s9 =	sshra.s32 s9, $0x12;
	v14 =	vsel vm7, s24, v14;
	v16 =	vsel vm15, s7, v16;
	s6 =	sshra.s32 s23, $0x12;
	s24 =	sshrl.u32 s10, $0x1F  }
0x9a6: {  	v19 =	vmov s22;
	v16 =	vsel vm5, s13, v16;
	s13 =	sshrl.u32 s23, $0x1F;
	v20 =	vsel vm4, s28, v14;
	s28 =	rddreg [dreg:$0x18];
	s23 =	sshrl.u32 s25, $0x1F  }
0x9a7: {  	v14 =	vsel vm1, s1, v21;
	s1 =	sshra.s32 s10, $0x12;
	v19 =	vsel vm0, s21, v19;
	v16 =	vsel vm10, s15, v16;
	s17 =	sshrl.u32 s28, $0x1F;
	s7 =	sshra.s32 s28, $0x12  }
0x9a8: {  	(v2sf) =	vpush v13, $0x8;
	s15 =	sshrl.u32 s26, $0x1F;
	s28 =	rddreg [dreg:$0x13];
	v19 =	vsel vm1, s13, v19;
	s13 =	sshrl.u32 s30, $0x1F;
	v16 =	vsel vm6, s18, v16  }
0x9a9: {  	v17 =	vsel vm2, s3, v14;
	v14 =	vsel vm2, s11, v23;
	s18 =	rddreg [dreg:$0x14];
	s11 =	sshrl.u32 s28, $0x1F;
	s26 =	sshra.s32 s28, $0x12;
	v16 =	vsel vm9, s14, v16  }
0x9aa: {  	v35 =	vperm.xlane v35, v55;
	s22 =	sshra.s32 s28, $0x1F;
	v22 =	vmov s15;
	s14 =	sshrl.u32 s2, $0x1F;
	s25 =	sshra.s32 s18, $0x12;
	v16 =	vsel vm7, s19, v16  }
0x9ab: {  	v32 =	vperm.xlane v32, v1;
	s3 =	sshra.s32 s18, $0x1F;
	v22 =	vsel vm0, s23, v22;
	s23 =	sshra.s32 s0, $0x1F;
	v16 =	vsel vm11, s16, v16;
	s16 =	rddreg [dreg:$0x12]  }
0x9ac: {  	v44 =	vperm.xlane v44, v55;
	[tilespmem:$0x1FFF0] =	vst v0;
	(v2sf) =	vpush v13, $0xA;
	s19 =	sshrl.u32 s18, $0x1F;
	v0 =	vsel vm1, s14, v22;
	s14 =	sshrl.u32 s29, $0x1F;
	s18 =	sshrl.u32 s16, $0x1F  }
0x9ad: {  	v35 =	vsel vm8, v45, v35;
	v21 =	vmov s19;
	s28 =	sshra.s32 s16, $0x12;
	v16 =	vsel vm4, s20, v16;
	s19 =	sshra.s32 s16, $0x1F;
	s20 =	rddreg [dreg:$0x10]  }
0x9ae: {  	v32 =	vsel vm8, v32, v44;
	(v2sf) =	vpush v13, $0xB;
	v21 =	vnsel vm3, $0x0, v21;
	s21 =	spop (v2sf);
	s16 =	sshrl.u32 s20, $0x1F;
	s15 =	sshra.s32 s20, $0x12  }
0x9af: {  	(v2sf) =	vpush v13, $0x0;
	v23 =	vsel vm2, s17, v19;
	v21 =	vsel vm0, s11, v21;
	s10 =	sshra.s32 s20, $0x1F;
	s20 =	smulhi.u32 $0x431BDE83, s21;
	s17 =	spop (v2sf)  }
0x9b0: {  	v22 =	vsel vm2, s24, v0;
	v0 =	vcombine.low v50, v48;
	s11 =	sshra.s32 s21, $0x1F;
	s21 =	sshrl.u32 s31, $0x1F;
	v21 =	vsel vm1, s18, v21;
	s24 =	sshra.s32 s17, $0x1F  }
0x9b1: {  	v54 =	vld [tilespmem:$0x1FF10];
	v31 =	vperm.xlane v31, v1;
	v35 =	vadd.s32 v35, v32;
	s18 =	sshra.s32 s31, $0x12;
	s31 =	spop (v2sf);
	v21 =	vsel vm2, s16, v21;
	s24 =	smul.u32 $0x431BDE83, s24  }
0x9b2: {  	(v2sf) =	vpush v13, $0x1;
	v0 =	vperm.xlane v0, v55;
	s16 =	sshra.s32 s30, $0x1F;
	v21 =	vsel vm5, s21, v21;
	s21 =	smul.u32 $0x431BDE83, s11;
	s11 =	sshra.s32 s30, $0x12  }
0x9b3: {  	(v2sf) =	vpush v13, $0x2;
	s30 =	spop (v2sf);
	v19 =	vsel vm6, s13, v21;
	v21 =	vmov s23;
	s23 =	smulhi.u32 $0x431BDE83, s17;
	s13 =	sshra.s32 s31, $0x1F  }
0x9b4: {  	(v2sf) =	vpush v13, $0x3;
	v0 =	vsel vm8, v49, v0;
	s17 =	sshra.s32 s29, $0x12;
	v21 =	vsel vm3, s25, v21;
	s25 =	smulhi.u32 $0x431BDE83, s31;
	s31 =	sshra.s32 s30, $0x1F  }
0x9b5: {  	v49 =	vperm.xlane v51, v1;
	v19 =	vsel vm7, s14, v19;
	s14 =	sshrl.u32 s0, $0x1F;
	v21 =	vsel vm12, s3, v21;
	s3 =	sadd.s32 s21, s20;
	s20 =	smul.u32 $0x431BDE83, s31  }
0x9b6: {  	v51 =	vcombine.low v54, v53;
	v54 =	vld [tilespmem:$0x1FF20];
	v19 =	vsel vm4, s14, v19;
	s14 =	sshra.s32 s29, $0x1F;
	s29 =	spop (v2sf);
	v21 =	vsel vm0, s26, v21;
	s26 =	smul.u32 $0x431BDE83, s13  }
0x9b7: {  	s8 =	sshra.s32 s8, $0x12;
	v48 =	vperm.xlane v52, v55;
	v50 =	vmov s9;
	v53 =	vld [tilespmem:$0x1FF30];
	s31 =	spop (v2sf);
	v21 =	vsel vm13, s22, v21;
	s22 =	smulhi.u32 $0x431BDE83, s30  }
0x9b8: {  	v43 =	vcombine.low v56, v43;
	s2 =	sshra.s32 s2, $0x12;
	v52 =	vld [tilespmem:$0x3E0];
	v50 =	vsel vm0, s8, v50;
	(v2sf) =	vpush v13, $0x4;
	s21 =	smulhi.u32 $0x431BDE83, s31  }
0x9b9: {  	v28 =	vsel vm1, s6, v50;
	v48 =	vsel vm8, v49, v48;
	s13 =	sshra.s32 s0, $0x12;
	s30 =	sshra.s32 s29, $0x1F;
	v21 =	vsel vm1, s28, v21;
	s28 =	smulhi.u32 $0x431BDE83, s29  }
0x9ba: {  	v43 =	vperm.xlane v43, v55;
	v28 =	vsel vm2, s7, v28;
	v0 =	vadd.s32 v0, v48;
	s0 =	sadd.s32 s24, s23;
	s24 =	sshra.s32 s31, $0x1F;
	s8 =	smul.u32 $0x431BDE83, s30  }
0x9bb: {  	v49 =	vperm.xlane v51, v55;
	v51 =	vld [tilespmem:$0x1E0];
	(v2sf) =	vpush v13, $0x5;
	v0 =	vmul.u32 $0xF4240, v0;
	s9 =	sshrl.u32 s3, $0x1F;
	s23 =	smul.u32 $0x431BDE83, s24;
	s29 =	spop (v2sf)  }
0x9bc: {  	v50 =	vperm.xlane v54, v1;
	v53 =	vperm.xlane v53, v1;
	s6 =	sadd.s32 s26, s25;
	v21 =	vsel vm14, s19, v21;
	s24 =	smulhi.u32 $0x431BDE83, s29;
	s30 =	sshra.s32 s29, $0x1F  }
0x9bd: {  	v54 =	vand.u32 $0x3FF, v52;
	v52 =	vshra.s32 v52, $0xA;
	s19 =	sshrl.u32 s0, $0x1F;
	s31 =	spop (v2sf);
	v21 =	vsel vm2, s15, v21;
	s25 =	smul.u32 $0x431BDE83, s30  }
0x9be: {  	v54 =	vmul.u32 $0x16A95, v54;
	(v2sf) =	vpush v13, $0x6;
	s7 =	sadd.s32 s20, s22;
	s20 =	smulhi.u32 $0x431BDE83, s31;
	v21 =	vsel vm15, s10, v21;
	s10 =	sshra.s32 s31, $0x1F  }
0x9bf: {  	v48 =	vsel vm8, v50, v49;
	v49 =	vmul.u32 $0xBE40, v52;
	v52 =	vld [tilespmem:$0x1FF40];
	s15 =	sshrl.u32 s6, $0x1F;
	v21 =	vsel vm5, s18, v21;
	s22 =	smul.u32 $0x431BDE83, s10;
	s18 =	spop (v2sf)  }
0x9c0: {  	v50 =	vsel vm8, v53, v15;
	(v2sf) =	vpush v13, $0x7;
	v53 =	vadd.s32 v51, v54;
	s8 =	sadd.s32 s8, s28;
	s26 =	smulhi.u32 $0x431BDE83, s18;
	s29 =	sshra.s32 s18, $0x1F  }
0x9c1: {  	vm12 =	vmmov vm10;
	v54 =	vmov s5;
	v15 =	vadd.s32 v49, v53;
	v53 =	vld [tilespmem:$0x1FF50];
	s10 =	sadd.s32 s23, s21;
	s30 =	spop (v2sf);
	s21 =	smul.u32 $0x431BDE83, s29  }
0x9c2: {  	v0 =	vsub.s32 v2, v0;
	v49 =	vsel vm0, s4, v54;
	v21 =	vsel vm10, s12, v21;
	s12 =	sshrl.u32 s7, $0x1F;
	s23 =	smulhi.u32 $0x431BDE83, s30;
	s31 =	sshra.s32 s30, $0x1F  }
0x9c3: {  	v48 =	vadd.s32 v48, v50;
	v49 =	vsel vm1, s2, v49;
	s18 =	sshrl.u32 s10, $0x1F;
	v21 =	vsel vm6, s11, v21;
	s5 =	spop (v2sf);
	s28 =	smul.u32 $0x431BDE83, s31  }
0x9c4: {  	(v2sf) =	vpush v15, $0xD;
	v37 =	vcombine.low v37, v52;
	v21 =	vsel vm9, s16, v21;
	s16 =	sadd.s32 s25, s24;
	s24 =	smulhi.u32 $0x431BDE83, s5;
	s4 =	sshra.s32 s5, $0x1F  }
0x9c5: {  	v54 =	vperm.xlane v30, v55;
	v30 =	vsel vm2, s1, v49;
	v49 =	vmul.u32 $0xF4240, v48;
	s11 =	sshrl.u32 s8, $0x1F;
	s29 =	spop (v2sf);
	s2 =	smul.u32 $0x431BDE83, s4  }
0x9c6: {  	v52 =	vperm.xlane v37, v55;
	v37 =	vperm.xlane v53, v1;
	v21 =	vsel vm7, s17, v21;
	s17 =	sadd.s32 s22, s20;
	s22 =	smulhi.u32 $0x431BDE83, s29;
	s30 =	sshra.s32 s29, $0x1F  }
0x9c7: {  	v51 =	vsel vm8, v31, v54;
	(v2sf) =	vpush v15, $0xC;
	v36 =	vsub.s32 v3, v49;
	s5 =	sshrl.u32 s16, $0x1F;
	s1 =	smul.u32 $0x431BDE83, s30;
	s31 =	spop (v2sf)  }
0x9c8: {  	vm10 =	vlt.s32 v36, $0x0;
	v21 =	vsel vm11, s14, v21;
	s4 =	sshrl.u32 s17, $0x1F;
	v2 =	vsel vm8, v37, v52;
	s14 =	sadd.s32 s21, s26;
	v52 =	vld [tilespmem:$0x1FF60];
	s25 =	smulhi.u32 $0x431BDE83, s31  }
0x9c9: {  	s20 =	sshra.s32 s31, $0x1F;
	v31 =	vsel vm4, s13, v21;
	s26 =	sshrl.u32 s14, $0x1F;
	v21 =	vmov s19;
	v2 =	vadd.s32 v2, v51;
	s19 =	sadd.s32 s28, s23  }
0x9ca: {  	v53 =	vadd.s32 $0xF4240, v36;
	s13 =	smul.u32 $0x431BDE83, s20;
	s20 =	sadd.s32 s2, s24;
	v54 =	vmul.u32 $0xF4240, v2;
	v2 =	vsel vm0, s9, v21;
	s21 =	spop (v2sf)  }
0x9cb: {  	(v2sf) =	vpush v15, $0xE;
	s24 =	sshrl.u32 s19, $0x1F;
	v21 =	vsel vm1, s15, v2;
	v2 =	vsel vm10, v53, v36;
	s23 =	smulhi.u32 $0x431BDE83, s21;
	s29 =	sshra.s32 s21, $0x1F  }
0x9cc: {  	v36 =	vperm.xlane v33, v1;
	s21 =	sadd.s32 s1, s22;
	s15 =	sadd.s32 s13, s25;
	v33 =	vsel vm2, s12, v21;
	v21 =	vmov s18;
	s18 =	sshra.s32 s7, $0x12  }
0x9cd: {  	v42 =	vcombine.low v42, v60;
	(v2sf) =	vpush v15, $0xF;
	s7 =	sshra.s32 s10, $0x12;
	s2 =	smul.u32 $0x431BDE83, s29;
	v29 =	vcombine.low v29, v52;
	v52 =	vld [tilespmem:$0x1FF70];
	s30 =	spop (v2sf)  }
0x9ce: {  	v3 =	vadd.s32 $0xF4240, v0;
	(v2sf) =	vpush v15, $0x9;
	v51 =	vmov s26;
	s26 =	sshrl.u32 s15, $0x1F;
	s1 =	smulhi.u32 $0x431BDE83, s30;
	s31 =	sshra.s32 s30, $0x1F  }
0x9cf: {  	vm9 =	vlt.s32 v0, $0x0;
	(v2sf) =	vpush v15, $0x8;
	v21 =	vsel vm0, s11, v21;
	s11 =	sshra.s32 s19, $0x12;
	s29 =	spop (v2sf);
	s28 =	smul.u32 $0x431BDE83, s31  }
0x9d0: {  	v56 =	vcombine.low v25, v27;
	v3 =	vsel vm9, v3, v0;
	(v2sf) =	vpush v15, $0xA;
	s13 =	sadd.s32 s2, s23;
	s30 =	smulhi.u32 $0x431BDE83, s29;
	s22 =	sshra.s32 s29, $0x1F  }
0x9d1: {  	(v2sf) =	vpush v15, $0xB;
	v0 =	vsub.s32 v6, v54;
	v6 =	vnsel vm3, $0x0, v51;
	s23 =	sshrl.u32 s20, $0x1F;
	s12 =	sshrl.u32 s13, $0x1F;
	s31 =	smul.u32 $0x431BDE83, s22  }
0x9d2: {  	v6 =	vsel vm0, s24, v6;
	v29 =	vperm.xlane v29, v55;
	s22 =	sshrl.u32 s21, $0x1F;
	s9 =	sadd.s32 s28, s1;
	s28 =	sshra.s32 s3, $0x12;
	v34 =	vcombine.low v34, v52;
	v52 =	vld [tilespmem:$0x1FF80]  }
0x9d3: {  	v37 =	vld [tilespmem:$0x3F0];
	vm9 =	vlt.s32 v0, $0x0;
	v53 =	vadd.s32 $0xF4240, v0;
	v54 =	vsel vm1, s23, v6;
	s29 =	spop (v2sf);
	s1 =	sshra.s32 s16, $0x12;
	s16 =	sshra.s32 s19, $0x1F  }
0x9d4: {  	v6 =	vsel vm9, v53, v0;
	v0 =	vsel vm8, v36, v29;
	v36 =	vsel vm2, s22, v54;
	s22 =	sshra.s32 s20, $0x1F;
	s19 =	sshra.s32 s21, $0x1F;
	s2 =	sadd.s32 s31, s30  }
0x9d5: {  	v17 =	vcombine.low v14, v17;
	vm13 =	vmmov vm11;
	vm11 =	vcmask $0x704;
	s25 =	sshrl.u32 s9, $0x1F;
	s30 =	sshra.s32 s0, $0x12;
	s31 =	sshra.s32 s6, $0x12  }
0x9d6: {  	v21 =	vsel vm1, s5, v21;
	s0 =	sshra.s32 s17, $0x12;
	s6 =	sshra.s32 s14, $0x12;
	s14 =	sshra.s32 s14, $0x1F;
	v29 =	vperm.xlane v34, v55;
	v34 =	vsel vm5, s26, v36  }
0x9d7: {  	v48 =	vld [tilespmem:$0x1F0];
	(v2sf) =	vpush v15, $0x0;
	s17 =	sshra.s32 s20, $0x12;
	s20 =	sshra.s32 s15, $0x12;
	s23 =	smulhi.u32 $0x431BDE83, s29;
	v34 =	vsel vm6, s12, v34;
	v53 =	vperm.xlane v52, v1  }
0x9d8: {  	v54 =	vand.u32 $0x3FF, v37;
	s24 =	sshrl.u32 s2, $0x1F;
	s10 =	sshra.s32 s2, $0x1F;
	s26 =	spop (v2sf);
	v36 =	vsel vm2, s4, v21;
	v52 =	vsel vm7, s25, v34  }
0x9d9: {  	s4 =	sshra.s32 s21, $0x12;
	s5 =	smulhi.u32 $0x431BDE83, s26;
	v34 =	vsel vm4, s24, v52;
	s24 =	sshra.s32 s29, $0x1F;
	v49 =	vsel vm8, v53, v29;
	v53 =	vmov s10  }
0x9da: {  	(v2sf) =	vpush v15, $0x1;
	v50 =	vmul.u32 $0x16A95, v54;
	s25 =	spop (v2sf);
	s10 =	sshra.s32 s15, $0x1F;
	s15 =	smul.u32 $0x431BDE83, s24;
	v21 =	vsel vm3, s6, v53  }
0x9db: {  	vm9 =	vcmask $0xF0C;
	s12 =	sshra.s32 s9, $0x12;
	v52 =	vmov s30;
	s24 =	smulhi.u32 $0x431BDE83, s25;
	v21 =	vsel vm11, s14, v21;
	s14 =	sshra.s32 s26, $0x1F  }
0x9dc: {  	v54 =	vadd.s32 v48, v50;
	s21 =	sshra.s32 s25, $0x1F;
	v48 =	vsel vm0, s28, v52;
	s26 =	spop (v2sf);
	v21 =	vsel vm0, s11, v21;
	s11 =	smul.u32 $0x431BDE83, s14  }
0x9dd: {  	(v2sf) =	vpush v15, $0x2;
	v37 =	vshra.s32 v37, $0xA;
	v48 =	vsel vm1, s31, v48;
	s14 =	sshra.s32 s9, $0x1F;
	s9 =	smul.u32 $0x431BDE83, s21;
	s30 =	sshra.s32 s26, $0x1F  }
0x9de: {  	s3 =	sshra.s32 s8, $0x12;
	(v2sf) =	vpush v15, $0x3;
	v53 =	vmul.u32 $0xBE40, v37;
	v37 =	vsel vm2, s18, v48;
	s29 =	spop (v2sf);
	s18 =	smul.u32 $0x431BDE83, s30  }
0x9df: {  	v17 =	vperm.xlane v17, v55;
	v16 =	vperm.xlane v16, v1;
	s2 =	sshra.s32 s2, $0x12;
	s6 =	sshra.s32 s13, $0x12;
	v21 =	vsel vm9, s16, v21;
	s25 =	smulhi.u32 $0x431BDE83, s29  }
0x9e0: {  	v26 =	vperm.xlane v26, v1;
	v60 =	vcombine.low v18, v24;
	s13 =	sshra.s32 s13, $0x1F;
	s21 =	spop (v2sf);
	v21 =	vsel vm1, s17, v21;
	s17 =	smulhi.u32 $0x431BDE83, s26  }
0x9e1: {  	v20 =	vperm.xlane v20, v1;
	v16 =	vsel vm8, v16, v17;
	v51 =	vld [tilespmem:$0x1FFB0];
	(v2sf) =	vpush v15, $0x4;
	s31 =	spop (v2sf);
	s26 =	sshra.s32 s29, $0x1F;
	s29 =	smulhi.u32 $0x431BDE83, s21  }
0x9e2: {  	v19 =	vperm.xlane v19, v1;
	v28 =	vcombine.low v30, v28;
	vm10 =	vcmask $0x2F2C;
	v50 =	vld [tilespmem:$0x1FF90];
	s8 =	sadd.s32 s11, s5;
	s16 =	sshra.s32 s21, $0x1F;
	s28 =	smul.u32 $0x431BDE83, s26  }
0x9e3: {  	v30 =	vcombine.low v36, v33;
	v52 =	vld [tilespmem:$0x1FFC0];
	v0 =	vadd.s32 v0, v49;
	s5 =	sadd.s32 s9, s24;
	v21 =	vsel vm14, s22, v21;
	s22 =	spop (v2sf);
	s16 =	smul.u32 $0x431BDE83, s16  }
0x9e4: {  	(v2sf) =	vpush v15, $0x5;
	v29 =	vadd.s32 v53, v54;
	v54 =	vld [tilespmem:$0x1FFA0];
	s24 =	smulhi.u32 $0x431BDE83, s31;
	s30 =	sshra.s32 s31, $0x1F;
	v21 =	vsel vm2, s4, v21;
	s4 =	sadd.s32 s15, s23  }
0x9e5: {  	v36 =	vperm.xlane v31, v1;
	v0 =	vmul.u32 $0xF4240, v0;
	(v2sf) =	vpush v15, $0x6;
	s23 =	sshrl.u32 s8, $0x1F;
	s9 =	sadd.s32 s18, s17;
	s17 =	sshrl.u32 s5, $0x1F  }
0x9e6: {  	v48 =	vmov s7;
	(v2sf) =	vpush v15, $0x7;
	s31 =	smul.u32 $0x431BDE83, s30;
	s8 =	sshra.s32 s8, $0x12;
	v21 =	vsel vm15, s19, v21;
	s19 =	spop (v2sf)  }
0x9e7: {  	v59 =	vld [tilespmem:$0x1FFE0];
	v48 =	vsel vm0, s3, v48;
	v0 =	vsub.s32 v4, v0;
	(v2sf) =	vpush v29, $0xD;
	s7 =	sadd.s32 s28, s25;
	s25 =	smulhi.u32 $0x431BDE83, s22;
	s22 =	sshra.s32 s22, $0x1F  }
0x9e8: {  	v48 =	vsel vm1, s1, v48;
	v51 =	vcombine.low v52, v51;
	s15 =	sshrl.u32 s4, $0x1F;
	s3 =	sshrl.u32 s9, $0x1F;
	v21 =	vsel vm5, s20, v21;
	s26 =	smul.u32 $0x431BDE83, s22  }
0x9e9: {  	vm9 =	vlt.s32 v0, $0x0;
	v50 =	vcombine.low v54, v50;
	v54 =	vld [tilespmem:$0x1FFD0];
	s28 =	smulhi.u32 $0x431BDE83, s19;
	v21 =	vsel vm12, s10, v21;
	s10 =	sadd.s32 s16, s29;
	s29 =	sshra.s32 s19, $0x1F  }
0x9ea: {  	v44 =	vadd.s32 $0xF4240, v0;
	v32 =	vsel vm2, s0, v48;
	s21 =	spop (v2sf);
	s11 =	sadd.s32 s31, s24;
	v21 =	vsel vm6, s6, v21;
	s31 =	smul.u32 $0x431BDE83, s29  }
0x9eb: {  	v37 =	vcombine.low v32, v37;
	v57 =	vperm.xlane v51, v55;
	s6 =	sadd.s32 s26, s25;
	s25 =	smulhi.u32 $0x431BDE83, s21;
	s26 =	sshra.s32 s21, $0x1F;
	v21 =	vsel vm10, s13, v21  }
0x9ec: {  	v53 =	vld [tilespmem:$0x1FFF0];
	v51 =	vperm.xlane v59, v1;
	s4 =	sshra.s32 s4, $0x12;
	(v2sf) =	vpush v29, $0xC;
	s30 =	spop (v2sf);
	s29 =	smul.u32 $0x431BDE83, s26;
	v21 =	vsel vm7, s12, v21  }
0x9ed: {  	v59 =	vmul.u32 $0xF4240, v35;
	s24 =	sshrl.u32 s7, $0x1F;
	(v2sf) =	vpush v29, $0xE;
	s22 =	spop (v2sf);
	v21 =	vsel vm13, s14, v21;
	s14 =	smulhi.u32 $0x431BDE83, s30  }
0x9ee: {  	v49 =	vperm.xlane v50, v55;
	(v2sf) =	vpush v29, $0xF;
	v50 =	vperm.xlane v54, v1;
	s13 =	sadd.s32 s31, s28;
	s30 =	sshra.s32 s30, $0x1F;
	s21 =	smulhi.u32 $0x431BDE83, s22  }
0x9ef: {  	v4 =	vsel vm8, v51, v57;
	(v2sf) =	vpush v29, $0x9;
	v54 =	vmov s23;
	s12 =	sadd.s32 s29, s25;
	s25 =	sshra.s32 s22, $0x1F;
	s31 =	smul.u32 $0x431BDE83, s30  }
0x9f0: {  	s26 =	sshrl.u32 s10, $0x1F;
	s20 =	spop (v2sf);
	(v2sf) =	vpush v29, $0x8;
	v52 =	vsel vm0, s15, v54;
	v49 =	vsel vm8, v50, v49;
	s29 =	smul.u32 $0x431BDE83, s25  }
0x9f1: {  	s28 =	sshrl.u32 s13, $0x1F;
	v35 =	vsel vm4, s2, v21;
	v21 =	vcombine.low v47, v53;
	v45 =	vsel vm1, s17, v52;
	s30 =	smulhi.u32 $0x431BDE83, s20;
	s20 =	sshra.s32 s20, $0x1F  }
0x9f2: {  	v54 =	vmov s28;
	s28 =	sshrl.u32 s12, $0x1F;
	v50 =	vperm.xlane v46, v1;
	s25 =	sshrl.u32 s11, $0x1F;
	v4 =	vadd.s32 v49, v4;
	s20 =	smul.u32 $0x431BDE83, s20  }
0x9f3: {  	v52 =	vperm.xlane v39, v1;
	v47 =	vmov s8;
	s18 =	spop (v2sf);
	v57 =	vmul.u32 $0xF4240, v4;
	s15 =	sadd.s32 s31, s14;
	s14 =	sadd.s32 s29, s21  }
0x9f4: {  	v48 =	vnsel vm3, $0x0, v54;
	(v2sf) =	vpush v29, $0xA;
	v4 =	vsel vm9, v44, v0;
	s19 =	spop (v2sf);
	s0 =	smulhi.u32 $0x431BDE83, s18;
	s22 =	sshra.s32 s18, $0x1F  }
0x9f5: {  	s29 =	sshrl.u32 s6, $0x1F;
	(v2sf) =	vpush v29, $0xB;
	s23 =	spop (v2sf);
	v0 =	vsub.s32 v5, v57;
	v5 =	vsub.s32 v8, v59;
	s17 =	smul.u32 $0x431BDE83, s22  }
0x9f6: {  	v59 =	vcombine.low v38, v41;
	v38 =	vsel vm0, s28, v48;
	s28 =	smulhi.u32 $0x431BDE83, s19;
	s19 =	sshra.s32 s19, $0x1F;
	s16 =	spop (v2sf);
	(v2sf) =	vpush v29, $0x0  }
0x9f7: {  	v49 =	vmov s26;
	s31 =	sshrl.u32 s15, $0x1F;
	s26 =	sshrl.u32 s14, $0x1F;
	v57 =	vperm.xlane v21, v55;
	s19 =	smul.u32 $0x431BDE83, s19;
	(v2sf) =	vpush v29, $0x1  }
0x9f8: {  	s2 =	sadd.s32 s20, s30;
	v41 =	vsel vm0, s24, v49;
	v48 =	vsel vm0, s4, v47;
	v51 =	vsel vm1, s31, v38;
	s31 =	smulhi.u32 $0x431BDE83, s23;
	s24 =	sshra.s32 s23, $0x1F  }
0x9f9: {  	s30 =	sshrl.u32 s2, $0x1F;
	v49 =	vcombine.low v62, v61;
	v38 =	vsel vm2, s3, v45;
	v53 =	vsel vm1, s25, v41;
	s23 =	smul.u32 $0x431BDE83, s24;
	s3 =	sadd.s32 s17, s0  }
0x9fa: {  	vm9 =	vlt.s32 v0, $0x0;
	vm10 =	vlt.s32 v5, $0x0;
	v39 =	vsel vm2, s29, v53;
	s29 =	sshra.s32 s9, $0x12;
	s9 =	sshra.s32 s7, $0x12;
	s24 =	sshra.s32 s13, $0x1F  }
0x9fb: {  	v21 =	vperm.xlane v59, v55;
	v54 =	vsel vm2, s26, v51;
	v44 =	vsel vm8, v50, v57;
	s1 =	sadd.s32 s19, s28;
	s17 =	sshrl.u32 s3, $0x1F;
	s28 =	sshra.s32 s5, $0x12  }
0x9fc: {  	v57 =	vadd.s32 $0xF4240, v0;
	v59 =	vadd.s32 $0xF4240, v5;
	v50 =	vperm.xlane v40, v1;
	s0 =	sadd.s32 s23, s31;
	s25 =	sshrl.u32 s1, $0x1F;
	s31 =	sshra.s32 s10, $0x12  }
0x9fd: {  	v51 =	vperm.xlane v58, v1;
	v58 =	vperm.xlane v63, v1;
	v41 =	vsel vm5, s30, v54;
	s23 =	sshra.s32 s13, $0x12;
	s10 =	sshra.s32 s11, $0x12;
	s21 =	spop (v2sf)  }
0x9fe: {  	v8 =	vsel vm9, v57, v0;
	v21 =	vsel vm8, v52, v21;
	v46 =	vsel vm6, s17, v41;
	s26 =	sshrl.u32 s0, $0x1F;
	s30 =	sshra.s32 s0, $0x1F;
	s11 =	smulhi.u32 $0x431BDE83, s16  }
0x9ff: {  	v0 =	vadd.s32 v44, v21;
	v21 =	vsel vm7, s25, v46;
	v54 =	vmov s31;
	s25 =	sshra.s32 s12, $0x12;
	s31 =	sshra.s32 s6, $0x12;
	s22 =	spop (v2sf)  }
0xa00: {  	v63 =	vperm.xlane v60, v55;
	v44 =	vsel vm1, s28, v48;
	v41 =	vsel vm4, s26, v21;
	s26 =	smulhi.u32 $0x431BDE83, s21;
	s28 =	sshra.s32 s21, $0x1F;
	s20 =	spop (v2sf)  }
0xa01: {  	v5 =	vsel vm10, v59, v5;
	v40 =	vsel vm2, s29, v44;
	v52 =	vmov s30;
	s29 =	sshra.s32 s16, $0x1F;
	s30 =	smul.u32 $0x431BDE83, s28;
	s19 =	spop (v2sf)  }
0xa02: {  	v57 =	vperm.xlane v42, v55;
	v59 =	vperm.xlane v56, v55;
	s12 =	sshra.s32 s12, $0x1F;
	(v2sf) =	vpush v29, $0x2;
	s4 =	smul.u32 $0x431BDE83, s29;
	s18 =	spop (v2sf)  }
0xa03: {  	vm10 =	vcmask $0xF0C;
	(v2sf) =	vpush v29, $0x3;
	v53 =	vsel vm3, s23, v52;
	s13 =	smulhi.u32 $0x431BDE83, s22;
	s23 =	sshra.s32 s22, $0x1F;
	s17 =	spop (v2sf)  }
0xa04: {  	v21 =	vperm.xlane v49, v55;
	v62 =	vsel vm0, s9, v54;
	s28 =	sshra.s32 s14, $0x12;
	s14 =	sshra.s32 s14, $0x1F;
	(v2sf) =	vpush v29, $0x4;
	s8 =	spop (v2sf)  }
0xa05: {  	v49 =	vsel vm1, s10, v62;
	v45 =	vsel vm11, s24, v53;
	s24 =	sshra.s32 s15, $0x12;
	s15 =	sshra.s32 s15, $0x1F;
	(v2sf) =	vpush v29, $0x5;
	s5 =	spop (v2sf)  }
0xa06: {  	v21 =	vsel vm8, v51, v21;
	s16 =	smul.u32 $0x431BDE83, s23;
	v51 =	vsel vm2, s31, v49;
	s31 =	sshra.s32 s2, $0x12;
	s7 =	spop (v2sf);
	(v2sf) =	vpush v29, $0x6  }
0xa07: {  	v39 =	vcombine.low v39, v38;
	v45 =	vsel vm0, s25, v45;
	s6 =	sadd.s32 s30, s26;
	s25 =	smulhi.u32 $0x431BDE83, s20;
	s26 =	sshra.s32 s20, $0x1F;
	(v2sf) =	vpush v29, $0x7  }
0xa08: {  	v42 =	vperm.xlane v34, v1;
	v20 =	vsel vm8, v20, v63;
	s2 =	sshra.s32 s2, $0x1F;
	v61 =	vsel vm10, s12, v45;
	s20 =	smul.u32 $0x431BDE83, s26;
	s12 =	sadd.s32 s4, s11  }
0xa09: {  	v16 =	vadd.s32 v20, v16;
	v0 =	vmul.u32 $0xF4240, v0;
	s29 =	sshrl.u32 s6, $0x1F;
	s16 =	sadd.s32 s16, s13;
	v18 =	vsel vm1, s24, v61;
	s30 =	smulhi.u32 $0x431BDE83, s18  }
0xa0a: {  	v43 =	vsel vm8, v50, v43;
	v16 =	vmul.u32 $0xF4240, v16;
	s6 =	sshra.s32 s6, $0x12;
	s18 =	sshra.s32 s18, $0x1F;
	v48 =	vsel vm14, s15, v18;
	s15 =	smulhi.u32 $0x431BDE83, s19  }
0xa0b: {  	v56 =	vsel vm8, v26, v59;
	v47 =	vperm.xlane v41, v1;
	v0 =	vsub.s32 v7, v0;
	s11 =	sshrl.u32 s12, $0x1F;
	s19 =	sshra.s32 s19, $0x1F;
	s18 =	smul.u32 $0x431BDE83, s18  }
0xa0c: {  	v12 =	vsub.s32 v12, v16;
	v21 =	vadd.s32 v43, v21;
	v53 =	vmov s29;
	s24 =	sshrl.u32 s16, $0x1F;
	s12 =	sshra.s32 s12, $0x12;
	s19 =	smul.u32 $0x431BDE83, s19  }
0xa0d: {  	vm9 =	vlt.s32 v0, $0x0;
	v50 =	vadd.s32 $0xF4240, v0;
	v54 =	vsel vm0, s11, v53;
	s11 =	sadd.s32 s20, s25;
	s23 =	smulhi.u32 $0x431BDE83, s17;
	s17 =	sshra.s32 s17, $0x1F  }
0xa0e: {  	v43 =	vperm.xlane v35, v1;
	v14 =	vcombine.low v51, v40;
	v21 =	vmul.u32 $0xF4240, v21;
	s16 =	sshra.s32 s16, $0x12;
	s21 =	sshrl.u32 s11, $0x1F;
	s25 =	smul.u32 $0x431BDE83, s17  }
0xa0f: {  	v45 =	vperm.xlane v39, v55;
	v33 =	vmov s6;
	v7 =	vsel vm2, s28, v48;
	s13 =	sadd.s32 s18, s30;
	s26 =	smulhi.u32 $0x431BDE83, s8;
	s28 =	sshra.s32 s8, $0x1F  }
0xa10: {  	v52 =	vsel vm15, s14, v7;
	v7 =	vsel vm9, v50, v0;
	v0 =	vsel vm8, v58, v57;
	s8 =	sadd.s32 s19, s15;
	s29 =	sshrl.u32 s13, $0x1F;
	s18 =	smul.u32 $0x431BDE83, s28  }
0xa11: {  	v14 =	vperm.xlane v14, v55;
	v9 =	vsub.s32 v9, v21;
	v0 =	vadd.s32 v0, v56;
	s30 =	sshrl.u32 s8, $0x1F;
	s8 =	sshra.s32 s8, $0x12;
	s9 =	spop (v2sf)  }
0xa12: {  	v21 =	vperm.xlane v30, v55;
	v57 =	vsel vm5, s31, v52;
	v0 =	vmul.u32 $0xF4240, v0;
	s19 =	smulhi.u32 $0x431BDE83, s5;
	s31 =	sshra.s32 s5, $0x1F;
	s10 =	spop (v2sf)  }
0xa13: {  	v60 =	vadd.s32 $0xF4240, v9;
	vm9 =	vlt.s32 v9, $0x0;
	v59 =	vmov s29;
	s15 =	sadd.s32 s25, s23;
	s22 =	smul.u32 $0x431BDE83, s31;
	s4 =	spop (v2sf)  }
0xa14: {  	v58 =	vsel vm1, s24, v54;
	v20 =	vsel vm0, s30, v59;
	v0 =	vsub.s32 v10, v0;
	s24 =	smulhi.u32 $0x431BDE83, s7;
	s7 =	sshra.s32 s7, $0x1F;
	s5 =	spop (v2sf)  }
0xa15: {  	v10 =	vsel vm9, v60, v9;
	s14 =	sadd.s32 s18, s26;
	vm10 =	vlt.s32 v0, $0x0;
	v61 =	vadd.s32 $0xF4240, v0;
	s26 =	smul.u32 $0x431BDE83, s7;
	s7 =	spop (v2sf)  }
0xa16: {  	s23 =	sshra.s32 s11, $0x12;
	vm9 =	vlt.s32 v12, $0x0;
	v62 =	vsel vm10, v61, v0;
	v0 =	vadd.s32 $0xF4240, v12;
	s29 =	smulhi.u32 $0x431BDE83, s9;
	s31 =	spop (v2sf)  }
0xa17: {  	s25 =	sshrl.u32 s15, $0x1F;
	v12 =	vsel vm9, v0, v12;
	v0 =	vcombine.low v22, v23;
	v22 =	vsel vm0, s12, v33;
	s18 =	smulhi.u32 $0x431BDE83, s31;
	s12 =	sshra.s32 s31, $0x1F  }
0xa18: {  	v21 =	vsel vm8, v42, v21;
	v27 =	vsel vm1, s25, v20;
	s28 =	sshrl.u32 s14, $0x1F;
	v20 =	vperm.xlane v28, v55;
	s9 =	sshra.s32 s9, $0x1F;
	s12 =	smul.u32 $0x431BDE83, s12  }
0xa19: {  	v63 =	vsel vm2, s21, v58;
	s14 =	sshra.s32 s14, $0x12;
	v18 =	vsel vm2, s28, v27;
	s28 =	sshra.s32 s15, $0x12;
	vm10 =	vcmask $0x2724;
	s9 =	smul.u32 $0x431BDE83, s9  }
0xa1a: {  	v20 =	vsel vm8, v36, v20;
	v16 =	vcombine.low v18, v63;
	vm9 =	vcmask $0xF0C;
	s30 =	smulhi.u32 $0x431BDE83, s10;
	s10 =	sshra.s32 s10, $0x1F;
	s6 =	sadd.s32 s12, s18  }
0xa1b: {  	v17 =	vsel vm10, s2, v57;
	v22 =	vsel vm1, s16, v22;
	v0 =	vperm.xlane v0, v55;
	s21 =	sadd.s32 s22, s19;
	s10 =	smul.u32 $0x431BDE83, s10;
	s25 =	sshra.s32 s6, $0x1F  }
0xa1c: {  	v22 =	vsel vm2, s23, v22;
	v57 =	vperm.xlane v16, v55;
	s22 =	sadd.s32 s26, s24;
	s24 =	sshra.s32 s13, $0x12;
	s26 =	sshra.s32 s21, $0x12;
	v46 =	vmov s25  }
0xa1d: {  	v0 =	vsel vm8, v19, v0;
	s17 =	sadd.s32 s9, s29;
	v44 =	vmov s24;
	s29 =	sshra.s32 s21, $0x1F;
	s16 =	sshra.s32 s22, $0x12;
	v24 =	vsel vm3, s26, v46  }
0xa1e: {  	v19 =	vperm.xlane v37, v55;
	s19 =	sshra.s32 s22, $0x1F;
	v23 =	vsel vm0, s8, v44;
	s20 =	smulhi.u32 $0x431BDE83, s4;
	s4 =	sshra.s32 s4, $0x1F;
	v49 =	vsel vm11, s29, v24  }
0xa1f: {  	s9 =	sadd.s32 s10, s30;
	v0 =	vadd.s32 v0, v20;
	s10 =	sshra.s32 s3, $0x12;
	v48 =	vsel vm1, s28, v23;
	s4 =	smul.u32 $0x431BDE83, s4;
	v23 =	vsel vm0, s16, v49  }
0xa20: {  	s30 =	sshrl.u32 s21, $0x1F;
	v20 =	vsel vm8, v47, v45;
	s21 =	sshra.s32 s17, $0x12;
	s23 =	sshra.s32 s17, $0x1F;
	v19 =	vsel vm8, v43, v19;
	v51 =	vsel vm9, s19, v23  }
0xa21: {  	v0 =	vmul.u32 $0xF4240, v0;
	s24 =	smulhi.u32 $0x431BDE83, s5;
	s5 =	sshra.s32 s5, $0x1F;
	v19 =	vadd.s32 v21, v19;
	s4 =	sadd.s32 s4, s20;
	v21 =	vsel vm1, s21, v51  }
0xa22: {  	v52 =	vmov s30;
	v50 =	vsel vm2, s14, v48;
	s5 =	smul.u32 $0x431BDE83, s5;
	s28 =	sshra.s32 s4, $0x12;
	s25 =	sshra.s32 s9, $0x12;
	v21 =	vsel vm14, s23, v21  }
0xa23: {  	v17 =	vsel vm6, s10, v17;
	v18 =	vcombine.low v50, v22;
	s31 =	sshrl.u32 s22, $0x1F;
	s22 =	sshrl.u32 s9, $0x1F;
	s9 =	sshra.s32 s9, $0x1F;
	v21 =	vsel vm2, s25, v21  }
0xa24: {  	v19 =	vmul.u32 $0xF4240, v19;
	v22 =	vnsel vm3, $0x0, v52;
	s5 =	sadd.s32 s5, s24;
	s26 =	smulhi.u32 $0x431BDE83, s7;
	s7 =	sshra.s32 s7, $0x1F;
	v21 =	vsel vm15, s9, v21  }
0xa25: {  	v58 =	vperm.xlane v18, v55;
	v22 =	vsel vm0, s31, v22;
	s18 =	sshrl.u32 s17, $0x1F;
	s7 =	smul.u32 $0x431BDE83, s7;
	s29 =	sshra.s32 s4, $0x1F;
	v21 =	vsel vm5, s28, v21  }
0xa26: {  	s3 =	sshra.s32 s3, $0x1F;
	s8 =	sshra.s32 s1, $0x12;
	s31 =	sshra.s32 s5, $0x12;
	v22 =	vsel vm1, s18, v22;
	vm9 =	vcmask $0x2F2C;
	v21 =	vsel vm10, s29, v21  }
0xa27: {  	s30 =	sshrl.u32 s4, $0x1F;
	v22 =	vsel vm2, s22, v22;
	s2 =	sadd.s32 s7, s26;
	v17 =	vsel vm9, s3, v17;
	s9 =	sshra.s32 s5, $0x1F;
	v21 =	vsel vm6, s31, v21  }
0xa28: {  	[tilespmem:$0x520] =	vst v3;
	s1 =	sshra.s32 s1, $0x1F;
	v22 =	vsel vm5, s30, v22;
	s11 =	sshra.s32 s2, $0x12;
	v17 =	vsel vm7, s8, v17;
	s8 =	sshrl.u32 s5, $0x1F;
	v21 =	vsel vm9, s9, v21  }
0xa29: {  	[tilespmem:$0x530] =	vst v2;
	s0 =	sshra.s32 s0, $0x12;
	s10 =	sshrl.u32 s2, $0x1F;
	s13 =	sshra.s32 s2, $0x1F;
	v3 =	vsel vm13, s1, v17;
	v53 =	vsel vm6, s8, v22;
	v54 =	vsel vm7, s11, v21  }
0xa2a: {  	[tilespmem:$0x540] =	vst v6;
	s12 =	sshrl.u32 s6, $0x1F;
	s14 =	sshra.s32 s6, $0x12;
	v2 =	vsel vm4, s0, v3;
	v3 =	vsel vm7, s10, v53;
	v56 =	vsel vm13, s13, v54  }
0xa2b: {  	[tilespmem:$0x550] =	vst v4;
	v2 =	vperm.xlane v2, v1;
	v3 =	vsel vm4, s12, v3;
	v6 =	vsel vm4, s14, v56  }
0xa2c: {  	[tilespmem:$0x560] =	vst v8;
	v0 =	vsub.s32 v11, v0;
	v3 =	vperm.xlane v3, v1;
	v6 =	vperm.xlane v6, v1  }
0xa2d: {  	[tilespmem:$0x570] =	vst v5;
	v61 =	vadd.s32 $0xF4240, v0;
	v59 =	vsub.s32 v13, v19;
	v2 =	vsel vm8, v2, v14  }
0xa2e: {  	[tilespmem:$0x580] =	vst v7;
	v2 =	vadd.s32 v20, v2;
	v3 =	vsel vm8, v3, v57;
	v60 =	vsel vm8, v6, v58  }
0xa2f: {  	[tilespmem:$0x5A0] =	vst v62;
	v62 =	vadd.s32 $0xF4240, v59;
	v2 =	vmul.u32 $0xF4240, v2;
	v3 =	vadd.s32 v3, v60  }
0xa30: {  	[tilespmem:$0x590] =	vst v10;
	vm10 =	vlt.s32 v59, $0x0;
	vm9 =	vlt.s32 v0, $0x0;
	v3 =	vmul.u32 $0xF4240, v3  }
0xa31: {  	s15 =	rddreg [dreg:$0x7];
	[tilespmem:$0x5B0] =	vst v12;
	v63 =	vsel vm10, v62, v59;
	v0 =	vsel vm9, v61, v0;
	v2 =	vsub.s32 v15, v2  }
0xa32: {  	s24 =	rddreg [dreg:$0xd];
	[tilespmem:$0x5C0] =	vst v0;
	vm9 =	vlt.s32 v2, $0x0;
	v0 =	vsub.s32 v29, v3;
	v3 =	vadd.s32 $0xF4240, v2  }
0xa33: {  	s17 =	rddreg [dreg:$0x9];
	[tilespmem:$0x5D0] =	vst v63;
	v2 =	vsel vm9, v3, v2;
	vm9 =	vlt.s32 v0, $0x0;
	v3 =	vadd.s32 $0xF4240, v0  }
0xa34: {  	s18 =	rddreg [dreg:$0xe];
	v0 =	vsel vm9, v3, v0;
	[tilespmem:$0x5E0] =	vst v2  }
0xa35: {  	s20 =	simm.s32 $0x600;
	s22 =	rddreg [dreg:$0xb];
	s19 =	simm.s32 $0x80;
	[tilespmem:$0x5F0] =	vst v0  }
0xa36: {  	[tilespmem:s20], [sflag:$0x1] =	stream.indirect.gather [hbm4b:s18+s19], $0x40, s15, s19, $0xb8;
	[tilespmem:$0x8600] =	vst v63  }
0xa37: {  	s16 =	rddreg [dreg:$0x8]  }
0xa38: {  	[tilespmem:s17], [sflag:$0x1] =	stream.indirect.gather [hbm4b:s18+s19], $0x40, s16, s19, $0xb8;
	[tilespmem:$0x8600] =	vst v63  }
0xa39: {  	s21 =	rddreg [dreg:$0xa]  }
0xa3a: {  	[tilespmem:s22], [sflag:$0x1] =	stream.indirect.gather [hbm4b:s18+s19], $0x40, s21, s19, $0xb8;
	[tilespmem:$0x8600] =	vst v63  }
0xa3b: {  	s26 =	simm.s32 $0x1;
	s23 =	rddreg [dreg:$0xc]  }
0xa3c: {  	[tilespmem:s24], [sflag:$0x1] =	stream.indirect.gather [hbm4b:s18+s19], $0x40, s23, s19, $0xb8;
	[tilespmem:$0x8600] =	vst v63  }
0xa3d: {  	s25 =	rddreg [dreg:$0xf];
	_ =	swait.ge [sflag:s26], $0x2000  }
0xa3e: {  	[sflag:s26] =	ssyncset.done $0x0  }
0xa3f: {  	[sflag:s26] =	ssyncadd.s32 $0xFFFFE000  }
0xa40: {  	_ =	swait.ge [sflag:s26], $0x2000  }
0xa41: {  	[sflag:s26] =	ssyncset.done $0x0  }
0xa42: {  	[sflag:s26] =	ssyncadd.s32 $0xFFFFE000  }
0xa43: {  	_ =	swait.ge [sflag:s26], $0x2000  }
0xa44: {  	[sflag:s26] =	ssyncset.done $0x0  }
0xa45: {  	[sflag:s26] =	ssyncadd.s32 $0xFFFFE000  }
0xa46: {  	s30 =	simm.s32 $0x2;
	_ =	swait.ge [sflag:s26], $0x2000  }
0xa47: {  	p0 =	sne.s32 s25, $0x1;
	s29 =	simm.s32 $0x0;
	[sflag:s26] =	ssyncset.done $0x0  }
.Ltmp0:
0xa48: {  	s28 =	rddreg [dreg:$0x5];
	[sflag:s26] =	ssyncadd.s32 $0xFFFFE000;
	(pc) =	sbr.rel @p0 .LBB2_1-.Ltmp0, $4  }
0xa49: {  	[hbm4b:s28+s29] =	stream.linear.scatter [tilespmem:s20], [sflag:$0x2], $0x8000, $0x38;
	[tilespmem:$0x8600] =	vst v63  }
0xa4a: {  	_ =	swait.ge [sflag:s30], $0x8000  }
0xa4b: {  	s31 =	simm.s32 $0x2;
	[sflag:s30] =	ssyncset.done $0x0  }
0xa4c: {  	s2 =	sadd.s32 $0xFFFFFFFF, s25;
	[sflag:s31] =	ssyncadd.s32 $0xFFFF8000  }
0xa4d: {  	_ =	sfence.sel $0x180000  }
0xa4e: {  	[bflag:$0x0] =	sbarrier.arrive $0xFFFF  }
0xa4f: {  	_ =	strace $0x90000047  }
0xa50: {  	s0 =	stileid.u32;
	[bflag:$0x2] =	sbarrier.arrive $0xFFFF  }
0xa51: {  	p0 =	sne.s32 s0, $0x0;
	s0 =	rddreg [dreg:$0x2]  }
0xa52: {  	s0 =	sadd.s32 @!p0 $0x100000, s0  }
0xa53: {  	[sflag:s0] =	ssyncadd.tile.s32 @!p0 $0x1;
	_ =	shalt  }
.Lfunc_end2:
_tile_overlayer_lowered:
.L_overlay_start_2:
0xa54: {  	(tag) =	ssettag $0x2  }
0xa55: {  	s0 =	rddreg [dreg:$0x0];
	s2 =	stileid.u32  }
0xa56: {  	s1 =	rddreg [dreg:$0x1];
	p0 =	sne.s32 s2, $0x0  }
0xa57: {  	s3 =	rddreg [dreg:$0x2];
	[bflag:$0x3] =	sbarrier.arrive $0xFFFF;
	s2 =	simm.s32 @!p0 $0x1C02  }
0xa58: {  	[timem:s3], [sflag:s2] =	dma.local @!p0 [hbm:s0], s1  }
0xa59: {  	s0 =	simm.s32 @!p0 $0x2  }
0xa5a: {  	_ =	swait.ge @!p0 [sflag:s0], s1  }
0xa5b: {  	s1 =	ssub.s32 @!p0 $0x0, s1;
	[sflag:s0] =	ssyncset.done @!p0 $0x0  }
0xa5c: {  	[sflag:s0] =	ssyncadd.s32 @!p0 s1  }
0xa5d: {  	[bflag:$0x3] =	sbarrier.arrive $0xFFFF  }
0xa5e: {  	_ =	shalt  }

</sc_bundles>
